<compile_context>
chip_gen: v7x
topology: tpu7x:2x2x1
jax: 0.10.2.dev20260603
libtpu: 0.0.44.dev20260713+nightly
codegen_flags: <defaults>
</compile_context>

<pallas_src>
import functools
import math

import jax
import jax.numpy as jnp
import numpy as np
from jax import lax
from jax.experimental import pallas as pl
from jax.experimental.pallas import tpu as pltpu
from jax.experimental.pallas import tpu_sc as plsc

N_NODES = 50000
N_EDGES = 1600000
IN_F = 128
H_F = 32
DEG_W = 16
D_POLY = 2

NC, NS = 2, 16
NW = NC * NS
CHUNK = 125
NCHUNKS = N_EDGES // CHUNK
CPW = NCHUNKS // NW
NPAD = 51200
RPS = NPAD // NS
GRP = 16


def _theta_coeffs(d):
    thetas = []
    for i in range(d + 1):
        p1 = np.zeros(i + 1)
        p1[i] = 0.5 ** i
        m = d - i
        p2 = np.array([math.comb(m, k) * (-0.5) ** k for k in range(m + 1)])
        poly = np.convolve(p1, p2)
        beta = math.gamma(i + 1) * math.gamma(d + 1 - i) / math.gamma(d + 2)
        thetas.append(poly / beta)
    return np.stack(thetas)


_COEFF = _theta_coeffs(D_POLY)


@functools.lru_cache(maxsize=None)
def _sc_kernels():
    mesh = plsc.VectorSubcoreMesh(
        core_axis_name="c", subcore_axis_name="s",
        num_cores=NC, num_subcores=NS)

    params = pltpu.CompilerParams(use_tc_tiling_on_sc=False)

    @functools.partial(
        pl.kernel,
        mesh=mesh,
        compiler_params=params,
        out_type=jax.ShapeDtypeStruct((NC, NPAD, DEG_W), jnp.float32),
        scratch_types=[
            pltpu.VMEM((GRP, CHUNK), jnp.int32),
            pltpu.VMEM((CHUNK, DEG_W), jnp.float32),
            pltpu.VMEM_SHARED((NPAD, DEG_W), jnp.float32),
            pltpu.SemaphoreType.DMA,
        ],
    )
    def _sc_degree(edges_hbm, ones_hbm, zeros_hbm, out_hbm, idx_d, ones_v,
                   acc, dsem):
        c = lax.axis_index("c")
        s = lax.axis_index("s")
        wid = c * NS + s
        start = wid * CPW
        pltpu.sync_copy(zeros_hbm, acc.at[pl.ds(s * RPS, RPS)])
        pltpu.sync_copy(ones_hbm, ones_v)
        plsc.subcore_barrier()

        def group(g, carry):
            pltpu.sync_copy(edges_hbm.at[1, pl.ds(start + g * GRP, GRP)],
                            idx_d)
            for j in range(GRP):
                pltpu.async_copy(ones_v, acc.at[idx_d.at[j]], dsem, add=True)
            for j in range(GRP):
                pltpu.make_async_copy(ones_v, acc.at[idx_d.at[j]],
                                      dsem).wait()
            return carry

        lax.fori_loop(0, CPW // GRP, group, 0)
        plsc.subcore_barrier()
        pltpu.sync_copy(acc.at[pl.ds(s * RPS, RPS)],
                        out_hbm.at[c, pl.ds(s * RPS, RPS)])

    @functools.partial(
        pl.kernel,
        mesh=mesh,
        compiler_params=params,
        out_type=jax.ShapeDtypeStruct((NC, NPAD, H_F), jnp.float32),
        scratch_types=[
            pltpu.VMEM((GRP, CHUNK), jnp.int32),
            pltpu.VMEM((GRP, CHUNK), jnp.int32),
            [pltpu.VMEM((CHUNK, H_F), jnp.float32)] * 6,
            pltpu.VMEM_SHARED((NPAD, H_F), jnp.float32),
            [pltpu.SemaphoreType.DMA] * 6,
            [pltpu.SemaphoreType.DMA] * 6,
        ],
    )
    def _sc_segsum(z_hbm, edges_hbm, zeros_hbm, out_hbm,
                   idx_s, idx_d, rows, acc, gsem, ssem):
        c = lax.axis_index("c")
        s = lax.axis_index("s")
        wid = c * NS + s
        start = wid * CPW
        pltpu.sync_copy(zeros_hbm, acc.at[pl.ds(s * RPS, RPS)])
        plsc.subcore_barrier()

        def group(g, carry):
            pltpu.sync_copy(edges_hbm.at[0, pl.ds(start + g * GRP, GRP)],
                            idx_s)
            pltpu.sync_copy(edges_hbm.at[1, pl.ds(start + g * GRP, GRP)],
                            idx_d)
            for p in range(3):
                pltpu.async_copy(z_hbm.at[idx_s.at[p]], rows[p], gsem[p])
            for j in range(GRP):
                b = j % 6
                if j + 3 < GRP:
                    b2 = (j + 3) % 6
                    if j >= 3:
                        pltpu.make_async_copy(
                            rows[b2], acc.at[idx_d.at[j - 3]],
                            ssem[b2]).wait()
                    pltpu.async_copy(z_hbm.at[idx_s.at[j + 3]],
                                     rows[b2], gsem[b2])
                pltpu.make_async_copy(z_hbm.at[idx_s.at[j]],
                                      rows[b], gsem[b]).wait()
                pltpu.async_copy(rows[b], acc.at[idx_d.at[j]],
                                 ssem[b], add=True)
            for j in range(GRP - 6, GRP):
                b = j % 6
                pltpu.make_async_copy(rows[b], acc.at[idx_d.at[j]],
                                      ssem[b]).wait()
            return carry

        lax.fori_loop(0, CPW // GRP, group, 0)
        plsc.subcore_barrier()
        pltpu.sync_copy(acc.at[pl.ds(s * RPS, RPS)],
                        out_hbm.at[c, pl.ds(s * RPS, RPS)])

    return _sc_degree, _sc_segsum



_ROWS_BLK = 2048
_N_BLKS = 25
_ZROWS = _ROWS_BLK // 4


def _from_flat128(blk):
    parts = [blk[:, c * H_F:(c + 1) * H_F] for c in range(4)]
    return jnp.stack(parts, axis=1).reshape(_ROWS_BLK, H_F)


def _to_flat128(z):
    r = z.reshape(_ZROWS, 4, H_F)
    return jnp.concatenate(
        [r[:, 0, :], r[:, 1, :], r[:, 2, :], r[:, 3, :]], axis=-1)


def _matmul_body(x_ref, w1t_ref, b1_ref, h_ref):
    h = jnp.dot(x_ref[...], w1t_ref[...], preferred_element_type=jnp.float32,
                precision=lax.Precision.HIGHEST)
    h_ref[...] = jnp.maximum(h + b1_ref[...], 0.0)


def _tc_matmul(x, w1t, b1r):
    return pl.pallas_call(
        _matmul_body,
        grid=(_N_BLKS,),
        in_specs=[
            pl.BlockSpec((_ROWS_BLK, IN_F), lambda i: (i, 0)),
            pl.BlockSpec((IN_F, H_F), lambda i: (0, 0)),
            pl.BlockSpec((1, H_F), lambda i: (0, 0)),
        ],
        out_specs=pl.BlockSpec((_ROWS_BLK, H_F), lambda i: (i, 0)),
        out_shape=jax.ShapeDtypeStruct((N_NODES, H_F), jnp.float32),
    )(x, w1t, b1r)


def _scale_body(h_ref, degp_ref, z0_ref, dinv_ref):
    deg = degp_ref[0, :, 0:1] + degp_ref[1, :, 0:1]
    dinv = lax.rsqrt(jnp.maximum(deg, 1.0))
    z0_ref[...] = _to_flat128(h_ref[...] * dinv)
    dinv_ref[...] = dinv


def _tc_scale(h, degp):
    f32 = jnp.float32
    return pl.pallas_call(
        _scale_body,
        grid=(_N_BLKS,),
        in_specs=[
            pl.BlockSpec((_ROWS_BLK, H_F), lambda i: (i, 0)),
            pl.BlockSpec((NC, _ROWS_BLK, DEG_W), lambda i: (0, i, 0)),
        ],
        out_specs=[
            pl.BlockSpec((_ZROWS, 4 * H_F), lambda i: (i, 0)),
            pl.BlockSpec((_ROWS_BLK, 1), lambda i: (i, 0)),
        ],
        out_shape=[
            jax.ShapeDtypeStruct((_N_BLKS * _ZROWS, 4 * H_F), f32),
            jax.ShapeDtypeStruct((N_NODES, 1), f32),
        ],
    )(h, degp)


def _update_body(h_ref, agg0_ref, agg1_ref, dinv_ref, f1_ref, z1_ref):
    agg = _from_flat128(agg0_ref[...] + agg1_ref[...])
    dinv = dinv_ref[...]
    f1 = h_ref[...] - agg * dinv
    f1_ref[...] = f1
    z1_ref[...] = _to_flat128(f1 * dinv)


def _tc_update(h, aggf, dinv):
    f32 = jnp.float32
    return pl.pallas_call(
        _update_body,
        grid=(_N_BLKS,),
        in_specs=[
            pl.BlockSpec((_ROWS_BLK, H_F), lambda i: (i, 0)),
            pl.BlockSpec((_ZROWS, 4 * H_F), lambda i: (i, 0)),
            pl.BlockSpec((_ZROWS, 4 * H_F), lambda i: (_N_BLKS + i, 0)),
            pl.BlockSpec((_ROWS_BLK, 1), lambda i: (i, 0)),
        ],
        out_specs=[
            pl.BlockSpec((_ROWS_BLK, H_F), lambda i: (i, 0)),
            pl.BlockSpec((_ZROWS, 4 * H_F), lambda i: (i, 0)),
        ],
        out_shape=[
            jax.ShapeDtypeStruct((N_NODES, H_F), f32),
            jax.ShapeDtypeStruct((_N_BLKS * _ZROWS, 4 * H_F), f32),
        ],
    )(h, aggf, aggf, dinv)


def _final_body(h_ref, f1_ref, agg0_ref, agg1_ref, dinv_ref, g_ref, b2_ref,
                out_ref):
    agg = _from_flat128(agg0_ref[...] + agg1_ref[...])
    f1 = f1_ref[...]
    f2 = f1 - agg * dinv_ref[...]
    cat = jnp.concatenate([h_ref[...], f1, f2], axis=-1)
    out_ref[...] = (
        jnp.dot(cat, g_ref[...], preferred_element_type=jnp.float32,
                precision=lax.Precision.HIGHEST)
        + b2_ref[...]
    )


def _tc_final(h, f1, aggf, dinv, g, b2r):
    return pl.pallas_call(
        _final_body,
        grid=(_N_BLKS,),
        in_specs=[
            pl.BlockSpec((_ROWS_BLK, H_F), lambda i: (i, 0)),
            pl.BlockSpec((_ROWS_BLK, H_F), lambda i: (i, 0)),
            pl.BlockSpec((_ZROWS, 4 * H_F), lambda i: (i, 0)),
            pl.BlockSpec((_ZROWS, 4 * H_F), lambda i: (_N_BLKS + i, 0)),
            pl.BlockSpec((_ROWS_BLK, 1), lambda i: (i, 0)),
            pl.BlockSpec((3 * H_F, H_F), lambda i: (0, 0)),
            pl.BlockSpec((1, H_F), lambda i: (0, 0)),
        ],
        out_specs=pl.BlockSpec((_ROWS_BLK, H_F), lambda i: (i, 0)),
        out_shape=jax.ShapeDtypeStruct((N_NODES, H_F), jnp.float32),
    )(h, f1, aggf, aggf, dinv, g, b2r)



def kernel(features, edge_index, W1, b1, W2, b2):
    f32 = jnp.float32
    edges = edge_index.reshape(2, NCHUNKS, CHUNK)

    ones_deg = jnp.ones((CHUNK, DEG_W), f32)
    zeros_deg = jnp.zeros((RPS, DEG_W), f32)
    zeros_f = jnp.zeros((RPS, H_F), f32)

    w1t = W1.T
    b1r = b1.reshape(1, H_F)
    w2b = W2.T.reshape(D_POLY + 1, H_F, H_F)
    coeff = jnp.asarray(_COEFF, f32)
    g = jnp.tensordot(coeff, w2b, axes=((0,), (0,)))
    g = g.reshape((D_POLY + 1) * H_F, H_F)
    b2r = b2.reshape(1, H_F)

    sc_degree, sc_segsum = _sc_kernels()
    degp = sc_degree(edges, ones_deg, zeros_deg)
    h = _tc_matmul(features, w1t, b1r)
    z0f, dinv = _tc_scale(h, degp)
    agg1 = sc_segsum(z0f.reshape(_N_BLKS * _ROWS_BLK, H_F), edges, zeros_f)
    agg1f = agg1.reshape(NC * NPAD * H_F // 128, 128)
    f1, z1f = _tc_update(h, agg1f, dinv)
    agg2 = sc_segsum(z1f.reshape(_N_BLKS * _ROWS_BLK, H_F), edges, zeros_f)
    agg2f = agg2.reshape(NC * NPAD * H_F // 128, 128)
    return _tc_final(h, f1, agg2f, dinv, g, b2r)

# --- scband reference (transcript-rebuilt; emitter-appended) ---
"""Pipeline reference for scband-encoder-1245540516296 (READ-ONLY COPY).

The authoritative reference and input builder live on the scoring server;
editing this copy changes nothing except your own understanding.
"""

import jax, jax.numpy as jnp
import numpy as np
import math

N_NODES = 50000
N_EDGES = 1600000
IN_FEATS = 128
H_FEATS = 32
D = 2

def calculate_theta2(d):
    # Numeric equivalent of the sympy Bernstein/beta-wavelet expansion:
    # f_i(x) = (x/2)^i * (1 - x/2)^(d-i) / Beta(i+1, d+1-i), coefficients in
    # ascending order of powers of x (matches inv_coeff in the torch code).
    thetas = []
    for i in range(d + 1):
        p1 = np.zeros(i + 1)
        p1[i] = 0.5 ** i
        m = d - i
        p2 = np.array([math.comb(m, k) * (-0.5) ** k for k in range(m + 1)])
        poly = np.convolve(p1, p2)
        beta = math.gamma(i + 1) * math.gamma(d + 1 - i) / math.gamma(d + 2)
        thetas.append([float(c) for c in (poly / beta)])
    return thetas

THETAS = calculate_theta2(D)

def setup_inputs(seed: int = 0):
    key = jax.random.key(seed)
    k1, k2, k3, k4 = jax.random.split(key, 4)
    features = jax.random.normal(k1, (N_NODES, IN_FEATS), dtype=jnp.float32)
    edge_index = jax.random.randint(k2, (2, N_EDGES), 0, N_NODES, dtype=jnp.int32)
    W1 = jax.random.normal(k3, (H_FEATS, IN_FEATS), dtype=jnp.float32) * (1.0 / np.sqrt(IN_FEATS))
    b1 = jnp.zeros((H_FEATS,), dtype=jnp.float32)
    W2 = jax.random.normal(k4, (H_FEATS, H_FEATS * (D + 1)), dtype=jnp.float32) * (1.0 / np.sqrt(H_FEATS * (D + 1)))
    b2 = jnp.zeros((H_FEATS,), dtype=jnp.float32)
    return {"features": features, "edge_index": edge_index, "W1": W1, "b1": b1, "W2": W2, "b2": b2}

def reference(features, edge_index, W1, b1, W2, b2):
    src = edge_index[0]
    dst = edge_index[1]
    n = features.shape[0]
    # in-degrees (DGL message flows src -> dst, aggregated at dst)
    deg = jnp.zeros((n,), dtype=jnp.float32).at[dst].add(1.0)
    d_invsqrt = jnp.power(jnp.clip(deg, 1.0), -0.5)[:, None]
    # linear1 + ReLU
    h = jax.nn.relu(features @ W1.T + b1)
    outs = []
    for theta in THETAS:
        feat = h
        acc = theta[0] * feat
        for k in range(1, len(theta)):
            # unnLaplacian: feat - D^-1/2 A D^-1/2 feat
            tmp = feat * d_invsqrt
            agg = jax.ops.segment_sum(tmp[src], dst, num_segments=n)
            feat = feat - agg * d_invsqrt
            acc = acc + theta[k] * feat
        outs.append(acc)
    h_final = jnp.concatenate(outs, axis=-1)
    return h_final @ W2.T + b2

if __name__ == "__main__":
    import jax
    _d = setup_inputs()
    print(jax.jit(kernel)(*tuple(_d.values())))

</pallas_src>

<mosaic_0001>
#map = affine_map<(d0, d1) -> (0, 0, 0)>
#map1 = affine_map<(d0, d1) -> (0, 0)>
module attributes {stable_mosaic.version = 14 : i64} {
  func.func @_sc_degree(%arg0: i32, %arg1: i32, %arg2: memref<2x12800x125xi32, #tpu.memory_space<hbm>>, %arg3: memref<125x16xf32, #tpu.memory_space<hbm>>, %arg4: memref<3200x16xf32, #tpu.memory_space<hbm>>, %arg5: memref<2x51200x16xf32, #tpu.memory_space<hbm>>, %arg6: memref<16x125xi32, #tpu.memory_space<vmem>>, %arg7: memref<125x16xf32, #tpu.memory_space<vmem>>, %arg8: memref<51200x16xf32, #tpu.memory_space<vmem_shared>>, %arg9: memref<!tpu.dma_semaphore, #tpu.memory_space<semaphore_mem>>) attributes {dimension_semantics = [#tpu.dimension_semantics<core_parallel>, #tpu.dimension_semantics<subcore_parallel>], iteration_bounds = array<i64: 2, 16>, scalar_prefetch = 0 : i64, scratch_operands = 4 : i64, tpu.core_type = #tpu.core_type<sc_vector_subcore>, window_params = [{transform_indices = #map}, {transform_indices = #map1}, {transform_indices = #map1}, {transform_indices = #map}]} {
    %mul3A = arith.constant 16 : i32
    %mul3A_0 = arith.muli %arg0, %mul3A : i32
    %add3A = arith.addi %mul3A_0, %arg1 : i32
    %mul3A_1 = arith.constant 400 : i32
    %mul3A_2 = arith.muli %add3A, %mul3A_1 : i32
    %mul3A_3 = arith.constant 3200 : i32
    %mul3A_4 = arith.muli %arg1, %mul3A_3 : i32
    "tpu.region"() ({
      %run_scoped3A = tpu.sem_alloc : memref<!tpu.dma_semaphore, #tpu.memory_space<semaphore_mem>>
      %dma_start3A = arith.constant 0 : i32
      %dma_start3A_15 = tpu.memref_slice %arg8[%mul3A_4, %dma_start3A] : memref<51200x16xf32, #tpu.memory_space<vmem_shared>> -> memref<3200x16xf32, #tpu.memory_space<vmem_shared>>
      tpu.enqueue_dma source(%arg4 : memref<3200x16xf32, #tpu.memory_space<hbm>>) target(%dma_start3A_15 : memref<3200x16xf32, #tpu.memory_space<vmem_shared>>) target_semaphore(%run_scoped3A : memref<!tpu.dma_semaphore, #tpu.memory_space<semaphore_mem>>)
      %dma_wait3A = arith.constant 0 : i32
      %dma_wait3A_16 = tpu.memref_slice %arg8[%mul3A_4, %dma_wait3A] : memref<51200x16xf32, #tpu.memory_space<vmem_shared>> -> memref<3200x16xf32, #tpu.memory_space<vmem_shared>>
      tpu.wait_dma2 semaphore(%run_scoped3A : memref<!tpu.dma_semaphore, #tpu.memory_space<semaphore_mem>>) src(%arg4 : memref<3200x16xf32, #tpu.memory_space<hbm>>) dst(%dma_wait3A_16 : memref<3200x16xf32, #tpu.memory_space<vmem_shared>>)
      tpu.yield
    }) : () -> ()
    "tpu.region"() ({
      %run_scoped3A = tpu.sem_alloc : memref<!tpu.dma_semaphore, #tpu.memory_space<semaphore_mem>>
      tpu.enqueue_dma source(%arg3 : memref<125x16xf32, #tpu.memory_space<hbm>>) target(%arg7 : memref<125x16xf32, #tpu.memory_space<vmem>>) target_semaphore(%run_scoped3A : memref<!tpu.dma_semaphore, #tpu.memory_space<semaphore_mem>>)
      tpu.wait_dma2 semaphore(%run_scoped3A : memref<!tpu.dma_semaphore, #tpu.memory_space<semaphore_mem>>) src(%arg3 : memref<125x16xf32, #tpu.memory_space<hbm>>) dst(%arg7 : memref<125x16xf32, #tpu.memory_space<vmem>>)
      tpu.yield
    }) : () -> ()
    %barrier3A = arith.constant 0 : index
    tpu.barrier barrier_id(%barrier3A)
    %scan3A = arith.constant 0 : i32
    %scan3A_5 = arith.constant 0 : i32
    %scan3A_6 = arith.constant 25 : i32
    %scan3A_7 = arith.addi %scan3A_5, %scan3A_6 : i32
    %scan3A_8 = arith.constant 1 : i32
    scf.for %scan3A_15 = %scan3A_5 to %scan3A_7 step %scan3A_8  : i32 {
      %mul3A_16 = arith.constant 16 : i32
      %mul3A_17 = arith.muli %scan3A_15, %mul3A_16 : i32
      %add3A_18 = arith.addi %mul3A_2, %mul3A_17 : i32
      %run_scoped3A = arith.constant 1 : i32
      "tpu.region"() ({
        %run_scoped3A_241 = tpu.sem_alloc : memref<!tpu.dma_semaphore, #tpu.memory_space<semaphore_mem>>
        %dma_start3A_242 = arith.constant 0 : i32
        %dma_start3A_243 = tpu.memref_slice %arg2[%run_scoped3A, %add3A_18, %dma_start3A_242] : memref<2x12800x125xi32, #tpu.memory_space<hbm>> -> memref<1x16x125xi32, #tpu.memory_space<hbm>>
        %dma_start3A_244 = tpu.memref_squeeze %dma_start3A_243 : memref<1x16x125xi32, #tpu.memory_space<hbm>> -> memref<16x125xi32, #tpu.memory_space<hbm>>
        %dma_start3A_245 = arith.constant 0 : i32
        %dma_start3A_246 = tpu.memref_slice %arg2[%run_scoped3A, %add3A_18, %dma_start3A_245] : memref<2x12800x125xi32, #tpu.memory_space<hbm>> -> memref<1x16x125xi32, #tpu.memory_space<hbm>>
        %dma_start3A_247 = tpu.memref_squeeze %dma_start3A_246 : memref<1x16x125xi32, #tpu.memory_space<hbm>> -> memref<16x125xi32, #tpu.memory_space<hbm>>
        tpu.enqueue_dma source(%dma_start3A_247 : memref<16x125xi32, #tpu.memory_space<hbm>>) target(%arg6 : memref<16x125xi32, #tpu.memory_space<vmem>>) target_semaphore(%run_scoped3A_241 : memref<!tpu.dma_semaphore, #tpu.memory_space<semaphore_mem>>)
        %dma_wait3A_248 = arith.constant 0 : i32
        %dma_wait3A_249 = tpu.memref_slice %arg2[%run_scoped3A, %add3A_18, %dma_wait3A_248] : memref<2x12800x125xi32, #tpu.memory_space<hbm>> -> memref<1x16x125xi32, #tpu.memory_space<hbm>>
        %dma_wait3A_250 = tpu.memref_squeeze %dma_wait3A_249 : memref<1x16x125xi32, #tpu.memory_space<hbm>> -> memref<16x125xi32, #tpu.memory_space<hbm>>
        %dma_wait3A_251 = arith.constant 0 : i32
        %dma_wait3A_252 = tpu.memref_slice %arg2[%run_scoped3A, %add3A_18, %dma_wait3A_251] : memref<2x12800x125xi32, #tpu.memory_space<hbm>> -> memref<1x16x125xi32, #tpu.memory_space<hbm>>
        %dma_wait3A_253 = tpu.memref_squeeze %dma_wait3A_252 : memref<1x16x125xi32, #tpu.memory_space<hbm>> -> memref<16x125xi32, #tpu.memory_space<hbm>>
        tpu.wait_dma2 semaphore(%run_scoped3A_241 : memref<!tpu.dma_semaphore, #tpu.memory_space<semaphore_mem>>) src(%dma_wait3A_253 : memref<16x125xi32, #tpu.memory_space<hbm>>) dst(%arg6 : memref<16x125xi32, #tpu.memory_space<vmem>>)
        tpu.yield
      }) : () -> ()
      %dma_start3A = arith.constant 0 : i32
      %dma_start3A_19 = arith.constant 0 : i32
      %dma_start3A_20 = tpu.memref_slice %arg6[%dma_start3A, %dma_start3A_19] : memref<16x125xi32, #tpu.memory_space<vmem>> -> memref<1x125xi32, #tpu.memory_space<vmem>>
      %dma_start3A_21 = tpu.memref_squeeze %dma_start3A_20 : memref<1x125xi32, #tpu.memory_space<vmem>> -> memref<125xi32, #tpu.memory_space<vmem>>
      %dma_start3A_22 = arith.constant 0 : i32
      %dma_start3A_23 = arith.constant 0 : i32
      %dma_start3A_24 = tpu.memref_slice %arg8[%dma_start3A_22, %dma_start3A_23] : memref<51200x16xf32, #tpu.memory_space<vmem_shared>> -> memref<51200x16xf32, #tpu.memory_space<vmem_shared>>
      tpu.enqueue_indirect_dma source(%arg7 : memref<125x16xf32, #tpu.memory_space<vmem>>) target(%dma_start3A_24 : memref<51200x16xf32, #tpu.memory_space<vmem_shared>>) offsets(%dma_start3A_21 : memref<125xi32, #tpu.memory_space<vmem>>) semaphore(%arg9 : memref<!tpu.dma_semaphore, #tpu.memory_space<semaphore_mem>>) {add = true}
      %dma_start3A_25 = arith.constant 1 : i32
      %dma_start3A_26 = arith.constant 0 : i32
      %dma_start3A_27 = tpu.memref_slice %arg6[%dma_start3A_25, %dma_start3A_26] : memref<16x125xi32, #tpu.memory_space<vmem>> -> memref<1x125xi32, #tpu.memory_space<vmem>>
      %dma_start3A_28 = tpu.memref_squeeze %dma_start3A_27 : memref<1x125xi32, #tpu.memory_space<vmem>> -> memref<125xi32, #tpu.memory_space<vmem>>
      %dma_start3A_29 = arith.constant 0 : i32
      %dma_start3A_30 = arith.constant 0 : i32
      %dma_start3A_31 = tpu.memref_slice %arg8[%dma_start3A_29, %dma_start3A_30] : memref<51200x16xf32, #tpu.memory_space<vmem_shared>> -> memref<51200x16xf32, #tpu.memory_space<vmem_shared>>
      tpu.enqueue_indirect_dma source(%arg7 : memref<125x16xf32, #tpu.memory_space<vmem>>) target(%dma_start3A_31 : memref<51200x16xf32, #tpu.memory_space<vmem_shared>>) offsets(%dma_start3A_28 : memref<125xi32, #tpu.memory_space<vmem>>) semaphore(%arg9 : memref<!tpu.dma_semaphore, #tpu.memory_space<semaphore_mem>>) {add = true}
      %dma_start3A_32 = arith.constant 2 : i32
      %dma_start3A_33 = arith.constant 0 : i32
      %dma_start3A_34 = tpu.memref_slice %arg6[%dma_start3A_32, %dma_start3A_33] : memref<16x125xi32, #tpu.memory_space<vmem>> -> memref<1x125xi32, #tpu.memory_space<vmem>>
      %dma_start3A_35 = tpu.memref_squeeze %dma_start3A_34 : memref<1x125xi32, #tpu.memory_space<vmem>> -> memref<125xi32, #tpu.memory_space<vmem>>
      %dma_start3A_36 = arith.constant 0 : i32
      %dma_start3A_37 = arith.constant 0 : i32
      %dma_start3A_38 = tpu.memref_slice %arg8[%dma_start3A_36, %dma_start3A_37] : memref<51200x16xf32, #tpu.memory_space<vmem_shared>> -> memref<51200x16xf32, #tpu.memory_space<vmem_shared>>
      tpu.enqueue_indirect_dma source(%arg7 : memref<125x16xf32, #tpu.memory_space<vmem>>) target(%dma_start3A_38 : memref<51200x16xf32, #tpu.memory_space<vmem_shared>>) offsets(%dma_start3A_35 : memref<125xi32, #tpu.memory_space<vmem>>) semaphore(%arg9 : memref<!tpu.dma_semaphore, #tpu.memory_space<semaphore_mem>>) {add = true}
      %dma_start3A_39 = arith.constant 3 : i32
      %dma_start3A_40 = arith.constant 0 : i32
      %dma_start3A_41 = tpu.memref_slice %arg6[%dma_start3A_39, %dma_start3A_40] : memref<16x125xi32, #tpu.memory_space<vmem>> -> memref<1x125xi32, #tpu.memory_space<vmem>>
      %dma_start3A_42 = tpu.memref_squeeze %dma_start3A_41 : memref<1x125xi32, #tpu.memory_space<vmem>> -> memref<125xi32, #tpu.memory_space<vmem>>
      %dma_start3A_43 = arith.constant 0 : i32
      %dma_start3A_44 = arith.constant 0 : i32
      %dma_start3A_45 = tpu.memref_slice %arg8[%dma_start3A_43, %dma_start3A_44] : memref<51200x16xf32, #tpu.memory_space<vmem_shared>> -> memref<51200x16xf32, #tpu.memory_space<vmem_shared>>
      tpu.enqueue_indirect_dma source(%arg7 : memref<125x16xf32, #tpu.memory_space<vmem>>) target(%dma_start3A_45 : memref<51200x16xf32, #tpu.memory_space<vmem_shared>>) offsets(%dma_start3A_42 : memref<125xi32, #tpu.memory_space<vmem>>) semaphore(%arg9 : memref<!tpu.dma_semaphore, #tpu.memory_space<semaphore_mem>>) {add = true}
      %dma_start3A_46 = arith.constant 4 : i32
      %dma_start3A_47 = arith.constant 0 : i32
      %dma_start3A_48 = tpu.memref_slice %arg6[%dma_start3A_46, %dma_start3A_47] : memref<16x125xi32, #tpu.memory_space<vmem>> -> memref<1x125xi32, #tpu.memory_space<vmem>>
      %dma_start3A_49 = tpu.memref_squeeze %dma_start3A_48 : memref<1x125xi32, #tpu.memory_space<vmem>> -> memref<125xi32, #tpu.memory_space<vmem>>
      %dma_start3A_50 = arith.constant 0 : i32
      %dma_start3A_51 = arith.constant 0 : i32
      %dma_start3A_52 = tpu.memref_slice %arg8[%dma_start3A_50, %dma_start3A_51] : memref<51200x16xf32, #tpu.memory_space<vmem_shared>> -> memref<51200x16xf32, #tpu.memory_space<vmem_shared>>
      tpu.enqueue_indirect_dma source(%arg7 : memref<125x16xf32, #tpu.memory_space<vmem>>) target(%dma_start3A_52 : memref<51200x16xf32, #tpu.memory_space<vmem_shared>>) offsets(%dma_start3A_49 : memref<125xi32, #tpu.memory_space<vmem>>) semaphore(%arg9 : memref<!tpu.dma_semaphore, #tpu.memory_space<semaphore_mem>>) {add = true}
      %dma_start3A_53 = arith.constant 5 : i32
      %dma_start3A_54 = arith.constant 0 : i32
      %dma_start3A_55 = tpu.memref_slice %arg6[%dma_start3A_53, %dma_start3A_54] : memref<16x125xi32, #tpu.memory_space<vmem>> -> memref<1x125xi32, #tpu.memory_space<vmem>>
      %dma_start3A_56 = tpu.memref_squeeze %dma_start3A_55 : memref<1x125xi32, #tpu.memory_space<vmem>> -> memref<125xi32, #tpu.memory_space<vmem>>
      %dma_start3A_57 = arith.constant 0 : i32
      %dma_start3A_58 = arith.constant 0 : i32
      %dma_start3A_59 = tpu.memref_slice %arg8[%dma_start3A_57, %dma_start3A_58] : memref<51200x16xf32, #tpu.memory_space<vmem_shared>> -> memref<51200x16xf32, #tpu.memory_space<vmem_shared>>
      tpu.enqueue_indirect_dma source(%arg7 : memref<125x16xf32, #tpu.memory_space<vmem>>) target(%dma_start3A_59 : memref<51200x16xf32, #tpu.memory_space<vmem_shared>>) offsets(%dma_start3A_56 : memref<125xi32, #tpu.memory_space<vmem>>) semaphore(%arg9 : memref<!tpu.dma_semaphore, #tpu.memory_space<semaphore_mem>>) {add = true}
      %dma_start3A_60 = arith.constant 6 : i32
      %dma_start3A_61 = arith.constant 0 : i32
      %dma_start3A_62 = tpu.memref_slice %arg6[%dma_start3A_60, %dma_start3A_61] : memref<16x125xi32, #tpu.memory_space<vmem>> -> memref<1x125xi32, #tpu.memory_space<vmem>>
      %dma_start3A_63 = tpu.memref_squeeze %dma_start3A_62 : memref<1x125xi32, #tpu.memory_space<vmem>> -> memref<125xi32, #tpu.memory_space<vmem>>
      %dma_start3A_64 = arith.constant 0 : i32
      %dma_start3A_65 = arith.constant 0 : i32
      %dma_start3A_66 = tpu.memref_slice %arg8[%dma_start3A_64, %dma_start3A_65] : memref<51200x16xf32, #tpu.memory_space<vmem_shared>> -> memref<51200x16xf32, #tpu.memory_space<vmem_shared>>
      tpu.enqueue_indirect_dma source(%arg7 : memref<125x16xf32, #tpu.memory_space<vmem>>) target(%dma_start3A_66 : memref<51200x16xf32, #tpu.memory_space<vmem_shared>>) offsets(%dma_start3A_63 : memref<125xi32, #tpu.memory_space<vmem>>) semaphore(%arg9 : memref<!tpu.dma_semaphore, #tpu.memory_space<semaphore_mem>>) {add = true}
      %dma_start3A_67 = arith.constant 7 : i32
      %dma_start3A_68 = arith.constant 0 : i32
      %dma_start3A_69 = tpu.memref_slice %arg6[%dma_start3A_67, %dma_start3A_68] : memref<16x125xi32, #tpu.memory_space<vmem>> -> memref<1x125xi32, #tpu.memory_space<vmem>>
      %dma_start3A_70 = tpu.memref_squeeze %dma_start3A_69 : memref<1x125xi32, #tpu.memory_space<vmem>> -> memref<125xi32, #tpu.memory_space<vmem>>
      %dma_start3A_71 = arith.constant 0 : i32
      %dma_start3A_72 = arith.constant 0 : i32
      %dma_start3A_73 = tpu.memref_slice %arg8[%dma_start3A_71, %dma_start3A_72] : memref<51200x16xf32, #tpu.memory_space<vmem_shared>> -> memref<51200x16xf32, #tpu.memory_space<vmem_shared>>
      tpu.enqueue_indirect_dma source(%arg7 : memref<125x16xf32, #tpu.memory_space<vmem>>) target(%dma_start3A_73 : memref<51200x16xf32, #tpu.memory_space<vmem_shared>>) offsets(%dma_start3A_70 : memref<125xi32, #tpu.memory_space<vmem>>) semaphore(%arg9 : memref<!tpu.dma_semaphore, #tpu.memory_space<semaphore_mem>>) {add = true}
      %dma_start3A_74 = arith.constant 8 : i32
      %dma_start3A_75 = arith.constant 0 : i32
      %dma_start3A_76 = tpu.memref_slice %arg6[%dma_start3A_74, %dma_start3A_75] : memref<16x125xi32, #tpu.memory_space<vmem>> -> memref<1x125xi32, #tpu.memory_space<vmem>>
      %dma_start3A_77 = tpu.memref_squeeze %dma_start3A_76 : memref<1x125xi32, #tpu.memory_space<vmem>> -> memref<125xi32, #tpu.memory_space<vmem>>
      %dma_start3A_78 = arith.constant 0 : i32
      %dma_start3A_79 = arith.constant 0 : i32
      %dma_start3A_80 = tpu.memref_slice %arg8[%dma_start3A_78, %dma_start3A_79] : memref<51200x16xf32, #tpu.memory_space<vmem_shared>> -> memref<51200x16xf32, #tpu.memory_space<vmem_shared>>
      tpu.enqueue_indirect_dma source(%arg7 : memref<125x16xf32, #tpu.memory_space<vmem>>) target(%dma_start3A_80 : memref<51200x16xf32, #tpu.memory_space<vmem_shared>>) offsets(%dma_start3A_77 : memref<125xi32, #tpu.memory_space<vmem>>) semaphore(%arg9 : memref<!tpu.dma_semaphore, #tpu.memory_space<semaphore_mem>>) {add = true}
      %dma_start3A_81 = arith.constant 9 : i32
      %dma_start3A_82 = arith.constant 0 : i32
      %dma_start3A_83 = tpu.memref_slice %arg6[%dma_start3A_81, %dma_start3A_82] : memref<16x125xi32, #tpu.memory_space<vmem>> -> memref<1x125xi32, #tpu.memory_space<vmem>>
      %dma_start3A_84 = tpu.memref_squeeze %dma_start3A_83 : memref<1x125xi32, #tpu.memory_space<vmem>> -> memref<125xi32, #tpu.memory_space<vmem>>
      %dma_start3A_85 = arith.constant 0 : i32
      %dma_start3A_86 = arith.constant 0 : i32
      %dma_start3A_87 = tpu.memref_slice %arg8[%dma_start3A_85, %dma_start3A_86] : memref<51200x16xf32, #tpu.memory_space<vmem_shared>> -> memref<51200x16xf32, #tpu.memory_space<vmem_shared>>
      tpu.enqueue_indirect_dma source(%arg7 : memref<125x16xf32, #tpu.memory_space<vmem>>) target(%dma_start3A_87 : memref<51200x16xf32, #tpu.memory_space<vmem_shared>>) offsets(%dma_start3A_84 : memref<125xi32, #tpu.memory_space<vmem>>) semaphore(%arg9 : memref<!tpu.dma_semaphore, #tpu.memory_space<semaphore_mem>>) {add = true}
      %dma_start3A_88 = arith.constant 10 : i32
      %dma_start3A_89 = arith.constant 0 : i32
      %dma_start3A_90 = tpu.memref_slice %arg6[%dma_start3A_88, %dma_start3A_89] : memref<16x125xi32, #tpu.memory_space<vmem>> -> memref<1x125xi32, #tpu.memory_space<vmem>>
      %dma_start3A_91 = tpu.memref_squeeze %dma_start3A_90 : memref<1x125xi32, #tpu.memory_space<vmem>> -> memref<125xi32, #tpu.memory_space<vmem>>
      %dma_start3A_92 = arith.constant 0 : i32
      %dma_start3A_93 = arith.constant 0 : i32
      %dma_start3A_94 = tpu.memref_slice %arg8[%dma_start3A_92, %dma_start3A_93] : memref<51200x16xf32, #tpu.memory_space<vmem_shared>> -> memref<51200x16xf32, #tpu.memory_space<vmem_shared>>
      tpu.enqueue_indirect_dma source(%arg7 : memref<125x16xf32, #tpu.memory_space<vmem>>) target(%dma_start3A_94 : memref<51200x16xf32, #tpu.memory_space<vmem_shared>>) offsets(%dma_start3A_91 : memref<125xi32, #tpu.memory_space<vmem>>) semaphore(%arg9 : memref<!tpu.dma_semaphore, #tpu.memory_space<semaphore_mem>>) {add = true}
      %dma_start3A_95 = arith.constant 11 : i32
      %dma_start3A_96 = arith.constant 0 : i32
      %dma_start3A_97 = tpu.memref_slice %arg6[%dma_start3A_95, %dma_start3A_96] : memref<16x125xi32, #tpu.memory_space<vmem>> -> memref<1x125xi32, #tpu.memory_space<vmem>>
      %dma_start3A_98 = tpu.memref_squeeze %dma_start3A_97 : memref<1x125xi32, #tpu.memory_space<vmem>> -> memref<125xi32, #tpu.memory_space<vmem>>
      %dma_start3A_99 = arith.constant 0 : i32
      %dma_start3A_100 = arith.constant 0 : i32
      %dma_start3A_101 = tpu.memref_slice %arg8[%dma_start3A_99, %dma_start3A_100] : memref<51200x16xf32, #tpu.memory_space<vmem_shared>> -> memref<51200x16xf32, #tpu.memory_space<vmem_shared>>
      tpu.enqueue_indirect_dma source(%arg7 : memref<125x16xf32, #tpu.memory_space<vmem>>) target(%dma_start3A_101 : memref<51200x16xf32, #tpu.memory_space<vmem_shared>>) offsets(%dma_start3A_98 : memref<125xi32, #tpu.memory_space<vmem>>) semaphore(%arg9 : memref<!tpu.dma_semaphore, #tpu.memory_space<semaphore_mem>>) {add = true}
      %dma_start3A_102 = arith.constant 12 : i32
      %dma_start3A_103 = arith.constant 0 : i32
      %dma_start3A_104 = tpu.memref_slice %arg6[%dma_start3A_102, %dma_start3A_103] : memref<16x125xi32, #tpu.memory_space<vmem>> -> memref<1x125xi32, #tpu.memory_space<vmem>>
      %dma_start3A_105 = tpu.memref_squeeze %dma_start3A_104 : memref<1x125xi32, #tpu.memory_space<vmem>> -> memref<125xi32, #tpu.memory_space<vmem>>
      %dma_start3A_106 = arith.constant 0 : i32
      %dma_start3A_107 = arith.constant 0 : i32
      %dma_start3A_108 = tpu.memref_slice %arg8[%dma_start3A_106, %dma_start3A_107] : memref<51200x16xf32, #tpu.memory_space<vmem_shared>> -> memref<51200x16xf32, #tpu.memory_space<vmem_shared>>
      tpu.enqueue_indirect_dma source(%arg7 : memref<125x16xf32, #tpu.memory_space<vmem>>) target(%dma_start3A_108 : memref<51200x16xf32, #tpu.memory_space<vmem_shared>>) offsets(%dma_start3A_105 : memref<125xi32, #tpu.memory_space<vmem>>) semaphore(%arg9 : memref<!tpu.dma_semaphore, #tpu.memory_space<semaphore_mem>>) {add = true}
      %dma_start3A_109 = arith.constant 13 : i32
      %dma_start3A_110 = arith.constant 0 : i32
      %dma_start3A_111 = tpu.memref_slice %arg6[%dma_start3A_109, %dma_start3A_110] : memref<16x125xi32, #tpu.memory_space<vmem>> -> memref<1x125xi32, #tpu.memory_space<vmem>>
      %dma_start3A_112 = tpu.memref_squeeze %dma_start3A_111 : memref<1x125xi32, #tpu.memory_space<vmem>> -> memref<125xi32, #tpu.memory_space<vmem>>
      %dma_start3A_113 = arith.constant 0 : i32
      %dma_start3A_114 = arith.constant 0 : i32
      %dma_start3A_115 = tpu.memref_slice %arg8[%dma_start3A_113, %dma_start3A_114] : memref<51200x16xf32, #tpu.memory_space<vmem_shared>> -> memref<51200x16xf32, #tpu.memory_space<vmem_shared>>
      tpu.enqueue_indirect_dma source(%arg7 : memref<125x16xf32, #tpu.memory_space<vmem>>) target(%dma_start3A_115 : memref<51200x16xf32, #tpu.memory_space<vmem_shared>>) offsets(%dma_start3A_112 : memref<125xi32, #tpu.memory_space<vmem>>) semaphore(%arg9 : memref<!tpu.dma_semaphore, #tpu.memory_space<semaphore_mem>>) {add = true}
      %dma_start3A_116 = arith.constant 14 : i32
      %dma_start3A_117 = arith.constant 0 : i32
      %dma_start3A_118 = tpu.memref_slice %arg6[%dma_start3A_116, %dma_start3A_117] : memref<16x125xi32, #tpu.memory_space<vmem>> -> memref<1x125xi32, #tpu.memory_space<vmem>>
      %dma_start3A_119 = tpu.memref_squeeze %dma_start3A_118 : memref<1x125xi32, #tpu.memory_space<vmem>> -> memref<125xi32, #tpu.memory_space<vmem>>
      %dma_start3A_120 = arith.constant 0 : i32
      %dma_start3A_121 = arith.constant 0 : i32
      %dma_start3A_122 = tpu.memref_slice %arg8[%dma_start3A_120, %dma_start3A_121] : memref<51200x16xf32, #tpu.memory_space<vmem_shared>> -> memref<51200x16xf32, #tpu.memory_space<vmem_shared>>
      tpu.enqueue_indirect_dma source(%arg7 : memref<125x16xf32, #tpu.memory_space<vmem>>) target(%dma_start3A_122 : memref<51200x16xf32, #tpu.memory_space<vmem_shared>>) offsets(%dma_start3A_119 : memref<125xi32, #tpu.memory_space<vmem>>) semaphore(%arg9 : memref<!tpu.dma_semaphore, #tpu.memory_space<semaphore_mem>>) {add = true}
      %dma_start3A_123 = arith.constant 15 : i32
      %dma_start3A_124 = arith.constant 0 : i32
      %dma_start3A_125 = tpu.memref_slice %arg6[%dma_start3A_123, %dma_start3A_124] : memref<16x125xi32, #tpu.memory_space<vmem>> -> memref<1x125xi32, #tpu.memory_space<vmem>>
      %dma_start3A_126 = tpu.memref_squeeze %dma_start3A_125 : memref<1x125xi32, #tpu.memory_space<vmem>> -> memref<125xi32, #tpu.memory_space<vmem>>
      %dma_start3A_127 = arith.constant 0 : i32
      %dma_start3A_128 = arith.constant 0 : i32
      %dma_start3A_129 = tpu.memref_slice %arg8[%dma_start3A_127, %dma_start3A_128] : memref<51200x16xf32, #tpu.memory_space<vmem_shared>> -> memref<51200x16xf32, #tpu.memory_space<vmem_shared>>
      tpu.enqueue_indirect_dma source(%arg7 : memref<125x16xf32, #tpu.memory_space<vmem>>) target(%dma_start3A_129 : memref<51200x16xf32, #tpu.memory_space<vmem_shared>>) offsets(%dma_start3A_126 : memref<125xi32, #tpu.memory_space<vmem>>) semaphore(%arg9 : memref<!tpu.dma_semaphore, #tpu.memory_space<semaphore_mem>>) {add = true}
      %dma_wait3A = arith.constant 0 : i32
      %dma_wait3A_130 = arith.constant 0 : i32
      %dma_wait3A_131 = tpu.memref_slice %arg6[%dma_wait3A, %dma_wait3A_130] : memref<16x125xi32, #tpu.memory_space<vmem>> -> memref<1x125xi32, #tpu.memory_space<vmem>>
      %dma_wait3A_132 = tpu.memref_squeeze %dma_wait3A_131 : memref<1x125xi32, #tpu.memory_space<vmem>> -> memref<125xi32, #tpu.memory_space<vmem>>
      %dma_wait3A_133 = arith.constant 0 : i32
      %dma_wait3A_134 = arith.constant 0 : i32
      %dma_wait3A_135 = tpu.memref_slice %arg8[%dma_wait3A_133, %dma_wait3A_134] : memref<51200x16xf32, #tpu.memory_space<vmem_shared>> -> memref<51200x16xf32, #tpu.memory_space<vmem_shared>>
      tpu.wait_indirect_dma semaphore(%arg9 : memref<!tpu.dma_semaphore, #tpu.memory_space<semaphore_mem>>) src(%arg7 : memref<125x16xf32, #tpu.memory_space<vmem>>) dst(%dma_wait3A_135 : memref<51200x16xf32, #tpu.memory_space<vmem_shared>>)
      %dma_wait3A_136 = arith.constant 1 : i32
      %dma_wait3A_137 = arith.constant 0 : i32
      %dma_wait3A_138 = tpu.memref_slice %arg6[%dma_wait3A_136, %dma_wait3A_137] : memref<16x125xi32, #tpu.memory_space<vmem>> -> memref<1x125xi32, #tpu.memory_space<vmem>>
      %dma_wait3A_139 = tpu.memref_squeeze %dma_wait3A_138 : memref<1x125xi32, #tpu.memory_space<vmem>> -> memref<125xi32, #tpu.memory_space<vmem>>
      %dma_wait3A_140 = arith.constant 0 : i32
      %dma_wait3A_141 = arith.constant 0 : i32
      %dma_wait3A_142 = tpu.memref_slice %arg8[%dma_wait3A_140, %dma_wait3A_141] : memref<51200x16xf32, #tpu.memory_space<vmem_shared>> -> memref<51200x16xf32, #tpu.memory_space<vmem_shared>>
      tpu.wait_indirect_dma semaphore(%arg9 : memref<!tpu.dma_semaphore, #tpu.memory_space<semaphore_mem>>) src(%arg7 : memref<125x16xf32, #tpu.memory_space<vmem>>) dst(%dma_wait3A_142 : memref<51200x16xf32, #tpu.memory_space<vmem_shared>>)
      %dma_wait3A_143 = arith.constant 2 : i32
      %dma_wait3A_144 = arith.constant 0 : i32
      %dma_wait3A_145 = tpu.memref_slice %arg6[%dma_wait3A_143, %dma_wait3A_144] : memref<16x125xi32, #tpu.memory_space<vmem>> -> memref<1x125xi32, #tpu.memory_space<vmem>>
      %dma_wait3A_146 = tpu.memref_squeeze %dma_wait3A_145 : memref<1x125xi32, #tpu.memory_space<vmem>> -> memref<125xi32, #tpu.memory_space<vmem>>
      %dma_wait3A_147 = arith.constant 0 : i32
      %dma_wait3A_148 = arith.constant 0 : i32
      %dma_wait3A_149 = tpu.memref_slice %arg8[%dma_wait3A_147, %dma_wait3A_148] : memref<51200x16xf32, #tpu.memory_space<vmem_shared>> -> memref<51200x16xf32, #tpu.memory_space<vmem_shared>>
      tpu.wait_indirect_dma semaphore(%arg9 : memref<!tpu.dma_semaphore, #tpu.memory_space<semaphore_mem>>) src(%arg7 : memref<125x16xf32, #tpu.memory_space<vmem>>) dst(%dma_wait3A_149 : memref<51200x16xf32, #tpu.memory_space<vmem_shared>>)
      %dma_wait3A_150 = arith.constant 3 : i32
      %dma_wait3A_151 = arith.constant 0 : i32
      %dma_wait3A_152 = tpu.memref_slice %arg6[%dma_wait3A_150, %dma_wait3A_151] : memref<16x125xi32, #tpu.memory_space<vmem>> -> memref<1x125xi32, #tpu.memory_space<vmem>>
      %dma_wait3A_153 = tpu.memref_squeeze %dma_wait3A_152 : memref<1x125xi32, #tpu.memory_space<vmem>> -> memref<125xi32, #tpu.memory_space<vmem>>
      %dma_wait3A_154 = arith.constant 0 : i32
      %dma_wait3A_155 = arith.constant 0 : i32
      %dma_wait3A_156 = tpu.memref_slice %arg8[%dma_wait3A_154, %dma_wait3A_155] : memref<51200x16xf32, #tpu.memory_space<vmem_shared>> -> memref<51200x16xf32, #tpu.memory_space<vmem_shared>>
      tpu.wait_indirect_dma semaphore(%arg9 : memref<!tpu.dma_semaphore, #tpu.memory_space<semaphore_mem>>) src(%arg7 : memref<125x16xf32, #tpu.memory_space<vmem>>) dst(%dma_wait3A_156 : memref<51200x16xf32, #tpu.memory_space<vmem_shared>>)
      %dma_wait3A_157 = arith.constant 4 : i32
      %dma_wait3A_158 = arith.constant 0 : i32
      %dma_wait3A_159 = tpu.memref_slice %arg6[%dma_wait3A_157, %dma_wait3A_158] : memref<16x125xi32, #tpu.memory_space<vmem>> -> memref<1x125xi32, #tpu.memory_space<vmem>>
      %dma_wait3A_160 = tpu.memref_squeeze %dma_wait3A_159 : memref<1x125xi32, #tpu.memory_space<vmem>> -> memref<125xi32, #tpu.memory_space<vmem>>
      %dma_wait3A_161 = arith.constant 0 : i32
      %dma_wait3A_162 = arith.constant 0 : i32
      %dma_wait3A_163 = tpu.memref_slice %arg8[%dma_wait3A_161, %dma_wait3A_162] : memref<51200x16xf32, #tpu.memory_space<vmem_shared>> -> memref<51200x16xf32, #tpu.memory_space<vmem_shared>>
      tpu.wait_indirect_dma semaphore(%arg9 : memref<!tpu.dma_semaphore, #tpu.memory_space<semaphore_mem>>) src(%arg7 : memref<125x16xf32, #tpu.memory_space<vmem>>) dst(%dma_wait3A_163 : memref<51200x16xf32, #tpu.memory_space<vmem_shared>>)
      %dma_wait3A_164 = arith.constant 5 : i32
      %dma_wait3A_165 = arith.constant 0 : i32
      %dma_wait3A_166 = tpu.memref_slice %arg6[%dma_wait3A_164, %dma_wait3A_165] : memref<16x125xi32, #tpu.memory_space<vmem>> -> memref<1x125xi32, #tpu.memory_space<vmem>>
      %dma_wait3A_167 = tpu.memref_squeeze %dma_wait3A_166 : memref<1x125xi32, #tpu.memory_space<vmem>> -> memref<125xi32, #tpu.memory_space<vmem>>
      %dma_wait3A_168 = arith.constant 0 : i32
      %dma_wait3A_169 = arith.constant 0 : i32
      %dma_wait3A_170 = tpu.memref_slice %arg8[%dma_wait3A_168, %dma_wait3A_169] : memref<51200x16xf32, #tpu.memory_space<vmem_shared>> -> memref<51200x16xf32, #tpu.memory_space<vmem_shared>>
      tpu.wait_indirect_dma semaphore(%arg9 : memref<!tpu.dma_semaphore, #tpu.memory_space<semaphore_mem>>) src(%arg7 : memref<125x16xf32, #tpu.memory_space<vmem>>) dst(%dma_wait3A_170 : memref<51200x16xf32, #tpu.memory_space<vmem_shared>>)
      %dma_wait3A_171 = arith.constant 6 : i32
      %dma_wait3A_172 = arith.constant 0 : i32
      %dma_wait3A_173 = tpu.memref_slice %arg6[%dma_wait3A_171, %dma_wait3A_172] : memref<16x125xi32, #tpu.memory_space<vmem>> -> memref<1x125xi32, #tpu.memory_space<vmem>>
      %dma_wait3A_174 = tpu.memref_squeeze %dma_wait3A_173 : memref<1x125xi32, #tpu.memory_space<vmem>> -> memref<125xi32, #tpu.memory_space<vmem>>
      %dma_wait3A_175 = arith.constant 0 : i32
      %dma_wait3A_176 = arith.constant 0 : i32
      %dma_wait3A_177 = tpu.memref_slice %arg8[%dma_wait3A_175, %dma_wait3A_176] : memref<51200x16xf32, #tpu.memory_space<vmem_shared>> -> memref<51200x16xf32, #tpu.memory_space<vmem_shared>>
      tpu.wait_indirect_dma semaphore(%arg9 : memref<!tpu.dma_semaphore, #tpu.memory_space<semaphore_mem>>) src(%arg7 : memref<125x16xf32, #tpu.memory_space<vmem>>) dst(%dma_wait3A_177 : memref<51200x16xf32, #tpu.memory_space<vmem_shared>>)
      %dma_wait3A_178 = arith.constant 7 : i32
      %dma_wait3A_179 = arith.constant 0 : i32
      %dma_wait3A_180 = tpu.memref_slice %arg6[%dma_wait3A_178, %dma_wait3A_179] : memref<16x125xi32, #tpu.memory_space<vmem>> -> memref<1x125xi32, #tpu.memory_space<vmem>>
      %dma_wait3A_181 = tpu.memref_squeeze %dma_wait3A_180 : memref<1x125xi32, #tpu.memory_space<vmem>> -> memref<125xi32, #tpu.memory_space<vmem>>
      %dma_wait3A_182 = arith.constant 0 : i32
      %dma_wait3A_183 = arith.constant 0 : i32
      %dma_wait3A_184 = tpu.memref_slice %arg8[%dma_wait3A_182, %dma_wait3A_183] : memref<51200x16xf32, #tpu.memory_space<vmem_shared>> -> memref<51200x16xf32, #tpu.memory_space<vmem_shared>>
      tpu.wait_indirect_dma semaphore(%arg9 : memref<!tpu.dma_semaphore, #tpu.memory_space<semaphore_mem>>) src(%arg7 : memref<125x16xf32, #tpu.memory_space<vmem>>) dst(%dma_wait3A_184 : memref<51200x16xf32, #tpu.memory_space<vmem_shared>>)
      %dma_wait3A_185 = arith.constant 8 : i32
      %dma_wait3A_186 = arith.constant 0 : i32
      %dma_wait3A_187 = tpu.memref_slice %arg6[%dma_wait3A_185, %dma_wait3A_186] : memref<16x125xi32, #tpu.memory_space<vmem>> -> memref<1x125xi32, #tpu.memory_space<vmem>>
      %dma_wait3A_188 = tpu.memref_squeeze %dma_wait3A_187 : memref<1x125xi32, #tpu.memory_space<vmem>> -> memref<125xi32, #tpu.memory_space<vmem>>
      %dma_wait3A_189 = arith.constant 0 : i32
      %dma_wait3A_190 = arith.constant 0 : i32
      %dma_wait3A_191 = tpu.memref_slice %arg8[%dma_wait3A_189, %dma_wait3A_190] : memref<51200x16xf32, #tpu.memory_space<vmem_shared>> -> memref<51200x16xf32, #tpu.memory_space<vmem_shared>>
      tpu.wait_indirect_dma semaphore(%arg9 : memref<!tpu.dma_semaphore, #tpu.memory_space<semaphore_mem>>) src(%arg7 : memref<125x16xf32, #tpu.memory_space<vmem>>) dst(%dma_wait3A_191 : memref<51200x16xf32, #tpu.memory_space<vmem_shared>>)
      %dma_wait3A_192 = arith.constant 9 : i32
      %dma_wait3A_193 = arith.constant 0 : i32
      %dma_wait3A_194 = tpu.memref_slice %arg6[%dma_wait3A_192, %dma_wait3A_193] : memref<16x125xi32, #tpu.memory_space<vmem>> -> memref<1x125xi32, #tpu.memory_space<vmem>>
      %dma_wait3A_195 = tpu.memref_squeeze %dma_wait3A_194 : memref<1x125xi32, #tpu.memory_space<vmem>> -> memref<125xi32, #tpu.memory_space<vmem>>
      %dma_wait3A_196 = arith.constant 0 : i32
      %dma_wait3A_197 = arith.constant 0 : i32
      %dma_wait3A_198 = tpu.memref_slice %arg8[%dma_wait3A_196, %dma_wait3A_197] : memref<51200x16xf32, #tpu.memory_space<vmem_shared>> -> memref<51200x16xf32, #tpu.memory_space<vmem_shared>>
      tpu.wait_indirect_dma semaphore(%arg9 : memref<!tpu.dma_semaphore, #tpu.memory_space<semaphore_mem>>) src(%arg7 : memref<125x16xf32, #tpu.memory_space<vmem>>) dst(%dma_wait3A_198 : memref<51200x16xf32, #tpu.memory_space<vmem_shared>>)
      %dma_wait3A_199 = arith.constant 10 : i32
      %dma_wait3A_200 = arith.constant 0 : i32
      %dma_wait3A_201 = tpu.memref_slice %arg6[%dma_wait3A_199, %dma_wait3A_200] : memref<16x125xi32, #tpu.memory_space<vmem>> -> memref<1x125xi32, #tpu.memory_space<vmem>>
      %dma_wait3A_202 = tpu.memref_squeeze %dma_wait3A_201 : memref<1x125xi32, #tpu.memory_space<vmem>> -> memref<125xi32, #tpu.memory_space<vmem>>
      %dma_wait3A_203 = arith.constant 0 : i32
      %dma_wait3A_204 = arith.constant 0 : i32
      %dma_wait3A_205 = tpu.memref_slice %arg8[%dma_wait3A_203, %dma_wait3A_204] : memref<51200x16xf32, #tpu.memory_space<vmem_shared>> -> memref<51200x16xf32, #tpu.memory_space<vmem_shared>>
      tpu.wait_indirect_dma semaphore(%arg9 : memref<!tpu.dma_semaphore, #tpu.memory_space<semaphore_mem>>) src(%arg7 : memref<125x16xf32, #tpu.memory_space<vmem>>) dst(%dma_wait3A_205 : memref<51200x16xf32, #tpu.memory_space<vmem_shared>>)
      %dma_wait3A_206 = arith.constant 11 : i32
      %dma_wait3A_207 = arith.constant 0 : i32
      %dma_wait3A_208 = tpu.memref_slice %arg6[%dma_wait3A_206, %dma_wait3A_207] : memref<16x125xi32, #tpu.memory_space<vmem>> -> memref<1x125xi32, #tpu.memory_space<vmem>>
      %dma_wait3A_209 = tpu.memref_squeeze %dma_wait3A_208 : memref<1x125xi32, #tpu.memory_space<vmem>> -> memref<125xi32, #tpu.memory_space<vmem>>
      %dma_wait3A_210 = arith.constant 0 : i32
      %dma_wait3A_211 = arith.constant 0 : i32
      %dma_wait3A_212 = tpu.memref_slice %arg8[%dma_wait3A_210, %dma_wait3A_211] : memref<51200x16xf32, #tpu.memory_space<vmem_shared>> -> memref<51200x16xf32, #tpu.memory_space<vmem_shared>>
      tpu.wait_indirect_dma semaphore(%arg9 : memref<!tpu.dma_semaphore, #tpu.memory_space<semaphore_mem>>) src(%arg7 : memref<125x16xf32, #tpu.memory_space<vmem>>) dst(%dma_wait3A_212 : memref<51200x16xf32, #tpu.memory_space<vmem_shared>>)
      %dma_wait3A_213 = arith.constant 12 : i32
      %dma_wait3A_214 = arith.constant 0 : i32
      %dma_wait3A_215 = tpu.memref_slice %arg6[%dma_wait3A_213, %dma_wait3A_214] : memref<16x125xi32, #tpu.memory_space<vmem>> -> memref<1x125xi32, #tpu.memory_space<vmem>>
      %dma_wait3A_216 = tpu.memref_squeeze %dma_wait3A_215 : memref<1x125xi32, #tpu.memory_space<vmem>> -> memref<125xi32, #tpu.memory_space<vmem>>
      %dma_wait3A_217 = arith.constant 0 : i32
      %dma_wait3A_218 = arith.constant 0 : i32
      %dma_wait3A_219 = tpu.memref_slice %arg8[%dma_wait3A_217, %dma_wait3A_218] : memref<51200x16xf32, #tpu.memory_space<vmem_shared>> -> memref<51200x16xf32, #tpu.memory_space<vmem_shared>>
      tpu.wait_indirect_dma semaphore(%arg9 : memref<!tpu.dma_semaphore, #tpu.memory_space<semaphore_mem>>) src(%arg7 : memref<125x16xf32, #tpu.memory_space<vmem>>) dst(%dma_wait3A_219 : memref<51200x16xf32, #tpu.memory_space<vmem_shared>>)
      %dma_wait3A_220 = arith.constant 13 : i32
      %dma_wait3A_221 = arith.constant 0 : i32
      %dma_wait3A_222 = tpu.memref_slice %arg6[%dma_wait3A_220, %dma_wait3A_221] : memref<16x125xi32, #tpu.memory_space<vmem>> -> memref<1x125xi32, #tpu.memory_space<vmem>>
      %dma_wait3A_223 = tpu.memref_squeeze %dma_wait3A_222 : memref<1x125xi32, #tpu.memory_space<vmem>> -> memref<125xi32, #tpu.memory_space<vmem>>
      %dma_wait3A_224 = arith.constant 0 : i32
      %dma_wait3A_225 = arith.constant 0 : i32
      %dma_wait3A_226 = tpu.memref_slice %arg8[%dma_wait3A_224, %dma_wait3A_225] : memref<51200x16xf32, #tpu.memory_space<vmem_shared>> -> memref<51200x16xf32, #tpu.memory_space<vmem_shared>>
      tpu.wait_indirect_dma semaphore(%arg9 : memref<!tpu.dma_semaphore, #tpu.memory_space<semaphore_mem>>) src(%arg7 : memref<125x16xf32, #tpu.memory_space<vmem>>) dst(%dma_wait3A_226 : memref<51200x16xf32, #tpu.memory_space<vmem_shared>>)
      %dma_wait3A_227 = arith.constant 14 : i32
      %dma_wait3A_228 = arith.constant 0 : i32
      %dma_wait3A_229 = tpu.memref_slice %arg6[%dma_wait3A_227, %dma_wait3A_228] : memref<16x125xi32, #tpu.memory_space<vmem>> -> memref<1x125xi32, #tpu.memory_space<vmem>>
      %dma_wait3A_230 = tpu.memref_squeeze %dma_wait3A_229 : memref<1x125xi32, #tpu.memory_space<vmem>> -> memref<125xi32, #tpu.memory_space<vmem>>
      %dma_wait3A_231 = arith.constant 0 : i32
      %dma_wait3A_232 = arith.constant 0 : i32
      %dma_wait3A_233 = tpu.memref_slice %arg8[%dma_wait3A_231, %dma_wait3A_232] : memref<51200x16xf32, #tpu.memory_space<vmem_shared>> -> memref<51200x16xf32, #tpu.memory_space<vmem_shared>>
      tpu.wait_indirect_dma semaphore(%arg9 : memref<!tpu.dma_semaphore, #tpu.memory_space<semaphore_mem>>) src(%arg7 : memref<125x16xf32, #tpu.memory_space<vmem>>) dst(%dma_wait3A_233 : memref<51200x16xf32, #tpu.memory_space<vmem_shared>>)
      %dma_wait3A_234 = arith.constant 15 : i32
      %dma_wait3A_235 = arith.constant 0 : i32
      %dma_wait3A_236 = tpu.memref_slice %arg6[%dma_wait3A_234, %dma_wait3A_235] : memref<16x125xi32, #tpu.memory_space<vmem>> -> memref<1x125xi32, #tpu.memory_space<vmem>>
      %dma_wait3A_237 = tpu.memref_squeeze %dma_wait3A_236 : memref<1x125xi32, #tpu.memory_space<vmem>> -> memref<125xi32, #tpu.memory_space<vmem>>
      %dma_wait3A_238 = arith.constant 0 : i32
      %dma_wait3A_239 = arith.constant 0 : i32
      %dma_wait3A_240 = tpu.memref_slice %arg8[%dma_wait3A_238, %dma_wait3A_239] : memref<51200x16xf32, #tpu.memory_space<vmem_shared>> -> memref<51200x16xf32, #tpu.memory_space<vmem_shared>>
      tpu.wait_indirect_dma semaphore(%arg9 : memref<!tpu.dma_semaphore, #tpu.memory_space<semaphore_mem>>) src(%arg7 : memref<125x16xf32, #tpu.memory_space<vmem>>) dst(%dma_wait3A_240 : memref<51200x16xf32, #tpu.memory_space<vmem_shared>>)
    }
    %scan3A_9 = arith.constant 25 : i32
    %barrier3A_10 = arith.constant 0 : index
    tpu.barrier barrier_id(%barrier3A_10)
    %mul3A_11 = arith.constant 3200 : i32
    %mul3A_12 = arith.muli %arg1, %mul3A_11 : i32
    %mul3A_13 = arith.constant 3200 : i32
    %mul3A_14 = arith.muli %arg1, %mul3A_13 : i32
    "tpu.region"() ({
      %run_scoped3A = tpu.sem_alloc : memref<!tpu.dma_semaphore, #tpu.memory_space<semaphore_mem>>
      %dma_start3A = arith.constant 0 : i32
      %dma_start3A_15 = tpu.memref_slice %arg5[%arg0, %mul3A_14, %dma_start3A] : memref<2x51200x16xf32, #tpu.memory_space<hbm>> -> memref<1x3200x16xf32, #tpu.memory_space<hbm>>
      %dma_start3A_16 = tpu.memref_squeeze %dma_start3A_15 : memref<1x3200x16xf32, #tpu.memory_space<hbm>> -> memref<3200x16xf32, #tpu.memory_space<hbm>>
      %dma_start3A_17 = arith.constant 0 : i32
      %dma_start3A_18 = tpu.memref_slice %arg8[%mul3A_12, %dma_start3A_17] : memref<51200x16xf32, #tpu.memory_space<vmem_shared>> -> memref<3200x16xf32, #tpu.memory_space<vmem_shared>>
      tpu.enqueue_dma source(%dma_start3A_18 : memref<3200x16xf32, #tpu.memory_space<vmem_shared>>) target(%dma_start3A_16 : memref<3200x16xf32, #tpu.memory_space<hbm>>) target_semaphore(%run_scoped3A : memref<!tpu.dma_semaphore, #tpu.memory_space<semaphore_mem>>)
      %dma_wait3A = arith.constant 0 : i32
      %dma_wait3A_19 = tpu.memref_slice %arg5[%arg0, %mul3A_14, %dma_wait3A] : memref<2x51200x16xf32, #tpu.memory_space<hbm>> -> memref<1x3200x16xf32, #tpu.memory_space<hbm>>
      %dma_wait3A_20 = tpu.memref_squeeze %dma_wait3A_19 : memref<1x3200x16xf32, #tpu.memory_space<hbm>> -> memref<3200x16xf32, #tpu.memory_space<hbm>>
      %dma_wait3A_21 = arith.constant 0 : i32
      %dma_wait3A_22 = tpu.memref_slice %arg8[%mul3A_12, %dma_wait3A_21] : memref<51200x16xf32, #tpu.memory_space<vmem_shared>> -> memref<3200x16xf32, #tpu.memory_space<vmem_shared>>
      tpu.wait_dma2 semaphore(%run_scoped3A : memref<!tpu.dma_semaphore, #tpu.memory_space<semaphore_mem>>) src(%dma_wait3A_22 : memref<3200x16xf32, #tpu.memory_space<vmem_shared>>) dst(%dma_wait3A_20 : memref<3200x16xf32, #tpu.memory_space<hbm>>)
      tpu.yield
    }) : () -> ()
    return
  }
}

#map = affine_map<(d0, d1) -> (0, 0)>
#map1 = affine_map<(d0, d1) -> (0, 0, 0)>
module attributes {stable_mosaic.version = 14 : i64} {
  func.func @_sc_segsum(%arg0: i32, %arg1: i32, %arg2: memref<51200x32xf32, #tpu.memory_space<hbm>>, %arg3: memref<2x12800x125xi32, #tpu.memory_space<hbm>>, %arg4: memref<3200x32xf32, #tpu.memory_space<hbm>>, %arg5: memref<2x51200x32xf32, #tpu.memory_space<hbm>>, %arg6: memref<16x125xi32, #tpu.memory_space<vmem>>, %arg7: memref<16x125xi32, #tpu.memory_space<vmem>>, %arg8: memref<125x32xf32, #tpu.memory_space<vmem>>, %arg9: memref<125x32xf32, #tpu.memory_space<vmem>>, %arg10: memref<125x32xf32, #tpu.memory_space<vmem>>, %arg11: memref<125x32xf32, #tpu.memory_space<vmem>>, %arg12: memref<125x32xf32, #tpu.memory_space<vmem>>, %arg13: memref<125x32xf32, #tpu.memory_space<vmem>>, %arg14: memref<51200x32xf32, #tpu.memory_space<vmem_shared>>, %arg15: memref<!tpu.dma_semaphore, #tpu.memory_space<semaphore_mem>>, %arg16: memref<!tpu.dma_semaphore, #tpu.memory_space<semaphore_mem>>, %arg17: memref<!tpu.dma_semaphore, #tpu.memory_space<semaphore_mem>>, %arg18: memref<!tpu.dma_semaphore, #tpu.memory_space<semaphore_mem>>, %arg19: memref<!tpu.dma_semaphore, #tpu.memory_space<semaphore_mem>>, %arg20: memref<!tpu.dma_semaphore, #tpu.memory_space<semaphore_mem>>, %arg21: memref<!tpu.dma_semaphore, #tpu.memory_space<semaphore_mem>>, %arg22: memref<!tpu.dma_semaphore, #tpu.memory_space<semaphore_mem>>, %arg23: memref<!tpu.dma_semaphore, #tpu.memory_space<semaphore_mem>>, %arg24: memref<!tpu.dma_semaphore, #tpu.memory_space<semaphore_mem>>, %arg25: memref<!tpu.dma_semaphore, #tpu.memory_space<semaphore_mem>>, %arg26: memref<!tpu.dma_semaphore, #tpu.memory_space<semaphore_mem>>) attributes {dimension_semantics = [#tpu.dimension_semantics<core_parallel>, #tpu.dimension_semantics<subcore_parallel>], iteration_bounds = array<i64: 2, 16>, scalar_prefetch = 0 : i64, scratch_operands = 21 : i64, tpu.core_type = #tpu.core_type<sc_vector_subcore>, window_params = [{transform_indices = #map}, {transform_indices = #map1}, {transform_indices = #map}, {transform_indices = #map1}]} {
    %mul3A = arith.constant 16 : i32
    %mul3A_0 = arith.muli %arg0, %mul3A : i32
    %add3A = arith.addi %mul3A_0, %arg1 : i32
    %mul3A_1 = arith.constant 400 : i32
    %mul3A_2 = arith.muli %add3A, %mul3A_1 : i32
    %mul3A_3 = arith.constant 3200 : i32
    %mul3A_4 = arith.muli %arg1, %mul3A_3 : i32
    "tpu.region"() ({
      %run_scoped3A = tpu.sem_alloc : memref<!tpu.dma_semaphore, #tpu.memory_space<semaphore_mem>>
      %dma_start3A = arith.constant 0 : i32
      %dma_start3A_15 = tpu.memref_slice %arg14[%mul3A_4, %dma_start3A] : memref<51200x32xf32, #tpu.memory_space<vmem_shared>> -> memref<3200x32xf32, #tpu.memory_space<vmem_shared>>
      tpu.enqueue_dma source(%arg4 : memref<3200x32xf32, #tpu.memory_space<hbm>>) target(%dma_start3A_15 : memref<3200x32xf32, #tpu.memory_space<vmem_shared>>) target_semaphore(%run_scoped3A : memref<!tpu.dma_semaphore, #tpu.memory_space<semaphore_mem>>)
      %dma_wait3A = arith.constant 0 : i32
      %dma_wait3A_16 = tpu.memref_slice %arg14[%mul3A_4, %dma_wait3A] : memref<51200x32xf32, #tpu.memory_space<vmem_shared>> -> memref<3200x32xf32, #tpu.memory_space<vmem_shared>>
      tpu.wait_dma2 semaphore(%run_scoped3A : memref<!tpu.dma_semaphore, #tpu.memory_space<semaphore_mem>>) src(%arg4 : memref<3200x32xf32, #tpu.memory_space<hbm>>) dst(%dma_wait3A_16 : memref<3200x32xf32, #tpu.memory_space<vmem_shared>>)
      tpu.yield
    }) : () -> ()
    %barrier3A = arith.constant 0 : index
    tpu.barrier barrier_id(%barrier3A)
    %scan3A = arith.constant 0 : i32
    %scan3A_5 = arith.constant 0 : i32
    %scan3A_6 = arith.constant 25 : i32
    %scan3A_7 = arith.addi %scan3A_5, %scan3A_6 : i32
    %scan3A_8 = arith.constant 1 : i32
    scf.for %scan3A_15 = %scan3A_5 to %scan3A_7 step %scan3A_8  : i32 {
      %mul3A_16 = arith.constant 16 : i32
      %mul3A_17 = arith.muli %scan3A_15, %mul3A_16 : i32
      %add3A_18 = arith.addi %mul3A_2, %mul3A_17 : i32
      %run_scoped3A = arith.constant 0 : i32
      "tpu.region"() ({
        %run_scoped3A_469 = tpu.sem_alloc : memref<!tpu.dma_semaphore, #tpu.memory_space<semaphore_mem>>
        %dma_start3A_470 = arith.constant 0 : i32
        %dma_start3A_471 = tpu.memref_slice %arg3[%run_scoped3A, %add3A_18, %dma_start3A_470] : memref<2x12800x125xi32, #tpu.memory_space<hbm>> -> memref<1x16x125xi32, #tpu.memory_space<hbm>>
        %dma_start3A_472 = tpu.memref_squeeze %dma_start3A_471 : memref<1x16x125xi32, #tpu.memory_space<hbm>> -> memref<16x125xi32, #tpu.memory_space<hbm>>
        %dma_start3A_473 = arith.constant 0 : i32
        %dma_start3A_474 = tpu.memref_slice %arg3[%run_scoped3A, %add3A_18, %dma_start3A_473] : memref<2x12800x125xi32, #tpu.memory_space<hbm>> -> memref<1x16x125xi32, #tpu.memory_space<hbm>>
        %dma_start3A_475 = tpu.memref_squeeze %dma_start3A_474 : memref<1x16x125xi32, #tpu.memory_space<hbm>> -> memref<16x125xi32, #tpu.memory_space<hbm>>
        tpu.enqueue_dma source(%dma_start3A_475 : memref<16x125xi32, #tpu.memory_space<hbm>>) target(%arg6 : memref<16x125xi32, #tpu.memory_space<vmem>>) target_semaphore(%run_scoped3A_469 : memref<!tpu.dma_semaphore, #tpu.memory_space<semaphore_mem>>)
        %dma_wait3A_476 = arith.constant 0 : i32
        %dma_wait3A_477 = tpu.memref_slice %arg3[%run_scoped3A, %add3A_18, %dma_wait3A_476] : memref<2x12800x125xi32, #tpu.memory_space<hbm>> -> memref<1x16x125xi32, #tpu.memory_space<hbm>>
        %dma_wait3A_478 = tpu.memref_squeeze %dma_wait3A_477 : memref<1x16x125xi32, #tpu.memory_space<hbm>> -> memref<16x125xi32, #tpu.memory_space<hbm>>
        %dma_wait3A_479 = arith.constant 0 : i32
        %dma_wait3A_480 = tpu.memref_slice %arg3[%run_scoped3A, %add3A_18, %dma_wait3A_479] : memref<2x12800x125xi32, #tpu.memory_space<hbm>> -> memref<1x16x125xi32, #tpu.memory_space<hbm>>
        %dma_wait3A_481 = tpu.memref_squeeze %dma_wait3A_480 : memref<1x16x125xi32, #tpu.memory_space<hbm>> -> memref<16x125xi32, #tpu.memory_space<hbm>>
        tpu.wait_dma2 semaphore(%run_scoped3A_469 : memref<!tpu.dma_semaphore, #tpu.memory_space<semaphore_mem>>) src(%dma_wait3A_481 : memref<16x125xi32, #tpu.memory_space<hbm>>) dst(%arg6 : memref<16x125xi32, #tpu.memory_space<vmem>>)
        tpu.yield
      }) : () -> ()
      %mul3A_19 = arith.constant 16 : i32
      %mul3A_20 = arith.muli %scan3A_15, %mul3A_19 : i32
      %add3A_21 = arith.addi %mul3A_2, %mul3A_20 : i32
      %run_scoped3A_22 = arith.constant 1 : i32
      "tpu.region"() ({
        %run_scoped3A_469 = tpu.sem_alloc : memref<!tpu.dma_semaphore, #tpu.memory_space<semaphore_mem>>
        %dma_start3A_470 = arith.constant 0 : i32
        %dma_start3A_471 = tpu.memref_slice %arg3[%run_scoped3A_22, %add3A_21, %dma_start3A_470] : memref<2x12800x125xi32, #tpu.memory_space<hbm>> -> memref<1x16x125xi32, #tpu.memory_space<hbm>>
        %dma_start3A_472 = tpu.memref_squeeze %dma_start3A_471 : memref<1x16x125xi32, #tpu.memory_space<hbm>> -> memref<16x125xi32, #tpu.memory_space<hbm>>
        %dma_start3A_473 = arith.constant 0 : i32
        %dma_start3A_474 = tpu.memref_slice %arg3[%run_scoped3A_22, %add3A_21, %dma_start3A_473] : memref<2x12800x125xi32, #tpu.memory_space<hbm>> -> memref<1x16x125xi32, #tpu.memory_space<hbm>>
        %dma_start3A_475 = tpu.memref_squeeze %dma_start3A_474 : memref<1x16x125xi32, #tpu.memory_space<hbm>> -> memref<16x125xi32, #tpu.memory_space<hbm>>
        tpu.enqueue_dma source(%dma_start3A_475 : memref<16x125xi32, #tpu.memory_space<hbm>>) target(%arg7 : memref<16x125xi32, #tpu.memory_space<vmem>>) target_semaphore(%run_scoped3A_469 : memref<!tpu.dma_semaphore, #tpu.memory_space<semaphore_mem>>)
        %dma_wait3A_476 = arith.constant 0 : i32
        %dma_wait3A_477 = tpu.memref_slice %arg3[%run_scoped3A_22, %add3A_21, %dma_wait3A_476] : memref<2x12800x125xi32, #tpu.memory_space<hbm>> -> memref<1x16x125xi32, #tpu.memory_space<hbm>>
        %dma_wait3A_478 = tpu.memref_squeeze %dma_wait3A_477 : memref<1x16x125xi32, #tpu.memory_space<hbm>> -> memref<16x125xi32, #tpu.memory_space<hbm>>
        %dma_wait3A_479 = arith.constant 0 : i32
        %dma_wait3A_480 = tpu.memref_slice %arg3[%run_scoped3A_22, %add3A_21, %dma_wait3A_479] : memref<2x12800x125xi32, #tpu.memory_space<hbm>> -> memref<1x16x125xi32, #tpu.memory_space<hbm>>
        %dma_wait3A_481 = tpu.memref_squeeze %dma_wait3A_480 : memref<1x16x125xi32, #tpu.memory_space<hbm>> -> memref<16x125xi32, #tpu.memory_space<hbm>>
        tpu.wait_dma2 semaphore(%run_scoped3A_469 : memref<!tpu.dma_semaphore, #tpu.memory_space<semaphore_mem>>) src(%dma_wait3A_481 : memref<16x125xi32, #tpu.memory_space<hbm>>) dst(%arg7 : memref<16x125xi32, #tpu.memory_space<vmem>>)
        tpu.yield
      }) : () -> ()
      %dma_start3A = arith.constant 0 : i32
      %dma_start3A_23 = arith.constant 0 : i32
      %dma_start3A_24 = tpu.memref_slice %arg6[%dma_start3A, %dma_start3A_23] : memref<16x125xi32, #tpu.memory_space<vmem>> -> memref<1x125xi32, #tpu.memory_space<vmem>>
      %dma_start3A_25 = tpu.memref_squeeze %dma_start3A_24 : memref<1x125xi32, #tpu.memory_space<vmem>> -> memref<125xi32, #tpu.memory_space<vmem>>
      %dma_start3A_26 = arith.constant 0 : i32
      %dma_start3A_27 = arith.constant 0 : i32
      %dma_start3A_28 = tpu.memref_slice %arg2[%dma_start3A_26, %dma_start3A_27] : memref<51200x32xf32, #tpu.memory_space<hbm>> -> memref<51200x32xf32, #tpu.memory_space<hbm>>
      tpu.enqueue_indirect_dma source(%dma_start3A_28 : memref<51200x32xf32, #tpu.memory_space<hbm>>) target(%arg8 : memref<125x32xf32, #tpu.memory_space<vmem>>) offsets(%dma_start3A_25 : memref<125xi32, #tpu.memory_space<vmem>>) semaphore(%arg15 : memref<!tpu.dma_semaphore, #tpu.memory_space<semaphore_mem>>)
      %dma_start3A_29 = arith.constant 1 : i32
      %dma_start3A_30 = arith.constant 0 : i32
      %dma_start3A_31 = tpu.memref_slice %arg6[%dma_start3A_29, %dma_start3A_30] : memref<16x125xi32, #tpu.memory_space<vmem>> -> memref<1x125xi32, #tpu.memory_space<vmem>>
      %dma_start3A_32 = tpu.memref_squeeze %dma_start3A_31 : memref<1x125xi32, #tpu.memory_space<vmem>> -> memref<125xi32, #tpu.memory_space<vmem>>
      %dma_start3A_33 = arith.constant 0 : i32
      %dma_start3A_34 = arith.constant 0 : i32
      %dma_start3A_35 = tpu.memref_slice %arg2[%dma_start3A_33, %dma_start3A_34] : memref<51200x32xf32, #tpu.memory_space<hbm>> -> memref<51200x32xf32, #tpu.memory_space<hbm>>
      tpu.enqueue_indirect_dma source(%dma_start3A_35 : memref<51200x32xf32, #tpu.memory_space<hbm>>) target(%arg9 : memref<125x32xf32, #tpu.memory_space<vmem>>) offsets(%dma_start3A_32 : memref<125xi32, #tpu.memory_space<vmem>>) semaphore(%arg16 : memref<!tpu.dma_semaphore, #tpu.memory_space<semaphore_mem>>)
      %dma_start3A_36 = arith.constant 2 : i32
      %dma_start3A_37 = arith.constant 0 : i32
      %dma_start3A_38 = tpu.memref_slice %arg6[%dma_start3A_36, %dma_start3A_37] : memref<16x125xi32, #tpu.memory_space<vmem>> -> memref<1x125xi32, #tpu.memory_space<vmem>>
      %dma_start3A_39 = tpu.memref_squeeze %dma_start3A_38 : memref<1x125xi32, #tpu.memory_space<vmem>> -> memref<125xi32, #tpu.memory_space<vmem>>
      %dma_start3A_40 = arith.constant 0 : i32
      %dma_start3A_41 = arith.constant 0 : i32
      %dma_start3A_42 = tpu.memref_slice %arg2[%dma_start3A_40, %dma_start3A_41] : memref<51200x32xf32, #tpu.memory_space<hbm>> -> memref<51200x32xf32, #tpu.memory_space<hbm>>
      tpu.enqueue_indirect_dma source(%dma_start3A_42 : memref<51200x32xf32, #tpu.memory_space<hbm>>) target(%arg10 : memref<125x32xf32, #tpu.memory_space<vmem>>) offsets(%dma_start3A_39 : memref<125xi32, #tpu.memory_space<vmem>>) semaphore(%arg17 : memref<!tpu.dma_semaphore, #tpu.memory_space<semaphore_mem>>)
      %dma_start3A_43 = arith.constant 3 : i32
      %dma_start3A_44 = arith.constant 0 : i32
      %dma_start3A_45 = tpu.memref_slice %arg6[%dma_start3A_43, %dma_start3A_44] : memref<16x125xi32, #tpu.memory_space<vmem>> -> memref<1x125xi32, #tpu.memory_space<vmem>>
      %dma_start3A_46 = tpu.memref_squeeze %dma_start3A_45 : memref<1x125xi32, #tpu.memory_space<vmem>> -> memref<125xi32, #tpu.memory_space<vmem>>
      %dma_start3A_47 = arith.constant 0 : i32
      %dma_start3A_48 = arith.constant 0 : i32
      %dma_start3A_49 = tpu.memref_slice %arg2[%dma_start3A_47, %dma_start3A_48] : memref<51200x32xf32, #tpu.memory_space<hbm>> -> memref<51200x32xf32, #tpu.memory_space<hbm>>
      tpu.enqueue_indirect_dma source(%dma_start3A_49 : memref<51200x32xf32, #tpu.memory_space<hbm>>) target(%arg11 : memref<125x32xf32, #tpu.memory_space<vmem>>) offsets(%dma_start3A_46 : memref<125xi32, #tpu.memory_space<vmem>>) semaphore(%arg18 : memref<!tpu.dma_semaphore, #tpu.memory_space<semaphore_mem>>)
      %dma_wait3A = arith.constant 0 : i32
      %dma_wait3A_50 = arith.constant 0 : i32
      %dma_wait3A_51 = tpu.memref_slice %arg6[%dma_wait3A, %dma_wait3A_50] : memref<16x125xi32, #tpu.memory_space<vmem>> -> memref<1x125xi32, #tpu.memory_space<vmem>>
      %dma_wait3A_52 = tpu.memref_squeeze %dma_wait3A_51 : memref<1x125xi32, #tpu.memory_space<vmem>> -> memref<125xi32, #tpu.memory_space<vmem>>
      %dma_wait3A_53 = arith.constant 0 : i32
      %dma_wait3A_54 = arith.constant 0 : i32
      %dma_wait3A_55 = tpu.memref_slice %arg2[%dma_wait3A_53, %dma_wait3A_54] : memref<51200x32xf32, #tpu.memory_space<hbm>> -> memref<51200x32xf32, #tpu.memory_space<hbm>>
      tpu.wait_indirect_dma semaphore(%arg15 : memref<!tpu.dma_semaphore, #tpu.memory_space<semaphore_mem>>) src(%dma_wait3A_55 : memref<51200x32xf32, #tpu.memory_space<hbm>>) dst(%arg8 : memref<125x32xf32, #tpu.memory_space<vmem>>)
      %dma_start3A_56 = arith.constant 0 : i32
      %dma_start3A_57 = arith.constant 0 : i32
      %dma_start3A_58 = tpu.memref_slice %arg7[%dma_start3A_56, %dma_start3A_57] : memref<16x125xi32, #tpu.memory_space<vmem>> -> memref<1x125xi32, #tpu.memory_space<vmem>>
      %dma_start3A_59 = tpu.memref_squeeze %dma_start3A_58 : memref<1x125xi32, #tpu.memory_space<vmem>> -> memref<125xi32, #tpu.memory_space<vmem>>
      %dma_start3A_60 = arith.constant 0 : i32
      %dma_start3A_61 = arith.constant 0 : i32
      %dma_start3A_62 = tpu.memref_slice %arg14[%dma_start3A_60, %dma_start3A_61] : memref<51200x32xf32, #tpu.memory_space<vmem_shared>> -> memref<51200x32xf32, #tpu.memory_space<vmem_shared>>
      tpu.enqueue_indirect_dma source(%arg8 : memref<125x32xf32, #tpu.memory_space<vmem>>) target(%dma_start3A_62 : memref<51200x32xf32, #tpu.memory_space<vmem_shared>>) offsets(%dma_start3A_59 : memref<125xi32, #tpu.memory_space<vmem>>) semaphore(%arg21 : memref<!tpu.dma_semaphore, #tpu.memory_space<semaphore_mem>>) {add = true}
      %dma_start3A_63 = arith.constant 4 : i32
      %dma_start3A_64 = arith.constant 0 : i32
      %dma_start3A_65 = tpu.memref_slice %arg6[%dma_start3A_63, %dma_start3A_64] : memref<16x125xi32, #tpu.memory_space<vmem>> -> memref<1x125xi32, #tpu.memory_space<vmem>>
      %dma_start3A_66 = tpu.memref_squeeze %dma_start3A_65 : memref<1x125xi32, #tpu.memory_space<vmem>> -> memref<125xi32, #tpu.memory_space<vmem>>
      %dma_start3A_67 = arith.constant 0 : i32
      %dma_start3A_68 = arith.constant 0 : i32
      %dma_start3A_69 = tpu.memref_slice %arg2[%dma_start3A_67, %dma_start3A_68] : memref<51200x32xf32, #tpu.memory_space<hbm>> -> memref<51200x32xf32, #tpu.memory_space<hbm>>
      tpu.enqueue_indirect_dma source(%dma_start3A_69 : memref<51200x32xf32, #tpu.memory_space<hbm>>) target(%arg12 : memref<125x32xf32, #tpu.memory_space<vmem>>) offsets(%dma_start3A_66 : memref<125xi32, #tpu.memory_space<vmem>>) semaphore(%arg19 : memref<!tpu.dma_semaphore, #tpu.memory_space<semaphore_mem>>)
      %dma_wait3A_70 = arith.constant 1 : i32
      %dma_wait3A_71 = arith.constant 0 : i32
      %dma_wait3A_72 = tpu.memref_slice %arg6[%dma_wait3A_70, %dma_wait3A_71] : memref<16x125xi32, #tpu.memory_space<vmem>> -> memref<1x125xi32, #tpu.memory_space<vmem>>
      %dma_wait3A_73 = tpu.memref_squeeze %dma_wait3A_72 : memref<1x125xi32, #tpu.memory_space<vmem>> -> memref<125xi32, #tpu.memory_space<vmem>>
      %dma_wait3A_74 = arith.constant 0 : i32
      %dma_wait3A_75 = arith.constant 0 : i32
      %dma_wait3A_76 = tpu.memref_slice %arg2[%dma_wait3A_74, %dma_wait3A_75] : memref<51200x32xf32, #tpu.memory_space<hbm>> -> memref<51200x32xf32, #tpu.memory_space<hbm>>
      tpu.wait_indirect_dma semaphore(%arg16 : memref<!tpu.dma_semaphore, #tpu.memory_space<semaphore_mem>>) src(%dma_wait3A_76 : memref<51200x32xf32, #tpu.memory_space<hbm>>) dst(%arg9 : memref<125x32xf32, #tpu.memory_space<vmem>>)
      %dma_start3A_77 = arith.constant 1 : i32
      %dma_start3A_78 = arith.constant 0 : i32
      %dma_start3A_79 = tpu.memref_slice %arg7[%dma_start3A_77, %dma_start3A_78] : memref<16x125xi32, #tpu.memory_space<vmem>> -> memref<1x125xi32, #tpu.memory_space<vmem>>
      %dma_start3A_80 = tpu.memref_squeeze %dma_start3A_79 : memref<1x125xi32, #tpu.memory_space<vmem>> -> memref<125xi32, #tpu.memory_space<vmem>>
      %dma_start3A_81 = arith.constant 0 : i32
      %dma_start3A_82 = arith.constant 0 : i32
      %dma_start3A_83 = tpu.memref_slice %arg14[%dma_start3A_81, %dma_start3A_82] : memref<51200x32xf32, #tpu.memory_space<vmem_shared>> -> memref<51200x32xf32, #tpu.memory_space<vmem_shared>>
      tpu.enqueue_indirect_dma source(%arg9 : memref<125x32xf32, #tpu.memory_space<vmem>>) target(%dma_start3A_83 : memref<51200x32xf32, #tpu.memory_space<vmem_shared>>) offsets(%dma_start3A_80 : memref<125xi32, #tpu.memory_space<vmem>>) semaphore(%arg22 : memref<!tpu.dma_semaphore, #tpu.memory_space<semaphore_mem>>) {add = true}
      %dma_start3A_84 = arith.constant 5 : i32
      %dma_start3A_85 = arith.constant 0 : i32
      %dma_start3A_86 = tpu.memref_slice %arg6[%dma_start3A_84, %dma_start3A_85] : memref<16x125xi32, #tpu.memory_space<vmem>> -> memref<1x125xi32, #tpu.memory_space<vmem>>
      %dma_start3A_87 = tpu.memref_squeeze %dma_start3A_86 : memref<1x125xi32, #tpu.memory_space<vmem>> -> memref<125xi32, #tpu.memory_space<vmem>>
      %dma_start3A_88 = arith.constant 0 : i32
      %dma_start3A_89 = arith.constant 0 : i32
      %dma_start3A_90 = tpu.memref_slice %arg2[%dma_start3A_88, %dma_start3A_89] : memref<51200x32xf32, #tpu.memory_space<hbm>> -> memref<51200x32xf32, #tpu.memory_space<hbm>>
      tpu.enqueue_indirect_dma source(%dma_start3A_90 : memref<51200x32xf32, #tpu.memory_space<hbm>>) target(%arg13 : memref<125x32xf32, #tpu.memory_space<vmem>>) offsets(%dma_start3A_87 : memref<125xi32, #tpu.memory_space<vmem>>) semaphore(%arg20 : memref<!tpu.dma_semaphore, #tpu.memory_space<semaphore_mem>>)
      %dma_wait3A_91 = arith.constant 2 : i32
      %dma_wait3A_92 = arith.constant 0 : i32
      %dma_wait3A_93 = tpu.memref_slice %arg6[%dma_wait3A_91, %dma_wait3A_92] : memref<16x125xi32, #tpu.memory_space<vmem>> -> memref<1x125xi32, #tpu.memory_space<vmem>>
      %dma_wait3A_94 = tpu.memref_squeeze %dma_wait3A_93 : memref<1x125xi32, #tpu.memory_space<vmem>> -> memref<125xi32, #tpu.memory_space<vmem>>
      %dma_wait3A_95 = arith.constant 0 : i32
      %dma_wait3A_96 = arith.constant 0 : i32
      %dma_wait3A_97 = tpu.memref_slice %arg2[%dma_wait3A_95, %dma_wait3A_96] : memref<51200x32xf32, #tpu.memory_space<hbm>> -> memref<51200x32xf32, #tpu.memory_space<hbm>>
      tpu.wait_indirect_dma semaphore(%arg17 : memref<!tpu.dma_semaphore, #tpu.memory_space<semaphore_mem>>) src(%dma_wait3A_97 : memref<51200x32xf32, #tpu.memory_space<hbm>>) dst(%arg10 : memref<125x32xf32, #tpu.memory_space<vmem>>)
      %dma_start3A_98 = arith.constant 2 : i32
      %dma_start3A_99 = arith.constant 0 : i32
      %dma_start3A_100 = tpu.memref_slice %arg7[%dma_start3A_98, %dma_start3A_99] : memref<16x125xi32, #tpu.memory_space<vmem>> -> memref<1x125xi32, #tpu.memory_space<vmem>>
      %dma_start3A_101 = tpu.memref_squeeze %dma_start3A_100 : memref<1x125xi32, #tpu.memory_space<vmem>> -> memref<125xi32, #tpu.memory_space<vmem>>
      %dma_start3A_102 = arith.constant 0 : i32
      %dma_start3A_103 = arith.constant 0 : i32
      %dma_start3A_104 = tpu.memref_slice %arg14[%dma_start3A_102, %dma_start3A_103] : memref<51200x32xf32, #tpu.memory_space<vmem_shared>> -> memref<51200x32xf32, #tpu.memory_space<vmem_shared>>
      tpu.enqueue_indirect_dma source(%arg10 : memref<125x32xf32, #tpu.memory_space<vmem>>) target(%dma_start3A_104 : memref<51200x32xf32, #tpu.memory_space<vmem_shared>>) offsets(%dma_start3A_101 : memref<125xi32, #tpu.memory_space<vmem>>) semaphore(%arg23 : memref<!tpu.dma_semaphore, #tpu.memory_space<semaphore_mem>>) {add = true}
      %dma_wait3A_105 = arith.constant 0 : i32
      %dma_wait3A_106 = arith.constant 0 : i32
      %dma_wait3A_107 = tpu.memref_slice %arg7[%dma_wait3A_105, %dma_wait3A_106] : memref<16x125xi32, #tpu.memory_space<vmem>> -> memref<1x125xi32, #tpu.memory_space<vmem>>
      %dma_wait3A_108 = tpu.memref_squeeze %dma_wait3A_107 : memref<1x125xi32, #tpu.memory_space<vmem>> -> memref<125xi32, #tpu.memory_space<vmem>>
      %dma_wait3A_109 = arith.constant 0 : i32
      %dma_wait3A_110 = arith.constant 0 : i32
      %dma_wait3A_111 = tpu.memref_slice %arg14[%dma_wait3A_109, %dma_wait3A_110] : memref<51200x32xf32, #tpu.memory_space<vmem_shared>> -> memref<51200x32xf32, #tpu.memory_space<vmem_shared>>
      tpu.wait_indirect_dma semaphore(%arg21 : memref<!tpu.dma_semaphore, #tpu.memory_space<semaphore_mem>>) src(%arg8 : memref<125x32xf32, #tpu.memory_space<vmem>>) dst(%dma_wait3A_111 : memref<51200x32xf32, #tpu.memory_space<vmem_shared>>)
      %dma_start3A_112 = arith.constant 6 : i32
      %dma_start3A_113 = arith.constant 0 : i32
      %dma_start3A_114 = tpu.memref_slice %arg6[%dma_start3A_112, %dma_start3A_113] : memref<16x125xi32, #tpu.memory_space<vmem>> -> memref<1x125xi32, #tpu.memory_space<vmem>>
      %dma_start3A_115 = tpu.memref_squeeze %dma_start3A_114 : memref<1x125xi32, #tpu.memory_space<vmem>> -> memref<125xi32, #tpu.memory_space<vmem>>
      %dma_start3A_116 = arith.constant 0 : i32
      %dma_start3A_117 = arith.constant 0 : i32
      %dma_start3A_118 = tpu.memref_slice %arg2[%dma_start3A_116, %dma_start3A_117] : memref<51200x32xf32, #tpu.memory_space<hbm>> -> memref<51200x32xf32, #tpu.memory_space<hbm>>
      tpu.enqueue_indirect_dma source(%dma_start3A_118 : memref<51200x32xf32, #tpu.memory_space<hbm>>) target(%arg8 : memref<125x32xf32, #tpu.memory_space<vmem>>) offsets(%dma_start3A_115 : memref<125xi32, #tpu.memory_space<vmem>>) semaphore(%arg15 : memref<!tpu.dma_semaphore, #tpu.memory_space<semaphore_mem>>)
      %dma_wait3A_119 = arith.constant 3 : i32
      %dma_wait3A_120 = arith.constant 0 : i32
      %dma_wait3A_121 = tpu.memref_slice %arg6[%dma_wait3A_119, %dma_wait3A_120] : memref<16x125xi32, #tpu.memory_space<vmem>> -> memref<1x125xi32, #tpu.memory_space<vmem>>
      %dma_wait3A_122 = tpu.memref_squeeze %dma_wait3A_121 : memref<1x125xi32, #tpu.memory_space<vmem>> -> memref<125xi32, #tpu.memory_space<vmem>>
      %dma_wait3A_123 = arith.constant 0 : i32
      %dma_wait3A_124 = arith.constant 0 : i32
      %dma_wait3A_125 = tpu.memref_slice %arg2[%dma_wait3A_123, %dma_wait3A_124] : memref<51200x32xf32, #tpu.memory_space<hbm>> -> memref<51200x32xf32, #tpu.memory_space<hbm>>
      tpu.wait_indirect_dma semaphore(%arg18 : memref<!tpu.dma_semaphore, #tpu.memory_space<semaphore_mem>>) src(%dma_wait3A_125 : memref<51200x32xf32, #tpu.memory_space<hbm>>) dst(%arg11 : memref<125x32xf32, #tpu.memory_space<vmem>>)
      %dma_start3A_126 = arith.constant 3 : i32
      %dma_start3A_127 = arith.constant 0 : i32
      %dma_start3A_128 = tpu.memref_slice %arg7[%dma_start3A_126, %dma_start3A_127] : memref<16x125xi32, #tpu.memory_space<vmem>> -> memref<1x125xi32, #tpu.memory_space<vmem>>
      %dma_start3A_129 = tpu.memref_squeeze %dma_start3A_128 : memref<1x125xi32, #tpu.memory_space<vmem>> -> memref<125xi32, #tpu.memory_space<vmem>>
      %dma_start3A_130 = arith.constant 0 : i32
      %dma_start3A_131 = arith.constant 0 : i32
      %dma_start3A_132 = tpu.memref_slice %arg14[%dma_start3A_130, %dma_start3A_131] : memref<51200x32xf32, #tpu.memory_space<vmem_shared>> -> memref<51200x32xf32, #tpu.memory_space<vmem_shared>>
      tpu.enqueue_indirect_dma source(%arg11 : memref<125x32xf32, #tpu.memory_space<vmem>>) target(%dma_start3A_132 : memref<51200x32xf32, #tpu.memory_space<vmem_shared>>) offsets(%dma_start3A_129 : memref<125xi32, #tpu.memory_space<vmem>>) semaphore(%arg24 : memref<!tpu.dma_semaphore, #tpu.memory_space<semaphore_mem>>) {add = true}
      %dma_wait3A_133 = arith.constant 1 : i32
      %dma_wait3A_134 = arith.constant 0 : i32
      %dma_wait3A_135 = tpu.memref_slice %arg7[%dma_wait3A_133, %dma_wait3A_134] : memref<16x125xi32, #tpu.memory_space<vmem>> -> memref<1x125xi32, #tpu.memory_space<vmem>>
      %dma_wait3A_136 = tpu.memref_squeeze %dma_wait3A_135 : memref<1x125xi32, #tpu.memory_space<vmem>> -> memref<125xi32, #tpu.memory_space<vmem>>
      %dma_wait3A_137 = arith.constant 0 : i32
      %dma_wait3A_138 = arith.constant 0 : i32
      %dma_wait3A_139 = tpu.memref_slice %arg14[%dma_wait3A_137, %dma_wait3A_138] : memref<51200x32xf32, #tpu.memory_space<vmem_shared>> -> memref<51200x32xf32, #tpu.memory_space<vmem_shared>>
      tpu.wait_indirect_dma semaphore(%arg22 : memref<!tpu.dma_semaphore, #tpu.memory_space<semaphore_mem>>) src(%arg9 : memref<125x32xf32, #tpu.memory_space<vmem>>) dst(%dma_wait3A_139 : memref<51200x32xf32, #tpu.memory_space<vmem_shared>>)
      %dma_start3A_140 = arith.constant 7 : i32
      %dma_start3A_141 = arith.constant 0 : i32
      %dma_start3A_142 = tpu.memref_slice %arg6[%dma_start3A_140, %dma_start3A_141] : memref<16x125xi32, #tpu.memory_space<vmem>> -> memref<1x125xi32, #tpu.memory_space<vmem>>
      %dma_start3A_143 = tpu.memref_squeeze %dma_start3A_142 : memref<1x125xi32, #tpu.memory_space<vmem>> -> memref<125xi32, #tpu.memory_space<vmem>>
      %dma_start3A_144 = arith.constant 0 : i32
      %dma_start3A_145 = arith.constant 0 : i32
      %dma_start3A_146 = tpu.memref_slice %arg2[%dma_start3A_144, %dma_start3A_145] : memref<51200x32xf32, #tpu.memory_space<hbm>> -> memref<51200x32xf32, #tpu.memory_space<hbm>>
      tpu.enqueue_indirect_dma source(%dma_start3A_146 : memref<51200x32xf32, #tpu.memory_space<hbm>>) target(%arg9 : memref<125x32xf32, #tpu.memory_space<vmem>>) offsets(%dma_start3A_143 : memref<125xi32, #tpu.memory_space<vmem>>) semaphore(%arg16 : memref<!tpu.dma_semaphore, #tpu.memory_space<semaphore_mem>>)
      %dma_wait3A_147 = arith.constant 4 : i32
      %dma_wait3A_148 = arith.constant 0 : i32
      %dma_wait3A_149 = tpu.memref_slice %arg6[%dma_wait3A_147, %dma_wait3A_148] : memref<16x125xi32, #tpu.memory_space<vmem>> -> memref<1x125xi32, #tpu.memory_space<vmem>>
      %dma_wait3A_150 = tpu.memref_squeeze %dma_wait3A_149 : memref<1x125xi32, #tpu.memory_space<vmem>> -> memref<125xi32, #tpu.memory_space<vmem>>
      %dma_wait3A_151 = arith.constant 0 : i32
      %dma_wait3A_152 = arith.constant 0 : i32
      %dma_wait3A_153 = tpu.memref_slice %arg2[%dma_wait3A_151, %dma_wait3A_152] : memref<51200x32xf32, #tpu.memory_space<hbm>> -> memref<51200x32xf32, #tpu.memory_space<hbm>>
      tpu.wait_indirect_dma semaphore(%arg19 : memref<!tpu.dma_semaphore, #tpu.memory_space<semaphore_mem>>) src(%dma_wait3A_153 : memref<51200x32xf32, #tpu.memory_space<hbm>>) dst(%arg12 : memref<125x32xf32, #tpu.memory_space<vmem>>)
      %dma_start3A_154 = arith.constant 4 : i32
      %dma_start3A_155 = arith.constant 0 : i32
      %dma_start3A_156 = tpu.memref_slice %arg7[%dma_start3A_154, %dma_start3A_155] : memref<16x125xi32, #tpu.memory_space<vmem>> -> memref<1x125xi32, #tpu.memory_space<vmem>>
      %dma_start3A_157 = tpu.memref_squeeze %dma_start3A_156 : memref<1x125xi32, #tpu.memory_space<vmem>> -> memref<125xi32, #tpu.memory_space<vmem>>
      %dma_start3A_158 = arith.constant 0 : i32
      %dma_start3A_159 = arith.constant 0 : i32
      %dma_start3A_160 = tpu.memref_slice %arg14[%dma_start3A_158, %dma_start3A_159] : memref<51200x32xf32, #tpu.memory_space<vmem_shared>> -> memref<51200x32xf32, #tpu.memory_space<vmem_shared>>
      tpu.enqueue_indirect_dma source(%arg12 : memref<125x32xf32, #tpu.memory_space<vmem>>) target(%dma_start3A_160 : memref<51200x32xf32, #tpu.memory_space<vmem_shared>>) offsets(%dma_start3A_157 : memref<125xi32, #tpu.memory_space<vmem>>) semaphore(%arg25 : memref<!tpu.dma_semaphore, #tpu.memory_space<semaphore_mem>>) {add = true}
      %dma_wait3A_161 = arith.constant 2 : i32
      %dma_wait3A_162 = arith.constant 0 : i32
      %dma_wait3A_163 = tpu.memref_slice %arg7[%dma_wait3A_161, %dma_wait3A_162] : memref<16x125xi32, #tpu.memory_space<vmem>> -> memref<1x125xi32, #tpu.memory_space<vmem>>
      %dma_wait3A_164 = tpu.memref_squeeze %dma_wait3A_163 : memref<1x125xi32, #tpu.memory_space<vmem>> -> memref<125xi32, #tpu.memory_space<vmem>>
      %dma_wait3A_165 = arith.constant 0 : i32
      %dma_wait3A_166 = arith.constant 0 : i32
      %dma_wait3A_167 = tpu.memref_slice %arg14[%dma_wait3A_165, %dma_wait3A_166] : memref<51200x32xf32, #tpu.memory_space<vmem_shared>> -> memref<51200x32xf32, #tpu.memory_space<vmem_shared>>
      tpu.wait_indirect_dma semaphore(%arg23 : memref<!tpu.dma_semaphore, #tpu.memory_space<semaphore_mem>>) src(%arg10 : memref<125x32xf32, #tpu.memory_space<vmem>>) dst(%dma_wait3A_167 : memref<51200x32xf32, #tpu.memory_space<vmem_shared>>)
      %dma_start3A_168 = arith.constant 8 : i32
      %dma_start3A_169 = arith.constant 0 : i32
      %dma_start3A_170 = tpu.memref_slice %arg6[%dma_start3A_168, %dma_start3A_169] : memref<16x125xi32, #tpu.memory_space<vmem>> -> memref<1x125xi32, #tpu.memory_space<vmem>>
      %dma_start3A_171 = tpu.memref_squeeze %dma_start3A_170 : memref<1x125xi32, #tpu.memory_space<vmem>> -> memref<125xi32, #tpu.memory_space<vmem>>
      %dma_start3A_172 = arith.constant 0 : i32
      %dma_start3A_173 = arith.constant 0 : i32
      %dma_start3A_174 = tpu.memref_slice %arg2[%dma_start3A_172, %dma_start3A_173] : memref<51200x32xf32, #tpu.memory_space<hbm>> -> memref<51200x32xf32, #tpu.memory_space<hbm>>
      tpu.enqueue_indirect_dma source(%dma_start3A_174 : memref<51200x32xf32, #tpu.memory_space<hbm>>) target(%arg10 : memref<125x32xf32, #tpu.memory_space<vmem>>) offsets(%dma_start3A_171 : memref<125xi32, #tpu.memory_space<vmem>>) semaphore(%arg17 : memref<!tpu.dma_semaphore, #tpu.memory_space<semaphore_mem>>)
      %dma_wait3A_175 = arith.constant 5 : i32
      %dma_wait3A_176 = arith.constant 0 : i32
      %dma_wait3A_177 = tpu.memref_slice %arg6[%dma_wait3A_175, %dma_wait3A_176] : memref<16x125xi32, #tpu.memory_space<vmem>> -> memref<1x125xi32, #tpu.memory_space<vmem>>
      %dma_wait3A_178 = tpu.memref_squeeze %dma_wait3A_177 : memref<1x125xi32, #tpu.memory_space<vmem>> -> memref<125xi32, #tpu.memory_space<vmem>>
      %dma_wait3A_179 = arith.constant 0 : i32
      %dma_wait3A_180 = arith.constant 0 : i32
      %dma_wait3A_181 = tpu.memref_slice %arg2[%dma_wait3A_179, %dma_wait3A_180] : memref<51200x32xf32, #tpu.memory_space<hbm>> -> memref<51200x32xf32, #tpu.memory_space<hbm>>
      tpu.wait_indirect_dma semaphore(%arg20 : memref<!tpu.dma_semaphore, #tpu.memory_space<semaphore_mem>>) src(%dma_wait3A_181 : memref<51200x32xf32, #tpu.memory_space<hbm>>) dst(%arg13 : memref<125x32xf32, #tpu.memory_space<vmem>>)
      %dma_start3A_182 = arith.constant 5 : i32
      %dma_start3A_183 = arith.constant 0 : i32
      %dma_start3A_184 = tpu.memref_slice %arg7[%dma_start3A_182, %dma_start3A_183] : memref<16x125xi32, #tpu.memory_space<vmem>> -> memref<1x125xi32, #tpu.memory_space<vmem>>
      %dma_start3A_185 = tpu.memref_squeeze %dma_start3A_184 : memref<1x125xi32, #tpu.memory_space<vmem>> -> memref<125xi32, #tpu.memory_space<vmem>>
      %dma_start3A_186 = arith.constant 0 : i32
      %dma_start3A_187 = arith.constant 0 : i32
      %dma_start3A_188 = tpu.memref_slice %arg14[%dma_start3A_186, %dma_start3A_187] : memref<51200x32xf32, #tpu.memory_space<vmem_shared>> -> memref<51200x32xf32, #tpu.memory_space<vmem_shared>>
      tpu.enqueue_indirect_dma source(%arg13 : memref<125x32xf32, #tpu.memory_space<vmem>>) target(%dma_start3A_188 : memref<51200x32xf32, #tpu.memory_space<vmem_shared>>) offsets(%dma_start3A_185 : memref<125xi32, #tpu.memory_space<vmem>>) semaphore(%arg26 : memref<!tpu.dma_semaphore, #tpu.memory_space<semaphore_mem>>) {add = true}
      %dma_wait3A_189 = arith.constant 3 : i32
      %dma_wait3A_190 = arith.constant 0 : i32
      %dma_wait3A_191 = tpu.memref_slice %arg7[%dma_wait3A_189, %dma_wait3A_190] : memref<16x125xi32, #tpu.memory_space<vmem>> -> memref<1x125xi32, #tpu.memory_space<vmem>>
      %dma_wait3A_192 = tpu.memref_squeeze %dma_wait3A_191 : memref<1x125xi32, #tpu.memory_space<vmem>> -> memref<125xi32, #tpu.memory_space<vmem>>
      %dma_wait3A_193 = arith.constant 0 : i32
      %dma_wait3A_194 = arith.constant 0 : i32
      %dma_wait3A_195 = tpu.memref_slice %arg14[%dma_wait3A_193, %dma_wait3A_194] : memref<51200x32xf32, #tpu.memory_space<vmem_shared>> -> memref<51200x32xf32, #tpu.memory_space<vmem_shared>>
      tpu.wait_indirect_dma semaphore(%arg24 : memref<!tpu.dma_semaphore, #tpu.memory_space<semaphore_mem>>) src(%arg11 : memref<125x32xf32, #tpu.memory_space<vmem>>) dst(%dma_wait3A_195 : memref<51200x32xf32, #tpu.memory_space<vmem_shared>>)
      %dma_start3A_196 = arith.constant 9 : i32
      %dma_start3A_197 = arith.constant 0 : i32
      %dma_start3A_198 = tpu.memref_slice %arg6[%dma_start3A_196, %dma_start3A_197] : memref<16x125xi32, #tpu.memory_space<vmem>> -> memref<1x125xi32, #tpu.memory_space<vmem>>
      %dma_start3A_199 = tpu.memref_squeeze %dma_start3A_198 : memref<1x125xi32, #tpu.memory_space<vmem>> -> memref<125xi32, #tpu.memory_space<vmem>>
      %dma_start3A_200 = arith.constant 0 : i32
      %dma_start3A_201 = arith.constant 0 : i32
      %dma_start3A_202 = tpu.memref_slice %arg2[%dma_start3A_200, %dma_start3A_201] : memref<51200x32xf32, #tpu.memory_space<hbm>> -> memref<51200x32xf32, #tpu.memory_space<hbm>>
      tpu.enqueue_indirect_dma source(%dma_start3A_202 : memref<51200x32xf32, #tpu.memory_space<hbm>>) target(%arg11 : memref<125x32xf32, #tpu.memory_space<vmem>>) offsets(%dma_start3A_199 : memref<125xi32, #tpu.memory_space<vmem>>) semaphore(%arg18 : memref<!tpu.dma_semaphore, #tpu.memory_space<semaphore_mem>>)
      %dma_wait3A_203 = arith.constant 6 : i32
      %dma_wait3A_204 = arith.constant 0 : i32
      %dma_wait3A_205 = tpu.memref_slice %arg6[%dma_wait3A_203, %dma_wait3A_204] : memref<16x125xi32, #tpu.memory_space<vmem>> -> memref<1x125xi32, #tpu.memory_space<vmem>>
      %dma_wait3A_206 = tpu.memref_squeeze %dma_wait3A_205 : memref<1x125xi32, #tpu.memory_space<vmem>> -> memref<125xi32, #tpu.memory_space<vmem>>
      %dma_wait3A_207 = arith.constant 0 : i32
      %dma_wait3A_208 = arith.constant 0 : i32
      %dma_wait3A_209 = tpu.memref_slice %arg2[%dma_wait3A_207, %dma_wait3A_208] : memref<51200x32xf32, #tpu.memory_space<hbm>> -> memref<51200x32xf32, #tpu.memory_space<hbm>>
      tpu.wait_indirect_dma semaphore(%arg15 : memref<!tpu.dma_semaphore, #tpu.memory_space<semaphore_mem>>) src(%dma_wait3A_209 : memref<51200x32xf32, #tpu.memory_space<hbm>>) dst(%arg8 : memref<125x32xf32, #tpu.memory_space<vmem>>)
      %dma_start3A_210 = arith.constant 6 : i32
      %dma_start3A_211 = arith.constant 0 : i32
      %dma_start3A_212 = tpu.memref_slice %arg7[%dma_start3A_210, %dma_start3A_211] : memref<16x125xi32, #tpu.memory_space<vmem>> -> memref<1x125xi32, #tpu.memory_space<vmem>>
      %dma_start3A_213 = tpu.memref_squeeze %dma_start3A_212 : memref<1x125xi32, #tpu.memory_space<vmem>> -> memref<125xi32, #tpu.memory_space<vmem>>
      %dma_start3A_214 = arith.constant 0 : i32
      %dma_start3A_215 = arith.constant 0 : i32
      %dma_start3A_216 = tpu.memref_slice %arg14[%dma_start3A_214, %dma_start3A_215] : memref<51200x32xf32, #tpu.memory_space<vmem_shared>> -> memref<51200x32xf32, #tpu.memory_space<vmem_shared>>
      tpu.enqueue_indirect_dma source(%arg8 : memref<125x32xf32, #tpu.memory_space<vmem>>) target(%dma_start3A_216 : memref<51200x32xf32, #tpu.memory_space<vmem_shared>>) offsets(%dma_start3A_213 : memref<125xi32, #tpu.memory_space<vmem>>) semaphore(%arg21 : memref<!tpu.dma_semaphore, #tpu.memory_space<semaphore_mem>>) {add = true}
      %dma_wait3A_217 = arith.constant 4 : i32
      %dma_wait3A_218 = arith.constant 0 : i32
      %dma_wait3A_219 = tpu.memref_slice %arg7[%dma_wait3A_217, %dma_wait3A_218] : memref<16x125xi32, #tpu.memory_space<vmem>> -> memref<1x125xi32, #tpu.memory_space<vmem>>
      %dma_wait3A_220 = tpu.memref_squeeze %dma_wait3A_219 : memref<1x125xi32, #tpu.memory_space<vmem>> -> memref<125xi32, #tpu.memory_space<vmem>>
      %dma_wait3A_221 = arith.constant 0 : i32
      %dma_wait3A_222 = arith.constant 0 : i32
      %dma_wait3A_223 = tpu.memref_slice %arg14[%dma_wait3A_221, %dma_wait3A_222] : memref<51200x32xf32, #tpu.memory_space<vmem_shared>> -> memref<51200x32xf32, #tpu.memory_space<vmem_shared>>
      tpu.wait_indirect_dma semaphore(%arg25 : memref<!tpu.dma_semaphore, #tpu.memory_space<semaphore_mem>>) src(%arg12 : memref<125x32xf32, #tpu.memory_space<vmem>>) dst(%dma_wait3A_223 : memref<51200x32xf32, #tpu.memory_space<vmem_shared>>)
      %dma_start3A_224 = arith.constant 10 : i32
      %dma_start3A_225 = arith.constant 0 : i32
      %dma_start3A_226 = tpu.memref_slice %arg6[%dma_start3A_224, %dma_start3A_225] : memref<16x125xi32, #tpu.memory_space<vmem>> -> memref<1x125xi32, #tpu.memory_space<vmem>>
      %dma_start3A_227 = tpu.memref_squeeze %dma_start3A_226 : memref<1x125xi32, #tpu.memory_space<vmem>> -> memref<125xi32, #tpu.memory_space<vmem>>
      %dma_start3A_228 = arith.constant 0 : i32
      %dma_start3A_229 = arith.constant 0 : i32
      %dma_start3A_230 = tpu.memref_slice %arg2[%dma_start3A_228, %dma_start3A_229] : memref<51200x32xf32, #tpu.memory_space<hbm>> -> memref<51200x32xf32, #tpu.memory_space<hbm>>
      tpu.enqueue_indirect_dma source(%dma_start3A_230 : memref<51200x32xf32, #tpu.memory_space<hbm>>) target(%arg12 : memref<125x32xf32, #tpu.memory_space<vmem>>) offsets(%dma_start3A_227 : memref<125xi32, #tpu.memory_space<vmem>>) semaphore(%arg19 : memref<!tpu.dma_semaphore, #tpu.memory_space<semaphore_mem>>)
      %dma_wait3A_231 = arith.constant 7 : i32
      %dma_wait3A_232 = arith.constant 0 : i32
      %dma_wait3A_233 = tpu.memref_slice %arg6[%dma_wait3A_231, %dma_wait3A_232] : memref<16x125xi32, #tpu.memory_space<vmem>> -> memref<1x125xi32, #tpu.memory_space<vmem>>
      %dma_wait3A_234 = tpu.memref_squeeze %dma_wait3A_233 : memref<1x125xi32, #tpu.memory_space<vmem>> -> memref<125xi32, #tpu.memory_space<vmem>>
      %dma_wait3A_235 = arith.constant 0 : i32
      %dma_wait3A_236 = arith.constant 0 : i32
      %dma_wait3A_237 = tpu.memref_slice %arg2[%dma_wait3A_235, %dma_wait3A_236] : memref<51200x32xf32, #tpu.memory_space<hbm>> -> memref<51200x32xf32, #tpu.memory_space<hbm>>
      tpu.wait_indirect_dma semaphore(%arg16 : memref<!tpu.dma_semaphore, #tpu.memory_space<semaphore_mem>>) src(%dma_wait3A_237 : memref<51200x32xf32, #tpu.memory_space<hbm>>) dst(%arg9 : memref<125x32xf32, #tpu.memory_space<vmem>>)
      %dma_start3A_238 = arith.constant 7 : i32
      %dma_start3A_239 = arith.constant 0 : i32
      %dma_start3A_240 = tpu.memref_slice %arg7[%dma_start3A_238, %dma_start3A_239] : memref<16x125xi32, #tpu.memory_space<vmem>> -> memref<1x125xi32, #tpu.memory_space<vmem>>
      %dma_start3A_241 = tpu.memref_squeeze %dma_start3A_240 : memref<1x125xi32, #tpu.memory_space<vmem>> -> memref<125xi32, #tpu.memory_space<vmem>>
      %dma_start3A_242 = arith.constant 0 : i32
      %dma_start3A_243 = arith.constant 0 : i32
      %dma_start3A_244 = tpu.memref_slice %arg14[%dma_start3A_242, %dma_start3A_243] : memref<51200x32xf32, #tpu.memory_space<vmem_shared>> -> memref<51200x32xf32, #tpu.memory_space<vmem_shared>>
      tpu.enqueue_indirect_dma source(%arg9 : memref<125x32xf32, #tpu.memory_space<vmem>>) target(%dma_start3A_244 : memref<51200x32xf32, #tpu.memory_space<vmem_shared>>) offsets(%dma_start3A_241 : memref<125xi32, #tpu.memory_space<vmem>>) semaphore(%arg22 : memref<!tpu.dma_semaphore, #tpu.memory_space<semaphore_mem>>) {add = true}
      %dma_wait3A_245 = arith.constant 5 : i32
      %dma_wait3A_246 = arith.constant 0 : i32
      %dma_wait3A_247 = tpu.memref_slice %arg7[%dma_wait3A_245, %dma_wait3A_246] : memref<16x125xi32, #tpu.memory_space<vmem>> -> memref<1x125xi32, #tpu.memory_space<vmem>>
      %dma_wait3A_248 = tpu.memref_squeeze %dma_wait3A_247 : memref<1x125xi32, #tpu.memory_space<vmem>> -> memref<125xi32, #tpu.memory_space<vmem>>
      %dma_wait3A_249 = arith.constant 0 : i32
      %dma_wait3A_250 = arith.constant 0 : i32
      %dma_wait3A_251 = tpu.memref_slice %arg14[%dma_wait3A_249, %dma_wait3A_250] : memref<51200x32xf32, #tpu.memory_space<vmem_shared>> -> memref<51200x32xf32, #tpu.memory_space<vmem_shared>>
      tpu.wait_indirect_dma semaphore(%arg26 : memref<!tpu.dma_semaphore, #tpu.memory_space<semaphore_mem>>) src(%arg13 : memref<125x32xf32, #tpu.memory_space<vmem>>) dst(%dma_wait3A_251 : memref<51200x32xf32, #tpu.memory_space<vmem_shared>>)
      %dma_start3A_252 = arith.constant 11 : i32
      %dma_start3A_253 = arith.constant 0 : i32
      %dma_start3A_254 = tpu.memref_slice %arg6[%dma_start3A_252, %dma_start3A_253] : memref<16x125xi32, #tpu.memory_space<vmem>> -> memref<1x125xi32, #tpu.memory_space<vmem>>
      %dma_start3A_255 = tpu.memref_squeeze %dma_start3A_254 : memref<1x125xi32, #tpu.memory_space<vmem>> -> memref<125xi32, #tpu.memory_space<vmem>>
      %dma_start3A_256 = arith.constant 0 : i32
      %dma_start3A_257 = arith.constant 0 : i32
      %dma_start3A_258 = tpu.memref_slice %arg2[%dma_start3A_256, %dma_start3A_257] : memref<51200x32xf32, #tpu.memory_space<hbm>> -> memref<51200x32xf32, #tpu.memory_space<hbm>>
      tpu.enqueue_indirect_dma source(%dma_start3A_258 : memref<51200x32xf32, #tpu.memory_space<hbm>>) target(%arg13 : memref<125x32xf32, #tpu.memory_space<vmem>>) offsets(%dma_start3A_255 : memref<125xi32, #tpu.memory_space<vmem>>) semaphore(%arg20 : memref<!tpu.dma_semaphore, #tpu.memory_space<semaphore_mem>>)
      %dma_wait3A_259 = arith.constant 8 : i32
      %dma_wait3A_260 = arith.constant 0 : i32
      %dma_wait3A_261 = tpu.memref_slice %arg6[%dma_wait3A_259, %dma_wait3A_260] : memref<16x125xi32, #tpu.memory_space<vmem>> -> memref<1x125xi32, #tpu.memory_space<vmem>>
      %dma_wait3A_262 = tpu.memref_squeeze %dma_wait3A_261 : memref<1x125xi32, #tpu.memory_space<vmem>> -> memref<125xi32, #tpu.memory_space<vmem>>
      %dma_wait3A_263 = arith.constant 0 : i32
      %dma_wait3A_264 = arith.constant 0 : i32
      %dma_wait3A_265 = tpu.memref_slice %arg2[%dma_wait3A_263, %dma_wait3A_264] : memref<51200x32xf32, #tpu.memory_space<hbm>> -> memref<51200x32xf32, #tpu.memory_space<hbm>>
      tpu.wait_indirect_dma semaphore(%arg17 : memref<!tpu.dma_semaphore, #tpu.memory_space<semaphore_mem>>) src(%dma_wait3A_265 : memref<51200x32xf32, #tpu.memory_space<hbm>>) dst(%arg10 : memref<125x32xf32, #tpu.memory_space<vmem>>)
      %dma_start3A_266 = arith.constant 8 : i32
      %dma_start3A_267 = arith.constant 0 : i32
      %dma_start3A_268 = tpu.memref_slice %arg7[%dma_start3A_266, %dma_start3A_267] : memref<16x125xi32, #tpu.memory_space<vmem>> -> memref<1x125xi32, #tpu.memory_space<vmem>>
      %dma_start3A_269 = tpu.memref_squeeze %dma_start3A_268 : memref<1x125xi32, #tpu.memory_space<vmem>> -> memref<125xi32, #tpu.memory_space<vmem>>
      %dma_start3A_270 = arith.constant 0 : i32
      %dma_start3A_271 = arith.constant 0 : i32
      %dma_start3A_272 = tpu.memref_slice %arg14[%dma_start3A_270, %dma_start3A_271] : memref<51200x32xf32, #tpu.memory_space<vmem_shared>> -> memref<51200x32xf32, #tpu.memory_space<vmem_shared>>
      tpu.enqueue_indirect_dma source(%arg10 : memref<125x32xf32, #tpu.memory_space<vmem>>) target(%dma_start3A_272 : memref<51200x32xf32, #tpu.memory_space<vmem_shared>>) offsets(%dma_start3A_269 : memref<125xi32, #tpu.memory_space<vmem>>) semaphore(%arg23 : memref<!tpu.dma_semaphore, #tpu.memory_space<semaphore_mem>>) {add = true}
      %dma_wait3A_273 = arith.constant 6 : i32
      %dma_wait3A_274 = arith.constant 0 : i32
      %dma_wait3A_275 = tpu.memref_slice %arg7[%dma_wait3A_273, %dma_wait3A_274] : memref<16x125xi32, #tpu.memory_space<vmem>> -> memref<1x125xi32, #tpu.memory_space<vmem>>
      %dma_wait3A_276 = tpu.memref_squeeze %dma_wait3A_275 : memref<1x125xi32, #tpu.memory_space<vmem>> -> memref<125xi32, #tpu.memory_space<vmem>>
      %dma_wait3A_277 = arith.constant 0 : i32
      %dma_wait3A_278 = arith.constant 0 : i32
      %dma_wait3A_279 = tpu.memref_slice %arg14[%dma_wait3A_277, %dma_wait3A_278] : memref<51200x32xf32, #tpu.memory_space<vmem_shared>> -> memref<51200x32xf32, #tpu.memory_space<vmem_shared>>
      tpu.wait_indirect_dma semaphore(%arg21 : memref<!tpu.dma_semaphore, #tpu.memory_space<semaphore_mem>>) src(%arg8 : memref<125x32xf32, #tpu.memory_space<vmem>>) dst(%dma_wait3A_279 : memref<51200x32xf32, #tpu.memory_space<vmem_shared>>)
      %dma_start3A_280 = arith.constant 12 : i32
      %dma_start3A_281 = arith.constant 0 : i32
      %dma_start3A_282 = tpu.memref_slice %arg6[%dma_start3A_280, %dma_start3A_281] : memref<16x125xi32, #tpu.memory_space<vmem>> -> memref<1x125xi32, #tpu.memory_space<vmem>>
      %dma_start3A_283 = tpu.memref_squeeze %dma_start3A_282 : memref<1x125xi32, #tpu.memory_space<vmem>> -> memref<125xi32, #tpu.memory_space<vmem>>
      %dma_start3A_284 = arith.constant 0 : i32
      %dma_start3A_285 = arith.constant 0 : i32
      %dma_start3A_286 = tpu.memref_slice %arg2[%dma_start3A_284, %dma_start3A_285] : memref<51200x32xf32, #tpu.memory_space<hbm>> -> memref<51200x32xf32, #tpu.memory_space<hbm>>
      tpu.enqueue_indirect_dma source(%dma_start3A_286 : memref<51200x32xf32, #tpu.memory_space<hbm>>) target(%arg8 : memref<125x32xf32, #tpu.memory_space<vmem>>) offsets(%dma_start3A_283 : memref<125xi32, #tpu.memory_space<vmem>>) semaphore(%arg15 : memref<!tpu.dma_semaphore, #tpu.memory_space<semaphore_mem>>)
      %dma_wait3A_287 = arith.constant 9 : i32
      %dma_wait3A_288 = arith.constant 0 : i32
      %dma_wait3A_289 = tpu.memref_slice %arg6[%dma_wait3A_287, %dma_wait3A_288] : memref<16x125xi32, #tpu.memory_space<vmem>> -> memref<1x125xi32, #tpu.memory_space<vmem>>
      %dma_wait3A_290 = tpu.memref_squeeze %dma_wait3A_289 : memref<1x125xi32, #tpu.memory_space<vmem>> -> memref<125xi32, #tpu.memory_space<vmem>>
      %dma_wait3A_291 = arith.constant 0 : i32
      %dma_wait3A_292 = arith.constant 0 : i32
      %dma_wait3A_293 = tpu.memref_slice %arg2[%dma_wait3A_291, %dma_wait3A_292] : memref<51200x32xf32, #tpu.memory_space<hbm>> -> memref<51200x32xf32, #tpu.memory_space<hbm>>
      tpu.wait_indirect_dma semaphore(%arg18 : memref<!tpu.dma_semaphore, #tpu.memory_space<semaphore_mem>>) src(%dma_wait3A_293 : memref<51200x32xf32, #tpu.memory_space<hbm>>) dst(%arg11 : memref<125x32xf32, #tpu.memory_space<vmem>>)
      %dma_start3A_294 = arith.constant 9 : i32
      %dma_start3A_295 = arith.constant 0 : i32
      %dma_start3A_296 = tpu.memref_slice %arg7[%dma_start3A_294, %dma_start3A_295] : memref<16x125xi32, #tpu.memory_space<vmem>> -> memref<1x125xi32, #tpu.memory_space<vmem>>
      %dma_start3A_297 = tpu.memref_squeeze %dma_start3A_296 : memref<1x125xi32, #tpu.memory_space<vmem>> -> memref<125xi32, #tpu.memory_space<vmem>>
      %dma_start3A_298 = arith.constant 0 : i32
      %dma_start3A_299 = arith.constant 0 : i32
      %dma_start3A_300 = tpu.memref_slice %arg14[%dma_start3A_298, %dma_start3A_299] : memref<51200x32xf32, #tpu.memory_space<vmem_shared>> -> memref<51200x32xf32, #tpu.memory_space<vmem_shared>>
      tpu.enqueue_indirect_dma source(%arg11 : memref<125x32xf32, #tpu.memory_space<vmem>>) target(%dma_start3A_300 : memref<51200x32xf32, #tpu.memory_space<vmem_shared>>) offsets(%dma_start3A_297 : memref<125xi32, #tpu.memory_space<vmem>>) semaphore(%arg24 : memref<!tpu.dma_semaphore, #tpu.memory_space<semaphore_mem>>) {add = true}
      %dma_wait3A_301 = arith.constant 7 : i32
      %dma_wait3A_302 = arith.constant 0 : i32
      %dma_wait3A_303 = tpu.memref_slice %arg7[%dma_wait3A_301, %dma_wait3A_302] : memref<16x125xi32, #tpu.memory_space<vmem>> -> memref<1x125xi32, #tpu.memory_space<vmem>>
      %dma_wait3A_304 = tpu.memref_squeeze %dma_wait3A_303 : memref<1x125xi32, #tpu.memory_space<vmem>> -> memref<125xi32, #tpu.memory_space<vmem>>
      %dma_wait3A_305 = arith.constant 0 : i32
      %dma_wait3A_306 = arith.constant 0 : i32
      %dma_wait3A_307 = tpu.memref_slice %arg14[%dma_wait3A_305, %dma_wait3A_306] : memref<51200x32xf32, #tpu.memory_space<vmem_shared>> -> memref<51200x32xf32, #tpu.memory_space<vmem_shared>>
      tpu.wait_indirect_dma semaphore(%arg22 : memref<!tpu.dma_semaphore, #tpu.memory_space<semaphore_mem>>) src(%arg9 : memref<125x32xf32, #tpu.memory_space<vmem>>) dst(%dma_wait3A_307 : memref<51200x32xf32, #tpu.memory_space<vmem_shared>>)
      %dma_start3A_308 = arith.constant 13 : i32
      %dma_start3A_309 = arith.constant 0 : i32
      %dma_start3A_310 = tpu.memref_slice %arg6[%dma_start3A_308, %dma_start3A_309] : memref<16x125xi32, #tpu.memory_space<vmem>> -> memref<1x125xi32, #tpu.memory_space<vmem>>
      %dma_start3A_311 = tpu.memref_squeeze %dma_start3A_310 : memref<1x125xi32, #tpu.memory_space<vmem>> -> memref<125xi32, #tpu.memory_space<vmem>>
      %dma_start3A_312 = arith.constant 0 : i32
      %dma_start3A_313 = arith.constant 0 : i32
      %dma_start3A_314 = tpu.memref_slice %arg2[%dma_start3A_312, %dma_start3A_313] : memref<51200x32xf32, #tpu.memory_space<hbm>> -> memref<51200x32xf32, #tpu.memory_space<hbm>>
      tpu.enqueue_indirect_dma source(%dma_start3A_314 : memref<51200x32xf32, #tpu.memory_space<hbm>>) target(%arg9 : memref<125x32xf32, #tpu.memory_space<vmem>>) offsets(%dma_start3A_311 : memref<125xi32, #tpu.memory_space<vmem>>) semaphore(%arg16 : memref<!tpu.dma_semaphore, #tpu.memory_space<semaphore_mem>>)
      %dma_wait3A_315 = arith.constant 10 : i32
      %dma_wait3A_316 = arith.constant 0 : i32
      %dma_wait3A_317 = tpu.memref_slice %arg6[%dma_wait3A_315, %dma_wait3A_316] : memref<16x125xi32, #tpu.memory_space<vmem>> -> memref<1x125xi32, #tpu.memory_space<vmem>>
      %dma_wait3A_318 = tpu.memref_squeeze %dma_wait3A_317 : memref<1x125xi32, #tpu.memory_space<vmem>> -> memref<125xi32, #tpu.memory_space<vmem>>
      %dma_wait3A_319 = arith.constant 0 : i32
      %dma_wait3A_320 = arith.constant 0 : i32
      %dma_wait3A_321 = tpu.memref_slice %arg2[%dma_wait3A_319, %dma_wait3A_320] : memref<51200x32xf32, #tpu.memory_space<hbm>> -> memref<51200x32xf32, #tpu.memory_space<hbm>>
      tpu.wait_indirect_dma semaphore(%arg19 : memref<!tpu.dma_semaphore, #tpu.memory_space<semaphore_mem>>) src(%dma_wait3A_321 : memref<51200x32xf32, #tpu.memory_space<hbm>>) dst(%arg12 : memref<125x32xf32, #tpu.memory_space<vmem>>)
      %dma_start3A_322 = arith.constant 10 : i32
      %dma_start3A_323 = arith.constant 0 : i32
      %dma_start3A_324 = tpu.memref_slice %arg7[%dma_start3A_322, %dma_start3A_323] : memref<16x125xi32, #tpu.memory_space<vmem>> -> memref<1x125xi32, #tpu.memory_space<vmem>>
      %dma_start3A_325 = tpu.memref_squeeze %dma_start3A_324 : memref<1x125xi32, #tpu.memory_space<vmem>> -> memref<125xi32, #tpu.memory_space<vmem>>
      %dma_start3A_326 = arith.constant 0 : i32
      %dma_start3A_327 = arith.constant 0 : i32
      %dma_start3A_328 = tpu.memref_slice %arg14[%dma_start3A_326, %dma_start3A_327] : memref<51200x32xf32, #tpu.memory_space<vmem_shared>> -> memref<51200x32xf32, #tpu.memory_space<vmem_shared>>
      tpu.enqueue_indirect_dma source(%arg12 : memref<125x32xf32, #tpu.memory_space<vmem>>) target(%dma_start3A_328 : memref<51200x32xf32, #tpu.memory_space<vmem_shared>>) offsets(%dma_start3A_325 : memref<125xi32, #tpu.memory_space<vmem>>) semaphore(%arg25 : memref<!tpu.dma_semaphore, #tpu.memory_space<semaphore_mem>>) {add = true}
      %dma_wait3A_329 = arith.constant 8 : i32
      %dma_wait3A_330 = arith.constant 0 : i32
      %dma_wait3A_331 = tpu.memref_slice %arg7[%dma_wait3A_329, %dma_wait3A_330] : memref<16x125xi32, #tpu.memory_space<vmem>> -> memref<1x125xi32, #tpu.memory_space<vmem>>
      %dma_wait3A_332 = tpu.memref_squeeze %dma_wait3A_331 : memref<1x125xi32, #tpu.memory_space<vmem>> -> memref<125xi32, #tpu.memory_space<vmem>>
      %dma_wait3A_333 = arith.constant 0 : i32
      %dma_wait3A_334 = arith.constant 0 : i32
      %dma_wait3A_335 = tpu.memref_slice %arg14[%dma_wait3A_333, %dma_wait3A_334] : memref<51200x32xf32, #tpu.memory_space<vmem_shared>> -> memref<51200x32xf32, #tpu.memory_space<vmem_shared>>
      tpu.wait_indirect_dma semaphore(%arg23 : memref<!tpu.dma_semaphore, #tpu.memory_space<semaphore_mem>>) src(%arg10 : memref<125x32xf32, #tpu.memory_space<vmem>>) dst(%dma_wait3A_335 : memref<51200x32xf32, #tpu.memory_space<vmem_shared>>)
      %dma_start3A_336 = arith.constant 14 : i32
      %dma_start3A_337 = arith.constant 0 : i32
      %dma_start3A_338 = tpu.memref_slice %arg6[%dma_start3A_336, %dma_start3A_337] : memref<16x125xi32, #tpu.memory_space<vmem>> -> memref<1x125xi32, #tpu.memory_space<vmem>>
      %dma_start3A_339 = tpu.memref_squeeze %dma_start3A_338 : memref<1x125xi32, #tpu.memory_space<vmem>> -> memref<125xi32, #tpu.memory_space<vmem>>
      %dma_start3A_340 = arith.constant 0 : i32
      %dma_start3A_341 = arith.constant 0 : i32
      %dma_start3A_342 = tpu.memref_slice %arg2[%dma_start3A_340, %dma_start3A_341] : memref<51200x32xf32, #tpu.memory_space<hbm>> -> memref<51200x32xf32, #tpu.memory_space<hbm>>
      tpu.enqueue_indirect_dma source(%dma_start3A_342 : memref<51200x32xf32, #tpu.memory_space<hbm>>) target(%arg10 : memref<125x32xf32, #tpu.memory_space<vmem>>) offsets(%dma_start3A_339 : memref<125xi32, #tpu.memory_space<vmem>>) semaphore(%arg17 : memref<!tpu.dma_semaphore, #tpu.memory_space<semaphore_mem>>)
      %dma_wait3A_343 = arith.constant 11 : i32
      %dma_wait3A_344 = arith.constant 0 : i32
      %dma_wait3A_345 = tpu.memref_slice %arg6[%dma_wait3A_343, %dma_wait3A_344] : memref<16x125xi32, #tpu.memory_space<vmem>> -> memref<1x125xi32, #tpu.memory_space<vmem>>
      %dma_wait3A_346 = tpu.memref_squeeze %dma_wait3A_345 : memref<1x125xi32, #tpu.memory_space<vmem>> -> memref<125xi32, #tpu.memory_space<vmem>>
      %dma_wait3A_347 = arith.constant 0 : i32
      %dma_wait3A_348 = arith.constant 0 : i32
      %dma_wait3A_349 = tpu.memref_slice %arg2[%dma_wait3A_347, %dma_wait3A_348] : memref<51200x32xf32, #tpu.memory_space<hbm>> -> memref<51200x32xf32, #tpu.memory_space<hbm>>
      tpu.wait_indirect_dma semaphore(%arg20 : memref<!tpu.dma_semaphore, #tpu.memory_space<semaphore_mem>>) src(%dma_wait3A_349 : memref<51200x32xf32, #tpu.memory_space<hbm>>) dst(%arg13 : memref<125x32xf32, #tpu.memory_space<vmem>>)
      %dma_start3A_350 = arith.constant 11 : i32
      %dma_start3A_351 = arith.constant 0 : i32
      %dma_start3A_352 = tpu.memref_slice %arg7[%dma_start3A_350, %dma_start3A_351] : memref<16x125xi32, #tpu.memory_space<vmem>> -> memref<1x125xi32, #tpu.memory_space<vmem>>
      %dma_start3A_353 = tpu.memref_squeeze %dma_start3A_352 : memref<1x125xi32, #tpu.memory_space<vmem>> -> memref<125xi32, #tpu.memory_space<vmem>>
      %dma_start3A_354 = arith.constant 0 : i32
      %dma_start3A_355 = arith.constant 0 : i32
      %dma_start3A_356 = tpu.memref_slice %arg14[%dma_start3A_354, %dma_start3A_355] : memref<51200x32xf32, #tpu.memory_space<vmem_shared>> -> memref<51200x32xf32, #tpu.memory_space<vmem_shared>>
      tpu.enqueue_indirect_dma source(%arg13 : memref<125x32xf32, #tpu.memory_space<vmem>>) target(%dma_start3A_356 : memref<51200x32xf32, #tpu.memory_space<vmem_shared>>) offsets(%dma_start3A_353 : memref<125xi32, #tpu.memory_space<vmem>>) semaphore(%arg26 : memref<!tpu.dma_semaphore, #tpu.memory_space<semaphore_mem>>) {add = true}
      %dma_wait3A_357 = arith.constant 9 : i32
      %dma_wait3A_358 = arith.constant 0 : i32
      %dma_wait3A_359 = tpu.memref_slice %arg7[%dma_wait3A_357, %dma_wait3A_358] : memref<16x125xi32, #tpu.memory_space<vmem>> -> memref<1x125xi32, #tpu.memory_space<vmem>>
      %dma_wait3A_360 = tpu.memref_squeeze %dma_wait3A_359 : memref<1x125xi32, #tpu.memory_space<vmem>> -> memref<125xi32, #tpu.memory_space<vmem>>
      %dma_wait3A_361 = arith.constant 0 : i32
      %dma_wait3A_362 = arith.constant 0 : i32
      %dma_wait3A_363 = tpu.memref_slice %arg14[%dma_wait3A_361, %dma_wait3A_362] : memref<51200x32xf32, #tpu.memory_space<vmem_shared>> -> memref<51200x32xf32, #tpu.memory_space<vmem_shared>>
      tpu.wait_indirect_dma semaphore(%arg24 : memref<!tpu.dma_semaphore, #tpu.memory_space<semaphore_mem>>) src(%arg11 : memref<125x32xf32, #tpu.memory_space<vmem>>) dst(%dma_wait3A_363 : memref<51200x32xf32, #tpu.memory_space<vmem_shared>>)
      %dma_start3A_364 = arith.constant 15 : i32
      %dma_start3A_365 = arith.constant 0 : i32
      %dma_start3A_366 = tpu.memref_slice %arg6[%dma_start3A_364, %dma_start3A_365] : memref<16x125xi32, #tpu.memory_space<vmem>> -> memref<1x125xi32, #tpu.memory_space<vmem>>
      %dma_start3A_367 = tpu.memref_squeeze %dma_start3A_366 : memref<1x125xi32, #tpu.memory_space<vmem>> -> memref<125xi32, #tpu.memory_space<vmem>>
      %dma_start3A_368 = arith.constant 0 : i32
      %dma_start3A_369 = arith.constant 0 : i32
      %dma_start3A_370 = tpu.memref_slice %arg2[%dma_start3A_368, %dma_start3A_369] : memref<51200x32xf32, #tpu.memory_space<hbm>> -> memref<51200x32xf32, #tpu.memory_space<hbm>>
      tpu.enqueue_indirect_dma source(%dma_start3A_370 : memref<51200x32xf32, #tpu.memory_space<hbm>>) target(%arg11 : memref<125x32xf32, #tpu.memory_space<vmem>>) offsets(%dma_start3A_367 : memref<125xi32, #tpu.memory_space<vmem>>) semaphore(%arg18 : memref<!tpu.dma_semaphore, #tpu.memory_space<semaphore_mem>>)
      %dma_wait3A_371 = arith.constant 12 : i32
      %dma_wait3A_372 = arith.constant 0 : i32
      %dma_wait3A_373 = tpu.memref_slice %arg6[%dma_wait3A_371, %dma_wait3A_372] : memref<16x125xi32, #tpu.memory_space<vmem>> -> memref<1x125xi32, #tpu.memory_space<vmem>>
      %dma_wait3A_374 = tpu.memref_squeeze %dma_wait3A_373 : memref<1x125xi32, #tpu.memory_space<vmem>> -> memref<125xi32, #tpu.memory_space<vmem>>
      %dma_wait3A_375 = arith.constant 0 : i32
      %dma_wait3A_376 = arith.constant 0 : i32
      %dma_wait3A_377 = tpu.memref_slice %arg2[%dma_wait3A_375, %dma_wait3A_376] : memref<51200x32xf32, #tpu.memory_space<hbm>> -> memref<51200x32xf32, #tpu.memory_space<hbm>>
      tpu.wait_indirect_dma semaphore(%arg15 : memref<!tpu.dma_semaphore, #tpu.memory_space<semaphore_mem>>) src(%dma_wait3A_377 : memref<51200x32xf32, #tpu.memory_space<hbm>>) dst(%arg8 : memref<125x32xf32, #tpu.memory_space<vmem>>)
      %dma_start3A_378 = arith.constant 12 : i32
      %dma_start3A_379 = arith.constant 0 : i32
      %dma_start3A_380 = tpu.memref_slice %arg7[%dma_start3A_378, %dma_start3A_379] : memref<16x125xi32, #tpu.memory_space<vmem>> -> memref<1x125xi32, #tpu.memory_space<vmem>>
      %dma_start3A_381 = tpu.memref_squeeze %dma_start3A_380 : memref<1x125xi32, #tpu.memory_space<vmem>> -> memref<125xi32, #tpu.memory_space<vmem>>
      %dma_start3A_382 = arith.constant 0 : i32
      %dma_start3A_383 = arith.constant 0 : i32
      %dma_start3A_384 = tpu.memref_slice %arg14[%dma_start3A_382, %dma_start3A_383] : memref<51200x32xf32, #tpu.memory_space<vmem_shared>> -> memref<51200x32xf32, #tpu.memory_space<vmem_shared>>
      tpu.enqueue_indirect_dma source(%arg8 : memref<125x32xf32, #tpu.memory_space<vmem>>) target(%dma_start3A_384 : memref<51200x32xf32, #tpu.memory_space<vmem_shared>>) offsets(%dma_start3A_381 : memref<125xi32, #tpu.memory_space<vmem>>) semaphore(%arg21 : memref<!tpu.dma_semaphore, #tpu.memory_space<semaphore_mem>>) {add = true}
      %dma_wait3A_385 = arith.constant 13 : i32
      %dma_wait3A_386 = arith.constant 0 : i32
      %dma_wait3A_387 = tpu.memref_slice %arg6[%dma_wait3A_385, %dma_wait3A_386] : memref<16x125xi32, #tpu.memory_space<vmem>> -> memref<1x125xi32, #tpu.memory_space<vmem>>
      %dma_wait3A_388 = tpu.memref_squeeze %dma_wait3A_387 : memref<1x125xi32, #tpu.memory_space<vmem>> -> memref<125xi32, #tpu.memory_space<vmem>>
      %dma_wait3A_389 = arith.constant 0 : i32
      %dma_wait3A_390 = arith.constant 0 : i32
      %dma_wait3A_391 = tpu.memref_slice %arg2[%dma_wait3A_389, %dma_wait3A_390] : memref<51200x32xf32, #tpu.memory_space<hbm>> -> memref<51200x32xf32, #tpu.memory_space<hbm>>
      tpu.wait_indirect_dma semaphore(%arg16 : memref<!tpu.dma_semaphore, #tpu.memory_space<semaphore_mem>>) src(%dma_wait3A_391 : memref<51200x32xf32, #tpu.memory_space<hbm>>) dst(%arg9 : memref<125x32xf32, #tpu.memory_space<vmem>>)
      %dma_start3A_392 = arith.constant 13 : i32
      %dma_start3A_393 = arith.constant 0 : i32
      %dma_start3A_394 = tpu.memref_slice %arg7[%dma_start3A_392, %dma_start3A_393] : memref<16x125xi32, #tpu.memory_space<vmem>> -> memref<1x125xi32, #tpu.memory_space<vmem>>
      %dma_start3A_395 = tpu.memref_squeeze %dma_start3A_394 : memref<1x125xi32, #tpu.memory_space<vmem>> -> memref<125xi32, #tpu.memory_space<vmem>>
      %dma_start3A_396 = arith.constant 0 : i32
      %dma_start3A_397 = arith.constant 0 : i32
      %dma_start3A_398 = tpu.memref_slice %arg14[%dma_start3A_396, %dma_start3A_397] : memref<51200x32xf32, #tpu.memory_space<vmem_shared>> -> memref<51200x32xf32, #tpu.memory_space<vmem_shared>>
      tpu.enqueue_indirect_dma source(%arg9 : memref<125x32xf32, #tpu.memory_space<vmem>>) target(%dma_start3A_398 : memref<51200x32xf32, #tpu.memory_space<vmem_shared>>) offsets(%dma_start3A_395 : memref<125xi32, #tpu.memory_space<vmem>>) semaphore(%arg22 : memref<!tpu.dma_semaphore, #tpu.memory_space<semaphore_mem>>) {add = true}
      %dma_wait3A_399 = arith.constant 14 : i32
      %dma_wait3A_400 = arith.constant 0 : i32
      %dma_wait3A_401 = tpu.memref_slice %arg6[%dma_wait3A_399, %dma_wait3A_400] : memref<16x125xi32, #tpu.memory_space<vmem>> -> memref<1x125xi32, #tpu.memory_space<vmem>>
      %dma_wait3A_402 = tpu.memref_squeeze %dma_wait3A_401 : memref<1x125xi32, #tpu.memory_space<vmem>> -> memref<125xi32, #tpu.memory_space<vmem>>
      %dma_wait3A_403 = arith.constant 0 : i32
      %dma_wait3A_404 = arith.constant 0 : i32
      %dma_wait3A_405 = tpu.memref_slice %arg2[%dma_wait3A_403, %dma_wait3A_404] : memref<51200x32xf32, #tpu.memory_space<hbm>> -> memref<51200x32xf32, #tpu.memory_space<hbm>>
      tpu.wait_indirect_dma semaphore(%arg17 : memref<!tpu.dma_semaphore, #tpu.memory_space<semaphore_mem>>) src(%dma_wait3A_405 : memref<51200x32xf32, #tpu.memory_space<hbm>>) dst(%arg10 : memref<125x32xf32, #tpu.memory_space<vmem>>)
      %dma_start3A_406 = arith.constant 14 : i32
      %dma_start3A_407 = arith.constant 0 : i32
      %dma_start3A_408 = tpu.memref_slice %arg7[%dma_start3A_406, %dma_start3A_407] : memref<16x125xi32, #tpu.memory_space<vmem>> -> memref<1x125xi32, #tpu.memory_space<vmem>>
      %dma_start3A_409 = tpu.memref_squeeze %dma_start3A_408 : memref<1x125xi32, #tpu.memory_space<vmem>> -> memref<125xi32, #tpu.memory_space<vmem>>
      %dma_start3A_410 = arith.constant 0 : i32
      %dma_start3A_411 = arith.constant 0 : i32
      %dma_start3A_412 = tpu.memref_slice %arg14[%dma_start3A_410, %dma_start3A_411] : memref<51200x32xf32, #tpu.memory_space<vmem_shared>> -> memref<51200x32xf32, #tpu.memory_space<vmem_shared>>
      tpu.enqueue_indirect_dma source(%arg10 : memref<125x32xf32, #tpu.memory_space<vmem>>) target(%dma_start3A_412 : memref<51200x32xf32, #tpu.memory_space<vmem_shared>>) offsets(%dma_start3A_409 : memref<125xi32, #tpu.memory_space<vmem>>) semaphore(%arg23 : memref<!tpu.dma_semaphore, #tpu.memory_space<semaphore_mem>>) {add = true}
      %dma_wait3A_413 = arith.constant 15 : i32
      %dma_wait3A_414 = arith.constant 0 : i32
      %dma_wait3A_415 = tpu.memref_slice %arg6[%dma_wait3A_413, %dma_wait3A_414] : memref<16x125xi32, #tpu.memory_space<vmem>> -> memref<1x125xi32, #tpu.memory_space<vmem>>
      %dma_wait3A_416 = tpu.memref_squeeze %dma_wait3A_415 : memref<1x125xi32, #tpu.memory_space<vmem>> -> memref<125xi32, #tpu.memory_space<vmem>>
      %dma_wait3A_417 = arith.constant 0 : i32
      %dma_wait3A_418 = arith.constant 0 : i32
      %dma_wait3A_419 = tpu.memref_slice %arg2[%dma_wait3A_417, %dma_wait3A_418] : memref<51200x32xf32, #tpu.memory_space<hbm>> -> memref<51200x32xf32, #tpu.memory_space<hbm>>
      tpu.wait_indirect_dma semaphore(%arg18 : memref<!tpu.dma_semaphore, #tpu.memory_space<semaphore_mem>>) src(%dma_wait3A_419 : memref<51200x32xf32, #tpu.memory_space<hbm>>) dst(%arg11 : memref<125x32xf32, #tpu.memory_space<vmem>>)
      %dma_start3A_420 = arith.constant 15 : i32
      %dma_start3A_421 = arith.constant 0 : i32
      %dma_start3A_422 = tpu.memref_slice %arg7[%dma_start3A_420, %dma_start3A_421] : memref<16x125xi32, #tpu.memory_space<vmem>> -> memref<1x125xi32, #tpu.memory_space<vmem>>
      %dma_start3A_423 = tpu.memref_squeeze %dma_start3A_422 : memref<1x125xi32, #tpu.memory_space<vmem>> -> memref<125xi32, #tpu.memory_space<vmem>>
      %dma_start3A_424 = arith.constant 0 : i32
      %dma_start3A_425 = arith.constant 0 : i32
      %dma_start3A_426 = tpu.memref_slice %arg14[%dma_start3A_424, %dma_start3A_425] : memref<51200x32xf32, #tpu.memory_space<vmem_shared>> -> memref<51200x32xf32, #tpu.memory_space<vmem_shared>>
      tpu.enqueue_indirect_dma source(%arg11 : memref<125x32xf32, #tpu.memory_space<vmem>>) target(%dma_start3A_426 : memref<51200x32xf32, #tpu.memory_space<vmem_shared>>) offsets(%dma_start3A_423 : memref<125xi32, #tpu.memory_space<vmem>>) semaphore(%arg24 : memref<!tpu.dma_semaphore, #tpu.memory_space<semaphore_mem>>) {add = true}
      %dma_wait3A_427 = arith.constant 10 : i32
      %dma_wait3A_428 = arith.constant 0 : i32
      %dma_wait3A_429 = tpu.memref_slice %arg7[%dma_wait3A_427, %dma_wait3A_428] : memref<16x125xi32, #tpu.memory_space<vmem>> -> memref<1x125xi32, #tpu.memory_space<vmem>>
      %dma_wait3A_430 = tpu.memref_squeeze %dma_wait3A_429 : memref<1x125xi32, #tpu.memory_space<vmem>> -> memref<125xi32, #tpu.memory_space<vmem>>
      %dma_wait3A_431 = arith.constant 0 : i32
      %dma_wait3A_432 = arith.constant 0 : i32
      %dma_wait3A_433 = tpu.memref_slice %arg14[%dma_wait3A_431, %dma_wait3A_432] : memref<51200x32xf32, #tpu.memory_space<vmem_shared>> -> memref<51200x32xf32, #tpu.memory_space<vmem_shared>>
      tpu.wait_indirect_dma semaphore(%arg25 : memref<!tpu.dma_semaphore, #tpu.memory_space<semaphore_mem>>) src(%arg12 : memref<125x32xf32, #tpu.memory_space<vmem>>) dst(%dma_wait3A_433 : memref<51200x32xf32, #tpu.memory_space<vmem_shared>>)
      %dma_wait3A_434 = arith.constant 11 : i32
      %dma_wait3A_435 = arith.constant 0 : i32
      %dma_wait3A_436 = tpu.memref_slice %arg7[%dma_wait3A_434, %dma_wait3A_435] : memref<16x125xi32, #tpu.memory_space<vmem>> -> memref<1x125xi32, #tpu.memory_space<vmem>>
      %dma_wait3A_437 = tpu.memref_squeeze %dma_wait3A_436 : memref<1x125xi32, #tpu.memory_space<vmem>> -> memref<125xi32, #tpu.memory_space<vmem>>
      %dma_wait3A_438 = arith.constant 0 : i32
      %dma_wait3A_439 = arith.constant 0 : i32
      %dma_wait3A_440 = tpu.memref_slice %arg14[%dma_wait3A_438, %dma_wait3A_439] : memref<51200x32xf32, #tpu.memory_space<vmem_shared>> -> memref<51200x32xf32, #tpu.memory_space<vmem_shared>>
      tpu.wait_indirect_dma semaphore(%arg26 : memref<!tpu.dma_semaphore, #tpu.memory_space<semaphore_mem>>) src(%arg13 : memref<125x32xf32, #tpu.memory_space<vmem>>) dst(%dma_wait3A_440 : memref<51200x32xf32, #tpu.memory_space<vmem_shared>>)
      %dma_wait3A_441 = arith.constant 12 : i32
      %dma_wait3A_442 = arith.constant 0 : i32
      %dma_wait3A_443 = tpu.memref_slice %arg7[%dma_wait3A_441, %dma_wait3A_442] : memref<16x125xi32, #tpu.memory_space<vmem>> -> memref<1x125xi32, #tpu.memory_space<vmem>>
      %dma_wait3A_444 = tpu.memref_squeeze %dma_wait3A_443 : memref<1x125xi32, #tpu.memory_space<vmem>> -> memref<125xi32, #tpu.memory_space<vmem>>
      %dma_wait3A_445 = arith.constant 0 : i32
      %dma_wait3A_446 = arith.constant 0 : i32
      %dma_wait3A_447 = tpu.memref_slice %arg14[%dma_wait3A_445, %dma_wait3A_446] : memref<51200x32xf32, #tpu.memory_space<vmem_shared>> -> memref<51200x32xf32, #tpu.memory_space<vmem_shared>>
      tpu.wait_indirect_dma semaphore(%arg21 : memref<!tpu.dma_semaphore, #tpu.memory_space<semaphore_mem>>) src(%arg8 : memref<125x32xf32, #tpu.memory_space<vmem>>) dst(%dma_wait3A_447 : memref<51200x32xf32, #tpu.memory_space<vmem_shared>>)
      %dma_wait3A_448 = arith.constant 13 : i32
      %dma_wait3A_449 = arith.constant 0 : i32
      %dma_wait3A_450 = tpu.memref_slice %arg7[%dma_wait3A_448, %dma_wait3A_449] : memref<16x125xi32, #tpu.memory_space<vmem>> -> memref<1x125xi32, #tpu.memory_space<vmem>>
      %dma_wait3A_451 = tpu.memref_squeeze %dma_wait3A_450 : memref<1x125xi32, #tpu.memory_space<vmem>> -> memref<125xi32, #tpu.memory_space<vmem>>
      %dma_wait3A_452 = arith.constant 0 : i32
      %dma_wait3A_453 = arith.constant 0 : i32
      %dma_wait3A_454 = tpu.memref_slice %arg14[%dma_wait3A_452, %dma_wait3A_453] : memref<51200x32xf32, #tpu.memory_space<vmem_shared>> -> memref<51200x32xf32, #tpu.memory_space<vmem_shared>>
      tpu.wait_indirect_dma semaphore(%arg22 : memref<!tpu.dma_semaphore, #tpu.memory_space<semaphore_mem>>) src(%arg9 : memref<125x32xf32, #tpu.memory_space<vmem>>) dst(%dma_wait3A_454 : memref<51200x32xf32, #tpu.memory_space<vmem_shared>>)
      %dma_wait3A_455 = arith.constant 14 : i32
      %dma_wait3A_456 = arith.constant 0 : i32
      %dma_wait3A_457 = tpu.memref_slice %arg7[%dma_wait3A_455, %dma_wait3A_456] : memref<16x125xi32, #tpu.memory_space<vmem>> -> memref<1x125xi32, #tpu.memory_space<vmem>>
      %dma_wait3A_458 = tpu.memref_squeeze %dma_wait3A_457 : memref<1x125xi32, #tpu.memory_space<vmem>> -> memref<125xi32, #tpu.memory_space<vmem>>
      %dma_wait3A_459 = arith.constant 0 : i32
      %dma_wait3A_460 = arith.constant 0 : i32
      %dma_wait3A_461 = tpu.memref_slice %arg14[%dma_wait3A_459, %dma_wait3A_460] : memref<51200x32xf32, #tpu.memory_space<vmem_shared>> -> memref<51200x32xf32, #tpu.memory_space<vmem_shared>>
      tpu.wait_indirect_dma semaphore(%arg23 : memref<!tpu.dma_semaphore, #tpu.memory_space<semaphore_mem>>) src(%arg10 : memref<125x32xf32, #tpu.memory_space<vmem>>) dst(%dma_wait3A_461 : memref<51200x32xf32, #tpu.memory_space<vmem_shared>>)
      %dma_wait3A_462 = arith.constant 15 : i32
      %dma_wait3A_463 = arith.constant 0 : i32
      %dma_wait3A_464 = tpu.memref_slice %arg7[%dma_wait3A_462, %dma_wait3A_463] : memref<16x125xi32, #tpu.memory_space<vmem>> -> memref<1x125xi32, #tpu.memory_space<vmem>>
      %dma_wait3A_465 = tpu.memref_squeeze %dma_wait3A_464 : memref<1x125xi32, #tpu.memory_space<vmem>> -> memref<125xi32, #tpu.memory_space<vmem>>
      %dma_wait3A_466 = arith.constant 0 : i32
      %dma_wait3A_467 = arith.constant 0 : i32
      %dma_wait3A_468 = tpu.memref_slice %arg14[%dma_wait3A_466, %dma_wait3A_467] : memref<51200x32xf32, #tpu.memory_space<vmem_shared>> -> memref<51200x32xf32, #tpu.memory_space<vmem_shared>>
      tpu.wait_indirect_dma semaphore(%arg24 : memref<!tpu.dma_semaphore, #tpu.memory_space<semaphore_mem>>) src(%arg11 : memref<125x32xf32, #tpu.memory_space<vmem>>) dst(%dma_wait3A_468 : memref<51200x32xf32, #tpu.memory_space<vmem_shared>>)
    }
    %scan3A_9 = arith.constant 25 : i32
    %barrier3A_10 = arith.constant 0 : index
    tpu.barrier barrier_id(%barrier3A_10)
    %mul3A_11 = arith.constant 3200 : i32
    %mul3A_12 = arith.muli %arg1, %mul3A_11 : i32
    %mul3A_13 = arith.constant 3200 : i32
    %mul3A_14 = arith.muli %arg1, %mul3A_13 : i32
    "tpu.region"() ({
      %run_scoped3A = tpu.sem_alloc : memref<!tpu.dma_semaphore, #tpu.memory_space<semaphore_mem>>
      %dma_start3A = arith.constant 0 : i32
      %dma_start3A_15 = tpu.memref_slice %arg5[%arg0, %mul3A_14, %dma_start3A] : memref<2x51200x32xf32, #tpu.memory_space<hbm>> -> memref<1x3200x32xf32, #tpu.memory_space<hbm>>
      %dma_start3A_16 = tpu.memref_squeeze %dma_start3A_15 : memref<1x3200x32xf32, #tpu.memory_space<hbm>> -> memref<3200x32xf32, #tpu.memory_space<hbm>>
      %dma_start3A_17 = arith.constant 0 : i32
      %dma_start3A_18 = tpu.memref_slice %arg14[%mul3A_12, %dma_start3A_17] : memref<51200x32xf32, #tpu.memory_space<vmem_shared>> -> memref<3200x32xf32, #tpu.memory_space<vmem_shared>>
      tpu.enqueue_dma source(%dma_start3A_18 : memref<3200x32xf32, #tpu.memory_space<vmem_shared>>) target(%dma_start3A_16 : memref<3200x32xf32, #tpu.memory_space<hbm>>) target_semaphore(%run_scoped3A : memref<!tpu.dma_semaphore, #tpu.memory_space<semaphore_mem>>)
      %dma_wait3A = arith.constant 0 : i32
      %dma_wait3A_19 = tpu.memref_slice %arg5[%arg0, %mul3A_14, %dma_wait3A] : memref<2x51200x32xf32, #tpu.memory_space<hbm>> -> memref<1x3200x32xf32, #tpu.memory_space<hbm>>
      %dma_wait3A_20 = tpu.memref_squeeze %dma_wait3A_19 : memref<1x3200x32xf32, #tpu.memory_space<hbm>> -> memref<3200x32xf32, #tpu.memory_space<hbm>>
      %dma_wait3A_21 = arith.constant 0 : i32
      %dma_wait3A_22 = tpu.memref_slice %arg14[%mul3A_12, %dma_wait3A_21] : memref<51200x32xf32, #tpu.memory_space<vmem_shared>> -> memref<3200x32xf32, #tpu.memory_space<vmem_shared>>
      tpu.wait_dma2 semaphore(%run_scoped3A : memref<!tpu.dma_semaphore, #tpu.memory_space<semaphore_mem>>) src(%dma_wait3A_22 : memref<3200x32xf32, #tpu.memory_space<vmem_shared>>) dst(%dma_wait3A_20 : memref<3200x32xf32, #tpu.memory_space<hbm>>)
      tpu.yield
    }) : () -> ()
    return
  }
}

#map = affine_map<(d0, d1) -> (0, 0)>
#map1 = affine_map<(d0, d1) -> (0, 0, 0)>
module attributes {stable_mosaic.version = 14 : i64} {
  func.func @_sc_segsum(%arg0: i32, %arg1: i32, %arg2: memref<51200x32xf32, #tpu.memory_space<hbm>>, %arg3: memref<2x12800x125xi32, #tpu.memory_space<hbm>>, %arg4: memref<3200x32xf32, #tpu.memory_space<hbm>>, %arg5: memref<2x51200x32xf32, #tpu.memory_space<hbm>>, %arg6: memref<16x125xi32, #tpu.memory_space<vmem>>, %arg7: memref<16x125xi32, #tpu.memory_space<vmem>>, %arg8: memref<125x32xf32, #tpu.memory_space<vmem>>, %arg9: memref<125x32xf32, #tpu.memory_space<vmem>>, %arg10: memref<125x32xf32, #tpu.memory_space<vmem>>, %arg11: memref<125x32xf32, #tpu.memory_space<vmem>>, %arg12: memref<125x32xf32, #tpu.memory_space<vmem>>, %arg13: memref<125x32xf32, #tpu.memory_space<vmem>>, %arg14: memref<51200x32xf32, #tpu.memory_space<vmem_shared>>, %arg15: memref<!tpu.dma_semaphore, #tpu.memory_space<semaphore_mem>>, %arg16: memref<!tpu.dma_semaphore, #tpu.memory_space<semaphore_mem>>, %arg17: memref<!tpu.dma_semaphore, #tpu.memory_space<semaphore_mem>>, %arg18: memref<!tpu.dma_semaphore, #tpu.memory_space<semaphore_mem>>, %arg19: memref<!tpu.dma_semaphore, #tpu.memory_space<semaphore_mem>>, %arg20: memref<!tpu.dma_semaphore, #tpu.memory_space<semaphore_mem>>, %arg21: memref<!tpu.dma_semaphore, #tpu.memory_space<semaphore_mem>>, %arg22: memref<!tpu.dma_semaphore, #tpu.memory_space<semaphore_mem>>, %arg23: memref<!tpu.dma_semaphore, #tpu.memory_space<semaphore_mem>>, %arg24: memref<!tpu.dma_semaphore, #tpu.memory_space<semaphore_mem>>, %arg25: memref<!tpu.dma_semaphore, #tpu.memory_space<semaphore_mem>>, %arg26: memref<!tpu.dma_semaphore, #tpu.memory_space<semaphore_mem>>) attributes {dimension_semantics = [#tpu.dimension_semantics<core_parallel>, #tpu.dimension_semantics<subcore_parallel>], iteration_bounds = array<i64: 2, 16>, scalar_prefetch = 0 : i64, scratch_operands = 21 : i64, tpu.core_type = #tpu.core_type<sc_vector_subcore>, window_params = [{transform_indices = #map}, {transform_indices = #map1}, {transform_indices = #map}, {transform_indices = #map1}]} {
    %mul3A = arith.constant 16 : i32
    %mul3A_0 = arith.muli %arg0, %mul3A : i32
    %add3A = arith.addi %mul3A_0, %arg1 : i32
    %mul3A_1 = arith.constant 400 : i32
    %mul3A_2 = arith.muli %add3A, %mul3A_1 : i32
    %mul3A_3 = arith.constant 3200 : i32
    %mul3A_4 = arith.muli %arg1, %mul3A_3 : i32
    "tpu.region"() ({
      %run_scoped3A = tpu.sem_alloc : memref<!tpu.dma_semaphore, #tpu.memory_space<semaphore_mem>>
      %dma_start3A = arith.constant 0 : i32
      %dma_start3A_15 = tpu.memref_slice %arg14[%mul3A_4, %dma_start3A] : memref<51200x32xf32, #tpu.memory_space<vmem_shared>> -> memref<3200x32xf32, #tpu.memory_space<vmem_shared>>
      tpu.enqueue_dma source(%arg4 : memref<3200x32xf32, #tpu.memory_space<hbm>>) target(%dma_start3A_15 : memref<3200x32xf32, #tpu.memory_space<vmem_shared>>) target_semaphore(%run_scoped3A : memref<!tpu.dma_semaphore, #tpu.memory_space<semaphore_mem>>)
      %dma_wait3A = arith.constant 0 : i32
      %dma_wait3A_16 = tpu.memref_slice %arg14[%mul3A_4, %dma_wait3A] : memref<51200x32xf32, #tpu.memory_space<vmem_shared>> -> memref<3200x32xf32, #tpu.memory_space<vmem_shared>>
      tpu.wait_dma2 semaphore(%run_scoped3A : memref<!tpu.dma_semaphore, #tpu.memory_space<semaphore_mem>>) src(%arg4 : memref<3200x32xf32, #tpu.memory_space<hbm>>) dst(%dma_wait3A_16 : memref<3200x32xf32, #tpu.memory_space<vmem_shared>>)
      tpu.yield
    }) : () -> ()
    %barrier3A = arith.constant 0 : index
    tpu.barrier barrier_id(%barrier3A)
    %scan3A = arith.constant 0 : i32
    %scan3A_5 = arith.constant 0 : i32
    %scan3A_6 = arith.constant 25 : i32
    %scan3A_7 = arith.addi %scan3A_5, %scan3A_6 : i32
    %scan3A_8 = arith.constant 1 : i32
    scf.for %scan3A_15 = %scan3A_5 to %scan3A_7 step %scan3A_8  : i32 {
      %mul3A_16 = arith.constant 16 : i32
      %mul3A_17 = arith.muli %scan3A_15, %mul3A_16 : i32
      %add3A_18 = arith.addi %mul3A_2, %mul3A_17 : i32
      %run_scoped3A = arith.constant 0 : i32
      "tpu.region"() ({
        %run_scoped3A_469 = tpu.sem_alloc : memref<!tpu.dma_semaphore, #tpu.memory_space<semaphore_mem>>
        %dma_start3A_470 = arith.constant 0 : i32
        %dma_start3A_471 = tpu.memref_slice %arg3[%run_scoped3A, %add3A_18, %dma_start3A_470] : memref<2x12800x125xi32, #tpu.memory_space<hbm>> -> memref<1x16x125xi32, #tpu.memory_space<hbm>>
        %dma_start3A_472 = tpu.memref_squeeze %dma_start3A_471 : memref<1x16x125xi32, #tpu.memory_space<hbm>> -> memref<16x125xi32, #tpu.memory_space<hbm>>
        %dma_start3A_473 = arith.constant 0 : i32
        %dma_start3A_474 = tpu.memref_slice %arg3[%run_scoped3A, %add3A_18, %dma_start3A_473] : memref<2x12800x125xi32, #tpu.memory_space<hbm>> -> memref<1x16x125xi32, #tpu.memory_space<hbm>>
        %dma_start3A_475 = tpu.memref_squeeze %dma_start3A_474 : memref<1x16x125xi32, #tpu.memory_space<hbm>> -> memref<16x125xi32, #tpu.memory_space<hbm>>
        tpu.enqueue_dma source(%dma_start3A_475 : memref<16x125xi32, #tpu.memory_space<hbm>>) target(%arg6 : memref<16x125xi32, #tpu.memory_space<vmem>>) target_semaphore(%run_scoped3A_469 : memref<!tpu.dma_semaphore, #tpu.memory_space<semaphore_mem>>)
        %dma_wait3A_476 = arith.constant 0 : i32
        %dma_wait3A_477 = tpu.memref_slice %arg3[%run_scoped3A, %add3A_18, %dma_wait3A_476] : memref<2x12800x125xi32, #tpu.memory_space<hbm>> -> memref<1x16x125xi32, #tpu.memory_space<hbm>>
        %dma_wait3A_478 = tpu.memref_squeeze %dma_wait3A_477 : memref<1x16x125xi32, #tpu.memory_space<hbm>> -> memref<16x125xi32, #tpu.memory_space<hbm>>
        %dma_wait3A_479 = arith.constant 0 : i32
        %dma_wait3A_480 = tpu.memref_slice %arg3[%run_scoped3A, %add3A_18, %dma_wait3A_479] : memref<2x12800x125xi32, #tpu.memory_space<hbm>> -> memref<1x16x125xi32, #tpu.memory_space<hbm>>
        %dma_wait3A_481 = tpu.memref_squeeze %dma_wait3A_480 : memref<1x16x125xi32, #tpu.memory_space<hbm>> -> memref<16x125xi32, #tpu.memory_space<hbm>>
        tpu.wait_dma2 semaphore(%run_scoped3A_469 : memref<!tpu.dma_semaphore, #tpu.memory_space<semaphore_mem>>) src(%dma_wait3A_481 : memref<16x125xi32, #tpu.memory_space<hbm>>) dst(%arg6 : memref<16x125xi32, #tpu.memory_space<vmem>>)
        tpu.yield
      }) : () -> ()
      %mul3A_19 = arith.constant 16 : i32
      %mul3A_20 = arith.muli %scan3A_15, %mul3A_19 : i32
      %add3A_21 = arith.addi %mul3A_2, %mul3A_20 : i32
      %run_scoped3A_22 = arith.constant 1 : i32
      "tpu.region"() ({
        %run_scoped3A_469 = tpu.sem_alloc : memref<!tpu.dma_semaphore, #tpu.memory_space<semaphore_mem>>
        %dma_start3A_470 = arith.constant 0 : i32
        %dma_start3A_471 = tpu.memref_slice %arg3[%run_scoped3A_22, %add3A_21, %dma_start3A_470] : memref<2x12800x125xi32, #tpu.memory_space<hbm>> -> memref<1x16x125xi32, #tpu.memory_space<hbm>>
        %dma_start3A_472 = tpu.memref_squeeze %dma_start3A_471 : memref<1x16x125xi32, #tpu.memory_space<hbm>> -> memref<16x125xi32, #tpu.memory_space<hbm>>
        %dma_start3A_473 = arith.constant 0 : i32
        %dma_start3A_474 = tpu.memref_slice %arg3[%run_scoped3A_22, %add3A_21, %dma_start3A_473] : memref<2x12800x125xi32, #tpu.memory_space<hbm>> -> memref<1x16x125xi32, #tpu.memory_space<hbm>>
        %dma_start3A_475 = tpu.memref_squeeze %dma_start3A_474 : memref<1x16x125xi32, #tpu.memory_space<hbm>> -> memref<16x125xi32, #tpu.memory_space<hbm>>
        tpu.enqueue_dma source(%dma_start3A_475 : memref<16x125xi32, #tpu.memory_space<hbm>>) target(%arg7 : memref<16x125xi32, #tpu.memory_space<vmem>>) target_semaphore(%run_scoped3A_469 : memref<!tpu.dma_semaphore, #tpu.memory_space<semaphore_mem>>)
        %dma_wait3A_476 = arith.constant 0 : i32
        %dma_wait3A_477 = tpu.memref_slice %arg3[%run_scoped3A_22, %add3A_21, %dma_wait3A_476] : memref<2x12800x125xi32, #tpu.memory_space<hbm>> -> memref<1x16x125xi32, #tpu.memory_space<hbm>>
        %dma_wait3A_478 = tpu.memref_squeeze %dma_wait3A_477 : memref<1x16x125xi32, #tpu.memory_space<hbm>> -> memref<16x125xi32, #tpu.memory_space<hbm>>
        %dma_wait3A_479 = arith.constant 0 : i32
        %dma_wait3A_480 = tpu.memref_slice %arg3[%run_scoped3A_22, %add3A_21, %dma_wait3A_479] : memref<2x12800x125xi32, #tpu.memory_space<hbm>> -> memref<1x16x125xi32, #tpu.memory_space<hbm>>
        %dma_wait3A_481 = tpu.memref_squeeze %dma_wait3A_480 : memref<1x16x125xi32, #tpu.memory_space<hbm>> -> memref<16x125xi32, #tpu.memory_space<hbm>>
        tpu.wait_dma2 semaphore(%run_scoped3A_469 : memref<!tpu.dma_semaphore, #tpu.memory_space<semaphore_mem>>) src(%dma_wait3A_481 : memref<16x125xi32, #tpu.memory_space<hbm>>) dst(%arg7 : memref<16x125xi32, #tpu.memory_space<vmem>>)
        tpu.yield
      }) : () -> ()
      %dma_start3A = arith.constant 0 : i32
      %dma_start3A_23 = arith.constant 0 : i32
      %dma_start3A_24 = tpu.memref_slice %arg6[%dma_start3A, %dma_start3A_23] : memref<16x125xi32, #tpu.memory_space<vmem>> -> memref<1x125xi32, #tpu.memory_space<vmem>>
      %dma_start3A_25 = tpu.memref_squeeze %dma_start3A_24 : memref<1x125xi32, #tpu.memory_space<vmem>> -> memref<125xi32, #tpu.memory_space<vmem>>
      %dma_start3A_26 = arith.constant 0 : i32
      %dma_start3A_27 = arith.constant 0 : i32
      %dma_start3A_28 = tpu.memref_slice %arg2[%dma_start3A_26, %dma_start3A_27] : memref<51200x32xf32, #tpu.memory_space<hbm>> -> memref<51200x32xf32, #tpu.memory_space<hbm>>
      tpu.enqueue_indirect_dma source(%dma_start3A_28 : memref<51200x32xf32, #tpu.memory_space<hbm>>) target(%arg8 : memref<125x32xf32, #tpu.memory_space<vmem>>) offsets(%dma_start3A_25 : memref<125xi32, #tpu.memory_space<vmem>>) semaphore(%arg15 : memref<!tpu.dma_semaphore, #tpu.memory_space<semaphore_mem>>)
      %dma_start3A_29 = arith.constant 1 : i32
      %dma_start3A_30 = arith.constant 0 : i32
      %dma_start3A_31 = tpu.memref_slice %arg6[%dma_start3A_29, %dma_start3A_30] : memref<16x125xi32, #tpu.memory_space<vmem>> -> memref<1x125xi32, #tpu.memory_space<vmem>>
      %dma_start3A_32 = tpu.memref_squeeze %dma_start3A_31 : memref<1x125xi32, #tpu.memory_space<vmem>> -> memref<125xi32, #tpu.memory_space<vmem>>
      %dma_start3A_33 = arith.constant 0 : i32
      %dma_start3A_34 = arith.constant 0 : i32
      %dma_start3A_35 = tpu.memref_slice %arg2[%dma_start3A_33, %dma_start3A_34] : memref<51200x32xf32, #tpu.memory_space<hbm>> -> memref<51200x32xf32, #tpu.memory_space<hbm>>
      tpu.enqueue_indirect_dma source(%dma_start3A_35 : memref<51200x32xf32, #tpu.memory_space<hbm>>) target(%arg9 : memref<125x32xf32, #tpu.memory_space<vmem>>) offsets(%dma_start3A_32 : memref<125xi32, #tpu.memory_space<vmem>>) semaphore(%arg16 : memref<!tpu.dma_semaphore, #tpu.memory_space<semaphore_mem>>)
      %dma_start3A_36 = arith.constant 2 : i32
      %dma_start3A_37 = arith.constant 0 : i32
      %dma_start3A_38 = tpu.memref_slice %arg6[%dma_start3A_36, %dma_start3A_37] : memref<16x125xi32, #tpu.memory_space<vmem>> -> memref<1x125xi32, #tpu.memory_space<vmem>>
      %dma_start3A_39 = tpu.memref_squeeze %dma_start3A_38 : memref<1x125xi32, #tpu.memory_space<vmem>> -> memref<125xi32, #tpu.memory_space<vmem>>
      %dma_start3A_40 = arith.constant 0 : i32
      %dma_start3A_41 = arith.constant 0 : i32
      %dma_start3A_42 = tpu.memref_slice %arg2[%dma_start3A_40, %dma_start3A_41] : memref<51200x32xf32, #tpu.memory_space<hbm>> -> memref<51200x32xf32, #tpu.memory_space<hbm>>
      tpu.enqueue_indirect_dma source(%dma_start3A_42 : memref<51200x32xf32, #tpu.memory_space<hbm>>) target(%arg10 : memref<125x32xf32, #tpu.memory_space<vmem>>) offsets(%dma_start3A_39 : memref<125xi32, #tpu.memory_space<vmem>>) semaphore(%arg17 : memref<!tpu.dma_semaphore, #tpu.memory_space<semaphore_mem>>)
      %dma_start3A_43 = arith.constant 3 : i32
      %dma_start3A_44 = arith.constant 0 : i32
      %dma_start3A_45 = tpu.memref_slice %arg6[%dma_start3A_43, %dma_start3A_44] : memref<16x125xi32, #tpu.memory_space<vmem>> -> memref<1x125xi32, #tpu.memory_space<vmem>>
      %dma_start3A_46 = tpu.memref_squeeze %dma_start3A_45 : memref<1x125xi32, #tpu.memory_space<vmem>> -> memref<125xi32, #tpu.memory_space<vmem>>
      %dma_start3A_47 = arith.constant 0 : i32
      %dma_start3A_48 = arith.constant 0 : i32
      %dma_start3A_49 = tpu.memref_slice %arg2[%dma_start3A_47, %dma_start3A_48] : memref<51200x32xf32, #tpu.memory_space<hbm>> -> memref<51200x32xf32, #tpu.memory_space<hbm>>
      tpu.enqueue_indirect_dma source(%dma_start3A_49 : memref<51200x32xf32, #tpu.memory_space<hbm>>) target(%arg11 : memref<125x32xf32, #tpu.memory_space<vmem>>) offsets(%dma_start3A_46 : memref<125xi32, #tpu.memory_space<vmem>>) semaphore(%arg18 : memref<!tpu.dma_semaphore, #tpu.memory_space<semaphore_mem>>)
      %dma_wait3A = arith.constant 0 : i32
      %dma_wait3A_50 = arith.constant 0 : i32
      %dma_wait3A_51 = tpu.memref_slice %arg6[%dma_wait3A, %dma_wait3A_50] : memref<16x125xi32, #tpu.memory_space<vmem>> -> memref<1x125xi32, #tpu.memory_space<vmem>>
      %dma_wait3A_52 = tpu.memref_squeeze %dma_wait3A_51 : memref<1x125xi32, #tpu.memory_space<vmem>> -> memref<125xi32, #tpu.memory_space<vmem>>
      %dma_wait3A_53 = arith.constant 0 : i32
      %dma_wait3A_54 = arith.constant 0 : i32
      %dma_wait3A_55 = tpu.memref_slice %arg2[%dma_wait3A_53, %dma_wait3A_54] : memref<51200x32xf32, #tpu.memory_space<hbm>> -> memref<51200x32xf32, #tpu.memory_space<hbm>>
      tpu.wait_indirect_dma semaphore(%arg15 : memref<!tpu.dma_semaphore, #tpu.memory_space<semaphore_mem>>) src(%dma_wait3A_55 : memref<51200x32xf32, #tpu.memory_space<hbm>>) dst(%arg8 : memref<125x32xf32, #tpu.memory_space<vmem>>)
      %dma_start3A_56 = arith.constant 0 : i32
      %dma_start3A_57 = arith.constant 0 : i32
      %dma_start3A_58 = tpu.memref_slice %arg7[%dma_start3A_56, %dma_start3A_57] : memref<16x125xi32, #tpu.memory_space<vmem>> -> memref<1x125xi32, #tpu.memory_space<vmem>>
      %dma_start3A_59 = tpu.memref_squeeze %dma_start3A_58 : memref<1x125xi32, #tpu.memory_space<vmem>> -> memref<125xi32, #tpu.memory_space<vmem>>
      %dma_start3A_60 = arith.constant 0 : i32
      %dma_start3A_61 = arith.constant 0 : i32
      %dma_start3A_62 = tpu.memref_slice %arg14[%dma_start3A_60, %dma_start3A_61] : memref<51200x32xf32, #tpu.memory_space<vmem_shared>> -> memref<51200x32xf32, #tpu.memory_space<vmem_shared>>
      tpu.enqueue_indirect_dma source(%arg8 : memref<125x32xf32, #tpu.memory_space<vmem>>) target(%dma_start3A_62 : memref<51200x32xf32, #tpu.memory_space<vmem_shared>>) offsets(%dma_start3A_59 : memref<125xi32, #tpu.memory_space<vmem>>) semaphore(%arg21 : memref<!tpu.dma_semaphore, #tpu.memory_space<semaphore_mem>>) {add = true}
      %dma_start3A_63 = arith.constant 4 : i32
      %dma_start3A_64 = arith.constant 0 : i32
      %dma_start3A_65 = tpu.memref_slice %arg6[%dma_start3A_63, %dma_start3A_64] : memref<16x125xi32, #tpu.memory_space<vmem>> -> memref<1x125xi32, #tpu.memory_space<vmem>>
      %dma_start3A_66 = tpu.memref_squeeze %dma_start3A_65 : memref<1x125xi32, #tpu.memory_space<vmem>> -> memref<125xi32, #tpu.memory_space<vmem>>
      %dma_start3A_67 = arith.constant 0 : i32
      %dma_start3A_68 = arith.constant 0 : i32
      %dma_start3A_69 = tpu.memref_slice %arg2[%dma_start3A_67, %dma_start3A_68] : memref<51200x32xf32, #tpu.memory_space<hbm>> -> memref<51200x32xf32, #tpu.memory_space<hbm>>
      tpu.enqueue_indirect_dma source(%dma_start3A_69 : memref<51200x32xf32, #tpu.memory_space<hbm>>) target(%arg12 : memref<125x32xf32, #tpu.memory_space<vmem>>) offsets(%dma_start3A_66 : memref<125xi32, #tpu.memory_space<vmem>>) semaphore(%arg19 : memref<!tpu.dma_semaphore, #tpu.memory_space<semaphore_mem>>)
      %dma_wait3A_70 = arith.constant 1 : i32
      %dma_wait3A_71 = arith.constant 0 : i32
      %dma_wait3A_72 = tpu.memref_slice %arg6[%dma_wait3A_70, %dma_wait3A_71] : memref<16x125xi32, #tpu.memory_space<vmem>> -> memref<1x125xi32, #tpu.memory_space<vmem>>
      %dma_wait3A_73 = tpu.memref_squeeze %dma_wait3A_72 : memref<1x125xi32, #tpu.memory_space<vmem>> -> memref<125xi32, #tpu.memory_space<vmem>>
      %dma_wait3A_74 = arith.constant 0 : i32
      %dma_wait3A_75 = arith.constant 0 : i32
      %dma_wait3A_76 = tpu.memref_slice %arg2[%dma_wait3A_74, %dma_wait3A_75] : memref<51200x32xf32, #tpu.memory_space<hbm>> -> memref<51200x32xf32, #tpu.memory_space<hbm>>
      tpu.wait_indirect_dma semaphore(%arg16 : memref<!tpu.dma_semaphore, #tpu.memory_space<semaphore_mem>>) src(%dma_wait3A_76 : memref<51200x32xf32, #tpu.memory_space<hbm>>) dst(%arg9 : memref<125x32xf32, #tpu.memory_space<vmem>>)
      %dma_start3A_77 = arith.constant 1 : i32
      %dma_start3A_78 = arith.constant 0 : i32
      %dma_start3A_79 = tpu.memref_slice %arg7[%dma_start3A_77, %dma_start3A_78] : memref<16x125xi32, #tpu.memory_space<vmem>> -> memref<1x125xi32, #tpu.memory_space<vmem>>
      %dma_start3A_80 = tpu.memref_squeeze %dma_start3A_79 : memref<1x125xi32, #tpu.memory_space<vmem>> -> memref<125xi32, #tpu.memory_space<vmem>>
      %dma_start3A_81 = arith.constant 0 : i32
      %dma_start3A_82 = arith.constant 0 : i32
      %dma_start3A_83 = tpu.memref_slice %arg14[%dma_start3A_81, %dma_start3A_82] : memref<51200x32xf32, #tpu.memory_space<vmem_shared>> -> memref<51200x32xf32, #tpu.memory_space<vmem_shared>>
      tpu.enqueue_indirect_dma source(%arg9 : memref<125x32xf32, #tpu.memory_space<vmem>>) target(%dma_start3A_83 : memref<51200x32xf32, #tpu.memory_space<vmem_shared>>) offsets(%dma_start3A_80 : memref<125xi32, #tpu.memory_space<vmem>>) semaphore(%arg22 : memref<!tpu.dma_semaphore, #tpu.memory_space<semaphore_mem>>) {add = true}
      %dma_start3A_84 = arith.constant 5 : i32
      %dma_start3A_85 = arith.constant 0 : i32
      %dma_start3A_86 = tpu.memref_slice %arg6[%dma_start3A_84, %dma_start3A_85] : memref<16x125xi32, #tpu.memory_space<vmem>> -> memref<1x125xi32, #tpu.memory_space<vmem>>
      %dma_start3A_87 = tpu.memref_squeeze %dma_start3A_86 : memref<1x125xi32, #tpu.memory_space<vmem>> -> memref<125xi32, #tpu.memory_space<vmem>>
      %dma_start3A_88 = arith.constant 0 : i32
      %dma_start3A_89 = arith.constant 0 : i32
      %dma_start3A_90 = tpu.memref_slice %arg2[%dma_start3A_88, %dma_start3A_89] : memref<51200x32xf32, #tpu.memory_space<hbm>> -> memref<51200x32xf32, #tpu.memory_space<hbm>>
      tpu.enqueue_indirect_dma source(%dma_start3A_90 : memref<51200x32xf32, #tpu.memory_space<hbm>>) target(%arg13 : memref<125x32xf32, #tpu.memory_space<vmem>>) offsets(%dma_start3A_87 : memref<125xi32, #tpu.memory_space<vmem>>) semaphore(%arg20 : memref<!tpu.dma_semaphore, #tpu.memory_space<semaphore_mem>>)
      %dma_wait3A_91 = arith.constant 2 : i32
      %dma_wait3A_92 = arith.constant 0 : i32
      %dma_wait3A_93 = tpu.memref_slice %arg6[%dma_wait3A_91, %dma_wait3A_92] : memref<16x125xi32, #tpu.memory_space<vmem>> -> memref<1x125xi32, #tpu.memory_space<vmem>>
      %dma_wait3A_94 = tpu.memref_squeeze %dma_wait3A_93 : memref<1x125xi32, #tpu.memory_space<vmem>> -> memref<125xi32, #tpu.memory_space<vmem>>
      %dma_wait3A_95 = arith.constant 0 : i32
      %dma_wait3A_96 = arith.constant 0 : i32
      %dma_wait3A_97 = tpu.memref_slice %arg2[%dma_wait3A_95, %dma_wait3A_96] : memref<51200x32xf32, #tpu.memory_space<hbm>> -> memref<51200x32xf32, #tpu.memory_space<hbm>>
      tpu.wait_indirect_dma semaphore(%arg17 : memref<!tpu.dma_semaphore, #tpu.memory_space<semaphore_mem>>) src(%dma_wait3A_97 : memref<51200x32xf32, #tpu.memory_space<hbm>>) dst(%arg10 : memref<125x32xf32, #tpu.memory_space<vmem>>)
      %dma_start3A_98 = arith.constant 2 : i32
      %dma_start3A_99 = arith.constant 0 : i32
      %dma_start3A_100 = tpu.memref_slice %arg7[%dma_start3A_98, %dma_start3A_99] : memref<16x125xi32, #tpu.memory_space<vmem>> -> memref<1x125xi32, #tpu.memory_space<vmem>>
      %dma_start3A_101 = tpu.memref_squeeze %dma_start3A_100 : memref<1x125xi32, #tpu.memory_space<vmem>> -> memref<125xi32, #tpu.memory_space<vmem>>
      %dma_start3A_102 = arith.constant 0 : i32
      %dma_start3A_103 = arith.constant 0 : i32
      %dma_start3A_104 = tpu.memref_slice %arg14[%dma_start3A_102, %dma_start3A_103] : memref<51200x32xf32, #tpu.memory_space<vmem_shared>> -> memref<51200x32xf32, #tpu.memory_space<vmem_shared>>
      tpu.enqueue_indirect_dma source(%arg10 : memref<125x32xf32, #tpu.memory_space<vmem>>) target(%dma_start3A_104 : memref<51200x32xf32, #tpu.memory_space<vmem_shared>>) offsets(%dma_start3A_101 : memref<125xi32, #tpu.memory_space<vmem>>) semaphore(%arg23 : memref<!tpu.dma_semaphore, #tpu.memory_space<semaphore_mem>>) {add = true}
      %dma_wait3A_105 = arith.constant 0 : i32
      %dma_wait3A_106 = arith.constant 0 : i32
      %dma_wait3A_107 = tpu.memref_slice %arg7[%dma_wait3A_105, %dma_wait3A_106] : memref<16x125xi32, #tpu.memory_space<vmem>> -> memref<1x125xi32, #tpu.memory_space<vmem>>
      %dma_wait3A_108 = tpu.memref_squeeze %dma_wait3A_107 : memref<1x125xi32, #tpu.memory_space<vmem>> -> memref<125xi32, #tpu.memory_space<vmem>>
      %dma_wait3A_109 = arith.constant 0 : i32
      %dma_wait3A_110 = arith.constant 0 : i32
      %dma_wait3A_111 = tpu.memref_slice %arg14[%dma_wait3A_109, %dma_wait3A_110] : memref<51200x32xf32, #tpu.memory_space<vmem_shared>> -> memref<51200x32xf32, #tpu.memory_space<vmem_shared>>
      tpu.wait_indirect_dma semaphore(%arg21 : memref<!tpu.dma_semaphore, #tpu.memory_space<semaphore_mem>>) src(%arg8 : memref<125x32xf32, #tpu.memory_space<vmem>>) dst(%dma_wait3A_111 : memref<51200x32xf32, #tpu.memory_space<vmem_shared>>)
      %dma_start3A_112 = arith.constant 6 : i32
      %dma_start3A_113 = arith.constant 0 : i32
      %dma_start3A_114 = tpu.memref_slice %arg6[%dma_start3A_112, %dma_start3A_113] : memref<16x125xi32, #tpu.memory_space<vmem>> -> memref<1x125xi32, #tpu.memory_space<vmem>>
      %dma_start3A_115 = tpu.memref_squeeze %dma_start3A_114 : memref<1x125xi32, #tpu.memory_space<vmem>> -> memref<125xi32, #tpu.memory_space<vmem>>
      %dma_start3A_116 = arith.constant 0 : i32
      %dma_start3A_117 = arith.constant 0 : i32
      %dma_start3A_118 = tpu.memref_slice %arg2[%dma_start3A_116, %dma_start3A_117] : memref<51200x32xf32, #tpu.memory_space<hbm>> -> memref<51200x32xf32, #tpu.memory_space<hbm>>
      tpu.enqueue_indirect_dma source(%dma_start3A_118 : memref<51200x32xf32, #tpu.memory_space<hbm>>) target(%arg8 : memref<125x32xf32, #tpu.memory_space<vmem>>) offsets(%dma_start3A_115 : memref<125xi32, #tpu.memory_space<vmem>>) semaphore(%arg15 : memref<!tpu.dma_semaphore, #tpu.memory_space<semaphore_mem>>)
      %dma_wait3A_119 = arith.constant 3 : i32
      %dma_wait3A_120 = arith.constant 0 : i32
      %dma_wait3A_121 = tpu.memref_slice %arg6[%dma_wait3A_119, %dma_wait3A_120] : memref<16x125xi32, #tpu.memory_space<vmem>> -> memref<1x125xi32, #tpu.memory_space<vmem>>
      %dma_wait3A_122 = tpu.memref_squeeze %dma_wait3A_121 : memref<1x125xi32, #tpu.memory_space<vmem>> -> memref<125xi32, #tpu.memory_space<vmem>>
      %dma_wait3A_123 = arith.constant 0 : i32
      %dma_wait3A_124 = arith.constant 0 : i32
      %dma_wait3A_125 = tpu.memref_slice %arg2[%dma_wait3A_123, %dma_wait3A_124] : memref<51200x32xf32, #tpu.memory_space<hbm>> -> memref<51200x32xf32, #tpu.memory_space<hbm>>
      tpu.wait_indirect_dma semaphore(%arg18 : memref<!tpu.dma_semaphore, #tpu.memory_space<semaphore_mem>>) src(%dma_wait3A_125 : memref<51200x32xf32, #tpu.memory_space<hbm>>) dst(%arg11 : memref<125x32xf32, #tpu.memory_space<vmem>>)
      %dma_start3A_126 = arith.constant 3 : i32
      %dma_start3A_127 = arith.constant 0 : i32
      %dma_start3A_128 = tpu.memref_slice %arg7[%dma_start3A_126, %dma_start3A_127] : memref<16x125xi32, #tpu.memory_space<vmem>> -> memref<1x125xi32, #tpu.memory_space<vmem>>
      %dma_start3A_129 = tpu.memref_squeeze %dma_start3A_128 : memref<1x125xi32, #tpu.memory_space<vmem>> -> memref<125xi32, #tpu.memory_space<vmem>>
      %dma_start3A_130 = arith.constant 0 : i32
      %dma_start3A_131 = arith.constant 0 : i32
      %dma_start3A_132 = tpu.memref_slice %arg14[%dma_start3A_130, %dma_start3A_131] : memref<51200x32xf32, #tpu.memory_space<vmem_shared>> -> memref<51200x32xf32, #tpu.memory_space<vmem_shared>>
      tpu.enqueue_indirect_dma source(%arg11 : memref<125x32xf32, #tpu.memory_space<vmem>>) target(%dma_start3A_132 : memref<51200x32xf32, #tpu.memory_space<vmem_shared>>) offsets(%dma_start3A_129 : memref<125xi32, #tpu.memory_space<vmem>>) semaphore(%arg24 : memref<!tpu.dma_semaphore, #tpu.memory_space<semaphore_mem>>) {add = true}
      %dma_wait3A_133 = arith.constant 1 : i32
      %dma_wait3A_134 = arith.constant 0 : i32
      %dma_wait3A_135 = tpu.memref_slice %arg7[%dma_wait3A_133, %dma_wait3A_134] : memref<16x125xi32, #tpu.memory_space<vmem>> -> memref<1x125xi32, #tpu.memory_space<vmem>>
      %dma_wait3A_136 = tpu.memref_squeeze %dma_wait3A_135 : memref<1x125xi32, #tpu.memory_space<vmem>> -> memref<125xi32, #tpu.memory_space<vmem>>
      %dma_wait3A_137 = arith.constant 0 : i32
      %dma_wait3A_138 = arith.constant 0 : i32
      %dma_wait3A_139 = tpu.memref_slice %arg14[%dma_wait3A_137, %dma_wait3A_138] : memref<51200x32xf32, #tpu.memory_space<vmem_shared>> -> memref<51200x32xf32, #tpu.memory_space<vmem_shared>>
      tpu.wait_indirect_dma semaphore(%arg22 : memref<!tpu.dma_semaphore, #tpu.memory_space<semaphore_mem>>) src(%arg9 : memref<125x32xf32, #tpu.memory_space<vmem>>) dst(%dma_wait3A_139 : memref<51200x32xf32, #tpu.memory_space<vmem_shared>>)
      %dma_start3A_140 = arith.constant 7 : i32
      %dma_start3A_141 = arith.constant 0 : i32
      %dma_start3A_142 = tpu.memref_slice %arg6[%dma_start3A_140, %dma_start3A_141] : memref<16x125xi32, #tpu.memory_space<vmem>> -> memref<1x125xi32, #tpu.memory_space<vmem>>
      %dma_start3A_143 = tpu.memref_squeeze %dma_start3A_142 : memref<1x125xi32, #tpu.memory_space<vmem>> -> memref<125xi32, #tpu.memory_space<vmem>>
      %dma_start3A_144 = arith.constant 0 : i32
      %dma_start3A_145 = arith.constant 0 : i32
      %dma_start3A_146 = tpu.memref_slice %arg2[%dma_start3A_144, %dma_start3A_145] : memref<51200x32xf32, #tpu.memory_space<hbm>> -> memref<51200x32xf32, #tpu.memory_space<hbm>>
      tpu.enqueue_indirect_dma source(%dma_start3A_146 : memref<51200x32xf32, #tpu.memory_space<hbm>>) target(%arg9 : memref<125x32xf32, #tpu.memory_space<vmem>>) offsets(%dma_start3A_143 : memref<125xi32, #tpu.memory_space<vmem>>) semaphore(%arg16 : memref<!tpu.dma_semaphore, #tpu.memory_space<semaphore_mem>>)
      %dma_wait3A_147 = arith.constant 4 : i32
      %dma_wait3A_148 = arith.constant 0 : i32
      %dma_wait3A_149 = tpu.memref_slice %arg6[%dma_wait3A_147, %dma_wait3A_148] : memref<16x125xi32, #tpu.memory_space<vmem>> -> memref<1x125xi32, #tpu.memory_space<vmem>>
      %dma_wait3A_150 = tpu.memref_squeeze %dma_wait3A_149 : memref<1x125xi32, #tpu.memory_space<vmem>> -> memref<125xi32, #tpu.memory_space<vmem>>
      %dma_wait3A_151 = arith.constant 0 : i32
      %dma_wait3A_152 = arith.constant 0 : i32
      %dma_wait3A_153 = tpu.memref_slice %arg2[%dma_wait3A_151, %dma_wait3A_152] : memref<51200x32xf32, #tpu.memory_space<hbm>> -> memref<51200x32xf32, #tpu.memory_space<hbm>>
      tpu.wait_indirect_dma semaphore(%arg19 : memref<!tpu.dma_semaphore, #tpu.memory_space<semaphore_mem>>) src(%dma_wait3A_153 : memref<51200x32xf32, #tpu.memory_space<hbm>>) dst(%arg12 : memref<125x32xf32, #tpu.memory_space<vmem>>)
      %dma_start3A_154 = arith.constant 4 : i32
      %dma_start3A_155 = arith.constant 0 : i32
      %dma_start3A_156 = tpu.memref_slice %arg7[%dma_start3A_154, %dma_start3A_155] : memref<16x125xi32, #tpu.memory_space<vmem>> -> memref<1x125xi32, #tpu.memory_space<vmem>>
      %dma_start3A_157 = tpu.memref_squeeze %dma_start3A_156 : memref<1x125xi32, #tpu.memory_space<vmem>> -> memref<125xi32, #tpu.memory_space<vmem>>
      %dma_start3A_158 = arith.constant 0 : i32
      %dma_start3A_159 = arith.constant 0 : i32
      %dma_start3A_160 = tpu.memref_slice %arg14[%dma_start3A_158, %dma_start3A_159] : memref<51200x32xf32, #tpu.memory_space<vmem_shared>> -> memref<51200x32xf32, #tpu.memory_space<vmem_shared>>
      tpu.enqueue_indirect_dma source(%arg12 : memref<125x32xf32, #tpu.memory_space<vmem>>) target(%dma_start3A_160 : memref<51200x32xf32, #tpu.memory_space<vmem_shared>>) offsets(%dma_start3A_157 : memref<125xi32, #tpu.memory_space<vmem>>) semaphore(%arg25 : memref<!tpu.dma_semaphore, #tpu.memory_space<semaphore_mem>>) {add = true}
      %dma_wait3A_161 = arith.constant 2 : i32
      %dma_wait3A_162 = arith.constant 0 : i32
      %dma_wait3A_163 = tpu.memref_slice %arg7[%dma_wait3A_161, %dma_wait3A_162] : memref<16x125xi32, #tpu.memory_space<vmem>> -> memref<1x125xi32, #tpu.memory_space<vmem>>
      %dma_wait3A_164 = tpu.memref_squeeze %dma_wait3A_163 : memref<1x125xi32, #tpu.memory_space<vmem>> -> memref<125xi32, #tpu.memory_space<vmem>>
      %dma_wait3A_165 = arith.constant 0 : i32
      %dma_wait3A_166 = arith.constant 0 : i32
      %dma_wait3A_167 = tpu.memref_slice %arg14[%dma_wait3A_165, %dma_wait3A_166] : memref<51200x32xf32, #tpu.memory_space<vmem_shared>> -> memref<51200x32xf32, #tpu.memory_space<vmem_shared>>
      tpu.wait_indirect_dma semaphore(%arg23 : memref<!tpu.dma_semaphore, #tpu.memory_space<semaphore_mem>>) src(%arg10 : memref<125x32xf32, #tpu.memory_space<vmem>>) dst(%dma_wait3A_167 : memref<51200x32xf32, #tpu.memory_space<vmem_shared>>)
      %dma_start3A_168 = arith.constant 8 : i32
      %dma_start3A_169 = arith.constant 0 : i32
      %dma_start3A_170 = tpu.memref_slice %arg6[%dma_start3A_168, %dma_start3A_169] : memref<16x125xi32, #tpu.memory_space<vmem>> -> memref<1x125xi32, #tpu.memory_space<vmem>>
      %dma_start3A_171 = tpu.memref_squeeze %dma_start3A_170 : memref<1x125xi32, #tpu.memory_space<vmem>> -> memref<125xi32, #tpu.memory_space<vmem>>
      %dma_start3A_172 = arith.constant 0 : i32
      %dma_start3A_173 = arith.constant 0 : i32
      %dma_start3A_174 = tpu.memref_slice %arg2[%dma_start3A_172, %dma_start3A_173] : memref<51200x32xf32, #tpu.memory_space<hbm>> -> memref<51200x32xf32, #tpu.memory_space<hbm>>
      tpu.enqueue_indirect_dma source(%dma_start3A_174 : memref<51200x32xf32, #tpu.memory_space<hbm>>) target(%arg10 : memref<125x32xf32, #tpu.memory_space<vmem>>) offsets(%dma_start3A_171 : memref<125xi32, #tpu.memory_space<vmem>>) semaphore(%arg17 : memref<!tpu.dma_semaphore, #tpu.memory_space<semaphore_mem>>)
      %dma_wait3A_175 = arith.constant 5 : i32
      %dma_wait3A_176 = arith.constant 0 : i32
      %dma_wait3A_177 = tpu.memref_slice %arg6[%dma_wait3A_175, %dma_wait3A_176] : memref<16x125xi32, #tpu.memory_space<vmem>> -> memref<1x125xi32, #tpu.memory_space<vmem>>
      %dma_wait3A_178 = tpu.memref_squeeze %dma_wait3A_177 : memref<1x125xi32, #tpu.memory_space<vmem>> -> memref<125xi32, #tpu.memory_space<vmem>>
      %dma_wait3A_179 = arith.constant 0 : i32
      %dma_wait3A_180 = arith.constant 0 : i32
      %dma_wait3A_181 = tpu.memref_slice %arg2[%dma_wait3A_179, %dma_wait3A_180] : memref<51200x32xf32, #tpu.memory_space<hbm>> -> memref<51200x32xf32, #tpu.memory_space<hbm>>
      tpu.wait_indirect_dma semaphore(%arg20 : memref<!tpu.dma_semaphore, #tpu.memory_space<semaphore_mem>>) src(%dma_wait3A_181 : memref<51200x32xf32, #tpu.memory_space<hbm>>) dst(%arg13 : memref<125x32xf32, #tpu.memory_space<vmem>>)
      %dma_start3A_182 = arith.constant 5 : i32
      %dma_start3A_183 = arith.constant 0 : i32
      %dma_start3A_184 = tpu.memref_slice %arg7[%dma_start3A_182, %dma_start3A_183] : memref<16x125xi32, #tpu.memory_space<vmem>> -> memref<1x125xi32, #tpu.memory_space<vmem>>
      %dma_start3A_185 = tpu.memref_squeeze %dma_start3A_184 : memref<1x125xi32, #tpu.memory_space<vmem>> -> memref<125xi32, #tpu.memory_space<vmem>>
      %dma_start3A_186 = arith.constant 0 : i32
      %dma_start3A_187 = arith.constant 0 : i32
      %dma_start3A_188 = tpu.memref_slice %arg14[%dma_start3A_186, %dma_start3A_187] : memref<51200x32xf32, #tpu.memory_space<vmem_shared>> -> memref<51200x32xf32, #tpu.memory_space<vmem_shared>>
      tpu.enqueue_indirect_dma source(%arg13 : memref<125x32xf32, #tpu.memory_space<vmem>>) target(%dma_start3A_188 : memref<51200x32xf32, #tpu.memory_space<vmem_shared>>) offsets(%dma_start3A_185 : memref<125xi32, #tpu.memory_space<vmem>>) semaphore(%arg26 : memref<!tpu.dma_semaphore, #tpu.memory_space<semaphore_mem>>) {add = true}
      %dma_wait3A_189 = arith.constant 3 : i32
      %dma_wait3A_190 = arith.constant 0 : i32
      %dma_wait3A_191 = tpu.memref_slice %arg7[%dma_wait3A_189, %dma_wait3A_190] : memref<16x125xi32, #tpu.memory_space<vmem>> -> memref<1x125xi32, #tpu.memory_space<vmem>>
      %dma_wait3A_192 = tpu.memref_squeeze %dma_wait3A_191 : memref<1x125xi32, #tpu.memory_space<vmem>> -> memref<125xi32, #tpu.memory_space<vmem>>
      %dma_wait3A_193 = arith.constant 0 : i32
      %dma_wait3A_194 = arith.constant 0 : i32
      %dma_wait3A_195 = tpu.memref_slice %arg14[%dma_wait3A_193, %dma_wait3A_194] : memref<51200x32xf32, #tpu.memory_space<vmem_shared>> -> memref<51200x32xf32, #tpu.memory_space<vmem_shared>>
      tpu.wait_indirect_dma semaphore(%arg24 : memref<!tpu.dma_semaphore, #tpu.memory_space<semaphore_mem>>) src(%arg11 : memref<125x32xf32, #tpu.memory_space<vmem>>) dst(%dma_wait3A_195 : memref<51200x32xf32, #tpu.memory_space<vmem_shared>>)
      %dma_start3A_196 = arith.constant 9 : i32
      %dma_start3A_197 = arith.constant 0 : i32
      %dma_start3A_198 = tpu.memref_slice %arg6[%dma_start3A_196, %dma_start3A_197] : memref<16x125xi32, #tpu.memory_space<vmem>> -> memref<1x125xi32, #tpu.memory_space<vmem>>
      %dma_start3A_199 = tpu.memref_squeeze %dma_start3A_198 : memref<1x125xi32, #tpu.memory_space<vmem>> -> memref<125xi32, #tpu.memory_space<vmem>>
      %dma_start3A_200 = arith.constant 0 : i32
      %dma_start3A_201 = arith.constant 0 : i32
      %dma_start3A_202 = tpu.memref_slice %arg2[%dma_start3A_200, %dma_start3A_201] : memref<51200x32xf32, #tpu.memory_space<hbm>> -> memref<51200x32xf32, #tpu.memory_space<hbm>>
      tpu.enqueue_indirect_dma source(%dma_start3A_202 : memref<51200x32xf32, #tpu.memory_space<hbm>>) target(%arg11 : memref<125x32xf32, #tpu.memory_space<vmem>>) offsets(%dma_start3A_199 : memref<125xi32, #tpu.memory_space<vmem>>) semaphore(%arg18 : memref<!tpu.dma_semaphore, #tpu.memory_space<semaphore_mem>>)
      %dma_wait3A_203 = arith.constant 6 : i32
      %dma_wait3A_204 = arith.constant 0 : i32
      %dma_wait3A_205 = tpu.memref_slice %arg6[%dma_wait3A_203, %dma_wait3A_204] : memref<16x125xi32, #tpu.memory_space<vmem>> -> memref<1x125xi32, #tpu.memory_space<vmem>>
      %dma_wait3A_206 = tpu.memref_squeeze %dma_wait3A_205 : memref<1x125xi32, #tpu.memory_space<vmem>> -> memref<125xi32, #tpu.memory_space<vmem>>
      %dma_wait3A_207 = arith.constant 0 : i32
      %dma_wait3A_208 = arith.constant 0 : i32
      %dma_wait3A_209 = tpu.memref_slice %arg2[%dma_wait3A_207, %dma_wait3A_208] : memref<51200x32xf32, #tpu.memory_space<hbm>> -> memref<51200x32xf32, #tpu.memory_space<hbm>>
      tpu.wait_indirect_dma semaphore(%arg15 : memref<!tpu.dma_semaphore, #tpu.memory_space<semaphore_mem>>) src(%dma_wait3A_209 : memref<51200x32xf32, #tpu.memory_space<hbm>>) dst(%arg8 : memref<125x32xf32, #tpu.memory_space<vmem>>)
      %dma_start3A_210 = arith.constant 6 : i32
      %dma_start3A_211 = arith.constant 0 : i32
      %dma_start3A_212 = tpu.memref_slice %arg7[%dma_start3A_210, %dma_start3A_211] : memref<16x125xi32, #tpu.memory_space<vmem>> -> memref<1x125xi32, #tpu.memory_space<vmem>>
      %dma_start3A_213 = tpu.memref_squeeze %dma_start3A_212 : memref<1x125xi32, #tpu.memory_space<vmem>> -> memref<125xi32, #tpu.memory_space<vmem>>
      %dma_start3A_214 = arith.constant 0 : i32
      %dma_start3A_215 = arith.constant 0 : i32
      %dma_start3A_216 = tpu.memref_slice %arg14[%dma_start3A_214, %dma_start3A_215] : memref<51200x32xf32, #tpu.memory_space<vmem_shared>> -> memref<51200x32xf32, #tpu.memory_space<vmem_shared>>
      tpu.enqueue_indirect_dma source(%arg8 : memref<125x32xf32, #tpu.memory_space<vmem>>) target(%dma_start3A_216 : memref<51200x32xf32, #tpu.memory_space<vmem_shared>>) offsets(%dma_start3A_213 : memref<125xi32, #tpu.memory_space<vmem>>) semaphore(%arg21 : memref<!tpu.dma_semaphore, #tpu.memory_space<semaphore_mem>>) {add = true}
      %dma_wait3A_217 = arith.constant 4 : i32
      %dma_wait3A_218 = arith.constant 0 : i32
      %dma_wait3A_219 = tpu.memref_slice %arg7[%dma_wait3A_217, %dma_wait3A_218] : memref<16x125xi32, #tpu.memory_space<vmem>> -> memref<1x125xi32, #tpu.memory_space<vmem>>
      %dma_wait3A_220 = tpu.memref_squeeze %dma_wait3A_219 : memref<1x125xi32, #tpu.memory_space<vmem>> -> memref<125xi32, #tpu.memory_space<vmem>>
      %dma_wait3A_221 = arith.constant 0 : i32
      %dma_wait3A_222 = arith.constant 0 : i32
      %dma_wait3A_223 = tpu.memref_slice %arg14[%dma_wait3A_221, %dma_wait3A_222] : memref<51200x32xf32, #tpu.memory_space<vmem_shared>> -> memref<51200x32xf32, #tpu.memory_space<vmem_shared>>
      tpu.wait_indirect_dma semaphore(%arg25 : memref<!tpu.dma_semaphore, #tpu.memory_space<semaphore_mem>>) src(%arg12 : memref<125x32xf32, #tpu.memory_space<vmem>>) dst(%dma_wait3A_223 : memref<51200x32xf32, #tpu.memory_space<vmem_shared>>)
      %dma_start3A_224 = arith.constant 10 : i32
      %dma_start3A_225 = arith.constant 0 : i32
      %dma_start3A_226 = tpu.memref_slice %arg6[%dma_start3A_224, %dma_start3A_225] : memref<16x125xi32, #tpu.memory_space<vmem>> -> memref<1x125xi32, #tpu.memory_space<vmem>>
      %dma_start3A_227 = tpu.memref_squeeze %dma_start3A_226 : memref<1x125xi32, #tpu.memory_space<vmem>> -> memref<125xi32, #tpu.memory_space<vmem>>
      %dma_start3A_228 = arith.constant 0 : i32
      %dma_start3A_229 = arith.constant 0 : i32
      %dma_start3A_230 = tpu.memref_slice %arg2[%dma_start3A_228, %dma_start3A_229] : memref<51200x32xf32, #tpu.memory_space<hbm>> -> memref<51200x32xf32, #tpu.memory_space<hbm>>
      tpu.enqueue_indirect_dma source(%dma_start3A_230 : memref<51200x32xf32, #tpu.memory_space<hbm>>) target(%arg12 : memref<125x32xf32, #tpu.memory_space<vmem>>) offsets(%dma_start3A_227 : memref<125xi32, #tpu.memory_space<vmem>>) semaphore(%arg19 : memref<!tpu.dma_semaphore, #tpu.memory_space<semaphore_mem>>)
      %dma_wait3A_231 = arith.constant 7 : i32
      %dma_wait3A_232 = arith.constant 0 : i32
      %dma_wait3A_233 = tpu.memref_slice %arg6[%dma_wait3A_231, %dma_wait3A_232] : memref<16x125xi32, #tpu.memory_space<vmem>> -> memref<1x125xi32, #tpu.memory_space<vmem>>
      %dma_wait3A_234 = tpu.memref_squeeze %dma_wait3A_233 : memref<1x125xi32, #tpu.memory_space<vmem>> -> memref<125xi32, #tpu.memory_space<vmem>>
      %dma_wait3A_235 = arith.constant 0 : i32
      %dma_wait3A_236 = arith.constant 0 : i32
      %dma_wait3A_237 = tpu.memref_slice %arg2[%dma_wait3A_235, %dma_wait3A_236] : memref<51200x32xf32, #tpu.memory_space<hbm>> -> memref<51200x32xf32, #tpu.memory_space<hbm>>
      tpu.wait_indirect_dma semaphore(%arg16 : memref<!tpu.dma_semaphore, #tpu.memory_space<semaphore_mem>>) src(%dma_wait3A_237 : memref<51200x32xf32, #tpu.memory_space<hbm>>) dst(%arg9 : memref<125x32xf32, #tpu.memory_space<vmem>>)
      %dma_start3A_238 = arith.constant 7 : i32
      %dma_start3A_239 = arith.constant 0 : i32
      %dma_start3A_240 = tpu.memref_slice %arg7[%dma_start3A_238, %dma_start3A_239] : memref<16x125xi32, #tpu.memory_space<vmem>> -> memref<1x125xi32, #tpu.memory_space<vmem>>
      %dma_start3A_241 = tpu.memref_squeeze %dma_start3A_240 : memref<1x125xi32, #tpu.memory_space<vmem>> -> memref<125xi32, #tpu.memory_space<vmem>>
      %dma_start3A_242 = arith.constant 0 : i32
      %dma_start3A_243 = arith.constant 0 : i32
      %dma_start3A_244 = tpu.memref_slice %arg14[%dma_start3A_242, %dma_start3A_243] : memref<51200x32xf32, #tpu.memory_space<vmem_shared>> -> memref<51200x32xf32, #tpu.memory_space<vmem_shared>>
      tpu.enqueue_indirect_dma source(%arg9 : memref<125x32xf32, #tpu.memory_space<vmem>>) target(%dma_start3A_244 : memref<51200x32xf32, #tpu.memory_space<vmem_shared>>) offsets(%dma_start3A_241 : memref<125xi32, #tpu.memory_space<vmem>>) semaphore(%arg22 : memref<!tpu.dma_semaphore, #tpu.memory_space<semaphore_mem>>) {add = true}
      %dma_wait3A_245 = arith.constant 5 : i32
      %dma_wait3A_246 = arith.constant 0 : i32
      %dma_wait3A_247 = tpu.memref_slice %arg7[%dma_wait3A_245, %dma_wait3A_246] : memref<16x125xi32, #tpu.memory_space<vmem>> -> memref<1x125xi32, #tpu.memory_space<vmem>>
      %dma_wait3A_248 = tpu.memref_squeeze %dma_wait3A_247 : memref<1x125xi32, #tpu.memory_space<vmem>> -> memref<125xi32, #tpu.memory_space<vmem>>
      %dma_wait3A_249 = arith.constant 0 : i32
      %dma_wait3A_250 = arith.constant 0 : i32
      %dma_wait3A_251 = tpu.memref_slice %arg14[%dma_wait3A_249, %dma_wait3A_250] : memref<51200x32xf32, #tpu.memory_space<vmem_shared>> -> memref<51200x32xf32, #tpu.memory_space<vmem_shared>>
      tpu.wait_indirect_dma semaphore(%arg26 : memref<!tpu.dma_semaphore, #tpu.memory_space<semaphore_mem>>) src(%arg13 : memref<125x32xf32, #tpu.memory_space<vmem>>) dst(%dma_wait3A_251 : memref<51200x32xf32, #tpu.memory_space<vmem_shared>>)
      %dma_start3A_252 = arith.constant 11 : i32
      %dma_start3A_253 = arith.constant 0 : i32
      %dma_start3A_254 = tpu.memref_slice %arg6[%dma_start3A_252, %dma_start3A_253] : memref<16x125xi32, #tpu.memory_space<vmem>> -> memref<1x125xi32, #tpu.memory_space<vmem>>
      %dma_start3A_255 = tpu.memref_squeeze %dma_start3A_254 : memref<1x125xi32, #tpu.memory_space<vmem>> -> memref<125xi32, #tpu.memory_space<vmem>>
      %dma_start3A_256 = arith.constant 0 : i32
      %dma_start3A_257 = arith.constant 0 : i32
      %dma_start3A_258 = tpu.memref_slice %arg2[%dma_start3A_256, %dma_start3A_257] : memref<51200x32xf32, #tpu.memory_space<hbm>> -> memref<51200x32xf32, #tpu.memory_space<hbm>>
      tpu.enqueue_indirect_dma source(%dma_start3A_258 : memref<51200x32xf32, #tpu.memory_space<hbm>>) target(%arg13 : memref<125x32xf32, #tpu.memory_space<vmem>>) offsets(%dma_start3A_255 : memref<125xi32, #tpu.memory_space<vmem>>) semaphore(%arg20 : memref<!tpu.dma_semaphore, #tpu.memory_space<semaphore_mem>>)
      %dma_wait3A_259 = arith.constant 8 : i32
      %dma_wait3A_260 = arith.constant 0 : i32
      %dma_wait3A_261 = tpu.memref_slice %arg6[%dma_wait3A_259, %dma_wait3A_260] : memref<16x125xi32, #tpu.memory_space<vmem>> -> memref<1x125xi32, #tpu.memory_space<vmem>>
      %dma_wait3A_262 = tpu.memref_squeeze %dma_wait3A_261 : memref<1x125xi32, #tpu.memory_space<vmem>> -> memref<125xi32, #tpu.memory_space<vmem>>
      %dma_wait3A_263 = arith.constant 0 : i32
      %dma_wait3A_264 = arith.constant 0 : i32
      %dma_wait3A_265 = tpu.memref_slice %arg2[%dma_wait3A_263, %dma_wait3A_264] : memref<51200x32xf32, #tpu.memory_space<hbm>> -> memref<51200x32xf32, #tpu.memory_space<hbm>>
      tpu.wait_indirect_dma semaphore(%arg17 : memref<!tpu.dma_semaphore, #tpu.memory_space<semaphore_mem>>) src(%dma_wait3A_265 : memref<51200x32xf32, #tpu.memory_space<hbm>>) dst(%arg10 : memref<125x32xf32, #tpu.memory_space<vmem>>)
      %dma_start3A_266 = arith.constant 8 : i32
      %dma_start3A_267 = arith.constant 0 : i32
      %dma_start3A_268 = tpu.memref_slice %arg7[%dma_start3A_266, %dma_start3A_267] : memref<16x125xi32, #tpu.memory_space<vmem>> -> memref<1x125xi32, #tpu.memory_space<vmem>>
      %dma_start3A_269 = tpu.memref_squeeze %dma_start3A_268 : memref<1x125xi32, #tpu.memory_space<vmem>> -> memref<125xi32, #tpu.memory_space<vmem>>
      %dma_start3A_270 = arith.constant 0 : i32
      %dma_start3A_271 = arith.constant 0 : i32
      %dma_start3A_272 = tpu.memref_slice %arg14[%dma_start3A_270, %dma_start3A_271] : memref<51200x32xf32, #tpu.memory_space<vmem_shared>> -> memref<51200x32xf32, #tpu.memory_space<vmem_shared>>
      tpu.enqueue_indirect_dma source(%arg10 : memref<125x32xf32, #tpu.memory_space<vmem>>) target(%dma_start3A_272 : memref<51200x32xf32, #tpu.memory_space<vmem_shared>>) offsets(%dma_start3A_269 : memref<125xi32, #tpu.memory_space<vmem>>) semaphore(%arg23 : memref<!tpu.dma_semaphore, #tpu.memory_space<semaphore_mem>>) {add = true}
      %dma_wait3A_273 = arith.constant 6 : i32
      %dma_wait3A_274 = arith.constant 0 : i32
      %dma_wait3A_275 = tpu.memref_slice %arg7[%dma_wait3A_273, %dma_wait3A_274] : memref<16x125xi32, #tpu.memory_space<vmem>> -> memref<1x125xi32, #tpu.memory_space<vmem>>
      %dma_wait3A_276 = tpu.memref_squeeze %dma_wait3A_275 : memref<1x125xi32, #tpu.memory_space<vmem>> -> memref<125xi32, #tpu.memory_space<vmem>>
      %dma_wait3A_277 = arith.constant 0 : i32
      %dma_wait3A_278 = arith.constant 0 : i32
      %dma_wait3A_279 = tpu.memref_slice %arg14[%dma_wait3A_277, %dma_wait3A_278] : memref<51200x32xf32, #tpu.memory_space<vmem_shared>> -> memref<51200x32xf32, #tpu.memory_space<vmem_shared>>
      tpu.wait_indirect_dma semaphore(%arg21 : memref<!tpu.dma_semaphore, #tpu.memory_space<semaphore_mem>>) src(%arg8 : memref<125x32xf32, #tpu.memory_space<vmem>>) dst(%dma_wait3A_279 : memref<51200x32xf32, #tpu.memory_space<vmem_shared>>)
      %dma_start3A_280 = arith.constant 12 : i32
      %dma_start3A_281 = arith.constant 0 : i32
      %dma_start3A_282 = tpu.memref_slice %arg6[%dma_start3A_280, %dma_start3A_281] : memref<16x125xi32, #tpu.memory_space<vmem>> -> memref<1x125xi32, #tpu.memory_space<vmem>>
      %dma_start3A_283 = tpu.memref_squeeze %dma_start3A_282 : memref<1x125xi32, #tpu.memory_space<vmem>> -> memref<125xi32, #tpu.memory_space<vmem>>
      %dma_start3A_284 = arith.constant 0 : i32
      %dma_start3A_285 = arith.constant 0 : i32
      %dma_start3A_286 = tpu.memref_slice %arg2[%dma_start3A_284, %dma_start3A_285] : memref<51200x32xf32, #tpu.memory_space<hbm>> -> memref<51200x32xf32, #tpu.memory_space<hbm>>
      tpu.enqueue_indirect_dma source(%dma_start3A_286 : memref<51200x32xf32, #tpu.memory_space<hbm>>) target(%arg8 : memref<125x32xf32, #tpu.memory_space<vmem>>) offsets(%dma_start3A_283 : memref<125xi32, #tpu.memory_space<vmem>>) semaphore(%arg15 : memref<!tpu.dma_semaphore, #tpu.memory_space<semaphore_mem>>)
      %dma_wait3A_287 = arith.constant 9 : i32
      %dma_wait3A_288 = arith.constant 0 : i32
      %dma_wait3A_289 = tpu.memref_slice %arg6[%dma_wait3A_287, %dma_wait3A_288] : memref<16x125xi32, #tpu.memory_space<vmem>> -> memref<1x125xi32, #tpu.memory_space<vmem>>
      %dma_wait3A_290 = tpu.memref_squeeze %dma_wait3A_289 : memref<1x125xi32, #tpu.memory_space<vmem>> -> memref<125xi32, #tpu.memory_space<vmem>>
      %dma_wait3A_291 = arith.constant 0 : i32
      %dma_wait3A_292 = arith.constant 0 : i32
      %dma_wait3A_293 = tpu.memref_slice %arg2[%dma_wait3A_291, %dma_wait3A_292] : memref<51200x32xf32, #tpu.memory_space<hbm>> -> memref<51200x32xf32, #tpu.memory_space<hbm>>
      tpu.wait_indirect_dma semaphore(%arg18 : memref<!tpu.dma_semaphore, #tpu.memory_space<semaphore_mem>>) src(%dma_wait3A_293 : memref<51200x32xf32, #tpu.memory_space<hbm>>) dst(%arg11 : memref<125x32xf32, #tpu.memory_space<vmem>>)
      %dma_start3A_294 = arith.constant 9 : i32
      %dma_start3A_295 = arith.constant 0 : i32
      %dma_start3A_296 = tpu.memref_slice %arg7[%dma_start3A_294, %dma_start3A_295] : memref<16x125xi32, #tpu.memory_space<vmem>> -> memref<1x125xi32, #tpu.memory_space<vmem>>
      %dma_start3A_297 = tpu.memref_squeeze %dma_start3A_296 : memref<1x125xi32, #tpu.memory_space<vmem>> -> memref<125xi32, #tpu.memory_space<vmem>>
      %dma_start3A_298 = arith.constant 0 : i32
      %dma_start3A_299 = arith.constant 0 : i32
      %dma_start3A_300 = tpu.memref_slice %arg14[%dma_start3A_298, %dma_start3A_299] : memref<51200x32xf32, #tpu.memory_space<vmem_shared>> -> memref<51200x32xf32, #tpu.memory_space<vmem_shared>>
      tpu.enqueue_indirect_dma source(%arg11 : memref<125x32xf32, #tpu.memory_space<vmem>>) target(%dma_start3A_300 : memref<51200x32xf32, #tpu.memory_space<vmem_shared>>) offsets(%dma_start3A_297 : memref<125xi32, #tpu.memory_space<vmem>>) semaphore(%arg24 : memref<!tpu.dma_semaphore, #tpu.memory_space<semaphore_mem>>) {add = true}
      %dma_wait3A_301 = arith.constant 7 : i32
      %dma_wait3A_302 = arith.constant 0 : i32
      %dma_wait3A_303 = tpu.memref_slice %arg7[%dma_wait3A_301, %dma_wait3A_302] : memref<16x125xi32, #tpu.memory_space<vmem>> -> memref<1x125xi32, #tpu.memory_space<vmem>>
      %dma_wait3A_304 = tpu.memref_squeeze %dma_wait3A_303 : memref<1x125xi32, #tpu.memory_space<vmem>> -> memref<125xi32, #tpu.memory_space<vmem>>
      %dma_wait3A_305 = arith.constant 0 : i32
      %dma_wait3A_306 = arith.constant 0 : i32
      %dma_wait3A_307 = tpu.memref_slice %arg14[%dma_wait3A_305, %dma_wait3A_306] : memref<51200x32xf32, #tpu.memory_space<vmem_shared>> -> memref<51200x32xf32, #tpu.memory_space<vmem_shared>>
      tpu.wait_indirect_dma semaphore(%arg22 : memref<!tpu.dma_semaphore, #tpu.memory_space<semaphore_mem>>) src(%arg9 : memref<125x32xf32, #tpu.memory_space<vmem>>) dst(%dma_wait3A_307 : memref<51200x32xf32, #tpu.memory_space<vmem_shared>>)
      %dma_start3A_308 = arith.constant 13 : i32
      %dma_start3A_309 = arith.constant 0 : i32
      %dma_start3A_310 = tpu.memref_slice %arg6[%dma_start3A_308, %dma_start3A_309] : memref<16x125xi32, #tpu.memory_space<vmem>> -> memref<1x125xi32, #tpu.memory_space<vmem>>
      %dma_start3A_311 = tpu.memref_squeeze %dma_start3A_310 : memref<1x125xi32, #tpu.memory_space<vmem>> -> memref<125xi32, #tpu.memory_space<vmem>>
      %dma_start3A_312 = arith.constant 0 : i32
      %dma_start3A_313 = arith.constant 0 : i32
      %dma_start3A_314 = tpu.memref_slice %arg2[%dma_start3A_312, %dma_start3A_313] : memref<51200x32xf32, #tpu.memory_space<hbm>> -> memref<51200x32xf32, #tpu.memory_space<hbm>>
      tpu.enqueue_indirect_dma source(%dma_start3A_314 : memref<51200x32xf32, #tpu.memory_space<hbm>>) target(%arg9 : memref<125x32xf32, #tpu.memory_space<vmem>>) offsets(%dma_start3A_311 : memref<125xi32, #tpu.memory_space<vmem>>) semaphore(%arg16 : memref<!tpu.dma_semaphore, #tpu.memory_space<semaphore_mem>>)
      %dma_wait3A_315 = arith.constant 10 : i32
      %dma_wait3A_316 = arith.constant 0 : i32
      %dma_wait3A_317 = tpu.memref_slice %arg6[%dma_wait3A_315, %dma_wait3A_316] : memref<16x125xi32, #tpu.memory_space<vmem>> -> memref<1x125xi32, #tpu.memory_space<vmem>>
      %dma_wait3A_318 = tpu.memref_squeeze %dma_wait3A_317 : memref<1x125xi32, #tpu.memory_space<vmem>> -> memref<125xi32, #tpu.memory_space<vmem>>
      %dma_wait3A_319 = arith.constant 0 : i32
      %dma_wait3A_320 = arith.constant 0 : i32
      %dma_wait3A_321 = tpu.memref_slice %arg2[%dma_wait3A_319, %dma_wait3A_320] : memref<51200x32xf32, #tpu.memory_space<hbm>> -> memref<51200x32xf32, #tpu.memory_space<hbm>>
      tpu.wait_indirect_dma semaphore(%arg19 : memref<!tpu.dma_semaphore, #tpu.memory_space<semaphore_mem>>) src(%dma_wait3A_321 : memref<51200x32xf32, #tpu.memory_space<hbm>>) dst(%arg12 : memref<125x32xf32, #tpu.memory_space<vmem>>)
      %dma_start3A_322 = arith.constant 10 : i32
      %dma_start3A_323 = arith.constant 0 : i32
      %dma_start3A_324 = tpu.memref_slice %arg7[%dma_start3A_322, %dma_start3A_323] : memref<16x125xi32, #tpu.memory_space<vmem>> -> memref<1x125xi32, #tpu.memory_space<vmem>>
      %dma_start3A_325 = tpu.memref_squeeze %dma_start3A_324 : memref<1x125xi32, #tpu.memory_space<vmem>> -> memref<125xi32, #tpu.memory_space<vmem>>
      %dma_start3A_326 = arith.constant 0 : i32
      %dma_start3A_327 = arith.constant 0 : i32
      %dma_start3A_328 = tpu.memref_slice %arg14[%dma_start3A_326, %dma_start3A_327] : memref<51200x32xf32, #tpu.memory_space<vmem_shared>> -> memref<51200x32xf32, #tpu.memory_space<vmem_shared>>
      tpu.enqueue_indirect_dma source(%arg12 : memref<125x32xf32, #tpu.memory_space<vmem>>) target(%dma_start3A_328 : memref<51200x32xf32, #tpu.memory_space<vmem_shared>>) offsets(%dma_start3A_325 : memref<125xi32, #tpu.memory_space<vmem>>) semaphore(%arg25 : memref<!tpu.dma_semaphore, #tpu.memory_space<semaphore_mem>>) {add = true}
      %dma_wait3A_329 = arith.constant 8 : i32
      %dma_wait3A_330 = arith.constant 0 : i32
      %dma_wait3A_331 = tpu.memref_slice %arg7[%dma_wait3A_329, %dma_wait3A_330] : memref<16x125xi32, #tpu.memory_space<vmem>> -> memref<1x125xi32, #tpu.memory_space<vmem>>
      %dma_wait3A_332 = tpu.memref_squeeze %dma_wait3A_331 : memref<1x125xi32, #tpu.memory_space<vmem>> -> memref<125xi32, #tpu.memory_space<vmem>>
      %dma_wait3A_333 = arith.constant 0 : i32
      %dma_wait3A_334 = arith.constant 0 : i32
      %dma_wait3A_335 = tpu.memref_slice %arg14[%dma_wait3A_333, %dma_wait3A_334] : memref<51200x32xf32, #tpu.memory_space<vmem_shared>> -> memref<51200x32xf32, #tpu.memory_space<vmem_shared>>
      tpu.wait_indirect_dma semaphore(%arg23 : memref<!tpu.dma_semaphore, #tpu.memory_space<semaphore_mem>>) src(%arg10 : memref<125x32xf32, #tpu.memory_space<vmem>>) dst(%dma_wait3A_335 : memref<51200x32xf32, #tpu.memory_space<vmem_shared>>)
      %dma_start3A_336 = arith.constant 14 : i32
      %dma_start3A_337 = arith.constant 0 : i32
      %dma_start3A_338 = tpu.memref_slice %arg6[%dma_start3A_336, %dma_start3A_337] : memref<16x125xi32, #tpu.memory_space<vmem>> -> memref<1x125xi32, #tpu.memory_space<vmem>>
      %dma_start3A_339 = tpu.memref_squeeze %dma_start3A_338 : memref<1x125xi32, #tpu.memory_space<vmem>> -> memref<125xi32, #tpu.memory_space<vmem>>
      %dma_start3A_340 = arith.constant 0 : i32
      %dma_start3A_341 = arith.constant 0 : i32
      %dma_start3A_342 = tpu.memref_slice %arg2[%dma_start3A_340, %dma_start3A_341] : memref<51200x32xf32, #tpu.memory_space<hbm>> -> memref<51200x32xf32, #tpu.memory_space<hbm>>
      tpu.enqueue_indirect_dma source(%dma_start3A_342 : memref<51200x32xf32, #tpu.memory_space<hbm>>) target(%arg10 : memref<125x32xf32, #tpu.memory_space<vmem>>) offsets(%dma_start3A_339 : memref<125xi32, #tpu.memory_space<vmem>>) semaphore(%arg17 : memref<!tpu.dma_semaphore, #tpu.memory_space<semaphore_mem>>)
      %dma_wait3A_343 = arith.constant 11 : i32
      %dma_wait3A_344 = arith.constant 0 : i32
      %dma_wait3A_345 = tpu.memref_slice %arg6[%dma_wait3A_343, %dma_wait3A_344] : memref<16x125xi32, #tpu.memory_space<vmem>> -> memref<1x125xi32, #tpu.memory_space<vmem>>
      %dma_wait3A_346 = tpu.memref_squeeze %dma_wait3A_345 : memref<1x125xi32, #tpu.memory_space<vmem>> -> memref<125xi32, #tpu.memory_space<vmem>>
      %dma_wait3A_347 = arith.constant 0 : i32
      %dma_wait3A_348 = arith.constant 0 : i32
      %dma_wait3A_349 = tpu.memref_slice %arg2[%dma_wait3A_347, %dma_wait3A_348] : memref<51200x32xf32, #tpu.memory_space<hbm>> -> memref<51200x32xf32, #tpu.memory_space<hbm>>
      tpu.wait_indirect_dma semaphore(%arg20 : memref<!tpu.dma_semaphore, #tpu.memory_space<semaphore_mem>>) src(%dma_wait3A_349 : memref<51200x32xf32, #tpu.memory_space<hbm>>) dst(%arg13 : memref<125x32xf32, #tpu.memory_space<vmem>>)
      %dma_start3A_350 = arith.constant 11 : i32
      %dma_start3A_351 = arith.constant 0 : i32
      %dma_start3A_352 = tpu.memref_slice %arg7[%dma_start3A_350, %dma_start3A_351] : memref<16x125xi32, #tpu.memory_space<vmem>> -> memref<1x125xi32, #tpu.memory_space<vmem>>
      %dma_start3A_353 = tpu.memref_squeeze %dma_start3A_352 : memref<1x125xi32, #tpu.memory_space<vmem>> -> memref<125xi32, #tpu.memory_space<vmem>>
      %dma_start3A_354 = arith.constant 0 : i32
      %dma_start3A_355 = arith.constant 0 : i32
      %dma_start3A_356 = tpu.memref_slice %arg14[%dma_start3A_354, %dma_start3A_355] : memref<51200x32xf32, #tpu.memory_space<vmem_shared>> -> memref<51200x32xf32, #tpu.memory_space<vmem_shared>>
      tpu.enqueue_indirect_dma source(%arg13 : memref<125x32xf32, #tpu.memory_space<vmem>>) target(%dma_start3A_356 : memref<51200x32xf32, #tpu.memory_space<vmem_shared>>) offsets(%dma_start3A_353 : memref<125xi32, #tpu.memory_space<vmem>>) semaphore(%arg26 : memref<!tpu.dma_semaphore, #tpu.memory_space<semaphore_mem>>) {add = true}
      %dma_wait3A_357 = arith.constant 9 : i32
      %dma_wait3A_358 = arith.constant 0 : i32
      %dma_wait3A_359 = tpu.memref_slice %arg7[%dma_wait3A_357, %dma_wait3A_358] : memref<16x125xi32, #tpu.memory_space<vmem>> -> memref<1x125xi32, #tpu.memory_space<vmem>>
      %dma_wait3A_360 = tpu.memref_squeeze %dma_wait3A_359 : memref<1x125xi32, #tpu.memory_space<vmem>> -> memref<125xi32, #tpu.memory_space<vmem>>
      %dma_wait3A_361 = arith.constant 0 : i32
      %dma_wait3A_362 = arith.constant 0 : i32
      %dma_wait3A_363 = tpu.memref_slice %arg14[%dma_wait3A_361, %dma_wait3A_362] : memref<51200x32xf32, #tpu.memory_space<vmem_shared>> -> memref<51200x32xf32, #tpu.memory_space<vmem_shared>>
      tpu.wait_indirect_dma semaphore(%arg24 : memref<!tpu.dma_semaphore, #tpu.memory_space<semaphore_mem>>) src(%arg11 : memref<125x32xf32, #tpu.memory_space<vmem>>) dst(%dma_wait3A_363 : memref<51200x32xf32, #tpu.memory_space<vmem_shared>>)
      %dma_start3A_364 = arith.constant 15 : i32
      %dma_start3A_365 = arith.constant 0 : i32
      %dma_start3A_366 = tpu.memref_slice %arg6[%dma_start3A_364, %dma_start3A_365] : memref<16x125xi32, #tpu.memory_space<vmem>> -> memref<1x125xi32, #tpu.memory_space<vmem>>
      %dma_start3A_367 = tpu.memref_squeeze %dma_start3A_366 : memref<1x125xi32, #tpu.memory_space<vmem>> -> memref<125xi32, #tpu.memory_space<vmem>>
      %dma_start3A_368 = arith.constant 0 : i32
      %dma_start3A_369 = arith.constant 0 : i32
      %dma_start3A_370 = tpu.memref_slice %arg2[%dma_start3A_368, %dma_start3A_369] : memref<51200x32xf32, #tpu.memory_space<hbm>> -> memref<51200x32xf32, #tpu.memory_space<hbm>>
      tpu.enqueue_indirect_dma source(%dma_start3A_370 : memref<51200x32xf32, #tpu.memory_space<hbm>>) target(%arg11 : memref<125x32xf32, #tpu.memory_space<vmem>>) offsets(%dma_start3A_367 : memref<125xi32, #tpu.memory_space<vmem>>) semaphore(%arg18 : memref<!tpu.dma_semaphore, #tpu.memory_space<semaphore_mem>>)
      %dma_wait3A_371 = arith.constant 12 : i32
      %dma_wait3A_372 = arith.constant 0 : i32
      %dma_wait3A_373 = tpu.memref_slice %arg6[%dma_wait3A_371, %dma_wait3A_372] : memref<16x125xi32, #tpu.memory_space<vmem>> -> memref<1x125xi32, #tpu.memory_space<vmem>>
      %dma_wait3A_374 = tpu.memref_squeeze %dma_wait3A_373 : memref<1x125xi32, #tpu.memory_space<vmem>> -> memref<125xi32, #tpu.memory_space<vmem>>
      %dma_wait3A_375 = arith.constant 0 : i32
      %dma_wait3A_376 = arith.constant 0 : i32
      %dma_wait3A_377 = tpu.memref_slice %arg2[%dma_wait3A_375, %dma_wait3A_376] : memref<51200x32xf32, #tpu.memory_space<hbm>> -> memref<51200x32xf32, #tpu.memory_space<hbm>>
      tpu.wait_indirect_dma semaphore(%arg15 : memref<!tpu.dma_semaphore, #tpu.memory_space<semaphore_mem>>) src(%dma_wait3A_377 : memref<51200x32xf32, #tpu.memory_space<hbm>>) dst(%arg8 : memref<125x32xf32, #tpu.memory_space<vmem>>)
      %dma_start3A_378 = arith.constant 12 : i32
      %dma_start3A_379 = arith.constant 0 : i32
      %dma_start3A_380 = tpu.memref_slice %arg7[%dma_start3A_378, %dma_start3A_379] : memref<16x125xi32, #tpu.memory_space<vmem>> -> memref<1x125xi32, #tpu.memory_space<vmem>>
      %dma_start3A_381 = tpu.memref_squeeze %dma_start3A_380 : memref<1x125xi32, #tpu.memory_space<vmem>> -> memref<125xi32, #tpu.memory_space<vmem>>
      %dma_start3A_382 = arith.constant 0 : i32
      %dma_start3A_383 = arith.constant 0 : i32
      %dma_start3A_384 = tpu.memref_slice %arg14[%dma_start3A_382, %dma_start3A_383] : memref<51200x32xf32, #tpu.memory_space<vmem_shared>> -> memref<51200x32xf32, #tpu.memory_space<vmem_shared>>
      tpu.enqueue_indirect_dma source(%arg8 : memref<125x32xf32, #tpu.memory_space<vmem>>) target(%dma_start3A_384 : memref<51200x32xf32, #tpu.memory_space<vmem_shared>>) offsets(%dma_start3A_381 : memref<125xi32, #tpu.memory_space<vmem>>) semaphore(%arg21 : memref<!tpu.dma_semaphore, #tpu.memory_space<semaphore_mem>>) {add = true}
      %dma_wait3A_385 = arith.constant 13 : i32
      %dma_wait3A_386 = arith.constant 0 : i32
      %dma_wait3A_387 = tpu.memref_slice %arg6[%dma_wait3A_385, %dma_wait3A_386] : memref<16x125xi32, #tpu.memory_space<vmem>> -> memref<1x125xi32, #tpu.memory_space<vmem>>
      %dma_wait3A_388 = tpu.memref_squeeze %dma_wait3A_387 : memref<1x125xi32, #tpu.memory_space<vmem>> -> memref<125xi32, #tpu.memory_space<vmem>>
      %dma_wait3A_389 = arith.constant 0 : i32
      %dma_wait3A_390 = arith.constant 0 : i32
      %dma_wait3A_391 = tpu.memref_slice %arg2[%dma_wait3A_389, %dma_wait3A_390] : memref<51200x32xf32, #tpu.memory_space<hbm>> -> memref<51200x32xf32, #tpu.memory_space<hbm>>
      tpu.wait_indirect_dma semaphore(%arg16 : memref<!tpu.dma_semaphore, #tpu.memory_space<semaphore_mem>>) src(%dma_wait3A_391 : memref<51200x32xf32, #tpu.memory_space<hbm>>) dst(%arg9 : memref<125x32xf32, #tpu.memory_space<vmem>>)
      %dma_start3A_392 = arith.constant 13 : i32
      %dma_start3A_393 = arith.constant 0 : i32
      %dma_start3A_394 = tpu.memref_slice %arg7[%dma_start3A_392, %dma_start3A_393] : memref<16x125xi32, #tpu.memory_space<vmem>> -> memref<1x125xi32, #tpu.memory_space<vmem>>
      %dma_start3A_395 = tpu.memref_squeeze %dma_start3A_394 : memref<1x125xi32, #tpu.memory_space<vmem>> -> memref<125xi32, #tpu.memory_space<vmem>>
      %dma_start3A_396 = arith.constant 0 : i32
      %dma_start3A_397 = arith.constant 0 : i32
      %dma_start3A_398 = tpu.memref_slice %arg14[%dma_start3A_396, %dma_start3A_397] : memref<51200x32xf32, #tpu.memory_space<vmem_shared>> -> memref<51200x32xf32, #tpu.memory_space<vmem_shared>>
      tpu.enqueue_indirect_dma source(%arg9 : memref<125x32xf32, #tpu.memory_space<vmem>>) target(%dma_start3A_398 : memref<51200x32xf32, #tpu.memory_space<vmem_shared>>) offsets(%dma_start3A_395 : memref<125xi32, #tpu.memory_space<vmem>>) semaphore(%arg22 : memref<!tpu.dma_semaphore, #tpu.memory_space<semaphore_mem>>) {add = true}
      %dma_wait3A_399 = arith.constant 14 : i32
      %dma_wait3A_400 = arith.constant 0 : i32
      %dma_wait3A_401 = tpu.memref_slice %arg6[%dma_wait3A_399, %dma_wait3A_400] : memref<16x125xi32, #tpu.memory_space<vmem>> -> memref<1x125xi32, #tpu.memory_space<vmem>>
      %dma_wait3A_402 = tpu.memref_squeeze %dma_wait3A_401 : memref<1x125xi32, #tpu.memory_space<vmem>> -> memref<125xi32, #tpu.memory_space<vmem>>
      %dma_wait3A_403 = arith.constant 0 : i32
      %dma_wait3A_404 = arith.constant 0 : i32
      %dma_wait3A_405 = tpu.memref_slice %arg2[%dma_wait3A_403, %dma_wait3A_404] : memref<51200x32xf32, #tpu.memory_space<hbm>> -> memref<51200x32xf32, #tpu.memory_space<hbm>>
      tpu.wait_indirect_dma semaphore(%arg17 : memref<!tpu.dma_semaphore, #tpu.memory_space<semaphore_mem>>) src(%dma_wait3A_405 : memref<51200x32xf32, #tpu.memory_space<hbm>>) dst(%arg10 : memref<125x32xf32, #tpu.memory_space<vmem>>)
      %dma_start3A_406 = arith.constant 14 : i32
      %dma_start3A_407 = arith.constant 0 : i32
      %dma_start3A_408 = tpu.memref_slice %arg7[%dma_start3A_406, %dma_start3A_407] : memref<16x125xi32, #tpu.memory_space<vmem>> -> memref<1x125xi32, #tpu.memory_space<vmem>>
      %dma_start3A_409 = tpu.memref_squeeze %dma_start3A_408 : memref<1x125xi32, #tpu.memory_space<vmem>> -> memref<125xi32, #tpu.memory_space<vmem>>
      %dma_start3A_410 = arith.constant 0 : i32
      %dma_start3A_411 = arith.constant 0 : i32
      %dma_start3A_412 = tpu.memref_slice %arg14[%dma_start3A_410, %dma_start3A_411] : memref<51200x32xf32, #tpu.memory_space<vmem_shared>> -> memref<51200x32xf32, #tpu.memory_space<vmem_shared>>
      tpu.enqueue_indirect_dma source(%arg10 : memref<125x32xf32, #tpu.memory_space<vmem>>) target(%dma_start3A_412 : memref<51200x32xf32, #tpu.memory_space<vmem_shared>>) offsets(%dma_start3A_409 : memref<125xi32, #tpu.memory_space<vmem>>) semaphore(%arg23 : memref<!tpu.dma_semaphore, #tpu.memory_space<semaphore_mem>>) {add = true}
      %dma_wait3A_413 = arith.constant 15 : i32
      %dma_wait3A_414 = arith.constant 0 : i32
      %dma_wait3A_415 = tpu.memref_slice %arg6[%dma_wait3A_413, %dma_wait3A_414] : memref<16x125xi32, #tpu.memory_space<vmem>> -> memref<1x125xi32, #tpu.memory_space<vmem>>
      %dma_wait3A_416 = tpu.memref_squeeze %dma_wait3A_415 : memref<1x125xi32, #tpu.memory_space<vmem>> -> memref<125xi32, #tpu.memory_space<vmem>>
      %dma_wait3A_417 = arith.constant 0 : i32
      %dma_wait3A_418 = arith.constant 0 : i32
      %dma_wait3A_419 = tpu.memref_slice %arg2[%dma_wait3A_417, %dma_wait3A_418] : memref<51200x32xf32, #tpu.memory_space<hbm>> -> memref<51200x32xf32, #tpu.memory_space<hbm>>
      tpu.wait_indirect_dma semaphore(%arg18 : memref<!tpu.dma_semaphore, #tpu.memory_space<semaphore_mem>>) src(%dma_wait3A_419 : memref<51200x32xf32, #tpu.memory_space<hbm>>) dst(%arg11 : memref<125x32xf32, #tpu.memory_space<vmem>>)
      %dma_start3A_420 = arith.constant 15 : i32
      %dma_start3A_421 = arith.constant 0 : i32
      %dma_start3A_422 = tpu.memref_slice %arg7[%dma_start3A_420, %dma_start3A_421] : memref<16x125xi32, #tpu.memory_space<vmem>> -> memref<1x125xi32, #tpu.memory_space<vmem>>
      %dma_start3A_423 = tpu.memref_squeeze %dma_start3A_422 : memref<1x125xi32, #tpu.memory_space<vmem>> -> memref<125xi32, #tpu.memory_space<vmem>>
      %dma_start3A_424 = arith.constant 0 : i32
      %dma_start3A_425 = arith.constant 0 : i32
      %dma_start3A_426 = tpu.memref_slice %arg14[%dma_start3A_424, %dma_start3A_425] : memref<51200x32xf32, #tpu.memory_space<vmem_shared>> -> memref<51200x32xf32, #tpu.memory_space<vmem_shared>>
      tpu.enqueue_indirect_dma source(%arg11 : memref<125x32xf32, #tpu.memory_space<vmem>>) target(%dma_start3A_426 : memref<51200x32xf32, #tpu.memory_space<vmem_shared>>) offsets(%dma_start3A_423 : memref<125xi32, #tpu.memory_space<vmem>>) semaphore(%arg24 : memref<!tpu.dma_semaphore, #tpu.memory_space<semaphore_mem>>) {add = true}
      %dma_wait3A_427 = arith.constant 10 : i32
      %dma_wait3A_428 = arith.constant 0 : i32
      %dma_wait3A_429 = tpu.memref_slice %arg7[%dma_wait3A_427, %dma_wait3A_428] : memref<16x125xi32, #tpu.memory_space<vmem>> -> memref<1x125xi32, #tpu.memory_space<vmem>>
      %dma_wait3A_430 = tpu.memref_squeeze %dma_wait3A_429 : memref<1x125xi32, #tpu.memory_space<vmem>> -> memref<125xi32, #tpu.memory_space<vmem>>
      %dma_wait3A_431 = arith.constant 0 : i32
      %dma_wait3A_432 = arith.constant 0 : i32
      %dma_wait3A_433 = tpu.memref_slice %arg14[%dma_wait3A_431, %dma_wait3A_432] : memref<51200x32xf32, #tpu.memory_space<vmem_shared>> -> memref<51200x32xf32, #tpu.memory_space<vmem_shared>>
      tpu.wait_indirect_dma semaphore(%arg25 : memref<!tpu.dma_semaphore, #tpu.memory_space<semaphore_mem>>) src(%arg12 : memref<125x32xf32, #tpu.memory_space<vmem>>) dst(%dma_wait3A_433 : memref<51200x32xf32, #tpu.memory_space<vmem_shared>>)
      %dma_wait3A_434 = arith.constant 11 : i32
      %dma_wait3A_435 = arith.constant 0 : i32
      %dma_wait3A_436 = tpu.memref_slice %arg7[%dma_wait3A_434, %dma_wait3A_435] : memref<16x125xi32, #tpu.memory_space<vmem>> -> memref<1x125xi32, #tpu.memory_space<vmem>>
      %dma_wait3A_437 = tpu.memref_squeeze %dma_wait3A_436 : memref<1x125xi32, #tpu.memory_space<vmem>> -> memref<125xi32, #tpu.memory_space<vmem>>
      %dma_wait3A_438 = arith.constant 0 : i32
      %dma_wait3A_439 = arith.constant 0 : i32
      %dma_wait3A_440 = tpu.memref_slice %arg14[%dma_wait3A_438, %dma_wait3A_439] : memref<51200x32xf32, #tpu.memory_space<vmem_shared>> -> memref<51200x32xf32, #tpu.memory_space<vmem_shared>>
      tpu.wait_indirect_dma semaphore(%arg26 : memref<!tpu.dma_semaphore, #tpu.memory_space<semaphore_mem>>) src(%arg13 : memref<125x32xf32, #tpu.memory_space<vmem>>) dst(%dma_wait3A_440 : memref<51200x32xf32, #tpu.memory_space<vmem_shared>>)
      %dma_wait3A_441 = arith.constant 12 : i32
      %dma_wait3A_442 = arith.constant 0 : i32
      %dma_wait3A_443 = tpu.memref_slice %arg7[%dma_wait3A_441, %dma_wait3A_442] : memref<16x125xi32, #tpu.memory_space<vmem>> -> memref<1x125xi32, #tpu.memory_space<vmem>>
      %dma_wait3A_444 = tpu.memref_squeeze %dma_wait3A_443 : memref<1x125xi32, #tpu.memory_space<vmem>> -> memref<125xi32, #tpu.memory_space<vmem>>
      %dma_wait3A_445 = arith.constant 0 : i32
      %dma_wait3A_446 = arith.constant 0 : i32
      %dma_wait3A_447 = tpu.memref_slice %arg14[%dma_wait3A_445, %dma_wait3A_446] : memref<51200x32xf32, #tpu.memory_space<vmem_shared>> -> memref<51200x32xf32, #tpu.memory_space<vmem_shared>>
      tpu.wait_indirect_dma semaphore(%arg21 : memref<!tpu.dma_semaphore, #tpu.memory_space<semaphore_mem>>) src(%arg8 : memref<125x32xf32, #tpu.memory_space<vmem>>) dst(%dma_wait3A_447 : memref<51200x32xf32, #tpu.memory_space<vmem_shared>>)
      %dma_wait3A_448 = arith.constant 13 : i32
      %dma_wait3A_449 = arith.constant 0 : i32
      %dma_wait3A_450 = tpu.memref_slice %arg7[%dma_wait3A_448, %dma_wait3A_449] : memref<16x125xi32, #tpu.memory_space<vmem>> -> memref<1x125xi32, #tpu.memory_space<vmem>>
      %dma_wait3A_451 = tpu.memref_squeeze %dma_wait3A_450 : memref<1x125xi32, #tpu.memory_space<vmem>> -> memref<125xi32, #tpu.memory_space<vmem>>
      %dma_wait3A_452 = arith.constant 0 : i32
      %dma_wait3A_453 = arith.constant 0 : i32
      %dma_wait3A_454 = tpu.memref_slice %arg14[%dma_wait3A_452, %dma_wait3A_453] : memref<51200x32xf32, #tpu.memory_space<vmem_shared>> -> memref<51200x32xf32, #tpu.memory_space<vmem_shared>>
      tpu.wait_indirect_dma semaphore(%arg22 : memref<!tpu.dma_semaphore, #tpu.memory_space<semaphore_mem>>) src(%arg9 : memref<125x32xf32, #tpu.memory_space<vmem>>) dst(%dma_wait3A_454 : memref<51200x32xf32, #tpu.memory_space<vmem_shared>>)
      %dma_wait3A_455 = arith.constant 14 : i32
      %dma_wait3A_456 = arith.constant 0 : i32
      %dma_wait3A_457 = tpu.memref_slice %arg7[%dma_wait3A_455, %dma_wait3A_456] : memref<16x125xi32, #tpu.memory_space<vmem>> -> memref<1x125xi32, #tpu.memory_space<vmem>>
      %dma_wait3A_458 = tpu.memref_squeeze %dma_wait3A_457 : memref<1x125xi32, #tpu.memory_space<vmem>> -> memref<125xi32, #tpu.memory_space<vmem>>
      %dma_wait3A_459 = arith.constant 0 : i32
      %dma_wait3A_460 = arith.constant 0 : i32
      %dma_wait3A_461 = tpu.memref_slice %arg14[%dma_wait3A_459, %dma_wait3A_460] : memref<51200x32xf32, #tpu.memory_space<vmem_shared>> -> memref<51200x32xf32, #tpu.memory_space<vmem_shared>>
      tpu.wait_indirect_dma semaphore(%arg23 : memref<!tpu.dma_semaphore, #tpu.memory_space<semaphore_mem>>) src(%arg10 : memref<125x32xf32, #tpu.memory_space<vmem>>) dst(%dma_wait3A_461 : memref<51200x32xf32, #tpu.memory_space<vmem_shared>>)
      %dma_wait3A_462 = arith.constant 15 : i32
      %dma_wait3A_463 = arith.constant 0 : i32
      %dma_wait3A_464 = tpu.memref_slice %arg7[%dma_wait3A_462, %dma_wait3A_463] : memref<16x125xi32, #tpu.memory_space<vmem>> -> memref<1x125xi32, #tpu.memory_space<vmem>>
      %dma_wait3A_465 = tpu.memref_squeeze %dma_wait3A_464 : memref<1x125xi32, #tpu.memory_space<vmem>> -> memref<125xi32, #tpu.memory_space<vmem>>
      %dma_wait3A_466 = arith.constant 0 : i32
      %dma_wait3A_467 = arith.constant 0 : i32
      %dma_wait3A_468 = tpu.memref_slice %arg14[%dma_wait3A_466, %dma_wait3A_467] : memref<51200x32xf32, #tpu.memory_space<vmem_shared>> -> memref<51200x32xf32, #tpu.memory_space<vmem_shared>>
      tpu.wait_indirect_dma semaphore(%arg24 : memref<!tpu.dma_semaphore, #tpu.memory_space<semaphore_mem>>) src(%arg11 : memref<125x32xf32, #tpu.memory_space<vmem>>) dst(%dma_wait3A_468 : memref<51200x32xf32, #tpu.memory_space<vmem_shared>>)
    }
    %scan3A_9 = arith.constant 25 : i32
    %barrier3A_10 = arith.constant 0 : index
    tpu.barrier barrier_id(%barrier3A_10)
    %mul3A_11 = arith.constant 3200 : i32
    %mul3A_12 = arith.muli %arg1, %mul3A_11 : i32
    %mul3A_13 = arith.constant 3200 : i32
    %mul3A_14 = arith.muli %arg1, %mul3A_13 : i32
    "tpu.region"() ({
      %run_scoped3A = tpu.sem_alloc : memref<!tpu.dma_semaphore, #tpu.memory_space<semaphore_mem>>
      %dma_start3A = arith.constant 0 : i32
      %dma_start3A_15 = tpu.memref_slice %arg5[%arg0, %mul3A_14, %dma_start3A] : memref<2x51200x32xf32, #tpu.memory_space<hbm>> -> memref<1x3200x32xf32, #tpu.memory_space<hbm>>
      %dma_start3A_16 = tpu.memref_squeeze %dma_start3A_15 : memref<1x3200x32xf32, #tpu.memory_space<hbm>> -> memref<3200x32xf32, #tpu.memory_space<hbm>>
      %dma_start3A_17 = arith.constant 0 : i32
      %dma_start3A_18 = tpu.memref_slice %arg14[%mul3A_12, %dma_start3A_17] : memref<51200x32xf32, #tpu.memory_space<vmem_shared>> -> memref<3200x32xf32, #tpu.memory_space<vmem_shared>>
      tpu.enqueue_dma source(%dma_start3A_18 : memref<3200x32xf32, #tpu.memory_space<vmem_shared>>) target(%dma_start3A_16 : memref<3200x32xf32, #tpu.memory_space<hbm>>) target_semaphore(%run_scoped3A : memref<!tpu.dma_semaphore, #tpu.memory_space<semaphore_mem>>)
      %dma_wait3A = arith.constant 0 : i32
      %dma_wait3A_19 = tpu.memref_slice %arg5[%arg0, %mul3A_14, %dma_wait3A] : memref<2x51200x32xf32, #tpu.memory_space<hbm>> -> memref<1x3200x32xf32, #tpu.memory_space<hbm>>
      %dma_wait3A_20 = tpu.memref_squeeze %dma_wait3A_19 : memref<1x3200x32xf32, #tpu.memory_space<hbm>> -> memref<3200x32xf32, #tpu.memory_space<hbm>>
      %dma_wait3A_21 = arith.constant 0 : i32
      %dma_wait3A_22 = tpu.memref_slice %arg14[%mul3A_12, %dma_wait3A_21] : memref<51200x32xf32, #tpu.memory_space<vmem_shared>> -> memref<3200x32xf32, #tpu.memory_space<vmem_shared>>
      tpu.wait_dma2 semaphore(%run_scoped3A : memref<!tpu.dma_semaphore, #tpu.memory_space<semaphore_mem>>) src(%dma_wait3A_22 : memref<3200x32xf32, #tpu.memory_space<vmem_shared>>) dst(%dma_wait3A_20 : memref<3200x32xf32, #tpu.memory_space<hbm>>)
      tpu.yield
    }) : () -> ()
    return
  }
}

module attributes {stable_mosaic.version = 14 : i64} {
  func.func @_matmul_body(%arg0: i32, %arg1: memref<2048x128xf32, #tpu.memory_space<vmem>>, %arg2: memref<128x32xf32, #tpu.memory_space<vmem>>, %arg3: memref<1x32xf32, #tpu.memory_space<vmem>>, %arg4: memref<2048x32xf32, #tpu.memory_space<vmem>>) attributes {dimension_semantics = [#tpu.dimension_semantics<arbitrary>], iteration_bounds = array<i64: 25>, scalar_prefetch = 0 : i64, scratch_operands = 0 : i64, tpu.core_type = #tpu.core_type<tc>, window_params = [{transform_indices = @transform_0, window_bounds = array<i64: 2048, 128>}, {pipeline_mode = #tpu.pipeline_mode<synchronous>, transform_indices = @transform_1, window_bounds = array<i64: 128, 32>}, {pipeline_mode = #tpu.pipeline_mode<synchronous>, transform_indices = @transform_2, window_bounds = array<i64: 1, 32>}, {transform_indices = @transform_3, window_bounds = array<i64: 2048, 32>}]} {
    %get3A = arith.constant 0 : index
    %get3A_0 = arith.constant 0 : index
    %get3A_1 = vector.load %arg1[%get3A, %get3A_0] : memref<2048x128xf32, #tpu.memory_space<vmem>>, vector<2048x128xf32>
    %get3A_2 = arith.constant 0 : index
    %get3A_3 = arith.constant 0 : index
    %get3A_4 = vector.load %arg2[%get3A_2, %get3A_3] : memref<128x32xf32, #tpu.memory_space<vmem>>, vector<128x32xf32>
    %dot_general3A = arith.constant dense<0.000000e+00> : vector<2048x32xf32>
    %dot_general3A_5 = tpu.matmul %get3A_1, %get3A_4, %dot_general3A {dimension_numbers = #tpu.dot_dimension_numbers<[1], [0], [0], [1], [0, 0, 1, 1], [], []>, precision = #tpu.contract_precision<fp32>, transpose_lhs_hint = false} : vector<2048x128xf32>, vector<128x32xf32>, vector<2048x32xf32> -> vector<2048x32xf32>
    %get3A_6 = arith.constant 0 : index
    %get3A_7 = arith.constant 0 : index
    %get3A_8 = vector.load %arg3[%get3A_6, %get3A_7] : memref<1x32xf32, #tpu.memory_space<vmem>>, vector<1x32xf32>
    %add3A = vector.broadcast %get3A_8 : vector<1x32xf32> to vector<2048x32xf32>
    %add3A_9 = arith.addf %dot_general3A_5, %add3A : vector<2048x32xf32>
    %max3A = arith.constant 0.000000e+00 : f32
    %max3A_10 = vector.broadcast %max3A : f32 to vector<2048x32xf32>
    %max3A_11 = arith.maximumf %add3A_9, %max3A_10 : vector<2048x32xf32>
    %swap3A = arith.constant 0 : index
    %swap3A_12 = arith.constant 0 : index
    %swap3A_13 = vector.load %arg4[%swap3A, %swap3A_12] : memref<2048x32xf32, #tpu.memory_space<vmem>>, vector<2048x32xf32>
    tpu.vector_store %arg4[%swap3A, %swap3A_12], %max3A_11 {strides = array<i32>} : memref<2048x32xf32, #tpu.memory_space<vmem>>, vector<2048x32xf32>,
    return
  }
  func.func @transform_0(%arg0: i32) -> (i32, i32) {
    %c0_i32 = arith.constant 0 : i32
    %c0_i32_0 = arith.constant 0 : i32
    return %arg0, %c0_i32 : i32, i32
  }
  func.func @transform_1(%arg0: i32) -> (i32, i32) {
    %c0_i32 = arith.constant 0 : i32
    %c0_i32_0 = arith.constant 0 : i32
    %c0_i32_1 = arith.constant 0 : i32
    return %c0_i32, %c0_i32_0 : i32, i32
  }
  func.func @transform_2(%arg0: i32) -> (i32, i32) {
    %c0_i32 = arith.constant 0 : i32
    %c0_i32_0 = arith.constant 0 : i32
    %c0_i32_1 = arith.constant 0 : i32
    return %c0_i32, %c0_i32_0 : i32, i32
  }
  func.func @transform_3(%arg0: i32) -> (i32, i32) {
    %c0_i32 = arith.constant 0 : i32
    %c0_i32_0 = arith.constant 0 : i32
    return %arg0, %c0_i32 : i32, i32
  }
}

module attributes {stable_mosaic.version = 14 : i64} {
  func.func @_scale_body(%arg0: i32, %arg1: memref<2048x32xf32, #tpu.memory_space<vmem>>, %arg2: memref<2x2048x16xf32, #tpu.memory_space<vmem>>, %arg3: memref<512x128xf32, #tpu.memory_space<vmem>>, %arg4: memref<2048x1xf32, #tpu.memory_space<vmem>>) attributes {dimension_semantics = [#tpu.dimension_semantics<arbitrary>], iteration_bounds = array<i64: 25>, scalar_prefetch = 0 : i64, scratch_operands = 0 : i64, tpu.core_type = #tpu.core_type<tc>, window_params = [{transform_indices = @transform_0, window_bounds = array<i64: 2048, 32>}, {transform_indices = @transform_1, window_bounds = array<i64: 2, 2048, 16>}, {transform_indices = @transform_2, window_bounds = array<i64: 512, 128>}, {transform_indices = @transform_3, window_bounds = array<i64: 2048, 1>}]} {
    %get3A = arith.constant 0 : index
    %get3A_0 = arith.constant 0 : index
    %get3A_1 = arith.constant 0 : index
    %get3A_2 = vector.load %arg2[%get3A, %get3A_0, %get3A_1] : memref<2x2048x16xf32, #tpu.memory_space<vmem>>, vector<1x2048x1xf32>
    %get3A_3 = vector.shape_cast %get3A_2 : vector<1x2048x1xf32> to vector<2048x1xf32>
    %get3A_4 = arith.constant 1 : index
    %get3A_5 = arith.constant 0 : index
    %get3A_6 = arith.constant 0 : index
    %get3A_7 = vector.load %arg2[%get3A_4, %get3A_5, %get3A_6] : memref<2x2048x16xf32, #tpu.memory_space<vmem>>, vector<1x2048x1xf32>
    %get3A_8 = vector.shape_cast %get3A_7 : vector<1x2048x1xf32> to vector<2048x1xf32>
    %add3A = arith.addf %get3A_3, %get3A_8 : vector<2048x1xf32>
    %max3A = arith.constant 1.000000e+00 : f32
    %max3A_9 = vector.broadcast %max3A : f32 to vector<2048x1xf32>
    %max3A_10 = arith.maximumf %add3A, %max3A_9 : vector<2048x1xf32>
    %rsqrt3A = math.rsqrt %max3A_10 : vector<2048x1xf32>
    %get3A_11 = arith.constant 0 : index
    %get3A_12 = arith.constant 0 : index
    %get3A_13 = vector.load %arg1[%get3A_11, %get3A_12] : memref<2048x32xf32, #tpu.memory_space<vmem>>, vector<2048x32xf32>
    %mul3A = vector.broadcast %rsqrt3A : vector<2048x1xf32> to vector<2048x32xf32>
    %mul3A_14 = arith.mulf %get3A_13, %mul3A : vector<2048x32xf32>
    %reshape3A = vector.shape_cast %mul3A_14 : vector<2048x32xf32> to vector<512x4x32xf32>
    %slice3A = vector.extract_strided_slice %reshape3A {offsets = [0, 0, 0], sizes = [512, 1, 32], strides = [1, 1, 1]} : vector<512x4x32xf32> to vector<512x1x32xf32>
    %squeeze3A = vector.shape_cast %slice3A : vector<512x1x32xf32> to vector<512x32xf32>
    %slice3A_15 = vector.extract_strided_slice %reshape3A {offsets = [0, 1, 0], sizes = [512, 1, 32], strides = [1, 1, 1]} : vector<512x4x32xf32> to vector<512x1x32xf32>
    %squeeze3A_16 = vector.shape_cast %slice3A_15 : vector<512x1x32xf32> to vector<512x32xf32>
    %slice3A_17 = vector.extract_strided_slice %reshape3A {offsets = [0, 2, 0], sizes = [512, 1, 32], strides = [1, 1, 1]} : vector<512x4x32xf32> to vector<512x1x32xf32>
    %squeeze3A_18 = vector.shape_cast %slice3A_17 : vector<512x1x32xf32> to vector<512x32xf32>
    %slice3A_19 = vector.extract_strided_slice %reshape3A {offsets = [0, 3, 0], sizes = [512, 1, 32], strides = [1, 1, 1]} : vector<512x4x32xf32> to vector<512x1x32xf32>
    %squeeze3A_20 = vector.shape_cast %slice3A_19 : vector<512x1x32xf32> to vector<512x32xf32>
    %concatenate3A = tpu.concatenate %squeeze3A, %squeeze3A_16, %squeeze3A_18, %squeeze3A_20 in 1 : vector<512x32xf32>, vector<512x32xf32>, vector<512x32xf32>, vector<512x32xf32> -> vector<512x128xf32>
    %swap3A = arith.constant 0 : index
    %swap3A_21 = arith.constant 0 : index
    %swap3A_22 = vector.load %arg3[%swap3A, %swap3A_21] : memref<512x128xf32, #tpu.memory_space<vmem>>, vector<512x128xf32>
    tpu.vector_store %arg3[%swap3A, %swap3A_21], %concatenate3A {strides = array<i32>} : memref<512x128xf32, #tpu.memory_space<vmem>>, vector<512x128xf32>,
    %swap3A_23 = arith.constant 0 : index
    %swap3A_24 = arith.constant 0 : index
    %swap3A_25 = vector.load %arg4[%swap3A_23, %swap3A_24] : memref<2048x1xf32, #tpu.memory_space<vmem>>, vector<2048x1xf32>
    tpu.vector_store %arg4[%swap3A_23, %swap3A_24], %rsqrt3A {strides = array<i32>} : memref<2048x1xf32, #tpu.memory_space<vmem>>, vector<2048x1xf32>,
    return
  }
  func.func @transform_0(%arg0: i32) -> (i32, i32) {
    %c0_i32 = arith.constant 0 : i32
    %c0_i32_0 = arith.constant 0 : i32
    return %arg0, %c0_i32 : i32, i32
  }
  func.func @transform_1(%arg0: i32) -> (i32, i32, i32) {
    %c0_i32 = arith.constant 0 : i32
    %c0_i32_0 = arith.constant 0 : i32
    %c0_i32_1 = arith.constant 0 : i32
    return %c0_i32, %arg0, %c0_i32_0 : i32, i32, i32
  }
  func.func @transform_2(%arg0: i32) -> (i32, i32) {
    %c0_i32 = arith.constant 0 : i32
    %c0_i32_0 = arith.constant 0 : i32
    return %arg0, %c0_i32 : i32, i32
  }
  func.func @transform_3(%arg0: i32) -> (i32, i32) {
    %c0_i32 = arith.constant 0 : i32
    %c0_i32_0 = arith.constant 0 : i32
    return %arg0, %c0_i32 : i32, i32
  }
}

module attributes {stable_mosaic.version = 14 : i64} {
  func.func @_update_body(%arg0: i32, %arg1: memref<2048x32xf32, #tpu.memory_space<vmem>>, %arg2: memref<512x128xf32, #tpu.memory_space<vmem>>, %arg3: memref<512x128xf32, #tpu.memory_space<vmem>>, %arg4: memref<2048x1xf32, #tpu.memory_space<vmem>>, %arg5: memref<2048x32xf32, #tpu.memory_space<vmem>>, %arg6: memref<512x128xf32, #tpu.memory_space<vmem>>) attributes {dimension_semantics = [#tpu.dimension_semantics<arbitrary>], iteration_bounds = array<i64: 25>, scalar_prefetch = 0 : i64, scratch_operands = 0 : i64, tpu.core_type = #tpu.core_type<tc>, window_params = [{transform_indices = @transform_0, window_bounds = array<i64: 2048, 32>}, {transform_indices = @transform_1, window_bounds = array<i64: 512, 128>}, {transform_indices = @transform_2, window_bounds = array<i64: 512, 128>}, {transform_indices = @transform_3, window_bounds = array<i64: 2048, 1>}, {transform_indices = @transform_4, window_bounds = array<i64: 2048, 32>}, {transform_indices = @transform_5, window_bounds = array<i64: 512, 128>}]} {
    %get3A = arith.constant 0 : index
    %get3A_0 = arith.constant 0 : index
    %get3A_1 = vector.load %arg2[%get3A, %get3A_0] : memref<512x128xf32, #tpu.memory_space<vmem>>, vector<512x128xf32>
    %get3A_2 = arith.constant 0 : index
    %get3A_3 = arith.constant 0 : index
    %get3A_4 = vector.load %arg3[%get3A_2, %get3A_3] : memref<512x128xf32, #tpu.memory_space<vmem>>, vector<512x128xf32>
    %add3A = arith.addf %get3A_1, %get3A_4 : vector<512x128xf32>
    %slice3A = vector.extract_strided_slice %add3A {offsets = [0, 0], sizes = [512, 32], strides = [1, 1]} : vector<512x128xf32> to vector<512x32xf32>
    %slice3A_5 = vector.extract_strided_slice %add3A {offsets = [0, 32], sizes = [512, 32], strides = [1, 1]} : vector<512x128xf32> to vector<512x32xf32>
    %slice3A_6 = vector.extract_strided_slice %add3A {offsets = [0, 64], sizes = [512, 32], strides = [1, 1]} : vector<512x128xf32> to vector<512x32xf32>
    %slice3A_7 = vector.extract_strided_slice %add3A {offsets = [0, 96], sizes = [512, 32], strides = [1, 1]} : vector<512x128xf32> to vector<512x32xf32>
    %stack3A = vector.shape_cast %slice3A : vector<512x32xf32> to vector<512x1x32xf32>
    %stack3A_8 = vector.shape_cast %slice3A_5 : vector<512x32xf32> to vector<512x1x32xf32>
    %stack3A_9 = vector.shape_cast %slice3A_6 : vector<512x32xf32> to vector<512x1x32xf32>
    %stack3A_10 = vector.shape_cast %slice3A_7 : vector<512x32xf32> to vector<512x1x32xf32>
    %stack3A_11 = tpu.concatenate %stack3A, %stack3A_8, %stack3A_9, %stack3A_10 in 1 : vector<512x1x32xf32>, vector<512x1x32xf32>, vector<512x1x32xf32>, vector<512x1x32xf32> -> vector<512x4x32xf32>
    %reshape3A = vector.shape_cast %stack3A_11 : vector<512x4x32xf32> to vector<2048x32xf32>
    %get3A_12 = arith.constant 0 : index
    %get3A_13 = arith.constant 0 : index
    %get3A_14 = vector.load %arg4[%get3A_12, %get3A_13] : memref<2048x1xf32, #tpu.memory_space<vmem>>, vector<2048x1xf32>
    %get3A_15 = arith.constant 0 : index
    %get3A_16 = arith.constant 0 : index
    %get3A_17 = vector.load %arg1[%get3A_15, %get3A_16] : memref<2048x32xf32, #tpu.memory_space<vmem>>, vector<2048x32xf32>
    %mul3A = vector.broadcast %get3A_14 : vector<2048x1xf32> to vector<2048x32xf32>
    %mul3A_18 = arith.mulf %reshape3A, %mul3A : vector<2048x32xf32>
    %sub3A = arith.subf %get3A_17, %mul3A_18 : vector<2048x32xf32>
    %swap3A = arith.constant 0 : index
    %swap3A_19 = arith.constant 0 : index
    %swap3A_20 = vector.load %arg5[%swap3A, %swap3A_19] : memref<2048x32xf32, #tpu.memory_space<vmem>>, vector<2048x32xf32>
    tpu.vector_store %arg5[%swap3A, %swap3A_19], %sub3A {strides = array<i32>} : memref<2048x32xf32, #tpu.memory_space<vmem>>, vector<2048x32xf32>,
    %mul3A_21 = vector.broadcast %get3A_14 : vector<2048x1xf32> to vector<2048x32xf32>
    %mul3A_22 = arith.mulf %sub3A, %mul3A_21 : vector<2048x32xf32>
    %reshape3A_23 = vector.shape_cast %mul3A_22 : vector<2048x32xf32> to vector<512x4x32xf32>
    %slice3A_24 = vector.extract_strided_slice %reshape3A_23 {offsets = [0, 0, 0], sizes = [512, 1, 32], strides = [1, 1, 1]} : vector<512x4x32xf32> to vector<512x1x32xf32>
    %squeeze3A = vector.shape_cast %slice3A_24 : vector<512x1x32xf32> to vector<512x32xf32>
    %slice3A_25 = vector.extract_strided_slice %reshape3A_23 {offsets = [0, 1, 0], sizes = [512, 1, 32], strides = [1, 1, 1]} : vector<512x4x32xf32> to vector<512x1x32xf32>
    %squeeze3A_26 = vector.shape_cast %slice3A_25 : vector<512x1x32xf32> to vector<512x32xf32>
    %slice3A_27 = vector.extract_strided_slice %reshape3A_23 {offsets = [0, 2, 0], sizes = [512, 1, 32], strides = [1, 1, 1]} : vector<512x4x32xf32> to vector<512x1x32xf32>
    %squeeze3A_28 = vector.shape_cast %slice3A_27 : vector<512x1x32xf32> to vector<512x32xf32>
    %slice3A_29 = vector.extract_strided_slice %reshape3A_23 {offsets = [0, 3, 0], sizes = [512, 1, 32], strides = [1, 1, 1]} : vector<512x4x32xf32> to vector<512x1x32xf32>
    %squeeze3A_30 = vector.shape_cast %slice3A_29 : vector<512x1x32xf32> to vector<512x32xf32>
    %concatenate3A = tpu.concatenate %squeeze3A, %squeeze3A_26, %squeeze3A_28, %squeeze3A_30 in 1 : vector<512x32xf32>, vector<512x32xf32>, vector<512x32xf32>, vector<512x32xf32> -> vector<512x128xf32>
    %swap3A_31 = arith.constant 0 : index
    %swap3A_32 = arith.constant 0 : index
    %swap3A_33 = vector.load %arg6[%swap3A_31, %swap3A_32] : memref<512x128xf32, #tpu.memory_space<vmem>>, vector<512x128xf32>
    tpu.vector_store %arg6[%swap3A_31, %swap3A_32], %concatenate3A {strides = array<i32>} : memref<512x128xf32, #tpu.memory_space<vmem>>, vector<512x128xf32>,
    return
  }
  func.func @transform_0(%arg0: i32) -> (i32, i32) {
    %c0_i32 = arith.constant 0 : i32
    %c0_i32_0 = arith.constant 0 : i32
    return %arg0, %c0_i32 : i32, i32
  }
  func.func @transform_1(%arg0: i32) -> (i32, i32) {
    %c0_i32 = arith.constant 0 : i32
    %c0_i32_0 = arith.constant 0 : i32
    return %arg0, %c0_i32 : i32, i32
  }
  func.func @transform_2(%arg0: i32) -> (i32, i32) {
    %add3A = arith.constant 25 : i32
    %add3A_0 = arith.addi %add3A, %arg0 : i32
    %c0_i32 = arith.constant 0 : i32
    %c0_i32_1 = arith.constant 0 : i32
    return %add3A_0, %c0_i32 : i32, i32
  }
  func.func @transform_3(%arg0: i32) -> (i32, i32) {
    %c0_i32 = arith.constant 0 : i32
    %c0_i32_0 = arith.constant 0 : i32
    return %arg0, %c0_i32 : i32, i32
  }
  func.func @transform_4(%arg0: i32) -> (i32, i32) {
    %c0_i32 = arith.constant 0 : i32
    %c0_i32_0 = arith.constant 0 : i32
    return %arg0, %c0_i32 : i32, i32
  }
  func.func @transform_5(%arg0: i32) -> (i32, i32) {
    %c0_i32 = arith.constant 0 : i32
    %c0_i32_0 = arith.constant 0 : i32
    return %arg0, %c0_i32 : i32, i32
  }
}

module attributes {stable_mosaic.version = 14 : i64} {
  func.func @_final_body(%arg0: i32, %arg1: memref<2048x32xf32, #tpu.memory_space<vmem>>, %arg2: memref<2048x32xf32, #tpu.memory_space<vmem>>, %arg3: memref<512x128xf32, #tpu.memory_space<vmem>>, %arg4: memref<512x128xf32, #tpu.memory_space<vmem>>, %arg5: memref<2048x1xf32, #tpu.memory_space<vmem>>, %arg6: memref<96x32xf32, #tpu.memory_space<vmem>>, %arg7: memref<1x32xf32, #tpu.memory_space<vmem>>, %arg8: memref<2048x32xf32, #tpu.memory_space<vmem>>) attributes {dimension_semantics = [#tpu.dimension_semantics<arbitrary>], iteration_bounds = array<i64: 25>, scalar_prefetch = 0 : i64, scratch_operands = 0 : i64, tpu.core_type = #tpu.core_type<tc>, window_params = [{transform_indices = @transform_0, window_bounds = array<i64: 2048, 32>}, {transform_indices = @transform_1, window_bounds = array<i64: 2048, 32>}, {transform_indices = @transform_2, window_bounds = array<i64: 512, 128>}, {transform_indices = @transform_3, window_bounds = array<i64: 512, 128>}, {transform_indices = @transform_4, window_bounds = array<i64: 2048, 1>}, {pipeline_mode = #tpu.pipeline_mode<synchronous>, transform_indices = @transform_5, window_bounds = array<i64: 96, 32>}, {pipeline_mode = #tpu.pipeline_mode<synchronous>, transform_indices = @transform_6, window_bounds = array<i64: 1, 32>}, {transform_indices = @transform_7, window_bounds = array<i64: 2048, 32>}]} {
    %get3A = arith.constant 0 : index
    %get3A_0 = arith.constant 0 : index
    %get3A_1 = vector.load %arg3[%get3A, %get3A_0] : memref<512x128xf32, #tpu.memory_space<vmem>>, vector<512x128xf32>
    %get3A_2 = arith.constant 0 : index
    %get3A_3 = arith.constant 0 : index
    %get3A_4 = vector.load %arg4[%get3A_2, %get3A_3] : memref<512x128xf32, #tpu.memory_space<vmem>>, vector<512x128xf32>
    %add3A = arith.addf %get3A_1, %get3A_4 : vector<512x128xf32>
    %slice3A = vector.extract_strided_slice %add3A {offsets = [0, 0], sizes = [512, 32], strides = [1, 1]} : vector<512x128xf32> to vector<512x32xf32>
    %slice3A_5 = vector.extract_strided_slice %add3A {offsets = [0, 32], sizes = [512, 32], strides = [1, 1]} : vector<512x128xf32> to vector<512x32xf32>
    %slice3A_6 = vector.extract_strided_slice %add3A {offsets = [0, 64], sizes = [512, 32], strides = [1, 1]} : vector<512x128xf32> to vector<512x32xf32>
    %slice3A_7 = vector.extract_strided_slice %add3A {offsets = [0, 96], sizes = [512, 32], strides = [1, 1]} : vector<512x128xf32> to vector<512x32xf32>
    %stack3A = vector.shape_cast %slice3A : vector<512x32xf32> to vector<512x1x32xf32>
    %stack3A_8 = vector.shape_cast %slice3A_5 : vector<512x32xf32> to vector<512x1x32xf32>
    %stack3A_9 = vector.shape_cast %slice3A_6 : vector<512x32xf32> to vector<512x1x32xf32>
    %stack3A_10 = vector.shape_cast %slice3A_7 : vector<512x32xf32> to vector<512x1x32xf32>
    %stack3A_11 = tpu.concatenate %stack3A, %stack3A_8, %stack3A_9, %stack3A_10 in 1 : vector<512x1x32xf32>, vector<512x1x32xf32>, vector<512x1x32xf32>, vector<512x1x32xf32> -> vector<512x4x32xf32>
    %reshape3A = vector.shape_cast %stack3A_11 : vector<512x4x32xf32> to vector<2048x32xf32>
    %get3A_12 = arith.constant 0 : index
    %get3A_13 = arith.constant 0 : index
    %get3A_14 = vector.load %arg2[%get3A_12, %get3A_13] : memref<2048x32xf32, #tpu.memory_space<vmem>>, vector<2048x32xf32>
    %get3A_15 = arith.constant 0 : index
    %get3A_16 = arith.constant 0 : index
    %get3A_17 = vector.load %arg5[%get3A_15, %get3A_16] : memref<2048x1xf32, #tpu.memory_space<vmem>>, vector<2048x1xf32>
    %mul3A = vector.broadcast %get3A_17 : vector<2048x1xf32> to vector<2048x32xf32>
    %mul3A_18 = arith.mulf %reshape3A, %mul3A : vector<2048x32xf32>
    %sub3A = arith.subf %get3A_14, %mul3A_18 : vector<2048x32xf32>
    %get3A_19 = arith.constant 0 : index
    %get3A_20 = arith.constant 0 : index
    %get3A_21 = vector.load %arg1[%get3A_19, %get3A_20] : memref<2048x32xf32, #tpu.memory_space<vmem>>, vector<2048x32xf32>
    %concatenate3A = tpu.concatenate %get3A_21, %get3A_14, %sub3A in 1 : vector<2048x32xf32>, vector<2048x32xf32>, vector<2048x32xf32> -> vector<2048x96xf32>
    %get3A_22 = arith.constant 0 : index
    %get3A_23 = arith.constant 0 : index
    %get3A_24 = vector.load %arg6[%get3A_22, %get3A_23] : memref<96x32xf32, #tpu.memory_space<vmem>>, vector<96x32xf32>
    %dot_general3A = arith.constant dense<0.000000e+00> : vector<2048x32xf32>
    %dot_general3A_25 = tpu.matmul %concatenate3A, %get3A_24, %dot_general3A {dimension_numbers = #tpu.dot_dimension_numbers<[1], [0], [0], [1], [0, 0, 1, 1], [], []>, precision = #tpu.contract_precision<fp32>, transpose_lhs_hint = false} : vector<2048x96xf32>, vector<96x32xf32>, vector<2048x32xf32> -> vector<2048x32xf32>
    %get3A_26 = arith.constant 0 : index
    %get3A_27 = arith.constant 0 : index
    %get3A_28 = vector.load %arg7[%get3A_26, %get3A_27] : memref<1x32xf32, #tpu.memory_space<vmem>>, vector<1x32xf32>
    %add3A_29 = vector.broadcast %get3A_28 : vector<1x32xf32> to vector<2048x32xf32>
    %add3A_30 = arith.addf %dot_general3A_25, %add3A_29 : vector<2048x32xf32>
    %swap3A = arith.constant 0 : index
    %swap3A_31 = arith.constant 0 : index
    %swap3A_32 = vector.load %arg8[%swap3A, %swap3A_31] : memref<2048x32xf32, #tpu.memory_space<vmem>>, vector<2048x32xf32>
    tpu.vector_store %arg8[%swap3A, %swap3A_31], %add3A_30 {strides = array<i32>} : memref<2048x32xf32, #tpu.memory_space<vmem>>, vector<2048x32xf32>,
    return
  }
  func.func @transform_0(%arg0: i32) -> (i32, i32) {
    %c0_i32 = arith.constant 0 : i32
    %c0_i32_0 = arith.constant 0 : i32
    return %arg0, %c0_i32 : i32, i32
  }
  func.func @transform_1(%arg0: i32) -> (i32, i32) {
    %c0_i32 = arith.constant 0 : i32
    %c0_i32_0 = arith.constant 0 : i32
    return %arg0, %c0_i32 : i32, i32
  }
  func.func @transform_2(%arg0: i32) -> (i32, i32) {
    %c0_i32 = arith.constant 0 : i32
    %c0_i32_0 = arith.constant 0 : i32
    return %arg0, %c0_i32 : i32, i32
  }
  func.func @transform_3(%arg0: i32) -> (i32, i32) {
    %add3A = arith.constant 25 : i32
    %add3A_0 = arith.addi %add3A, %arg0 : i32
    %c0_i32 = arith.constant 0 : i32
    %c0_i32_1 = arith.constant 0 : i32
    return %add3A_0, %c0_i32 : i32, i32
  }
  func.func @transform_4(%arg0: i32) -> (i32, i32) {
    %c0_i32 = arith.constant 0 : i32
    %c0_i32_0 = arith.constant 0 : i32
    return %arg0, %c0_i32 : i32, i32
  }
  func.func @transform_5(%arg0: i32) -> (i32, i32) {
    %c0_i32 = arith.constant 0 : i32
    %c0_i32_0 = arith.constant 0 : i32
    %c0_i32_1 = arith.constant 0 : i32
    return %c0_i32, %c0_i32_0 : i32, i32
  }
  func.func @transform_6(%arg0: i32) -> (i32, i32) {
    %c0_i32 = arith.constant 0 : i32
    %c0_i32_0 = arith.constant 0 : i32
    %c0_i32_1 = arith.constant 0 : i32
    return %c0_i32, %c0_i32_0 : i32, i32
  }
  func.func @transform_7(%arg0: i32) -> (i32, i32) {
    %c0_i32 = arith.constant 0 : i32
    %c0_i32_0 = arith.constant 0 : i32
    return %arg0, %c0_i32 : i32, i32
  }
}

</mosaic_0001>

<sc_bundles>
// kernel: kernel.12.cloned.1.call-start
scs
__scs_entry_jumppad:
0x0: {  	(pc) =	sbr.rel $0x88, $3  }
0x1: {  	(tag) =	ssettag $0x0;
	lr =	simm.s32 $0x1  }
0x2: {  	[smem:$0x3F9B] =	sst lr;
	_ =	strace $0xD0000000  }
0x3: {  	_ = 	snop  }
0x4: {  	_ = 	snop  }
0x5: {  	_ = 	snop  }
0x6: {  	_ = 	snop  }
0x7: {  	_ = 	snop  }
__scs_overlays_trampoline_lowered:
0x8: {  	[smem:$0x3FAA] =	sst s0  }
0x9: {  	[smem:$0x3FAB] =	sst s1  }
0xa: {  	[smem:$0x3FAC] =	sst s2  }
0xb: {  	[smem:$0x3FAD] =	sst s3  }
0xc: {  	[smem:$0x3FAE] =	sst s4  }
0xd: {  	[smem:$0x3FAF] =	sst s5  }
0xe: {  	[smem:$0x3FB0] =	sst s6  }
0xf: {  	[smem:$0x3FB1] =	sst s7  }
0x10: {  	[smem:$0x3FB2] =	sst s8  }
0x11: {  	[smem:$0x3FB3] =	sst s9;
	s0 =	simm.s32 @!p0 $0x0  }
0x12: {  	s1 =	sld [smem:$0x3F99];
	s0 =	simm.s32 @p0 $0x1  }
0x13: {  	[smem:$0x3FB4] =	sst s0;
	s0 =	simm.s32 @!p1 $0x0  }
0x14: {  	s2 =	sld [smem:$0x3F98];
	s0 =	simm.s32 @p1 $0x1  }
0x15: {  	[smem:$0x3FB5] =	sst s0;
	s0 =	simm.s32 @!p2 $0x0  }
0x16: {  	s3 =	sld [smem:$0x3FDB];
	s0 =	simm.s32 @p2 $0x1  }
0x17: {  	s4 =	simm.s32 $0x1BF5;
	[smem:$0x3FB7] =	sst s0  }
0x18: {  	s0 =	sld [smem:$0x3F9A];
	_ =	swait.ge [sflag:s4], $0x0  }
0x19: {  	s7 =	sld [smem:$0x3F9B]  }
0x1a: {  	s8 =	sadd.s32 $0xFFFFE003, lr  }
0x1b: {  	s9 =	sadd.s32 $0xFFFFFEF7, lr;
	s5 =	simm.s32 $0xFFFFFFFF;
	p2 =	slt.u32 s8, $0xFFFFF086  }
0x1c: {  	p1 =	slt.u32 s9, $0xF7A;
	s5 =	simm.s32 @!p2 $0x0  }
0x1d: {  	s5 =	simm.s32 @p1 $0x1;
	p0 =	seq.s32 s7, s2  }
0x1e: {  	s7 =	smul.u32 @!p0 $0xF7A, s2;
	p2 =	seq.s32 @!p0 s5, $0x0  }
0x1f: {  	s9 =	smul.u32 $0xF7A, s1;
	s8 =	simm.s32 @!p0 $0x1BF5;
	p2 =	por !p2, p0  }
0x20: {  	[sflag:s8] =	ssyncset.s32 @!p0 $0xFFFFF086;
	s6 =	sadd.s32 @!p0 s3, s7;
	s7 =	simm.s32 @!p0 $0x108  }
0x21: {  	s3 =	sadd.s32 s3, s9;
	s6 =	sadd.s32 @!p0 $0x88, s6;
	s7 =	simm.s32 @p2 $0x1082  }
0x22: {  	[simem:s7], [sflag:s8] =	dma.local @!p0 [hbm:s6], $0xF7A  }
0x23: {  	s9 =	sor.u32 $0xD0000000, s2;
	s6 =	simm.s32 $0x108;
	_ =	swait.ge @!p0 [sflag:s8], $0x0  }
0x24: {  	s3 =	sadd.s32 $0x88, s3;
	s6 =	simm.s32 @!p1 $0x1082;
	[sflag:s4] =	ssyncset.s32 $0xFFFFF086  }
0x25: {  	[simem:s6], [sflag:s4] =	dma.local [hbm:s3], $0xF7A  }
0x26: {  	[smem:$0x3F9B] =	sst s1;
	(tag) =	ssettag s2;
	_ =	strace s9  }
0x27: {  	s1 =	sld [smem:$0x3FAB]  }
0x28: {  	s2 =	sld [smem:$0x3FAC]  }
0x29: {  	s4 =	sld [smem:$0x3FAE]  }
0x2a: {  	p0 =	seq.s32 s5, $0x0;
	s5 =	sld [smem:$0x3FAF]  }
0x2b: {  	s6 =	sld [smem:$0x3FB0]  }
0x2c: {  	s7 =	sld [smem:$0x3FB1]  }
0x2d: {  	s3 =	simm.s32 $0x108;
	s8 =	sld [smem:$0x3FB2]  }
0x2e: {  	s3 =	simm.s32 @!p0 $0x1082;
	s9 =	sld [smem:$0x3FB3]  }
0x2f: {  	lr =	sadd.s32 s0, s3;
	s0 =	sld [smem:$0x3FAA]  }
0x30: {  	s3 =	sld [smem:$0x3FAD]  }
0x31: {  	[smem:$0x3FB6] =	sst s10  }
0x32: {  	s10 =	sld [smem:$0x3FB4];
	_ =	sdelay $0x3  }
0x33: {  	p0 =	seq.s32 s10, $0x1;
	s10 =	sld [smem:$0x3FB6];
	_ =	sdelay $0x3  }
0x34: {  	[smem:$0x3FB6] =	sst s10  }
0x35: {  	s10 =	sld [smem:$0x3FB5];
	_ =	sdelay $0x3  }
0x36: {  	p1 =	seq.s32 s10, $0x1;
	s10 =	sld [smem:$0x3FB6];
	_ =	sdelay $0x3  }
0x37: {  	[smem:$0x3FB6] =	sst s10  }
0x38: {  	s10 =	sld [smem:$0x3FB7]  }
0x39: {  	_ = 	snop;
	(pc) =	sbr.ind lr, $3  }
0x3a: {  	_ = 	snop  }
0x3b: {  	_ = 	snop  }
0x3c: {  	p2 =	seq.s32 s10, $0x1;
	s10 =	sld [smem:$0x3FB6]  }
0x3d: {  	_ =	shalt  }
0x3e: {  	_ =	shalt  }
0x3f: {  	_ =	shalt  }
0x40: {  	_ =	shalt  }
0x41: {  	_ =	shalt  }
0x42: {  	_ =	shalt  }
0x43: {  	_ =	shalt  }
0x44: {  	_ =	shalt  }
0x45: {  	_ =	shalt  }
0x46: {  	_ =	shalt  }
0x47: {  	_ =	shalt  }
0x48: {  	_ =	shalt  }
0x49: {  	_ =	shalt  }
0x4a: {  	_ =	shalt  }
0x4b: {  	_ =	shalt  }
0x4c: {  	_ =	shalt  }
0x4d: {  	_ =	shalt  }
0x4e: {  	_ =	shalt  }
0x4f: {  	_ =	shalt  }
0x50: {  	_ =	shalt  }
0x51: {  	_ =	shalt  }
0x52: {  	_ =	shalt  }
0x53: {  	_ =	shalt  }
0x54: {  	_ =	shalt  }
0x55: {  	_ =	shalt  }
0x56: {  	_ =	shalt  }
0x57: {  	_ =	shalt  }
0x58: {  	_ =	shalt  }
0x59: {  	_ =	shalt  }
0x5a: {  	_ =	shalt  }
0x5b: {  	_ =	shalt  }
0x5c: {  	_ =	shalt  }
0x5d: {  	_ =	shalt  }
0x5e: {  	_ =	shalt  }
0x5f: {  	_ =	shalt  }
0x60: {  	_ =	shalt  }
0x61: {  	_ =	shalt  }
0x62: {  	_ =	shalt  }
0x63: {  	_ =	shalt  }
0x64: {  	_ =	shalt  }
0x65: {  	_ =	shalt  }
0x66: {  	_ =	shalt  }
0x67: {  	_ =	shalt  }
0x68: {  	_ =	shalt  }
0x69: {  	_ =	shalt  }
0x6a: {  	_ =	shalt  }
0x6b: {  	_ =	shalt  }
0x6c: {  	_ =	shalt  }
0x6d: {  	_ =	shalt  }
0x6e: {  	_ =	shalt  }
0x6f: {  	_ =	shalt  }
0x70: {  	_ =	shalt  }
0x71: {  	_ =	shalt  }
0x72: {  	_ =	shalt  }
0x73: {  	_ =	shalt  }
0x74: {  	_ =	shalt  }
0x75: {  	_ =	shalt  }
0x76: {  	_ =	shalt  }
0x77: {  	_ =	shalt  }
0x78: {  	_ =	shalt  }
0x79: {  	_ =	shalt  }
0x7a: {  	_ =	shalt  }
0x7b: {  	_ =	shalt  }
0x7c: {  	_ =	shalt  }
0x7d: {  	_ =	shalt  }
0x7e: {  	_ =	shalt  }
0x7f: {  	_ =	shalt  }
0x80: {  	_ =	shalt  }
0x81: {  	_ =	shalt  }
0x82: {  	_ =	shalt  }
0x83: {  	_ =	shalt  }
0x84: {  	_ =	shalt  }
0x85: {  	_ =	shalt  }
0x86: {  	_ =	shalt  }
0x87: {  	_ =	shalt  }
.Lfunc_end0:
.L_simem_size_0:
called_computation.1_lowered:
.L_overlay_start_0:
0x88: {  	s2 =	sld [smem:$0x3FD9]  }
0x89: {  	s3 =	sld [smem:$0x3FFE];
	_ =	sdelay $0x1  }
0x8a: {  	s1 =	srdreg.scid  }
0x8b: {  	s0 =	sand.u32 $0x1, s1  }
0x8c: {  	s17 =	sshll.u32 s0, $0xA;
	s2 =	sadd.s32 s3, s2  }
0x8d: {  	s2 =	sadd.s32 s2, s17  }
0x8e: {  	[smem:$0x3FC2] =	sst s2  }
0x8f: {  	_ = 	snop  }
0x90: {  	s2 =	sld [smem:$0x3FD0];
	(tm) =	ssettm $0x1  }
0x91: {  	s18 =	sld [smem:$0x3FFB];
	_ =	sdelay $0x3  }
0x92: {  	_ =	strace s18  }
0x93: {  	s3 =	sld [smem:$0x3FFC];
	_ =	sdelay $0x3  }
0x94: {  	_ =	strace s3  }
0x95: {  	s3 =	sld [smem:$0x3FFD];
	_ =	sdelay $0x3  }
0x96: {  	_ =	strace s3  }
0x97: {  	_ =	strace $0x8FFFFFFF  }
0x98: {  	s19 =	sld [smem:$0x3FDB];
	_ =	sdelay $0x1  }
0x99: {  	s4 =	simm.s32 $_scs_section_size  }
0x9a: {  	s5 =	simm.s32 $_size__tile_overlayer_lowered;
	s6 =	simm.s32 $_tile_overlayer_lowered  }
0x9b: {  	s22 =	simm.s32 $0x1BFF;
	s21 =	sshll.u32 s6, $0x1;
	s3 =	sadd.s32 s4, s19  }
0x9c: {  	s7 =	simm.s32 $0x0;
	s20 =	sshll.u32 s5, $0x1;
	s5 =	sadd.s32 s21, s3  }
0x9d: {  	[timem:s7], [sflag:s22] =	dma.local [hbm:s5], s20  }
0x9e: {  	_ =	swait.ge [sflag:s22], s20  }
0x9f: {  	s4 =	ssub.s32 $0x0, s20;
	[sflag:s22] =	ssyncset.done $0x0  }
0xa0: {  	[sflag:s22] =	ssyncadd.s32 s4;
	_ =	sdelay $0x1  }
0xa1: {  	s23 =	simm.s32 $0x1B8B  }
0xa2: {  	_ =	swait.ge [sflag:s23], $0x1  }
0xa3: {  	[sflag:s23] =	ssyncset.done $0x0  }
0xa4: {  	s25 =	simm.s32 $0x1B8E;
	s24 =	sld [smem:$0x3FFE];
	[sflag:s23] =	ssyncadd.s32 $0xFFFFFFFF  }
0xa5: {  	s26 =	simm.s32 $execute0_lowered;
	[smem:$0x3FD2] =	sst s25  }
0xa6: {  	s5 =	sshll.u32 s26, $0x1;
	_ =	strace $0x80000049;
	[dreg:$0x1] =	wrdreg $0xFFFFFFFF  }
0xa7: {  	s28 =	simm.s32 $_size_execute0_lowered;
	s3 =	sadd.s32 s3, s5;
	[dreg:$0x0] =	wrdreg $0x0  }
0xa8: {  	s5 =	sshll.u32 s28, $0x1;
	[dreg:$0x2] =	wrdreg s3  }
0xa9: {  	[dreg:$0x3] =	wrdreg s5  }
0xaa: {  	[dreg:$0x4] =	wrdreg $0xC0  }
0xab: {  	_ =	task [dreg:s7], $0x5FFFF  }
0xac: {  	[dreg:$0x1] =	wrdreg $0xFFFFFFFF  }
0xad: {  	[dreg:$0x0] =	wrdreg $0x60  }
0xae: {  	[dreg:$0x2] =	wrdreg s24  }
0xaf: {  	[dreg:$0x3] =	wrdreg s2  }
0xb0: {  	[dreg:$0x4] =	wrdreg $0x6DC00  }
0xb1: {  	[dreg:$0x5] =	wrdreg $0x9  }
0xb2: {  	_ =	task.clear_ibuf [dreg:s7], $0x6FFFF;
	_ =	strace $0x90000049  }
0xb3: {  	s29 =	simm.s32 $0x9;
	_ =	strace $0x8000004B  }
0xb4: {  	_ =	swait.ge [sflag:s29], $0x1  }
0xb5: {  	[sflag:s29] =	ssyncadd.s32 $0xFFFFFFFF  }
0xb6: {  	_ =	strace $0x9000004B  }
0xb7: {  	_ =	sfence  }
0xb8: {  	s30 =	sld [smem:$0x0];
	_ =	sdelay $0x2  }
0xb9: {  	s31 =	sshll.u32 s1, $0xD;
	s1 =	sshrl.u32 s1, $0x2  }
0xba: {  	s3 =	sand.u32 $0x4000, s31;
	s1 =	sadd.s32 s1, s30  }
0xbb: {  	s0 =	sor.u32 s3, s0;
	s1 =	sshll.u32 s1, $0x11  }
0xbc: {  	s0 =	sor.u32 s1, s0  }
0xbd: {  	s0 =	sadd.s32 $0x8F2B, s0  }
0xbe: {  	[sflag:s0] =	ssyncadd.remote.s32 $0x1  }
0xbf: {  	_ =	sfence.sel $0xFFFF  }
0xc0: {  	[dreg:$0x0] =	wrdreg $0xFFFFFFFF;
	(pc) =	sbr.abs _section_cstart, $3  }
0xc1: {  	[dreg:$0x1] =	wrdreg $0xFFFFFFFF  }
0xc2: {  	_ =	task.clear_ibuf [dreg:s7], $0x2FFFF;
	_ =	strace $0x9FFFFFFF  }
0xc3: {  	(tm) =	ssettm $0x7FFFFFFF  }
tec
execute0_lowered:
.L_overlay_start_1:
0x0: {  	(tag) =	ssettag $0x1  }
0x1: {  	s0 =	srdreg.scid  }
0x2: {  	s1 =	rddreg [dreg:$0x0];
	s9 =	stileid.u32  }
0x3: {  	s3 =	rddreg [dreg:$0x2];
	s4 =	simm.s32 $0x0;
	s15 =	simm.s32 $0x80  }
0x4: {  	s17 =	simm.s32 $0x100;
	s18 =	simm.s32 $0x180;
	[smem:$0x7FF] =	sst s4  }
0x5: {  	s19 =	simm.s32 $0x200;
	_ =	strace $0x8000004A;
	[dreg:$0x6] =	wrdreg s15  }
0x6: {  	s20 =	simm.s32 $0x880;
	s22 =	simm.s32 $0x280;
	[dreg:$0x7] =	wrdreg s17  }
0x7: {  	s23 =	simm.s32 $0x900;
	s25 =	simm.s32 $0x300;
	[dreg:$0x8] =	wrdreg s18  }
0x8: {  	s10 =	simm.s32 $0xA00;
	s11 =	simm.s32 $0x400;
	[dreg:$0x9] =	wrdreg s19  }
0x9: {  	s12 =	simm.s32 $0xA80;
	s13 =	simm.s32 $0x480;
	[dreg:$0xa] =	wrdreg s20  }
0xa: {  	s14 =	simm.s32 $0xB00;
	s5 =	smul.u32 $0xC800, s9;
	[dreg:$0xb] =	wrdreg s22  }
0xb: {  	s28 =	simm.s32 $0x6;
	s7 =	smul.u32 $0x19000, s9;
	[dreg:$0xc] =	wrdreg s23  }
0xc: {  	s26 =	sshll.u32 s9, $0x6;
	s9 =	simm.s32 $0x380;
	[dreg:$0xd] =	wrdreg s25  }
0xd: {  	s29 =	simm.s32 $0xA;
	s30 =	simm.s32 $0xB;
	[dreg:$0xf] =	wrdreg s9  }
0xe: {  	s31 =	simm.s32 $0xC;
	s0 =	sand.u32 $0x1, s0;
	[dreg:$0x10] =	wrdreg s10  }
0xf: {  	s6 =	sadd.s32 $0x2200, s1;
	s2 =	smul.u32 $0xC8000, s0;
	[dreg:$0x11] =	wrdreg s11  }
0x10: {  	s8 =	smul.u32 $0x190000, s0;
	s0 =	ssub.s32 $0x2, s0;
	[dreg:$0x12] =	wrdreg s12  }
0x11: {  	s10 =	simm.s32 $0xD;
	s11 =	simm.s32 $0x800;
	[dreg:$0x13] =	wrdreg s13  }
0x12: {  	s12 =	simm.s32 $0x7D;
	[dreg:$0x14] =	wrdreg s14;
	s15 =	simm.s32 $0x500  }
0x13: {  	s13 =	simm.s32 $0x1000;
	s14 =	simm.s32 $0x1FA0;
	s17 =	simm.s32 $0x580  }
0x14: {  	s18 =	simm.s32 $0xC00;
	s19 =	simm.s32 $0x600;
	[dreg:$0x15] =	wrdreg s15  }
0x15: {  	s20 =	simm.s32 $0xC80;
	s22 =	simm.s32 $0xD00;
	[dreg:$0x17] =	wrdreg s17  }
0x16: {  	s23 =	simm.s32 $0x700;
	s25 =	simm.s32 $0x780;
	[dreg:$0x18] =	wrdreg s18  }
0x17: {  	s9 =	simm.s32 $0x0;
	s21 =	sshrl.u32 s0, $0x1;
	[dreg:$0x19] =	wrdreg s19  }
0x18: {  	s24 =	sadd.s32 s7, s3;
	s15 =	simm.s32 $0x2F40;
	[dreg:$0x1a] =	wrdreg s20  }
0x19: {  	s17 =	simm.s32 $0x1;
	s18 =	simm.s32 $0x4E80;
	[dreg:$0x1c] =	wrdreg s22  }
0x1a: {  	s19 =	simm.s32 $0x2;
	s20 =	simm.s32 $0x5E20;
	[dreg:$0x1d] =	wrdreg s23  }
0x1b: {  	s22 =	simm.s32 $0x7;
	s23 =	simm.s32 $0x4;
	[dreg:$0x1f] =	wrdreg s25  }
0x1c: {  	s25 =	simm.s32 $0x5;
	s2 =	sadd.s32 s5, s2;
	s16 =	sadd.s32 s7, s8  }
0x1d: {  	s0 =	ssub.s32 s0, s21;
	s8 =	simm.s32 $0x980;
	s7 =	sor.u32 $0x1C0D, s26  }
0x1e: {  	s21 =	simm.s32 $0x680;
	s26 =	simm.s32 $0xE00;
	[dreg:$0xe] =	wrdreg s8  }
0x1f: {  	s5 =	sadd.s32 $0x190000, s2;
	s2 =	sshrl.u32 s2, $0x3;
	[dreg:$0x1b] =	wrdreg s21  }
0x20: {  	s0 =	smax.u32 s0, $0x1;
	s8 =	sshrl.u32 s24, $0x3;
	[smem:$0x7FB] =	sst s26  }
0x21: {  	s21 =	simm.s32 $0x3;
	s24 =	simm.s32 $0xD80;
	[smem:$0x7FC] =	sst s7  }
0x22: {  	s26 =	simm.s32 $0x9;
	s5 =	sshrl.u32 s5, $0x3;
	[smem:$0x7FA] =	sst s0  }
0x23: {  	s2 =	sadd.s32 s2, s6;
	[dreg:$0x1e] =	wrdreg s24;
	s24 =	simm.s32 $0x8  }
0x24: {  	s0 =	simm.s32 $0xF00;
	[smem:$0x7FD] =	sst s8;
	s5 =	sadd.s32 s5, s6  }
0x25: {  	[dreg:$0x5] =	wrdreg s2;
	s6 =	sshrl.u32 s16, $0x3;
	s16 =	simm.s32 $0xB80  }
0x26: {  	[dreg:$0x4] =	wrdreg s5;
	s5 =	sadd.s32 $0x66200, s1;
	s1 =	sadd.s32 s6, s1  }
0x27: {  	s2 =	simm.s32 $0xF80;
	[dreg:$0x16] =	wrdreg s16;
	s1 =	sadd.s32 $0x15BA00, s1  }
0x28: {  	s16 =	simm.s32 $0x3EE0;
	[smem:$0x7F9] =	sst s1;
	s1 =	simm.s32 $0xE80  }
.LBB2_1:
0x29: {  	[smem:$0x7F8] =	sst s9  }
0x2a: {  	s6 =	rddreg [dreg:$0x1]  }
0x2b: {  	[spmem:s8], [sflag:s7] =	dma.local [hbm:s6], $0x3200  }
0x2c: {  	_ =	swait.ge [sflag:s10], $0x3200  }
0x2d: {  	[sflag:s10] =	ssyncset.done $0x0  }
0x2e: {  	[sflag:s10] =	ssyncadd.s32 $0xFFFFCE00  }
0x2f: {  	[bflag:$0x0] =	sbarrier.arrive $0xFFFF  }
0x30: {  	s7 =	rddreg [dreg:$0x5]  }
0x31: {  	s6 =	sadd.s32 $0x0, s7  }
0x32: {  	[tilespmem:s4], [sflag:$0xD] =	stream.linear.gather [hbm4b:s6+s4], $0x800, $0x38;
	[tilespmem:$0x1FDC0] =	vst v63  }
0x33: {  	_ =	swait.ge [sflag:s10], $0x800  }
0x34: {  	s8 =	rddreg [dreg:$0x4];
	[sflag:s10] =	ssyncset.done $0x0  }
0x35: {  	[sflag:s10] =	ssyncadd.s32 $0xFFFFF800;
	s6 =	sadd.s32 $0x0, s8  }
0x36: {  	[tilespmem:s11], [sflag:$0xD] =	stream.linear.gather [hbm4b:s6+s4], $0x800, $0x38;
	[tilespmem:$0x1FDC0] =	vst v63  }
0x37: {  	_ =	swait.ge [sflag:s10], $0x800  }
0x38: {  	[sflag:s10] =	ssyncset.done $0x0  }
0x39: {  	[sflag:s10] =	ssyncadd.s32 $0xFFFFF800  }
0x3a: {  	[tilespmem:s13], [sflag:$0x1] =	stream.indirect.gather [hbm4b:s5+s12], $0x20, s4, s12, $0xb8;
	[tilespmem:$0x1FDC0] =	vst v63  }
0x3b: {  	s9 =	rddreg [dreg:$0x6]  }
0x3c: {  	[tilespmem:s14], [sflag:$0x2] =	stream.indirect.gather [hbm4b:s5+s12], $0x20, s9, s12, $0xb8;
	[tilespmem:$0x1FDC0] =	vst v63  }
0x3d: {  	s7 =	rddreg [dreg:$0x7]  }
0x3e: {  	[tilespmem:s15], [sflag:$0x3] =	stream.indirect.gather [hbm4b:s5+s12], $0x20, s7, s12, $0xb8;
	[tilespmem:$0x1FDC0] =	vst v63  }
0x3f: {  	s9 =	rddreg [dreg:$0x8]  }
0x40: {  	[tilespmem:s16], [sflag:$0x4] =	stream.indirect.gather [hbm4b:s5+s12], $0x20, s9, s12, $0xb8;
	[tilespmem:$0x1FDC0] =	vst v63  }
0x41: {  	_ =	swait.ge [sflag:s17], $0xFA0  }
0x42: {  	[sflag:s17] =	ssyncset.done $0x0  }
0x43: {  	[sflag:s17] =	ssyncadd.s32 $0xFFFFF060  }
0x44: {  	[spmem:s3] =	stream.indirect.scatter.add.f32 [tilespmem:s13], [sflag:$0x7], $0x20, s11, s12, $0xb8;
	[tilespmem:$0x1FDC0] =	vst v63  }
0x45: {  	s7 =	rddreg [dreg:$0x9]  }
0x46: {  	[tilespmem:s18], [sflag:$0x5] =	stream.indirect.gather [hbm4b:s5+s12], $0x20, s7, s12, $0xb8;
	[tilespmem:$0x1FDC0] =	vst v63  }
0x47: {  	_ =	swait.ge [sflag:s19], $0xFA0  }
0x48: {  	[sflag:s19] =	ssyncset.done $0x0  }
0x49: {  	s8 =	rddreg [dreg:$0xa];
	[sflag:s19] =	ssyncadd.s32 $0xFFFFF060  }
0x4a: {  	[spmem:s3] =	stream.indirect.scatter.add.f32 [tilespmem:s14], [sflag:$0x8], $0x20, s8, s12, $0xb8;
	[tilespmem:$0x1FDC0] =	vst v63  }
0x4b: {  	s9 =	rddreg [dreg:$0xb]  }
0x4c: {  	[tilespmem:s20], [sflag:$0x6] =	stream.indirect.gather [hbm4b:s5+s12], $0x20, s9, s12, $0xb8;
	[tilespmem:$0x1FDC0] =	vst v63  }
0x4d: {  	_ =	swait.ge [sflag:s21], $0xFA0  }
0x4e: {  	[sflag:s21] =	ssyncset.done $0x0  }
0x4f: {  	s7 =	rddreg [dreg:$0xc];
	[sflag:s21] =	ssyncadd.s32 $0xFFFFF060  }
0x50: {  	[spmem:s3] =	stream.indirect.scatter.add.f32 [tilespmem:s15], [sflag:$0x9], $0x20, s7, s12, $0xb8;
	[tilespmem:$0x1FDC0] =	vst v63  }
0x51: {  	_ =	swait.ge [sflag:s22], $0xFA0  }
0x52: {  	[sflag:s22] =	ssyncset.done $0x0  }
0x53: {  	s8 =	rddreg [dreg:$0xd];
	[sflag:s22] =	ssyncadd.s32 $0xFFFFF060  }
0x54: {  	[tilespmem:s13], [sflag:$0x1] =	stream.indirect.gather [hbm4b:s5+s12], $0x20, s8, s12, $0xb8;
	[tilespmem:$0x1FDC0] =	vst v63  }
0x55: {  	_ =	swait.ge [sflag:s23], $0xFA0  }
0x56: {  	[sflag:s23] =	ssyncset.done $0x0  }
0x57: {  	s9 =	rddreg [dreg:$0xe];
	[sflag:s23] =	ssyncadd.s32 $0xFFFFF060  }
0x58: {  	[spmem:s3] =	stream.indirect.scatter.add.f32 [tilespmem:s16], [sflag:$0xA], $0x20, s9, s12, $0xb8;
	[tilespmem:$0x1FDC0] =	vst v63  }
0x59: {  	_ =	swait.ge [sflag:s24], $0xFA0  }
0x5a: {  	[sflag:s24] =	ssyncset.done $0x0  }
0x5b: {  	s7 =	rddreg [dreg:$0xf];
	[sflag:s24] =	ssyncadd.s32 $0xFFFFF060  }
0x5c: {  	[tilespmem:s14], [sflag:$0x2] =	stream.indirect.gather [hbm4b:s5+s12], $0x20, s7, s12, $0xb8;
	[tilespmem:$0x1FDC0] =	vst v63  }
0x5d: {  	_ =	swait.ge [sflag:s25], $0xFA0  }
0x5e: {  	[sflag:s25] =	ssyncset.done $0x0  }
0x5f: {  	s8 =	rddreg [dreg:$0x10];
	[sflag:s25] =	ssyncadd.s32 $0xFFFFF060  }
0x60: {  	[spmem:s3] =	stream.indirect.scatter.add.f32 [tilespmem:s18], [sflag:$0xB], $0x20, s8, s12, $0xb8;
	[tilespmem:$0x1FDC0] =	vst v63  }
0x61: {  	_ =	swait.ge [sflag:s26], $0xFA0  }
0x62: {  	[sflag:s26] =	ssyncset.done $0x0  }
0x63: {  	s9 =	rddreg [dreg:$0x11];
	[sflag:s26] =	ssyncadd.s32 $0xFFFFF060  }
0x64: {  	[tilespmem:s15], [sflag:$0x3] =	stream.indirect.gather [hbm4b:s5+s12], $0x20, s9, s12, $0xb8;
	[tilespmem:$0x1FDC0] =	vst v63  }
0x65: {  	_ =	swait.ge [sflag:s28], $0xFA0  }
0x66: {  	[sflag:s28] =	ssyncset.done $0x0  }
0x67: {  	s7 =	rddreg [dreg:$0x12];
	[sflag:s28] =	ssyncadd.s32 $0xFFFFF060  }
0x68: {  	[spmem:s3] =	stream.indirect.scatter.add.f32 [tilespmem:s20], [sflag:$0xC], $0x20, s7, s12, $0xb8;
	[tilespmem:$0x1FDC0] =	vst v63  }
0x69: {  	_ =	swait.ge [sflag:s29], $0xFA0  }
0x6a: {  	[sflag:s29] =	ssyncset.done $0x0  }
0x6b: {  	s8 =	rddreg [dreg:$0x13];
	[sflag:s29] =	ssyncadd.s32 $0xFFFFF060  }
0x6c: {  	[tilespmem:s16], [sflag:$0x4] =	stream.indirect.gather [hbm4b:s5+s12], $0x20, s8, s12, $0xb8;
	[tilespmem:$0x1FDC0] =	vst v63  }
0x6d: {  	_ =	swait.ge [sflag:s17], $0xFA0  }
0x6e: {  	[sflag:s17] =	ssyncset.done $0x0  }
0x6f: {  	s9 =	rddreg [dreg:$0x14];
	[sflag:s17] =	ssyncadd.s32 $0xFFFFF060  }
0x70: {  	[spmem:s3] =	stream.indirect.scatter.add.f32 [tilespmem:s13], [sflag:$0x7], $0x20, s9, s12, $0xb8;
	[tilespmem:$0x1FDC0] =	vst v63  }
0x71: {  	_ =	swait.ge [sflag:s30], $0xFA0  }
0x72: {  	[sflag:s30] =	ssyncset.done $0x0  }
0x73: {  	s7 =	rddreg [dreg:$0x15];
	[sflag:s30] =	ssyncadd.s32 $0xFFFFF060  }
0x74: {  	[tilespmem:s18], [sflag:$0x5] =	stream.indirect.gather [hbm4b:s5+s12], $0x20, s7, s12, $0xb8;
	[tilespmem:$0x1FDC0] =	vst v63  }
0x75: {  	_ =	swait.ge [sflag:s19], $0xFA0  }
0x76: {  	[sflag:s19] =	ssyncset.done $0x0  }
0x77: {  	s8 =	rddreg [dreg:$0x16];
	[sflag:s19] =	ssyncadd.s32 $0xFFFFF060  }
0x78: {  	[spmem:s3] =	stream.indirect.scatter.add.f32 [tilespmem:s14], [sflag:$0x8], $0x20, s8, s12, $0xb8;
	[tilespmem:$0x1FDC0] =	vst v63  }
0x79: {  	_ =	swait.ge [sflag:s31], $0xFA0  }
0x7a: {  	[sflag:s31] =	ssyncset.done $0x0  }
0x7b: {  	s9 =	rddreg [dreg:$0x17];
	[sflag:s31] =	ssyncadd.s32 $0xFFFFF060  }
0x7c: {  	[tilespmem:s20], [sflag:$0x6] =	stream.indirect.gather [hbm4b:s5+s12], $0x20, s9, s12, $0xb8;
	[tilespmem:$0x1FDC0] =	vst v63  }
0x7d: {  	_ =	swait.ge [sflag:s21], $0xFA0  }
0x7e: {  	[sflag:s21] =	ssyncset.done $0x0  }
0x7f: {  	s7 =	rddreg [dreg:$0x18];
	[sflag:s21] =	ssyncadd.s32 $0xFFFFF060  }
0x80: {  	[spmem:s3] =	stream.indirect.scatter.add.f32 [tilespmem:s15], [sflag:$0x9], $0x20, s7, s12, $0xb8;
	[tilespmem:$0x1FDC0] =	vst v63  }
0x81: {  	_ =	swait.ge [sflag:s22], $0xFA0  }
0x82: {  	[sflag:s22] =	ssyncset.done $0x0  }
0x83: {  	s8 =	rddreg [dreg:$0x19];
	[sflag:s22] =	ssyncadd.s32 $0xFFFFF060  }
0x84: {  	[tilespmem:s13], [sflag:$0x1] =	stream.indirect.gather [hbm4b:s5+s12], $0x20, s8, s12, $0xb8;
	[tilespmem:$0x1FDC0] =	vst v63  }
0x85: {  	_ =	swait.ge [sflag:s23], $0xFA0  }
0x86: {  	[sflag:s23] =	ssyncset.done $0x0  }
0x87: {  	s9 =	rddreg [dreg:$0x1a];
	[sflag:s23] =	ssyncadd.s32 $0xFFFFF060  }
0x88: {  	[spmem:s3] =	stream.indirect.scatter.add.f32 [tilespmem:s16], [sflag:$0xA], $0x20, s9, s12, $0xb8;
	[tilespmem:$0x1FDC0] =	vst v63  }
0x89: {  	_ =	swait.ge [sflag:s24], $0xFA0  }
0x8a: {  	[sflag:s24] =	ssyncset.done $0x0  }
0x8b: {  	s7 =	rddreg [dreg:$0x1b];
	[sflag:s24] =	ssyncadd.s32 $0xFFFFF060  }
0x8c: {  	[tilespmem:s14], [sflag:$0x2] =	stream.indirect.gather [hbm4b:s5+s12], $0x20, s7, s12, $0xb8;
	[tilespmem:$0x1FDC0] =	vst v63  }
0x8d: {  	_ =	swait.ge [sflag:s25], $0xFA0  }
0x8e: {  	[sflag:s25] =	ssyncset.done $0x0  }
0x8f: {  	s8 =	rddreg [dreg:$0x1c];
	[sflag:s25] =	ssyncadd.s32 $0xFFFFF060  }
0x90: {  	[spmem:s3] =	stream.indirect.scatter.add.f32 [tilespmem:s18], [sflag:$0xB], $0x20, s8, s12, $0xb8;
	[tilespmem:$0x1FDC0] =	vst v63  }
0x91: {  	_ =	swait.ge [sflag:s26], $0xFA0  }
0x92: {  	[sflag:s26] =	ssyncset.done $0x0  }
0x93: {  	s9 =	rddreg [dreg:$0x1d];
	[sflag:s26] =	ssyncadd.s32 $0xFFFFF060  }
0x94: {  	[tilespmem:s15], [sflag:$0x3] =	stream.indirect.gather [hbm4b:s5+s12], $0x20, s9, s12, $0xb8;
	[tilespmem:$0x1FDC0] =	vst v63  }
0x95: {  	_ =	swait.ge [sflag:s28], $0xFA0  }
0x96: {  	[sflag:s28] =	ssyncset.done $0x0  }
0x97: {  	s7 =	rddreg [dreg:$0x1e];
	[sflag:s28] =	ssyncadd.s32 $0xFFFFF060  }
0x98: {  	[spmem:s3] =	stream.indirect.scatter.add.f32 [tilespmem:s20], [sflag:$0xC], $0x20, s7, s12, $0xb8;
	[tilespmem:$0x1FDC0] =	vst v63  }
0x99: {  	_ =	swait.ge [sflag:s29], $0xFA0  }
0x9a: {  	[sflag:s29] =	ssyncset.done $0x0  }
0x9b: {  	s8 =	rddreg [dreg:$0x1f];
	[sflag:s29] =	ssyncadd.s32 $0xFFFFF060  }
0x9c: {  	[tilespmem:s16], [sflag:$0x4] =	stream.indirect.gather [hbm4b:s5+s12], $0x20, s8, s12, $0xb8;
	[tilespmem:$0x1FDC0] =	vst v63  }
0x9d: {  	_ =	swait.ge [sflag:s17], $0xFA0  }
0x9e: {  	s9 =	sld [smem:$0x7FB]  }
0x9f: {  	[sflag:s17] =	ssyncset.done $0x0  }
0xa0: {  	[sflag:s17] =	ssyncadd.s32 $0xFFFFF060  }
0xa1: {  	[spmem:s3] =	stream.indirect.scatter.add.f32 [tilespmem:s13], [sflag:$0x7], $0x20, s9, s12, $0xb8;
	[tilespmem:$0x1FDC0] =	vst v63  }
0xa2: {  	_ =	swait.ge [sflag:s19], $0xFA0  }
0xa3: {  	[sflag:s19] =	ssyncset.done $0x0  }
0xa4: {  	[sflag:s19] =	ssyncadd.s32 $0xFFFFF060  }
0xa5: {  	[spmem:s3] =	stream.indirect.scatter.add.f32 [tilespmem:s14], [sflag:$0x8], $0x20, s1, s12, $0xb8;
	[tilespmem:$0x1FDC0] =	vst v63  }
0xa6: {  	_ =	swait.ge [sflag:s21], $0xFA0  }
0xa7: {  	[sflag:s21] =	ssyncset.done $0x0  }
0xa8: {  	[sflag:s21] =	ssyncadd.s32 $0xFFFFF060  }
0xa9: {  	[spmem:s3] =	stream.indirect.scatter.add.f32 [tilespmem:s15], [sflag:$0x9], $0x20, s0, s12, $0xb8;
	[tilespmem:$0x1FDC0] =	vst v63  }
0xaa: {  	_ =	swait.ge [sflag:s23], $0xFA0  }
0xab: {  	[sflag:s23] =	ssyncset.done $0x0  }
0xac: {  	[sflag:s23] =	ssyncadd.s32 $0xFFFFF060  }
0xad: {  	[spmem:s3] =	stream.indirect.scatter.add.f32 [tilespmem:s16], [sflag:$0xA], $0x20, s2, s12, $0xb8;
	[tilespmem:$0x1FDC0] =	vst v63  }
0xae: {  	_ =	swait.ge [sflag:s30], $0xFA0  }
0xaf: {  	[sflag:s30] =	ssyncset.done $0x0  }
0xb0: {  	[sflag:s30] =	ssyncadd.s32 $0xFFFFF060  }
0xb1: {  	_ =	swait.ge [sflag:s31], $0xFA0  }
0xb2: {  	[sflag:s31] =	ssyncset.done $0x0  }
0xb3: {  	[sflag:s31] =	ssyncadd.s32 $0xFFFFF060  }
0xb4: {  	_ =	swait.ge [sflag:s22], $0xFA0  }
0xb5: {  	[sflag:s22] =	ssyncset.done $0x0  }
0xb6: {  	[sflag:s22] =	ssyncadd.s32 $0xFFFFF060  }
0xb7: {  	_ =	swait.ge [sflag:s24], $0xFA0  }
0xb8: {  	[sflag:s24] =	ssyncset.done $0x0  }
0xb9: {  	[sflag:s24] =	ssyncadd.s32 $0xFFFFF060  }
0xba: {  	_ =	swait.ge [sflag:s26], $0xFA0  }
0xbb: {  	[sflag:s26] =	ssyncset.done $0x0  }
0xbc: {  	[sflag:s26] =	ssyncadd.s32 $0xFFFFF060  }
0xbd: {  	s6 =	simm.s32 $0x200;
	_ =	swait.ge [sflag:s29], $0xFA0  }
0xbe: {  	s8 =	simm.s32 $0x100;
	s9 =	rddreg [dreg:$0x5];
	[sflag:s29] =	ssyncset.done $0x0  }
.LBB2_2:
0xbf: {  	[sflag:s29] =	ssyncadd.s32 $0xFFFFF060;
	s9 =	sadd.s32 s8, s9  }
0xc0: {  	[tilespmem:s4], [sflag:$0xD] =	stream.linear.gather [hbm4b:s9+s4], $0x800, $0x38;
	[tilespmem:$0x1FDC0] =	vst v63  }
0xc1: {  	_ =	swait.ge [sflag:s10], $0x800  }
0xc2: {  	s9 =	rddreg [dreg:$0x4];
	[sflag:s10] =	ssyncset.done $0x0  }
0xc3: {  	[sflag:s10] =	ssyncadd.s32 $0xFFFFF800;
	s9 =	sadd.s32 s8, s9  }
0xc4: {  	[tilespmem:s11], [sflag:$0xD] =	stream.linear.gather [hbm4b:s9+s4], $0x800, $0x38;
	[tilespmem:$0x1FDC0] =	vst v63  }
0xc5: {  	_ =	swait.ge [sflag:s10], $0x800  }
0xc6: {  	[sflag:s10] =	ssyncset.done $0x0  }
0xc7: {  	s7 =	smov.u32 s6;
	[sflag:s10] =	ssyncadd.s32 $0xFFFFF800  }
0xc8: {  	[tilespmem:s13], [sflag:$0x1] =	stream.indirect.gather [hbm4b:s5+s12], $0x20, s4, s12, $0xb8;
	[tilespmem:$0x1FDC0] =	vst v63  }
0xc9: {  	s8 =	smov.u32 s7;
	s7 =	rddreg [dreg:$0x6]  }
0xca: {  	[tilespmem:s14], [sflag:$0x2] =	stream.indirect.gather [hbm4b:s5+s12], $0x20, s7, s12, $0xb8;
	[tilespmem:$0x1FDC0] =	vst v63  }
0xcb: {  	s9 =	rddreg [dreg:$0x7]  }
0xcc: {  	[tilespmem:s15], [sflag:$0x3] =	stream.indirect.gather [hbm4b:s5+s12], $0x20, s9, s12, $0xb8;
	[tilespmem:$0x1FDC0] =	vst v63  }
0xcd: {  	s7 =	rddreg [dreg:$0x8]  }
0xce: {  	[tilespmem:s16], [sflag:$0x4] =	stream.indirect.gather [hbm4b:s5+s12], $0x20, s7, s12, $0xb8;
	[tilespmem:$0x1FDC0] =	vst v63  }
0xcf: {  	_ =	swait.ge [sflag:s17], $0xFA0  }
0xd0: {  	[sflag:s17] =	ssyncset.done $0x0  }
0xd1: {  	[sflag:s17] =	ssyncadd.s32 $0xFFFFF060  }
0xd2: {  	[spmem:s3] =	stream.indirect.scatter.add.f32 [tilespmem:s13], [sflag:$0x7], $0x20, s11, s12, $0xb8;
	[tilespmem:$0x1FDC0] =	vst v63  }
0xd3: {  	s9 =	rddreg [dreg:$0x9]  }
0xd4: {  	[tilespmem:s18], [sflag:$0x5] =	stream.indirect.gather [hbm4b:s5+s12], $0x20, s9, s12, $0xb8;
	[tilespmem:$0x1FDC0] =	vst v63  }
0xd5: {  	_ =	swait.ge [sflag:s19], $0xFA0  }
0xd6: {  	[sflag:s19] =	ssyncset.done $0x0  }
0xd7: {  	s7 =	rddreg [dreg:$0xa];
	[sflag:s19] =	ssyncadd.s32 $0xFFFFF060  }
0xd8: {  	[spmem:s3] =	stream.indirect.scatter.add.f32 [tilespmem:s14], [sflag:$0x8], $0x20, s7, s12, $0xb8;
	[tilespmem:$0x1FDC0] =	vst v63  }
0xd9: {  	s9 =	rddreg [dreg:$0xb]  }
0xda: {  	[tilespmem:s20], [sflag:$0x6] =	stream.indirect.gather [hbm4b:s5+s12], $0x20, s9, s12, $0xb8;
	[tilespmem:$0x1FDC0] =	vst v63  }
0xdb: {  	_ =	swait.ge [sflag:s21], $0xFA0  }
0xdc: {  	[sflag:s21] =	ssyncset.done $0x0  }
0xdd: {  	s9 =	rddreg [dreg:$0xc];
	[sflag:s21] =	ssyncadd.s32 $0xFFFFF060  }
0xde: {  	[spmem:s3] =	stream.indirect.scatter.add.f32 [tilespmem:s15], [sflag:$0x9], $0x20, s9, s12, $0xb8;
	[tilespmem:$0x1FDC0] =	vst v63  }
0xdf: {  	_ =	swait.ge [sflag:s22], $0xFA0  }
0xe0: {  	[sflag:s22] =	ssyncset.done $0x0  }
0xe1: {  	s9 =	rddreg [dreg:$0xd];
	[sflag:s22] =	ssyncadd.s32 $0xFFFFF060  }
0xe2: {  	[tilespmem:s13], [sflag:$0x1] =	stream.indirect.gather [hbm4b:s5+s12], $0x20, s9, s12, $0xb8;
	[tilespmem:$0x1FDC0] =	vst v63  }
0xe3: {  	_ =	swait.ge [sflag:s23], $0xFA0  }
0xe4: {  	[sflag:s23] =	ssyncset.done $0x0  }
0xe5: {  	s9 =	rddreg [dreg:$0xe];
	[sflag:s23] =	ssyncadd.s32 $0xFFFFF060  }
0xe6: {  	[spmem:s3] =	stream.indirect.scatter.add.f32 [tilespmem:s16], [sflag:$0xA], $0x20, s9, s12, $0xb8;
	[tilespmem:$0x1FDC0] =	vst v63  }
0xe7: {  	_ =	swait.ge [sflag:s24], $0xFA0  }
0xe8: {  	[sflag:s24] =	ssyncset.done $0x0  }
0xe9: {  	s9 =	rddreg [dreg:$0xf];
	[sflag:s24] =	ssyncadd.s32 $0xFFFFF060  }
0xea: {  	[tilespmem:s14], [sflag:$0x2] =	stream.indirect.gather [hbm4b:s5+s12], $0x20, s9, s12, $0xb8;
	[tilespmem:$0x1FDC0] =	vst v63  }
0xeb: {  	_ =	swait.ge [sflag:s25], $0xFA0  }
0xec: {  	[sflag:s25] =	ssyncset.done $0x0  }
0xed: {  	s9 =	rddreg [dreg:$0x10];
	[sflag:s25] =	ssyncadd.s32 $0xFFFFF060  }
0xee: {  	[spmem:s3] =	stream.indirect.scatter.add.f32 [tilespmem:s18], [sflag:$0xB], $0x20, s9, s12, $0xb8;
	[tilespmem:$0x1FDC0] =	vst v63  }
0xef: {  	_ =	swait.ge [sflag:s26], $0xFA0  }
0xf0: {  	[sflag:s26] =	ssyncset.done $0x0  }
0xf1: {  	s9 =	rddreg [dreg:$0x11];
	[sflag:s26] =	ssyncadd.s32 $0xFFFFF060  }
0xf2: {  	[tilespmem:s15], [sflag:$0x3] =	stream.indirect.gather [hbm4b:s5+s12], $0x20, s9, s12, $0xb8;
	[tilespmem:$0x1FDC0] =	vst v63  }
0xf3: {  	_ =	swait.ge [sflag:s28], $0xFA0  }
0xf4: {  	[sflag:s28] =	ssyncset.done $0x0  }
0xf5: {  	s9 =	rddreg [dreg:$0x12];
	[sflag:s28] =	ssyncadd.s32 $0xFFFFF060  }
0xf6: {  	[spmem:s3] =	stream.indirect.scatter.add.f32 [tilespmem:s20], [sflag:$0xC], $0x20, s9, s12, $0xb8;
	[tilespmem:$0x1FDC0] =	vst v63  }
0xf7: {  	_ =	swait.ge [sflag:s29], $0xFA0  }
0xf8: {  	[sflag:s29] =	ssyncset.done $0x0  }
0xf9: {  	s9 =	rddreg [dreg:$0x13];
	[sflag:s29] =	ssyncadd.s32 $0xFFFFF060  }
0xfa: {  	[tilespmem:s16], [sflag:$0x4] =	stream.indirect.gather [hbm4b:s5+s12], $0x20, s9, s12, $0xb8;
	[tilespmem:$0x1FDC0] =	vst v63  }
0xfb: {  	_ =	swait.ge [sflag:s17], $0xFA0  }
0xfc: {  	[sflag:s17] =	ssyncset.done $0x0  }
0xfd: {  	s9 =	rddreg [dreg:$0x14];
	[sflag:s17] =	ssyncadd.s32 $0xFFFFF060  }
0xfe: {  	[spmem:s3] =	stream.indirect.scatter.add.f32 [tilespmem:s13], [sflag:$0x7], $0x20, s9, s12, $0xb8;
	[tilespmem:$0x1FDC0] =	vst v63  }
0xff: {  	_ =	swait.ge [sflag:s30], $0xFA0  }
0x100: {  	[sflag:s30] =	ssyncset.done $0x0  }
0x101: {  	s9 =	rddreg [dreg:$0x15];
	[sflag:s30] =	ssyncadd.s32 $0xFFFFF060  }
0x102: {  	[tilespmem:s18], [sflag:$0x5] =	stream.indirect.gather [hbm4b:s5+s12], $0x20, s9, s12, $0xb8;
	[tilespmem:$0x1FDC0] =	vst v63  }
0x103: {  	_ =	swait.ge [sflag:s19], $0xFA0  }
0x104: {  	[sflag:s19] =	ssyncset.done $0x0  }
0x105: {  	s9 =	rddreg [dreg:$0x16];
	[sflag:s19] =	ssyncadd.s32 $0xFFFFF060  }
0x106: {  	[spmem:s3] =	stream.indirect.scatter.add.f32 [tilespmem:s14], [sflag:$0x8], $0x20, s9, s12, $0xb8;
	[tilespmem:$0x1FDC0] =	vst v63  }
0x107: {  	_ =	swait.ge [sflag:s31], $0xFA0  }
0x108: {  	[sflag:s31] =	ssyncset.done $0x0  }
0x109: {  	s9 =	rddreg [dreg:$0x17];
	[sflag:s31] =	ssyncadd.s32 $0xFFFFF060  }
0x10a: {  	[tilespmem:s20], [sflag:$0x6] =	stream.indirect.gather [hbm4b:s5+s12], $0x20, s9, s12, $0xb8;
	[tilespmem:$0x1FDC0] =	vst v63  }
0x10b: {  	_ =	swait.ge [sflag:s21], $0xFA0  }
0x10c: {  	[sflag:s21] =	ssyncset.done $0x0  }
0x10d: {  	s9 =	rddreg [dreg:$0x18];
	[sflag:s21] =	ssyncadd.s32 $0xFFFFF060  }
0x10e: {  	[spmem:s3] =	stream.indirect.scatter.add.f32 [tilespmem:s15], [sflag:$0x9], $0x20, s9, s12, $0xb8;
	[tilespmem:$0x1FDC0] =	vst v63  }
0x10f: {  	_ =	swait.ge [sflag:s22], $0xFA0  }
0x110: {  	[sflag:s22] =	ssyncset.done $0x0  }
0x111: {  	s9 =	rddreg [dreg:$0x19];
	[sflag:s22] =	ssyncadd.s32 $0xFFFFF060  }
0x112: {  	[tilespmem:s13], [sflag:$0x1] =	stream.indirect.gather [hbm4b:s5+s12], $0x20, s9, s12, $0xb8;
	[tilespmem:$0x1FDC0] =	vst v63  }
0x113: {  	_ =	swait.ge [sflag:s23], $0xFA0  }
0x114: {  	[sflag:s23] =	ssyncset.done $0x0  }
0x115: {  	s9 =	rddreg [dreg:$0x1a];
	[sflag:s23] =	ssyncadd.s32 $0xFFFFF060  }
0x116: {  	[spmem:s3] =	stream.indirect.scatter.add.f32 [tilespmem:s16], [sflag:$0xA], $0x20, s9, s12, $0xb8;
	[tilespmem:$0x1FDC0] =	vst v63  }
0x117: {  	_ =	swait.ge [sflag:s24], $0xFA0  }
0x118: {  	[sflag:s24] =	ssyncset.done $0x0  }
0x119: {  	s9 =	rddreg [dreg:$0x1b];
	[sflag:s24] =	ssyncadd.s32 $0xFFFFF060  }
0x11a: {  	[tilespmem:s14], [sflag:$0x2] =	stream.indirect.gather [hbm4b:s5+s12], $0x20, s9, s12, $0xb8;
	[tilespmem:$0x1FDC0] =	vst v63  }
0x11b: {  	_ =	swait.ge [sflag:s25], $0xFA0  }
0x11c: {  	[sflag:s25] =	ssyncset.done $0x0  }
0x11d: {  	s9 =	rddreg [dreg:$0x1c];
	[sflag:s25] =	ssyncadd.s32 $0xFFFFF060  }
0x11e: {  	[spmem:s3] =	stream.indirect.scatter.add.f32 [tilespmem:s18], [sflag:$0xB], $0x20, s9, s12, $0xb8;
	[tilespmem:$0x1FDC0] =	vst v63  }
0x11f: {  	_ =	swait.ge [sflag:s26], $0xFA0  }
0x120: {  	[sflag:s26] =	ssyncset.done $0x0  }
0x121: {  	s9 =	rddreg [dreg:$0x1d];
	[sflag:s26] =	ssyncadd.s32 $0xFFFFF060  }
0x122: {  	[tilespmem:s15], [sflag:$0x3] =	stream.indirect.gather [hbm4b:s5+s12], $0x20, s9, s12, $0xb8;
	[tilespmem:$0x1FDC0] =	vst v63  }
0x123: {  	_ =	swait.ge [sflag:s28], $0xFA0  }
0x124: {  	[sflag:s28] =	ssyncset.done $0x0  }
0x125: {  	s9 =	rddreg [dreg:$0x1e];
	[sflag:s28] =	ssyncadd.s32 $0xFFFFF060  }
0x126: {  	[spmem:s3] =	stream.indirect.scatter.add.f32 [tilespmem:s20], [sflag:$0xC], $0x20, s9, s12, $0xb8;
	[tilespmem:$0x1FDC0] =	vst v63  }
0x127: {  	_ =	swait.ge [sflag:s29], $0xFA0  }
0x128: {  	[sflag:s29] =	ssyncset.done $0x0  }
0x129: {  	s9 =	rddreg [dreg:$0x1f];
	[sflag:s29] =	ssyncadd.s32 $0xFFFFF060  }
0x12a: {  	[tilespmem:s16], [sflag:$0x4] =	stream.indirect.gather [hbm4b:s5+s12], $0x20, s9, s12, $0xb8;
	[tilespmem:$0x1FDC0] =	vst v63  }
0x12b: {  	_ =	swait.ge [sflag:s17], $0xFA0  }
0x12c: {  	s9 =	sld [smem:$0x7FB]  }
0x12d: {  	[sflag:s17] =	ssyncset.done $0x0  }
0x12e: {  	[sflag:s17] =	ssyncadd.s32 $0xFFFFF060  }
0x12f: {  	[spmem:s3] =	stream.indirect.scatter.add.f32 [tilespmem:s13], [sflag:$0x7], $0x20, s9, s12, $0xb8;
	[tilespmem:$0x1FDC0] =	vst v63  }
0x130: {  	_ =	swait.ge [sflag:s19], $0xFA0  }
0x131: {  	[sflag:s19] =	ssyncset.done $0x0  }
0x132: {  	[sflag:s19] =	ssyncadd.s32 $0xFFFFF060  }
0x133: {  	[spmem:s3] =	stream.indirect.scatter.add.f32 [tilespmem:s14], [sflag:$0x8], $0x20, s1, s12, $0xb8;
	[tilespmem:$0x1FDC0] =	vst v63  }
0x134: {  	_ =	swait.ge [sflag:s21], $0xFA0  }
0x135: {  	[sflag:s21] =	ssyncset.done $0x0  }
0x136: {  	[sflag:s21] =	ssyncadd.s32 $0xFFFFF060  }
0x137: {  	[spmem:s3] =	stream.indirect.scatter.add.f32 [tilespmem:s15], [sflag:$0x9], $0x20, s0, s12, $0xb8;
	[tilespmem:$0x1FDC0] =	vst v63  }
0x138: {  	_ =	swait.ge [sflag:s23], $0xFA0  }
0x139: {  	[sflag:s23] =	ssyncset.done $0x0  }
0x13a: {  	[sflag:s23] =	ssyncadd.s32 $0xFFFFF060  }
0x13b: {  	[spmem:s3] =	stream.indirect.scatter.add.f32 [tilespmem:s16], [sflag:$0xA], $0x20, s2, s12, $0xb8;
	[tilespmem:$0x1FDC0] =	vst v63  }
0x13c: {  	_ =	swait.ge [sflag:s30], $0xFA0  }
0x13d: {  	[sflag:s30] =	ssyncset.done $0x0  }
0x13e: {  	[sflag:s30] =	ssyncadd.s32 $0xFFFFF060  }
0x13f: {  	_ =	swait.ge [sflag:s31], $0xFA0  }
0x140: {  	[sflag:s31] =	ssyncset.done $0x0  }
0x141: {  	[sflag:s31] =	ssyncadd.s32 $0xFFFFF060  }
0x142: {  	_ =	swait.ge [sflag:s22], $0xFA0  }
0x143: {  	[sflag:s22] =	ssyncset.done $0x0  }
0x144: {  	[sflag:s22] =	ssyncadd.s32 $0xFFFFF060  }
0x145: {  	_ =	swait.ge [sflag:s24], $0xFA0  }
0x146: {  	[sflag:s24] =	ssyncset.done $0x0  }
0x147: {  	p0 =	sne.s32 s6, $0x1800;
	[sflag:s24] =	ssyncadd.s32 $0xFFFFF060  }
.Ltmp0:
0x148: {  	_ =	swait.ge [sflag:s26], $0xFA0;
	(pc) =	sbr.rel @p0 .LBB2_2-.Ltmp0, $4  }
0x149: {  	[sflag:s26] =	ssyncset.done $0x0  }
0x14a: {  	[sflag:s26] =	ssyncadd.s32 $0xFFFFF060  }
0x14b: {  	_ =	swait.ge [sflag:s29], $0xFA0  }
0x14c: {  	s6 =	sadd.s32 $0x100, s6;
	s9 =	rddreg [dreg:$0x5];
	[sflag:s29] =	ssyncset.done $0x0  }
0x14d: {  	[sflag:s29] =	ssyncadd.s32 $0xFFFFF060;
	s6 =	sadd.s32 s8, s9  }
0x14e: {  	[tilespmem:s4], [sflag:$0xD] =	stream.linear.gather [hbm4b:s6+s4], $0x800, $0x38;
	[tilespmem:$0x1FDC0] =	vst v63  }
0x14f: {  	_ =	swait.ge [sflag:s10], $0x800  }
0x150: {  	s7 =	rddreg [dreg:$0x4];
	[sflag:s10] =	ssyncset.done $0x0  }
0x151: {  	[sflag:s10] =	ssyncadd.s32 $0xFFFFF800;
	s6 =	sadd.s32 s8, s7  }
0x152: {  	[tilespmem:s11], [sflag:$0xD] =	stream.linear.gather [hbm4b:s6+s4], $0x800, $0x38;
	[tilespmem:$0x1FDC0] =	vst v63  }
0x153: {  	_ =	swait.ge [sflag:s10], $0x800  }
0x154: {  	[sflag:s10] =	ssyncset.done $0x0  }
0x155: {  	[sflag:s10] =	ssyncadd.s32 $0xFFFFF800  }
0x156: {  	[tilespmem:s13], [sflag:$0x1] =	stream.indirect.gather [hbm4b:s5+s12], $0x20, s4, s12, $0xb8;
	[tilespmem:$0x1FDC0] =	vst v63  }
0x157: {  	s9 =	rddreg [dreg:$0x6]  }
0x158: {  	[tilespmem:s14], [sflag:$0x2] =	stream.indirect.gather [hbm4b:s5+s12], $0x20, s9, s12, $0xb8;
	[tilespmem:$0x1FDC0] =	vst v63  }
0x159: {  	s7 =	rddreg [dreg:$0x7]  }
0x15a: {  	[tilespmem:s15], [sflag:$0x3] =	stream.indirect.gather [hbm4b:s5+s12], $0x20, s7, s12, $0xb8;
	[tilespmem:$0x1FDC0] =	vst v63  }
0x15b: {  	s8 =	rddreg [dreg:$0x8]  }
0x15c: {  	[tilespmem:s16], [sflag:$0x4] =	stream.indirect.gather [hbm4b:s5+s12], $0x20, s8, s12, $0xb8;
	[tilespmem:$0x1FDC0] =	vst v63  }
0x15d: {  	_ =	swait.ge [sflag:s17], $0xFA0  }
0x15e: {  	[sflag:s17] =	ssyncset.done $0x0  }
0x15f: {  	[sflag:s17] =	ssyncadd.s32 $0xFFFFF060  }
0x160: {  	[spmem:s3] =	stream.indirect.scatter.add.f32 [tilespmem:s13], [sflag:$0x7], $0x20, s11, s12, $0xb8;
	[tilespmem:$0x1FDC0] =	vst v63  }
0x161: {  	s9 =	rddreg [dreg:$0x9]  }
0x162: {  	[tilespmem:s18], [sflag:$0x5] =	stream.indirect.gather [hbm4b:s5+s12], $0x20, s9, s12, $0xb8;
	[tilespmem:$0x1FDC0] =	vst v63  }
0x163: {  	_ =	swait.ge [sflag:s19], $0xFA0  }
0x164: {  	[sflag:s19] =	ssyncset.done $0x0  }
0x165: {  	s7 =	rddreg [dreg:$0xa];
	[sflag:s19] =	ssyncadd.s32 $0xFFFFF060  }
0x166: {  	[spmem:s3] =	stream.indirect.scatter.add.f32 [tilespmem:s14], [sflag:$0x8], $0x20, s7, s12, $0xb8;
	[tilespmem:$0x1FDC0] =	vst v63  }
0x167: {  	s8 =	rddreg [dreg:$0xb]  }
0x168: {  	[tilespmem:s20], [sflag:$0x6] =	stream.indirect.gather [hbm4b:s5+s12], $0x20, s8, s12, $0xb8;
	[tilespmem:$0x1FDC0] =	vst v63  }
0x169: {  	_ =	swait.ge [sflag:s21], $0xFA0  }
0x16a: {  	[sflag:s21] =	ssyncset.done $0x0  }
0x16b: {  	s9 =	rddreg [dreg:$0xc];
	[sflag:s21] =	ssyncadd.s32 $0xFFFFF060  }
0x16c: {  	[spmem:s3] =	stream.indirect.scatter.add.f32 [tilespmem:s15], [sflag:$0x9], $0x20, s9, s12, $0xb8;
	[tilespmem:$0x1FDC0] =	vst v63  }
0x16d: {  	_ =	swait.ge [sflag:s22], $0xFA0  }
0x16e: {  	[sflag:s22] =	ssyncset.done $0x0  }
0x16f: {  	s7 =	rddreg [dreg:$0xd];
	[sflag:s22] =	ssyncadd.s32 $0xFFFFF060  }
0x170: {  	[tilespmem:s13], [sflag:$0x1] =	stream.indirect.gather [hbm4b:s5+s12], $0x20, s7, s12, $0xb8;
	[tilespmem:$0x1FDC0] =	vst v63  }
0x171: {  	_ =	swait.ge [sflag:s23], $0xFA0  }
0x172: {  	[sflag:s23] =	ssyncset.done $0x0  }
0x173: {  	s8 =	rddreg [dreg:$0xe];
	[sflag:s23] =	ssyncadd.s32 $0xFFFFF060  }
0x174: {  	[spmem:s3] =	stream.indirect.scatter.add.f32 [tilespmem:s16], [sflag:$0xA], $0x20, s8, s12, $0xb8;
	[tilespmem:$0x1FDC0] =	vst v63  }
0x175: {  	_ =	swait.ge [sflag:s24], $0xFA0  }
0x176: {  	[sflag:s24] =	ssyncset.done $0x0  }
0x177: {  	s9 =	rddreg [dreg:$0xf];
	[sflag:s24] =	ssyncadd.s32 $0xFFFFF060  }
0x178: {  	[tilespmem:s14], [sflag:$0x2] =	stream.indirect.gather [hbm4b:s5+s12], $0x20, s9, s12, $0xb8;
	[tilespmem:$0x1FDC0] =	vst v63  }
0x179: {  	_ =	swait.ge [sflag:s25], $0xFA0  }
0x17a: {  	[sflag:s25] =	ssyncset.done $0x0  }
0x17b: {  	s7 =	rddreg [dreg:$0x10];
	[sflag:s25] =	ssyncadd.s32 $0xFFFFF060  }
0x17c: {  	[spmem:s3] =	stream.indirect.scatter.add.f32 [tilespmem:s18], [sflag:$0xB], $0x20, s7, s12, $0xb8;
	[tilespmem:$0x1FDC0] =	vst v63  }
0x17d: {  	_ =	swait.ge [sflag:s26], $0xFA0  }
0x17e: {  	[sflag:s26] =	ssyncset.done $0x0  }
0x17f: {  	s8 =	rddreg [dreg:$0x11];
	[sflag:s26] =	ssyncadd.s32 $0xFFFFF060  }
0x180: {  	[tilespmem:s15], [sflag:$0x3] =	stream.indirect.gather [hbm4b:s5+s12], $0x20, s8, s12, $0xb8;
	[tilespmem:$0x1FDC0] =	vst v63  }
0x181: {  	_ =	swait.ge [sflag:s28], $0xFA0  }
0x182: {  	[sflag:s28] =	ssyncset.done $0x0  }
0x183: {  	s9 =	rddreg [dreg:$0x12];
	[sflag:s28] =	ssyncadd.s32 $0xFFFFF060  }
0x184: {  	[spmem:s3] =	stream.indirect.scatter.add.f32 [tilespmem:s20], [sflag:$0xC], $0x20, s9, s12, $0xb8;
	[tilespmem:$0x1FDC0] =	vst v63  }
0x185: {  	_ =	swait.ge [sflag:s29], $0xFA0  }
0x186: {  	[sflag:s29] =	ssyncset.done $0x0  }
0x187: {  	s7 =	rddreg [dreg:$0x13];
	[sflag:s29] =	ssyncadd.s32 $0xFFFFF060  }
0x188: {  	[tilespmem:s16], [sflag:$0x4] =	stream.indirect.gather [hbm4b:s5+s12], $0x20, s7, s12, $0xb8;
	[tilespmem:$0x1FDC0] =	vst v63  }
0x189: {  	_ =	swait.ge [sflag:s17], $0xFA0  }
0x18a: {  	[sflag:s17] =	ssyncset.done $0x0  }
0x18b: {  	s8 =	rddreg [dreg:$0x14];
	[sflag:s17] =	ssyncadd.s32 $0xFFFFF060  }
0x18c: {  	[spmem:s3] =	stream.indirect.scatter.add.f32 [tilespmem:s13], [sflag:$0x7], $0x20, s8, s12, $0xb8;
	[tilespmem:$0x1FDC0] =	vst v63  }
0x18d: {  	_ =	swait.ge [sflag:s30], $0xFA0  }
0x18e: {  	[sflag:s30] =	ssyncset.done $0x0  }
0x18f: {  	s9 =	rddreg [dreg:$0x15];
	[sflag:s30] =	ssyncadd.s32 $0xFFFFF060  }
0x190: {  	[tilespmem:s18], [sflag:$0x5] =	stream.indirect.gather [hbm4b:s5+s12], $0x20, s9, s12, $0xb8;
	[tilespmem:$0x1FDC0] =	vst v63  }
0x191: {  	_ =	swait.ge [sflag:s19], $0xFA0  }
0x192: {  	[sflag:s19] =	ssyncset.done $0x0  }
0x193: {  	s7 =	rddreg [dreg:$0x16];
	[sflag:s19] =	ssyncadd.s32 $0xFFFFF060  }
0x194: {  	[spmem:s3] =	stream.indirect.scatter.add.f32 [tilespmem:s14], [sflag:$0x8], $0x20, s7, s12, $0xb8;
	[tilespmem:$0x1FDC0] =	vst v63  }
0x195: {  	_ =	swait.ge [sflag:s31], $0xFA0  }
0x196: {  	[sflag:s31] =	ssyncset.done $0x0  }
0x197: {  	s8 =	rddreg [dreg:$0x17];
	[sflag:s31] =	ssyncadd.s32 $0xFFFFF060  }
0x198: {  	[tilespmem:s20], [sflag:$0x6] =	stream.indirect.gather [hbm4b:s5+s12], $0x20, s8, s12, $0xb8;
	[tilespmem:$0x1FDC0] =	vst v63  }
0x199: {  	_ =	swait.ge [sflag:s21], $0xFA0  }
0x19a: {  	[sflag:s21] =	ssyncset.done $0x0  }
0x19b: {  	s9 =	rddreg [dreg:$0x18];
	[sflag:s21] =	ssyncadd.s32 $0xFFFFF060  }
0x19c: {  	[spmem:s3] =	stream.indirect.scatter.add.f32 [tilespmem:s15], [sflag:$0x9], $0x20, s9, s12, $0xb8;
	[tilespmem:$0x1FDC0] =	vst v63  }
0x19d: {  	_ =	swait.ge [sflag:s22], $0xFA0  }
0x19e: {  	[sflag:s22] =	ssyncset.done $0x0  }
0x19f: {  	s7 =	rddreg [dreg:$0x19];
	[sflag:s22] =	ssyncadd.s32 $0xFFFFF060  }
0x1a0: {  	[tilespmem:s13], [sflag:$0x1] =	stream.indirect.gather [hbm4b:s5+s12], $0x20, s7, s12, $0xb8;
	[tilespmem:$0x1FDC0] =	vst v63  }
0x1a1: {  	_ =	swait.ge [sflag:s23], $0xFA0  }
0x1a2: {  	[sflag:s23] =	ssyncset.done $0x0  }
0x1a3: {  	s8 =	rddreg [dreg:$0x1a];
	[sflag:s23] =	ssyncadd.s32 $0xFFFFF060  }
0x1a4: {  	[spmem:s3] =	stream.indirect.scatter.add.f32 [tilespmem:s16], [sflag:$0xA], $0x20, s8, s12, $0xb8;
	[tilespmem:$0x1FDC0] =	vst v63  }
0x1a5: {  	_ =	swait.ge [sflag:s24], $0xFA0  }
0x1a6: {  	[sflag:s24] =	ssyncset.done $0x0  }
0x1a7: {  	s9 =	rddreg [dreg:$0x1b];
	[sflag:s24] =	ssyncadd.s32 $0xFFFFF060  }
0x1a8: {  	[tilespmem:s14], [sflag:$0x2] =	stream.indirect.gather [hbm4b:s5+s12], $0x20, s9, s12, $0xb8;
	[tilespmem:$0x1FDC0] =	vst v63  }
0x1a9: {  	_ =	swait.ge [sflag:s25], $0xFA0  }
0x1aa: {  	[sflag:s25] =	ssyncset.done $0x0  }
0x1ab: {  	s7 =	rddreg [dreg:$0x1c];
	[sflag:s25] =	ssyncadd.s32 $0xFFFFF060  }
0x1ac: {  	[spmem:s3] =	stream.indirect.scatter.add.f32 [tilespmem:s18], [sflag:$0xB], $0x20, s7, s12, $0xb8;
	[tilespmem:$0x1FDC0] =	vst v63  }
0x1ad: {  	_ =	swait.ge [sflag:s26], $0xFA0  }
0x1ae: {  	[sflag:s26] =	ssyncset.done $0x0  }
0x1af: {  	s8 =	rddreg [dreg:$0x1d];
	[sflag:s26] =	ssyncadd.s32 $0xFFFFF060  }
0x1b0: {  	[tilespmem:s15], [sflag:$0x3] =	stream.indirect.gather [hbm4b:s5+s12], $0x20, s8, s12, $0xb8;
	[tilespmem:$0x1FDC0] =	vst v63  }
0x1b1: {  	_ =	swait.ge [sflag:s28], $0xFA0  }
0x1b2: {  	[sflag:s28] =	ssyncset.done $0x0  }
0x1b3: {  	s9 =	rddreg [dreg:$0x1e];
	[sflag:s28] =	ssyncadd.s32 $0xFFFFF060  }
0x1b4: {  	[spmem:s3] =	stream.indirect.scatter.add.f32 [tilespmem:s20], [sflag:$0xC], $0x20, s9, s12, $0xb8;
	[tilespmem:$0x1FDC0] =	vst v63  }
0x1b5: {  	_ =	swait.ge [sflag:s29], $0xFA0  }
0x1b6: {  	[sflag:s29] =	ssyncset.done $0x0  }
0x1b7: {  	s7 =	rddreg [dreg:$0x1f];
	[sflag:s29] =	ssyncadd.s32 $0xFFFFF060  }
0x1b8: {  	[tilespmem:s16], [sflag:$0x4] =	stream.indirect.gather [hbm4b:s5+s12], $0x20, s7, s12, $0xb8;
	[tilespmem:$0x1FDC0] =	vst v63  }
0x1b9: {  	_ =	swait.ge [sflag:s17], $0xFA0  }
0x1ba: {  	s8 =	sld [smem:$0x7FB]  }
0x1bb: {  	[sflag:s17] =	ssyncset.done $0x0  }
0x1bc: {  	[sflag:s17] =	ssyncadd.s32 $0xFFFFF060  }
0x1bd: {  	[spmem:s3] =	stream.indirect.scatter.add.f32 [tilespmem:s13], [sflag:$0x7], $0x20, s8, s12, $0xb8;
	[tilespmem:$0x1FDC0] =	vst v63  }
0x1be: {  	_ =	swait.ge [sflag:s19], $0xFA0  }
0x1bf: {  	[sflag:s19] =	ssyncset.done $0x0  }
0x1c0: {  	[sflag:s19] =	ssyncadd.s32 $0xFFFFF060  }
0x1c1: {  	[spmem:s3] =	stream.indirect.scatter.add.f32 [tilespmem:s14], [sflag:$0x8], $0x20, s1, s12, $0xb8;
	[tilespmem:$0x1FDC0] =	vst v63  }
0x1c2: {  	_ =	swait.ge [sflag:s21], $0xFA0  }
0x1c3: {  	[sflag:s21] =	ssyncset.done $0x0  }
0x1c4: {  	[sflag:s21] =	ssyncadd.s32 $0xFFFFF060  }
0x1c5: {  	[spmem:s3] =	stream.indirect.scatter.add.f32 [tilespmem:s15], [sflag:$0x9], $0x20, s0, s12, $0xb8;
	[tilespmem:$0x1FDC0] =	vst v63  }
0x1c6: {  	_ =	swait.ge [sflag:s23], $0xFA0  }
0x1c7: {  	[sflag:s23] =	ssyncset.done $0x0  }
0x1c8: {  	[sflag:s23] =	ssyncadd.s32 $0xFFFFF060  }
0x1c9: {  	[spmem:s3] =	stream.indirect.scatter.add.f32 [tilespmem:s16], [sflag:$0xA], $0x20, s2, s12, $0xb8;
	[tilespmem:$0x1FDC0] =	vst v63  }
0x1ca: {  	_ =	swait.ge [sflag:s30], $0xFA0  }
0x1cb: {  	[sflag:s30] =	ssyncset.done $0x0  }
0x1cc: {  	[sflag:s30] =	ssyncadd.s32 $0xFFFFF060  }
0x1cd: {  	_ =	swait.ge [sflag:s31], $0xFA0  }
0x1ce: {  	[sflag:s31] =	ssyncset.done $0x0  }
0x1cf: {  	[sflag:s31] =	ssyncadd.s32 $0xFFFFF060  }
0x1d0: {  	_ =	swait.ge [sflag:s22], $0xFA0  }
0x1d1: {  	[sflag:s22] =	ssyncset.done $0x0  }
0x1d2: {  	[sflag:s22] =	ssyncadd.s32 $0xFFFFF060  }
0x1d3: {  	_ =	swait.ge [sflag:s24], $0xFA0  }
0x1d4: {  	[sflag:s24] =	ssyncset.done $0x0  }
0x1d5: {  	[sflag:s24] =	ssyncadd.s32 $0xFFFFF060  }
0x1d6: {  	_ =	swait.ge [sflag:s26], $0xFA0  }
0x1d7: {  	[sflag:s26] =	ssyncset.done $0x0  }
0x1d8: {  	[sflag:s26] =	ssyncadd.s32 $0xFFFFF060  }
0x1d9: {  	_ =	swait.ge [sflag:s29], $0xFA0  }
0x1da: {  	[sflag:s29] =	ssyncset.done $0x0  }
0x1db: {  	[sflag:s29] =	ssyncadd.s32 $0xFFFFF060  }
0x1dc: {  	[bflag:$0x0] =	sbarrier.arrive $0xFFFF  }
0x1dd: {  	s7 =	sld [smem:$0x7FC]  }
0x1de: {  	s9 =	sld [smem:$0x7F9]  }
0x1df: {  	s8 =	sld [smem:$0x7FD];
	_ =	sdelay $0x2  }
0x1e0: {  	[hbm:s9], [sflag:s7] =	dma.local [spmem:s8], $0x3200  }
0x1e1: {  	_ =	swait.ge [sflag:s10], $0x3200  }
0x1e2: {  	s6 =	sld [smem:$0x7F8];
	_ =	sdelay $0x2  }
0x1e3: {  	s9 =	sadd.s32 $0x1, s6;
	s6 =	sld [smem:$0x7FA];
	_ =	sdelay $0x2  }
0x1e4: {  	p0 =	sne.s32 s9, s6  }
.Ltmp1:
0x1e5: {  	_ = 	snop;
	(pc) =	sbr.rel @p0 .LBB2_1-.Ltmp1, $3  }
0x1e6: {  	_ =	sdelay $0x1  }
0x1e7: {  	[sflag:s10] =	ssyncset.done $0x0  }
0x1e8: {  	[sflag:s10] =	ssyncadd.s32 $0xFFFFCE00  }
0x1e9: {  	_ =	sfence.sel $0x180000  }
0x1ea: {  	[bflag:$0x0] =	sbarrier.arrive $0xFFFF  }
0x1eb: {  	_ =	strace $0x9000004A  }
0x1ec: {  	s0 =	stileid.u32;
	[bflag:$0x2] =	sbarrier.arrive $0xFFFF  }
0x1ed: {  	p0 =	sne.s32 s0, $0x0;
	s0 =	rddreg [dreg:$0x3]  }
0x1ee: {  	s0 =	sadd.s32 @!p0 $0x100000, s0  }
0x1ef: {  	[sflag:s0] =	ssyncadd.tile.s32 @!p0 $0x1;
	_ =	shalt  }
.Lfunc_end2:
_tile_overlayer_lowered:
.L_overlay_start_2:
0x1f0: {  	(tag) =	ssettag $0x2  }
0x1f1: {  	s0 =	rddreg [dreg:$0x0];
	s2 =	stileid.u32  }
0x1f2: {  	s1 =	rddreg [dreg:$0x1];
	p0 =	sne.s32 s2, $0x0  }
0x1f3: {  	s3 =	rddreg [dreg:$0x2];
	[bflag:$0x3] =	sbarrier.arrive $0xFFFF;
	s2 =	simm.s32 @!p0 $0x1C0D  }
0x1f4: {  	[timem:s3], [sflag:s2] =	dma.local @!p0 [hbm:s0], s1  }
0x1f5: {  	s0 =	simm.s32 @!p0 $0xD  }
0x1f6: {  	_ =	swait.ge @!p0 [sflag:s0], s1  }
0x1f7: {  	s1 =	ssub.s32 @!p0 $0x0, s1;
	[sflag:s0] =	ssyncset.done @!p0 $0x0  }
0x1f8: {  	[sflag:s0] =	ssyncadd.s32 @!p0 s1  }
0x1f9: {  	[bflag:$0x3] =	sbarrier.arrive $0xFFFF  }
0x1fa: {  	_ =	shalt  }

// kernel: kernel.15.cloned.1.call-start
scs
__scs_entry_jumppad:
0x0: {  	(pc) =	sbr.rel $0x88, $3  }
0x1: {  	(tag) =	ssettag $0x0;
	lr =	simm.s32 $0x1  }
0x2: {  	[smem:$0x3F9B] =	sst lr;
	_ =	strace $0xD0000000  }
0x3: {  	_ = 	snop  }
0x4: {  	_ = 	snop  }
0x5: {  	_ = 	snop  }
0x6: {  	_ = 	snop  }
0x7: {  	_ = 	snop  }
__scs_overlays_trampoline_lowered:
0x8: {  	[smem:$0x3FAA] =	sst s0  }
0x9: {  	[smem:$0x3FAB] =	sst s1  }
0xa: {  	[smem:$0x3FAC] =	sst s2  }
0xb: {  	[smem:$0x3FAD] =	sst s3  }
0xc: {  	[smem:$0x3FAE] =	sst s4  }
0xd: {  	[smem:$0x3FAF] =	sst s5  }
0xe: {  	[smem:$0x3FB0] =	sst s6  }
0xf: {  	[smem:$0x3FB1] =	sst s7  }
0x10: {  	[smem:$0x3FB2] =	sst s8  }
0x11: {  	[smem:$0x3FB3] =	sst s9;
	s0 =	simm.s32 @!p0 $0x0  }
0x12: {  	s1 =	sld [smem:$0x3F99];
	s0 =	simm.s32 @p0 $0x1  }
0x13: {  	[smem:$0x3FB4] =	sst s0;
	s0 =	simm.s32 @!p1 $0x0  }
0x14: {  	s2 =	sld [smem:$0x3F98];
	s0 =	simm.s32 @p1 $0x1  }
0x15: {  	[smem:$0x3FB5] =	sst s0;
	s0 =	simm.s32 @!p2 $0x0  }
0x16: {  	s3 =	sld [smem:$0x3FDB];
	s0 =	simm.s32 @p2 $0x1  }
0x17: {  	s4 =	simm.s32 $0x1BF5;
	[smem:$0x3FB7] =	sst s0  }
0x18: {  	s0 =	sld [smem:$0x3F9A];
	_ =	swait.ge [sflag:s4], $0x0  }
0x19: {  	s7 =	sld [smem:$0x3F9B]  }
0x1a: {  	s8 =	sadd.s32 $0xFFFFE003, lr  }
0x1b: {  	s9 =	sadd.s32 $0xFFFFFEF7, lr;
	s5 =	simm.s32 $0xFFFFFFFF;
	p2 =	slt.u32 s8, $0xFFFFF086  }
0x1c: {  	p1 =	slt.u32 s9, $0xF7A;
	s5 =	simm.s32 @!p2 $0x0  }
0x1d: {  	s5 =	simm.s32 @p1 $0x1;
	p0 =	seq.s32 s7, s2  }
0x1e: {  	s7 =	smul.u32 @!p0 $0xF7A, s2;
	p2 =	seq.s32 @!p0 s5, $0x0  }
0x1f: {  	s9 =	smul.u32 $0xF7A, s1;
	s8 =	simm.s32 @!p0 $0x1BF5;
	p2 =	por !p2, p0  }
0x20: {  	[sflag:s8] =	ssyncset.s32 @!p0 $0xFFFFF086;
	s6 =	sadd.s32 @!p0 s3, s7;
	s7 =	simm.s32 @!p0 $0x108  }
0x21: {  	s3 =	sadd.s32 s3, s9;
	s6 =	sadd.s32 @!p0 $0x88, s6;
	s7 =	simm.s32 @p2 $0x1082  }
0x22: {  	[simem:s7], [sflag:s8] =	dma.local @!p0 [hbm:s6], $0xF7A  }
0x23: {  	s9 =	sor.u32 $0xD0000000, s2;
	s6 =	simm.s32 $0x108;
	_ =	swait.ge @!p0 [sflag:s8], $0x0  }
0x24: {  	s3 =	sadd.s32 $0x88, s3;
	s6 =	simm.s32 @!p1 $0x1082;
	[sflag:s4] =	ssyncset.s32 $0xFFFFF086  }
0x25: {  	[simem:s6], [sflag:s4] =	dma.local [hbm:s3], $0xF7A  }
0x26: {  	[smem:$0x3F9B] =	sst s1;
	(tag) =	ssettag s2;
	_ =	strace s9  }
0x27: {  	s1 =	sld [smem:$0x3FAB]  }
0x28: {  	s2 =	sld [smem:$0x3FAC]  }
0x29: {  	s4 =	sld [smem:$0x3FAE]  }
0x2a: {  	p0 =	seq.s32 s5, $0x0;
	s5 =	sld [smem:$0x3FAF]  }
0x2b: {  	s6 =	sld [smem:$0x3FB0]  }
0x2c: {  	s7 =	sld [smem:$0x3FB1]  }
0x2d: {  	s3 =	simm.s32 $0x108;
	s8 =	sld [smem:$0x3FB2]  }
0x2e: {  	s3 =	simm.s32 @!p0 $0x1082;
	s9 =	sld [smem:$0x3FB3]  }
0x2f: {  	lr =	sadd.s32 s0, s3;
	s0 =	sld [smem:$0x3FAA]  }
0x30: {  	s3 =	sld [smem:$0x3FAD]  }
0x31: {  	[smem:$0x3FB6] =	sst s10  }
0x32: {  	s10 =	sld [smem:$0x3FB4];
	_ =	sdelay $0x3  }
0x33: {  	p0 =	seq.s32 s10, $0x1;
	s10 =	sld [smem:$0x3FB6];
	_ =	sdelay $0x3  }
0x34: {  	[smem:$0x3FB6] =	sst s10  }
0x35: {  	s10 =	sld [smem:$0x3FB5];
	_ =	sdelay $0x3  }
0x36: {  	p1 =	seq.s32 s10, $0x1;
	s10 =	sld [smem:$0x3FB6];
	_ =	sdelay $0x3  }
0x37: {  	[smem:$0x3FB6] =	sst s10  }
0x38: {  	s10 =	sld [smem:$0x3FB7]  }
0x39: {  	_ = 	snop;
	(pc) =	sbr.ind lr, $3  }
0x3a: {  	_ = 	snop  }
0x3b: {  	_ = 	snop  }
0x3c: {  	p2 =	seq.s32 s10, $0x1;
	s10 =	sld [smem:$0x3FB6]  }
0x3d: {  	_ =	shalt  }
0x3e: {  	_ =	shalt  }
0x3f: {  	_ =	shalt  }
0x40: {  	_ =	shalt  }
0x41: {  	_ =	shalt  }
0x42: {  	_ =	shalt  }
0x43: {  	_ =	shalt  }
0x44: {  	_ =	shalt  }
0x45: {  	_ =	shalt  }
0x46: {  	_ =	shalt  }
0x47: {  	_ =	shalt  }
0x48: {  	_ =	shalt  }
0x49: {  	_ =	shalt  }
0x4a: {  	_ =	shalt  }
0x4b: {  	_ =	shalt  }
0x4c: {  	_ =	shalt  }
0x4d: {  	_ =	shalt  }
0x4e: {  	_ =	shalt  }
0x4f: {  	_ =	shalt  }
0x50: {  	_ =	shalt  }
0x51: {  	_ =	shalt  }
0x52: {  	_ =	shalt  }
0x53: {  	_ =	shalt  }
0x54: {  	_ =	shalt  }
0x55: {  	_ =	shalt  }
0x56: {  	_ =	shalt  }
0x57: {  	_ =	shalt  }
0x58: {  	_ =	shalt  }
0x59: {  	_ =	shalt  }
0x5a: {  	_ =	shalt  }
0x5b: {  	_ =	shalt  }
0x5c: {  	_ =	shalt  }
0x5d: {  	_ =	shalt  }
0x5e: {  	_ =	shalt  }
0x5f: {  	_ =	shalt  }
0x60: {  	_ =	shalt  }
0x61: {  	_ =	shalt  }
0x62: {  	_ =	shalt  }
0x63: {  	_ =	shalt  }
0x64: {  	_ =	shalt  }
0x65: {  	_ =	shalt  }
0x66: {  	_ =	shalt  }
0x67: {  	_ =	shalt  }
0x68: {  	_ =	shalt  }
0x69: {  	_ =	shalt  }
0x6a: {  	_ =	shalt  }
0x6b: {  	_ =	shalt  }
0x6c: {  	_ =	shalt  }
0x6d: {  	_ =	shalt  }
0x6e: {  	_ =	shalt  }
0x6f: {  	_ =	shalt  }
0x70: {  	_ =	shalt  }
0x71: {  	_ =	shalt  }
0x72: {  	_ =	shalt  }
0x73: {  	_ =	shalt  }
0x74: {  	_ =	shalt  }
0x75: {  	_ =	shalt  }
0x76: {  	_ =	shalt  }
0x77: {  	_ =	shalt  }
0x78: {  	_ =	shalt  }
0x79: {  	_ =	shalt  }
0x7a: {  	_ =	shalt  }
0x7b: {  	_ =	shalt  }
0x7c: {  	_ =	shalt  }
0x7d: {  	_ =	shalt  }
0x7e: {  	_ =	shalt  }
0x7f: {  	_ =	shalt  }
0x80: {  	_ =	shalt  }
0x81: {  	_ =	shalt  }
0x82: {  	_ =	shalt  }
0x83: {  	_ =	shalt  }
0x84: {  	_ =	shalt  }
0x85: {  	_ =	shalt  }
0x86: {  	_ =	shalt  }
0x87: {  	_ =	shalt  }
.Lfunc_end0:
.L_simem_size_0:
called_computation.2_lowered:
.L_overlay_start_0:
0x88: {  	s2 =	sld [smem:$0x3FD9]  }
0x89: {  	s3 =	sld [smem:$0x3FFE];
	_ =	sdelay $0x1  }
0x8a: {  	s1 =	srdreg.scid  }
0x8b: {  	s0 =	sand.u32 $0x1, s1  }
0x8c: {  	s17 =	sshll.u32 s0, $0xA;
	s2 =	sadd.s32 s3, s2  }
0x8d: {  	s2 =	sadd.s32 s2, s17  }
0x8e: {  	[smem:$0x3FC2] =	sst s2  }
0x8f: {  	_ = 	snop  }
0x90: {  	s2 =	sld [smem:$0x3FD0];
	(tm) =	ssettm $0x1  }
0x91: {  	s18 =	sld [smem:$0x3FFB];
	_ =	sdelay $0x3  }
0x92: {  	_ =	strace s18  }
0x93: {  	s3 =	sld [smem:$0x3FFC];
	_ =	sdelay $0x3  }
0x94: {  	_ =	strace s3  }
0x95: {  	s3 =	sld [smem:$0x3FFD];
	_ =	sdelay $0x3  }
0x96: {  	_ =	strace s3  }
0x97: {  	_ =	strace $0x8FFFFFFF  }
0x98: {  	s19 =	sld [smem:$0x3FDB];
	_ =	sdelay $0x1  }
0x99: {  	s4 =	simm.s32 $_scs_section_size  }
0x9a: {  	s5 =	simm.s32 $_size__tile_overlayer_lowered;
	s6 =	simm.s32 $_tile_overlayer_lowered  }
0x9b: {  	s22 =	simm.s32 $0x1BFF;
	s21 =	sshll.u32 s6, $0x1;
	s3 =	sadd.s32 s4, s19  }
0x9c: {  	s7 =	simm.s32 $0x0;
	s20 =	sshll.u32 s5, $0x1;
	s5 =	sadd.s32 s21, s3  }
0x9d: {  	[timem:s7], [sflag:s22] =	dma.local [hbm:s5], s20  }
0x9e: {  	_ =	swait.ge [sflag:s22], s20  }
0x9f: {  	s4 =	ssub.s32 $0x0, s20;
	[sflag:s22] =	ssyncset.done $0x0  }
0xa0: {  	[sflag:s22] =	ssyncadd.s32 s4;
	_ =	sdelay $0x1  }
0xa1: {  	s23 =	simm.s32 $0x1B8B  }
0xa2: {  	_ =	swait.ge [sflag:s23], $0x1  }
0xa3: {  	[sflag:s23] =	ssyncset.done $0x0  }
0xa4: {  	s25 =	simm.s32 $0x1B8E;
	s24 =	sld [smem:$0x3FFE];
	[sflag:s23] =	ssyncadd.s32 $0xFFFFFFFF  }
0xa5: {  	s26 =	simm.s32 $execute0_lowered;
	[smem:$0x3FD2] =	sst s25  }
0xa6: {  	s5 =	sshll.u32 s26, $0x1;
	_ =	strace $0x8000004C;
	[dreg:$0x1] =	wrdreg $0xFFFFFFFF  }
0xa7: {  	s28 =	simm.s32 $_size_execute0_lowered;
	s3 =	sadd.s32 s3, s5;
	[dreg:$0x0] =	wrdreg $0x0  }
0xa8: {  	s5 =	sshll.u32 s28, $0x1;
	[dreg:$0x2] =	wrdreg s3  }
0xa9: {  	[dreg:$0x3] =	wrdreg s5  }
0xaa: {  	[dreg:$0x4] =	wrdreg $0xC0  }
0xab: {  	_ =	task [dreg:s7], $0x5FFFF  }
0xac: {  	[dreg:$0x1] =	wrdreg $0xFFFFFFFF  }
0xad: {  	[dreg:$0x0] =	wrdreg $0x60  }
0xae: {  	[dreg:$0x2] =	wrdreg s24  }
0xaf: {  	[dreg:$0x3] =	wrdreg s2  }
0xb0: {  	[dreg:$0x4] =	wrdreg $0x6DC00  }
0xb1: {  	[dreg:$0x5] =	wrdreg $0x9  }
0xb2: {  	_ =	task.clear_ibuf [dreg:s7], $0x6FFFF;
	_ =	strace $0x9000004C  }
0xb3: {  	s29 =	simm.s32 $0x9;
	_ =	strace $0x8000004E  }
0xb4: {  	_ =	swait.ge [sflag:s29], $0x1  }
0xb5: {  	[sflag:s29] =	ssyncadd.s32 $0xFFFFFFFF  }
0xb6: {  	_ =	strace $0x9000004E  }
0xb7: {  	_ =	sfence  }
0xb8: {  	s30 =	sld [smem:$0x0];
	_ =	sdelay $0x2  }
0xb9: {  	s31 =	sshll.u32 s1, $0xD;
	s1 =	sshrl.u32 s1, $0x2  }
0xba: {  	s3 =	sand.u32 $0x4000, s31;
	s1 =	sadd.s32 s1, s30  }
0xbb: {  	s0 =	sor.u32 s3, s0;
	s1 =	sshll.u32 s1, $0x11  }
0xbc: {  	s0 =	sor.u32 s1, s0  }
0xbd: {  	s0 =	sadd.s32 $0x8F2B, s0  }
0xbe: {  	[sflag:s0] =	ssyncadd.remote.s32 $0x1  }
0xbf: {  	_ =	sfence.sel $0xFFFF  }
0xc0: {  	[dreg:$0x0] =	wrdreg $0xFFFFFFFF;
	(pc) =	sbr.abs _section_cstart, $3  }
0xc1: {  	[dreg:$0x1] =	wrdreg $0xFFFFFFFF  }
0xc2: {  	_ =	task.clear_ibuf [dreg:s7], $0x2FFFF;
	_ =	strace $0x9FFFFFFF  }
0xc3: {  	(tm) =	ssettm $0x7FFFFFFF  }
tec
execute0_lowered:
.L_overlay_start_1:
0x0: {  	(tag) =	ssettag $0x1  }
0x1: {  	s0 =	srdreg.scid  }
0x2: {  	s1 =	rddreg [dreg:$0x0];
	s9 =	stileid.u32  }
0x3: {  	s3 =	rddreg [dreg:$0x2];
	s4 =	simm.s32 $0x0;
	s15 =	simm.s32 $0x80  }
0x4: {  	s17 =	simm.s32 $0x100;
	s18 =	simm.s32 $0x180;
	[smem:$0x7FF] =	sst s4  }
0x5: {  	s19 =	simm.s32 $0x200;
	_ =	strace $0x8000004D;
	[dreg:$0x6] =	wrdreg s15  }
0x6: {  	s20 =	simm.s32 $0x880;
	s22 =	simm.s32 $0x280;
	[dreg:$0x7] =	wrdreg s17  }
0x7: {  	s23 =	simm.s32 $0x900;
	s25 =	simm.s32 $0x300;
	[dreg:$0x8] =	wrdreg s18  }
0x8: {  	s10 =	simm.s32 $0xA00;
	s11 =	simm.s32 $0x400;
	[dreg:$0x9] =	wrdreg s19  }
0x9: {  	s12 =	simm.s32 $0xA80;
	s13 =	simm.s32 $0x480;
	[dreg:$0xa] =	wrdreg s20  }
0xa: {  	s14 =	simm.s32 $0xB00;
	s5 =	smul.u32 $0xC800, s9;
	[dreg:$0xb] =	wrdreg s22  }
0xb: {  	s28 =	simm.s32 $0x6;
	s7 =	smul.u32 $0x19000, s9;
	[dreg:$0xc] =	wrdreg s23  }
0xc: {  	s26 =	sshll.u32 s9, $0x6;
	s9 =	simm.s32 $0x380;
	[dreg:$0xd] =	wrdreg s25  }
0xd: {  	s29 =	simm.s32 $0xA;
	s30 =	simm.s32 $0xB;
	[dreg:$0xf] =	wrdreg s9  }
0xe: {  	s31 =	simm.s32 $0xC;
	s0 =	sand.u32 $0x1, s0;
	[dreg:$0x10] =	wrdreg s10  }
0xf: {  	s6 =	sadd.s32 $0x2200, s1;
	s2 =	smul.u32 $0xC8000, s0;
	[dreg:$0x11] =	wrdreg s11  }
0x10: {  	s8 =	smul.u32 $0x190000, s0;
	s0 =	ssub.s32 $0x2, s0;
	[dreg:$0x12] =	wrdreg s12  }
0x11: {  	s10 =	simm.s32 $0xD;
	s11 =	simm.s32 $0x800;
	[dreg:$0x13] =	wrdreg s13  }
0x12: {  	s12 =	simm.s32 $0x7D;
	[dreg:$0x14] =	wrdreg s14;
	s15 =	simm.s32 $0x500  }
0x13: {  	s13 =	simm.s32 $0x1000;
	s14 =	simm.s32 $0x1FA0;
	s17 =	simm.s32 $0x580  }
0x14: {  	s18 =	simm.s32 $0xC00;
	s19 =	simm.s32 $0x600;
	[dreg:$0x15] =	wrdreg s15  }
0x15: {  	s20 =	simm.s32 $0xC80;
	s22 =	simm.s32 $0xD00;
	[dreg:$0x17] =	wrdreg s17  }
0x16: {  	s23 =	simm.s32 $0x700;
	s25 =	simm.s32 $0x780;
	[dreg:$0x18] =	wrdreg s18  }
0x17: {  	s9 =	simm.s32 $0x0;
	s21 =	sshrl.u32 s0, $0x1;
	[dreg:$0x19] =	wrdreg s19  }
0x18: {  	s24 =	sadd.s32 s7, s3;
	s15 =	simm.s32 $0x2F40;
	[dreg:$0x1a] =	wrdreg s20  }
0x19: {  	s17 =	simm.s32 $0x1;
	s18 =	simm.s32 $0x4E80;
	[dreg:$0x1c] =	wrdreg s22  }
0x1a: {  	s19 =	simm.s32 $0x2;
	s20 =	simm.s32 $0x5E20;
	[dreg:$0x1d] =	wrdreg s23  }
0x1b: {  	s22 =	simm.s32 $0x7;
	s23 =	simm.s32 $0x4;
	[dreg:$0x1f] =	wrdreg s25  }
0x1c: {  	s25 =	simm.s32 $0x5;
	s2 =	sadd.s32 s5, s2;
	s16 =	sadd.s32 s7, s8  }
0x1d: {  	s0 =	ssub.s32 s0, s21;
	s8 =	simm.s32 $0x980;
	s7 =	sor.u32 $0x1C0D, s26  }
0x1e: {  	s21 =	simm.s32 $0x680;
	s26 =	simm.s32 $0xE00;
	[dreg:$0xe] =	wrdreg s8  }
0x1f: {  	s5 =	sadd.s32 $0x190000, s2;
	s2 =	sshrl.u32 s2, $0x3;
	[dreg:$0x1b] =	wrdreg s21  }
0x20: {  	s0 =	smax.u32 s0, $0x1;
	s8 =	sshrl.u32 s24, $0x3;
	[smem:$0x7FB] =	sst s26  }
0x21: {  	s21 =	simm.s32 $0x3;
	s24 =	simm.s32 $0xD80;
	[smem:$0x7FC] =	sst s7  }
0x22: {  	s26 =	simm.s32 $0x9;
	s5 =	sshrl.u32 s5, $0x3;
	[smem:$0x7FA] =	sst s0  }
0x23: {  	s2 =	sadd.s32 s2, s6;
	[dreg:$0x1e] =	wrdreg s24;
	s24 =	simm.s32 $0x8  }
0x24: {  	s0 =	simm.s32 $0xF00;
	[smem:$0x7FD] =	sst s8;
	s5 =	sadd.s32 s5, s6  }
0x25: {  	[dreg:$0x5] =	wrdreg s2;
	s6 =	sshrl.u32 s16, $0x3;
	s16 =	simm.s32 $0xB80  }
0x26: {  	[dreg:$0x4] =	wrdreg s5;
	s5 =	sadd.s32 $0x66200, s1;
	s1 =	sadd.s32 s6, s1  }
0x27: {  	s2 =	simm.s32 $0xF80;
	[dreg:$0x16] =	wrdreg s16;
	s1 =	sadd.s32 $0x21F000, s1  }
0x28: {  	s16 =	simm.s32 $0x3EE0;
	[smem:$0x7F9] =	sst s1;
	s1 =	simm.s32 $0xE80  }
.LBB2_1:
0x29: {  	[smem:$0x7F8] =	sst s9  }
0x2a: {  	s6 =	rddreg [dreg:$0x1]  }
0x2b: {  	[spmem:s8], [sflag:s7] =	dma.local [hbm:s6], $0x3200  }
0x2c: {  	_ =	swait.ge [sflag:s10], $0x3200  }
0x2d: {  	[sflag:s10] =	ssyncset.done $0x0  }
0x2e: {  	[sflag:s10] =	ssyncadd.s32 $0xFFFFCE00  }
0x2f: {  	[bflag:$0x0] =	sbarrier.arrive $0xFFFF  }
0x30: {  	s7 =	rddreg [dreg:$0x5]  }
0x31: {  	s6 =	sadd.s32 $0x0, s7  }
0x32: {  	[tilespmem:s4], [sflag:$0xD] =	stream.linear.gather [hbm4b:s6+s4], $0x800, $0x38;
	[tilespmem:$0x1FDC0] =	vst v63  }
0x33: {  	_ =	swait.ge [sflag:s10], $0x800  }
0x34: {  	s8 =	rddreg [dreg:$0x4];
	[sflag:s10] =	ssyncset.done $0x0  }
0x35: {  	[sflag:s10] =	ssyncadd.s32 $0xFFFFF800;
	s6 =	sadd.s32 $0x0, s8  }
0x36: {  	[tilespmem:s11], [sflag:$0xD] =	stream.linear.gather [hbm4b:s6+s4], $0x800, $0x38;
	[tilespmem:$0x1FDC0] =	vst v63  }
0x37: {  	_ =	swait.ge [sflag:s10], $0x800  }
0x38: {  	[sflag:s10] =	ssyncset.done $0x0  }
0x39: {  	[sflag:s10] =	ssyncadd.s32 $0xFFFFF800  }
0x3a: {  	[tilespmem:s13], [sflag:$0x1] =	stream.indirect.gather [hbm4b:s5+s12], $0x20, s4, s12, $0xb8;
	[tilespmem:$0x1FDC0] =	vst v63  }
0x3b: {  	s9 =	rddreg [dreg:$0x6]  }
0x3c: {  	[tilespmem:s14], [sflag:$0x2] =	stream.indirect.gather [hbm4b:s5+s12], $0x20, s9, s12, $0xb8;
	[tilespmem:$0x1FDC0] =	vst v63  }
0x3d: {  	s7 =	rddreg [dreg:$0x7]  }
0x3e: {  	[tilespmem:s15], [sflag:$0x3] =	stream.indirect.gather [hbm4b:s5+s12], $0x20, s7, s12, $0xb8;
	[tilespmem:$0x1FDC0] =	vst v63  }
0x3f: {  	s9 =	rddreg [dreg:$0x8]  }
0x40: {  	[tilespmem:s16], [sflag:$0x4] =	stream.indirect.gather [hbm4b:s5+s12], $0x20, s9, s12, $0xb8;
	[tilespmem:$0x1FDC0] =	vst v63  }
0x41: {  	_ =	swait.ge [sflag:s17], $0xFA0  }
0x42: {  	[sflag:s17] =	ssyncset.done $0x0  }
0x43: {  	[sflag:s17] =	ssyncadd.s32 $0xFFFFF060  }
0x44: {  	[spmem:s3] =	stream.indirect.scatter.add.f32 [tilespmem:s13], [sflag:$0x7], $0x20, s11, s12, $0xb8;
	[tilespmem:$0x1FDC0] =	vst v63  }
0x45: {  	s7 =	rddreg [dreg:$0x9]  }
0x46: {  	[tilespmem:s18], [sflag:$0x5] =	stream.indirect.gather [hbm4b:s5+s12], $0x20, s7, s12, $0xb8;
	[tilespmem:$0x1FDC0] =	vst v63  }
0x47: {  	_ =	swait.ge [sflag:s19], $0xFA0  }
0x48: {  	[sflag:s19] =	ssyncset.done $0x0  }
0x49: {  	s8 =	rddreg [dreg:$0xa];
	[sflag:s19] =	ssyncadd.s32 $0xFFFFF060  }
0x4a: {  	[spmem:s3] =	stream.indirect.scatter.add.f32 [tilespmem:s14], [sflag:$0x8], $0x20, s8, s12, $0xb8;
	[tilespmem:$0x1FDC0] =	vst v63  }
0x4b: {  	s9 =	rddreg [dreg:$0xb]  }
0x4c: {  	[tilespmem:s20], [sflag:$0x6] =	stream.indirect.gather [hbm4b:s5+s12], $0x20, s9, s12, $0xb8;
	[tilespmem:$0x1FDC0] =	vst v63  }
0x4d: {  	_ =	swait.ge [sflag:s21], $0xFA0  }
0x4e: {  	[sflag:s21] =	ssyncset.done $0x0  }
0x4f: {  	s7 =	rddreg [dreg:$0xc];
	[sflag:s21] =	ssyncadd.s32 $0xFFFFF060  }
0x50: {  	[spmem:s3] =	stream.indirect.scatter.add.f32 [tilespmem:s15], [sflag:$0x9], $0x20, s7, s12, $0xb8;
	[tilespmem:$0x1FDC0] =	vst v63  }
0x51: {  	_ =	swait.ge [sflag:s22], $0xFA0  }
0x52: {  	[sflag:s22] =	ssyncset.done $0x0  }
0x53: {  	s8 =	rddreg [dreg:$0xd];
	[sflag:s22] =	ssyncadd.s32 $0xFFFFF060  }
0x54: {  	[tilespmem:s13], [sflag:$0x1] =	stream.indirect.gather [hbm4b:s5+s12], $0x20, s8, s12, $0xb8;
	[tilespmem:$0x1FDC0] =	vst v63  }
0x55: {  	_ =	swait.ge [sflag:s23], $0xFA0  }
0x56: {  	[sflag:s23] =	ssyncset.done $0x0  }
0x57: {  	s9 =	rddreg [dreg:$0xe];
	[sflag:s23] =	ssyncadd.s32 $0xFFFFF060  }
0x58: {  	[spmem:s3] =	stream.indirect.scatter.add.f32 [tilespmem:s16], [sflag:$0xA], $0x20, s9, s12, $0xb8;
	[tilespmem:$0x1FDC0] =	vst v63  }
0x59: {  	_ =	swait.ge [sflag:s24], $0xFA0  }
0x5a: {  	[sflag:s24] =	ssyncset.done $0x0  }
0x5b: {  	s7 =	rddreg [dreg:$0xf];
	[sflag:s24] =	ssyncadd.s32 $0xFFFFF060  }
0x5c: {  	[tilespmem:s14], [sflag:$0x2] =	stream.indirect.gather [hbm4b:s5+s12], $0x20, s7, s12, $0xb8;
	[tilespmem:$0x1FDC0] =	vst v63  }
0x5d: {  	_ =	swait.ge [sflag:s25], $0xFA0  }
0x5e: {  	[sflag:s25] =	ssyncset.done $0x0  }
0x5f: {  	s8 =	rddreg [dreg:$0x10];
	[sflag:s25] =	ssyncadd.s32 $0xFFFFF060  }
0x60: {  	[spmem:s3] =	stream.indirect.scatter.add.f32 [tilespmem:s18], [sflag:$0xB], $0x20, s8, s12, $0xb8;
	[tilespmem:$0x1FDC0] =	vst v63  }
0x61: {  	_ =	swait.ge [sflag:s26], $0xFA0  }
0x62: {  	[sflag:s26] =	ssyncset.done $0x0  }
0x63: {  	s9 =	rddreg [dreg:$0x11];
	[sflag:s26] =	ssyncadd.s32 $0xFFFFF060  }
0x64: {  	[tilespmem:s15], [sflag:$0x3] =	stream.indirect.gather [hbm4b:s5+s12], $0x20, s9, s12, $0xb8;
	[tilespmem:$0x1FDC0] =	vst v63  }
0x65: {  	_ =	swait.ge [sflag:s28], $0xFA0  }
0x66: {  	[sflag:s28] =	ssyncset.done $0x0  }
0x67: {  	s7 =	rddreg [dreg:$0x12];
	[sflag:s28] =	ssyncadd.s32 $0xFFFFF060  }
0x68: {  	[spmem:s3] =	stream.indirect.scatter.add.f32 [tilespmem:s20], [sflag:$0xC], $0x20, s7, s12, $0xb8;
	[tilespmem:$0x1FDC0] =	vst v63  }
0x69: {  	_ =	swait.ge [sflag:s29], $0xFA0  }
0x6a: {  	[sflag:s29] =	ssyncset.done $0x0  }
0x6b: {  	s8 =	rddreg [dreg:$0x13];
	[sflag:s29] =	ssyncadd.s32 $0xFFFFF060  }
0x6c: {  	[tilespmem:s16], [sflag:$0x4] =	stream.indirect.gather [hbm4b:s5+s12], $0x20, s8, s12, $0xb8;
	[tilespmem:$0x1FDC0] =	vst v63  }
0x6d: {  	_ =	swait.ge [sflag:s17], $0xFA0  }
0x6e: {  	[sflag:s17] =	ssyncset.done $0x0  }
0x6f: {  	s9 =	rddreg [dreg:$0x14];
	[sflag:s17] =	ssyncadd.s32 $0xFFFFF060  }
0x70: {  	[spmem:s3] =	stream.indirect.scatter.add.f32 [tilespmem:s13], [sflag:$0x7], $0x20, s9, s12, $0xb8;
	[tilespmem:$0x1FDC0] =	vst v63  }
0x71: {  	_ =	swait.ge [sflag:s30], $0xFA0  }
0x72: {  	[sflag:s30] =	ssyncset.done $0x0  }
0x73: {  	s7 =	rddreg [dreg:$0x15];
	[sflag:s30] =	ssyncadd.s32 $0xFFFFF060  }
0x74: {  	[tilespmem:s18], [sflag:$0x5] =	stream.indirect.gather [hbm4b:s5+s12], $0x20, s7, s12, $0xb8;
	[tilespmem:$0x1FDC0] =	vst v63  }
0x75: {  	_ =	swait.ge [sflag:s19], $0xFA0  }
0x76: {  	[sflag:s19] =	ssyncset.done $0x0  }
0x77: {  	s8 =	rddreg [dreg:$0x16];
	[sflag:s19] =	ssyncadd.s32 $0xFFFFF060  }
0x78: {  	[spmem:s3] =	stream.indirect.scatter.add.f32 [tilespmem:s14], [sflag:$0x8], $0x20, s8, s12, $0xb8;
	[tilespmem:$0x1FDC0] =	vst v63  }
0x79: {  	_ =	swait.ge [sflag:s31], $0xFA0  }
0x7a: {  	[sflag:s31] =	ssyncset.done $0x0  }
0x7b: {  	s9 =	rddreg [dreg:$0x17];
	[sflag:s31] =	ssyncadd.s32 $0xFFFFF060  }
0x7c: {  	[tilespmem:s20], [sflag:$0x6] =	stream.indirect.gather [hbm4b:s5+s12], $0x20, s9, s12, $0xb8;
	[tilespmem:$0x1FDC0] =	vst v63  }
0x7d: {  	_ =	swait.ge [sflag:s21], $0xFA0  }
0x7e: {  	[sflag:s21] =	ssyncset.done $0x0  }
0x7f: {  	s7 =	rddreg [dreg:$0x18];
	[sflag:s21] =	ssyncadd.s32 $0xFFFFF060  }
0x80: {  	[spmem:s3] =	stream.indirect.scatter.add.f32 [tilespmem:s15], [sflag:$0x9], $0x20, s7, s12, $0xb8;
	[tilespmem:$0x1FDC0] =	vst v63  }
0x81: {  	_ =	swait.ge [sflag:s22], $0xFA0  }
0x82: {  	[sflag:s22] =	ssyncset.done $0x0  }
0x83: {  	s8 =	rddreg [dreg:$0x19];
	[sflag:s22] =	ssyncadd.s32 $0xFFFFF060  }
0x84: {  	[tilespmem:s13], [sflag:$0x1] =	stream.indirect.gather [hbm4b:s5+s12], $0x20, s8, s12, $0xb8;
	[tilespmem:$0x1FDC0] =	vst v63  }
0x85: {  	_ =	swait.ge [sflag:s23], $0xFA0  }
0x86: {  	[sflag:s23] =	ssyncset.done $0x0  }
0x87: {  	s9 =	rddreg [dreg:$0x1a];
	[sflag:s23] =	ssyncadd.s32 $0xFFFFF060  }
0x88: {  	[spmem:s3] =	stream.indirect.scatter.add.f32 [tilespmem:s16], [sflag:$0xA], $0x20, s9, s12, $0xb8;
	[tilespmem:$0x1FDC0] =	vst v63  }
0x89: {  	_ =	swait.ge [sflag:s24], $0xFA0  }
0x8a: {  	[sflag:s24] =	ssyncset.done $0x0  }
0x8b: {  	s7 =	rddreg [dreg:$0x1b];
	[sflag:s24] =	ssyncadd.s32 $0xFFFFF060  }
0x8c: {  	[tilespmem:s14], [sflag:$0x2] =	stream.indirect.gather [hbm4b:s5+s12], $0x20, s7, s12, $0xb8;
	[tilespmem:$0x1FDC0] =	vst v63  }
0x8d: {  	_ =	swait.ge [sflag:s25], $0xFA0  }
0x8e: {  	[sflag:s25] =	ssyncset.done $0x0  }
0x8f: {  	s8 =	rddreg [dreg:$0x1c];
	[sflag:s25] =	ssyncadd.s32 $0xFFFFF060  }
0x90: {  	[spmem:s3] =	stream.indirect.scatter.add.f32 [tilespmem:s18], [sflag:$0xB], $0x20, s8, s12, $0xb8;
	[tilespmem:$0x1FDC0] =	vst v63  }
0x91: {  	_ =	swait.ge [sflag:s26], $0xFA0  }
0x92: {  	[sflag:s26] =	ssyncset.done $0x0  }
0x93: {  	s9 =	rddreg [dreg:$0x1d];
	[sflag:s26] =	ssyncadd.s32 $0xFFFFF060  }
0x94: {  	[tilespmem:s15], [sflag:$0x3] =	stream.indirect.gather [hbm4b:s5+s12], $0x20, s9, s12, $0xb8;
	[tilespmem:$0x1FDC0] =	vst v63  }
0x95: {  	_ =	swait.ge [sflag:s28], $0xFA0  }
0x96: {  	[sflag:s28] =	ssyncset.done $0x0  }
0x97: {  	s7 =	rddreg [dreg:$0x1e];
	[sflag:s28] =	ssyncadd.s32 $0xFFFFF060  }
0x98: {  	[spmem:s3] =	stream.indirect.scatter.add.f32 [tilespmem:s20], [sflag:$0xC], $0x20, s7, s12, $0xb8;
	[tilespmem:$0x1FDC0] =	vst v63  }
0x99: {  	_ =	swait.ge [sflag:s29], $0xFA0  }
0x9a: {  	[sflag:s29] =	ssyncset.done $0x0  }
0x9b: {  	s8 =	rddreg [dreg:$0x1f];
	[sflag:s29] =	ssyncadd.s32 $0xFFFFF060  }
0x9c: {  	[tilespmem:s16], [sflag:$0x4] =	stream.indirect.gather [hbm4b:s5+s12], $0x20, s8, s12, $0xb8;
	[tilespmem:$0x1FDC0] =	vst v63  }
0x9d: {  	_ =	swait.ge [sflag:s17], $0xFA0  }
0x9e: {  	s9 =	sld [smem:$0x7FB]  }
0x9f: {  	[sflag:s17] =	ssyncset.done $0x0  }
0xa0: {  	[sflag:s17] =	ssyncadd.s32 $0xFFFFF060  }
0xa1: {  	[spmem:s3] =	stream.indirect.scatter.add.f32 [tilespmem:s13], [sflag:$0x7], $0x20, s9, s12, $0xb8;
	[tilespmem:$0x1FDC0] =	vst v63  }
0xa2: {  	_ =	swait.ge [sflag:s19], $0xFA0  }
0xa3: {  	[sflag:s19] =	ssyncset.done $0x0  }
0xa4: {  	[sflag:s19] =	ssyncadd.s32 $0xFFFFF060  }
0xa5: {  	[spmem:s3] =	stream.indirect.scatter.add.f32 [tilespmem:s14], [sflag:$0x8], $0x20, s1, s12, $0xb8;
	[tilespmem:$0x1FDC0] =	vst v63  }
0xa6: {  	_ =	swait.ge [sflag:s21], $0xFA0  }
0xa7: {  	[sflag:s21] =	ssyncset.done $0x0  }
0xa8: {  	[sflag:s21] =	ssyncadd.s32 $0xFFFFF060  }
0xa9: {  	[spmem:s3] =	stream.indirect.scatter.add.f32 [tilespmem:s15], [sflag:$0x9], $0x20, s0, s12, $0xb8;
	[tilespmem:$0x1FDC0] =	vst v63  }
0xaa: {  	_ =	swait.ge [sflag:s23], $0xFA0  }
0xab: {  	[sflag:s23] =	ssyncset.done $0x0  }
0xac: {  	[sflag:s23] =	ssyncadd.s32 $0xFFFFF060  }
0xad: {  	[spmem:s3] =	stream.indirect.scatter.add.f32 [tilespmem:s16], [sflag:$0xA], $0x20, s2, s12, $0xb8;
	[tilespmem:$0x1FDC0] =	vst v63  }
0xae: {  	_ =	swait.ge [sflag:s30], $0xFA0  }
0xaf: {  	[sflag:s30] =	ssyncset.done $0x0  }
0xb0: {  	[sflag:s30] =	ssyncadd.s32 $0xFFFFF060  }
0xb1: {  	_ =	swait.ge [sflag:s31], $0xFA0  }
0xb2: {  	[sflag:s31] =	ssyncset.done $0x0  }
0xb3: {  	[sflag:s31] =	ssyncadd.s32 $0xFFFFF060  }
0xb4: {  	_ =	swait.ge [sflag:s22], $0xFA0  }
0xb5: {  	[sflag:s22] =	ssyncset.done $0x0  }
0xb6: {  	[sflag:s22] =	ssyncadd.s32 $0xFFFFF060  }
0xb7: {  	_ =	swait.ge [sflag:s24], $0xFA0  }
0xb8: {  	[sflag:s24] =	ssyncset.done $0x0  }
0xb9: {  	[sflag:s24] =	ssyncadd.s32 $0xFFFFF060  }
0xba: {  	_ =	swait.ge [sflag:s26], $0xFA0  }
0xbb: {  	[sflag:s26] =	ssyncset.done $0x0  }
0xbc: {  	[sflag:s26] =	ssyncadd.s32 $0xFFFFF060  }
0xbd: {  	s6 =	simm.s32 $0x200;
	_ =	swait.ge [sflag:s29], $0xFA0  }
0xbe: {  	s8 =	simm.s32 $0x100;
	s9 =	rddreg [dreg:$0x5];
	[sflag:s29] =	ssyncset.done $0x0  }
.LBB2_2:
0xbf: {  	[sflag:s29] =	ssyncadd.s32 $0xFFFFF060;
	s9 =	sadd.s32 s8, s9  }
0xc0: {  	[tilespmem:s4], [sflag:$0xD] =	stream.linear.gather [hbm4b:s9+s4], $0x800, $0x38;
	[tilespmem:$0x1FDC0] =	vst v63  }
0xc1: {  	_ =	swait.ge [sflag:s10], $0x800  }
0xc2: {  	s9 =	rddreg [dreg:$0x4];
	[sflag:s10] =	ssyncset.done $0x0  }
0xc3: {  	[sflag:s10] =	ssyncadd.s32 $0xFFFFF800;
	s9 =	sadd.s32 s8, s9  }
0xc4: {  	[tilespmem:s11], [sflag:$0xD] =	stream.linear.gather [hbm4b:s9+s4], $0x800, $0x38;
	[tilespmem:$0x1FDC0] =	vst v63  }
0xc5: {  	_ =	swait.ge [sflag:s10], $0x800  }
0xc6: {  	[sflag:s10] =	ssyncset.done $0x0  }
0xc7: {  	s7 =	smov.u32 s6;
	[sflag:s10] =	ssyncadd.s32 $0xFFFFF800  }
0xc8: {  	[tilespmem:s13], [sflag:$0x1] =	stream.indirect.gather [hbm4b:s5+s12], $0x20, s4, s12, $0xb8;
	[tilespmem:$0x1FDC0] =	vst v63  }
0xc9: {  	s8 =	smov.u32 s7;
	s7 =	rddreg [dreg:$0x6]  }
0xca: {  	[tilespmem:s14], [sflag:$0x2] =	stream.indirect.gather [hbm4b:s5+s12], $0x20, s7, s12, $0xb8;
	[tilespmem:$0x1FDC0] =	vst v63  }
0xcb: {  	s9 =	rddreg [dreg:$0x7]  }
0xcc: {  	[tilespmem:s15], [sflag:$0x3] =	stream.indirect.gather [hbm4b:s5+s12], $0x20, s9, s12, $0xb8;
	[tilespmem:$0x1FDC0] =	vst v63  }
0xcd: {  	s7 =	rddreg [dreg:$0x8]  }
0xce: {  	[tilespmem:s16], [sflag:$0x4] =	stream.indirect.gather [hbm4b:s5+s12], $0x20, s7, s12, $0xb8;
	[tilespmem:$0x1FDC0] =	vst v63  }
0xcf: {  	_ =	swait.ge [sflag:s17], $0xFA0  }
0xd0: {  	[sflag:s17] =	ssyncset.done $0x0  }
0xd1: {  	[sflag:s17] =	ssyncadd.s32 $0xFFFFF060  }
0xd2: {  	[spmem:s3] =	stream.indirect.scatter.add.f32 [tilespmem:s13], [sflag:$0x7], $0x20, s11, s12, $0xb8;
	[tilespmem:$0x1FDC0] =	vst v63  }
0xd3: {  	s9 =	rddreg [dreg:$0x9]  }
0xd4: {  	[tilespmem:s18], [sflag:$0x5] =	stream.indirect.gather [hbm4b:s5+s12], $0x20, s9, s12, $0xb8;
	[tilespmem:$0x1FDC0] =	vst v63  }
0xd5: {  	_ =	swait.ge [sflag:s19], $0xFA0  }
0xd6: {  	[sflag:s19] =	ssyncset.done $0x0  }
0xd7: {  	s7 =	rddreg [dreg:$0xa];
	[sflag:s19] =	ssyncadd.s32 $0xFFFFF060  }
0xd8: {  	[spmem:s3] =	stream.indirect.scatter.add.f32 [tilespmem:s14], [sflag:$0x8], $0x20, s7, s12, $0xb8;
	[tilespmem:$0x1FDC0] =	vst v63  }
0xd9: {  	s9 =	rddreg [dreg:$0xb]  }
0xda: {  	[tilespmem:s20], [sflag:$0x6] =	stream.indirect.gather [hbm4b:s5+s12], $0x20, s9, s12, $0xb8;
	[tilespmem:$0x1FDC0] =	vst v63  }
0xdb: {  	_ =	swait.ge [sflag:s21], $0xFA0  }
0xdc: {  	[sflag:s21] =	ssyncset.done $0x0  }
0xdd: {  	s9 =	rddreg [dreg:$0xc];
	[sflag:s21] =	ssyncadd.s32 $0xFFFFF060  }
0xde: {  	[spmem:s3] =	stream.indirect.scatter.add.f32 [tilespmem:s15], [sflag:$0x9], $0x20, s9, s12, $0xb8;
	[tilespmem:$0x1FDC0] =	vst v63  }
0xdf: {  	_ =	swait.ge [sflag:s22], $0xFA0  }
0xe0: {  	[sflag:s22] =	ssyncset.done $0x0  }
0xe1: {  	s9 =	rddreg [dreg:$0xd];
	[sflag:s22] =	ssyncadd.s32 $0xFFFFF060  }
0xe2: {  	[tilespmem:s13], [sflag:$0x1] =	stream.indirect.gather [hbm4b:s5+s12], $0x20, s9, s12, $0xb8;
	[tilespmem:$0x1FDC0] =	vst v63  }
0xe3: {  	_ =	swait.ge [sflag:s23], $0xFA0  }
0xe4: {  	[sflag:s23] =	ssyncset.done $0x0  }
0xe5: {  	s9 =	rddreg [dreg:$0xe];
	[sflag:s23] =	ssyncadd.s32 $0xFFFFF060  }
0xe6: {  	[spmem:s3] =	stream.indirect.scatter.add.f32 [tilespmem:s16], [sflag:$0xA], $0x20, s9, s12, $0xb8;
	[tilespmem:$0x1FDC0] =	vst v63  }
0xe7: {  	_ =	swait.ge [sflag:s24], $0xFA0  }
0xe8: {  	[sflag:s24] =	ssyncset.done $0x0  }
0xe9: {  	s9 =	rddreg [dreg:$0xf];
	[sflag:s24] =	ssyncadd.s32 $0xFFFFF060  }
0xea: {  	[tilespmem:s14], [sflag:$0x2] =	stream.indirect.gather [hbm4b:s5+s12], $0x20, s9, s12, $0xb8;
	[tilespmem:$0x1FDC0] =	vst v63  }
0xeb: {  	_ =	swait.ge [sflag:s25], $0xFA0  }
0xec: {  	[sflag:s25] =	ssyncset.done $0x0  }
0xed: {  	s9 =	rddreg [dreg:$0x10];
	[sflag:s25] =	ssyncadd.s32 $0xFFFFF060  }
0xee: {  	[spmem:s3] =	stream.indirect.scatter.add.f32 [tilespmem:s18], [sflag:$0xB], $0x20, s9, s12, $0xb8;
	[tilespmem:$0x1FDC0] =	vst v63  }
0xef: {  	_ =	swait.ge [sflag:s26], $0xFA0  }
0xf0: {  	[sflag:s26] =	ssyncset.done $0x0  }
0xf1: {  	s9 =	rddreg [dreg:$0x11];
	[sflag:s26] =	ssyncadd.s32 $0xFFFFF060  }
0xf2: {  	[tilespmem:s15], [sflag:$0x3] =	stream.indirect.gather [hbm4b:s5+s12], $0x20, s9, s12, $0xb8;
	[tilespmem:$0x1FDC0] =	vst v63  }
0xf3: {  	_ =	swait.ge [sflag:s28], $0xFA0  }
0xf4: {  	[sflag:s28] =	ssyncset.done $0x0  }
0xf5: {  	s9 =	rddreg [dreg:$0x12];
	[sflag:s28] =	ssyncadd.s32 $0xFFFFF060  }
0xf6: {  	[spmem:s3] =	stream.indirect.scatter.add.f32 [tilespmem:s20], [sflag:$0xC], $0x20, s9, s12, $0xb8;
	[tilespmem:$0x1FDC0] =	vst v63  }
0xf7: {  	_ =	swait.ge [sflag:s29], $0xFA0  }
0xf8: {  	[sflag:s29] =	ssyncset.done $0x0  }
0xf9: {  	s9 =	rddreg [dreg:$0x13];
	[sflag:s29] =	ssyncadd.s32 $0xFFFFF060  }
0xfa: {  	[tilespmem:s16], [sflag:$0x4] =	stream.indirect.gather [hbm4b:s5+s12], $0x20, s9, s12, $0xb8;
	[tilespmem:$0x1FDC0] =	vst v63  }
0xfb: {  	_ =	swait.ge [sflag:s17], $0xFA0  }
0xfc: {  	[sflag:s17] =	ssyncset.done $0x0  }
0xfd: {  	s9 =	rddreg [dreg:$0x14];
	[sflag:s17] =	ssyncadd.s32 $0xFFFFF060  }
0xfe: {  	[spmem:s3] =	stream.indirect.scatter.add.f32 [tilespmem:s13], [sflag:$0x7], $0x20, s9, s12, $0xb8;
	[tilespmem:$0x1FDC0] =	vst v63  }
0xff: {  	_ =	swait.ge [sflag:s30], $0xFA0  }
0x100: {  	[sflag:s30] =	ssyncset.done $0x0  }
0x101: {  	s9 =	rddreg [dreg:$0x15];
	[sflag:s30] =	ssyncadd.s32 $0xFFFFF060  }
0x102: {  	[tilespmem:s18], [sflag:$0x5] =	stream.indirect.gather [hbm4b:s5+s12], $0x20, s9, s12, $0xb8;
	[tilespmem:$0x1FDC0] =	vst v63  }
0x103: {  	_ =	swait.ge [sflag:s19], $0xFA0  }
0x104: {  	[sflag:s19] =	ssyncset.done $0x0  }
0x105: {  	s9 =	rddreg [dreg:$0x16];
	[sflag:s19] =	ssyncadd.s32 $0xFFFFF060  }
0x106: {  	[spmem:s3] =	stream.indirect.scatter.add.f32 [tilespmem:s14], [sflag:$0x8], $0x20, s9, s12, $0xb8;
	[tilespmem:$0x1FDC0] =	vst v63  }
0x107: {  	_ =	swait.ge [sflag:s31], $0xFA0  }
0x108: {  	[sflag:s31] =	ssyncset.done $0x0  }
0x109: {  	s9 =	rddreg [dreg:$0x17];
	[sflag:s31] =	ssyncadd.s32 $0xFFFFF060  }
0x10a: {  	[tilespmem:s20], [sflag:$0x6] =	stream.indirect.gather [hbm4b:s5+s12], $0x20, s9, s12, $0xb8;
	[tilespmem:$0x1FDC0] =	vst v63  }
0x10b: {  	_ =	swait.ge [sflag:s21], $0xFA0  }
0x10c: {  	[sflag:s21] =	ssyncset.done $0x0  }
0x10d: {  	s9 =	rddreg [dreg:$0x18];
	[sflag:s21] =	ssyncadd.s32 $0xFFFFF060  }
0x10e: {  	[spmem:s3] =	stream.indirect.scatter.add.f32 [tilespmem:s15], [sflag:$0x9], $0x20, s9, s12, $0xb8;
	[tilespmem:$0x1FDC0] =	vst v63  }
0x10f: {  	_ =	swait.ge [sflag:s22], $0xFA0  }
0x110: {  	[sflag:s22] =	ssyncset.done $0x0  }
0x111: {  	s9 =	rddreg [dreg:$0x19];
	[sflag:s22] =	ssyncadd.s32 $0xFFFFF060  }
0x112: {  	[tilespmem:s13], [sflag:$0x1] =	stream.indirect.gather [hbm4b:s5+s12], $0x20, s9, s12, $0xb8;
	[tilespmem:$0x1FDC0] =	vst v63  }
0x113: {  	_ =	swait.ge [sflag:s23], $0xFA0  }
0x114: {  	[sflag:s23] =	ssyncset.done $0x0  }
0x115: {  	s9 =	rddreg [dreg:$0x1a];
	[sflag:s23] =	ssyncadd.s32 $0xFFFFF060  }
0x116: {  	[spmem:s3] =	stream.indirect.scatter.add.f32 [tilespmem:s16], [sflag:$0xA], $0x20, s9, s12, $0xb8;
	[tilespmem:$0x1FDC0] =	vst v63  }
0x117: {  	_ =	swait.ge [sflag:s24], $0xFA0  }
0x118: {  	[sflag:s24] =	ssyncset.done $0x0  }
0x119: {  	s9 =	rddreg [dreg:$0x1b];
	[sflag:s24] =	ssyncadd.s32 $0xFFFFF060  }
0x11a: {  	[tilespmem:s14], [sflag:$0x2] =	stream.indirect.gather [hbm4b:s5+s12], $0x20, s9, s12, $0xb8;
	[tilespmem:$0x1FDC0] =	vst v63  }
0x11b: {  	_ =	swait.ge [sflag:s25], $0xFA0  }
0x11c: {  	[sflag:s25] =	ssyncset.done $0x0  }
0x11d: {  	s9 =	rddreg [dreg:$0x1c];
	[sflag:s25] =	ssyncadd.s32 $0xFFFFF060  }
0x11e: {  	[spmem:s3] =	stream.indirect.scatter.add.f32 [tilespmem:s18], [sflag:$0xB], $0x20, s9, s12, $0xb8;
	[tilespmem:$0x1FDC0] =	vst v63  }
0x11f: {  	_ =	swait.ge [sflag:s26], $0xFA0  }
0x120: {  	[sflag:s26] =	ssyncset.done $0x0  }
0x121: {  	s9 =	rddreg [dreg:$0x1d];
	[sflag:s26] =	ssyncadd.s32 $0xFFFFF060  }
0x122: {  	[tilespmem:s15], [sflag:$0x3] =	stream.indirect.gather [hbm4b:s5+s12], $0x20, s9, s12, $0xb8;
	[tilespmem:$0x1FDC0] =	vst v63  }
0x123: {  	_ =	swait.ge [sflag:s28], $0xFA0  }
0x124: {  	[sflag:s28] =	ssyncset.done $0x0  }
0x125: {  	s9 =	rddreg [dreg:$0x1e];
	[sflag:s28] =	ssyncadd.s32 $0xFFFFF060  }
0x126: {  	[spmem:s3] =	stream.indirect.scatter.add.f32 [tilespmem:s20], [sflag:$0xC], $0x20, s9, s12, $0xb8;
	[tilespmem:$0x1FDC0] =	vst v63  }
0x127: {  	_ =	swait.ge [sflag:s29], $0xFA0  }
0x128: {  	[sflag:s29] =	ssyncset.done $0x0  }
0x129: {  	s9 =	rddreg [dreg:$0x1f];
	[sflag:s29] =	ssyncadd.s32 $0xFFFFF060  }
0x12a: {  	[tilespmem:s16], [sflag:$0x4] =	stream.indirect.gather [hbm4b:s5+s12], $0x20, s9, s12, $0xb8;
	[tilespmem:$0x1FDC0] =	vst v63  }
0x12b: {  	_ =	swait.ge [sflag:s17], $0xFA0  }
0x12c: {  	s9 =	sld [smem:$0x7FB]  }
0x12d: {  	[sflag:s17] =	ssyncset.done $0x0  }
0x12e: {  	[sflag:s17] =	ssyncadd.s32 $0xFFFFF060  }
0x12f: {  	[spmem:s3] =	stream.indirect.scatter.add.f32 [tilespmem:s13], [sflag:$0x7], $0x20, s9, s12, $0xb8;
	[tilespmem:$0x1FDC0] =	vst v63  }
0x130: {  	_ =	swait.ge [sflag:s19], $0xFA0  }
0x131: {  	[sflag:s19] =	ssyncset.done $0x0  }
0x132: {  	[sflag:s19] =	ssyncadd.s32 $0xFFFFF060  }
0x133: {  	[spmem:s3] =	stream.indirect.scatter.add.f32 [tilespmem:s14], [sflag:$0x8], $0x20, s1, s12, $0xb8;
	[tilespmem:$0x1FDC0] =	vst v63  }
0x134: {  	_ =	swait.ge [sflag:s21], $0xFA0  }
0x135: {  	[sflag:s21] =	ssyncset.done $0x0  }
0x136: {  	[sflag:s21] =	ssyncadd.s32 $0xFFFFF060  }
0x137: {  	[spmem:s3] =	stream.indirect.scatter.add.f32 [tilespmem:s15], [sflag:$0x9], $0x20, s0, s12, $0xb8;
	[tilespmem:$0x1FDC0] =	vst v63  }
0x138: {  	_ =	swait.ge [sflag:s23], $0xFA0  }
0x139: {  	[sflag:s23] =	ssyncset.done $0x0  }
0x13a: {  	[sflag:s23] =	ssyncadd.s32 $0xFFFFF060  }
0x13b: {  	[spmem:s3] =	stream.indirect.scatter.add.f32 [tilespmem:s16], [sflag:$0xA], $0x20, s2, s12, $0xb8;
	[tilespmem:$0x1FDC0] =	vst v63  }
0x13c: {  	_ =	swait.ge [sflag:s30], $0xFA0  }
0x13d: {  	[sflag:s30] =	ssyncset.done $0x0  }
0x13e: {  	[sflag:s30] =	ssyncadd.s32 $0xFFFFF060  }
0x13f: {  	_ =	swait.ge [sflag:s31], $0xFA0  }
0x140: {  	[sflag:s31] =	ssyncset.done $0x0  }
0x141: {  	[sflag:s31] =	ssyncadd.s32 $0xFFFFF060  }
0x142: {  	_ =	swait.ge [sflag:s22], $0xFA0  }
0x143: {  	[sflag:s22] =	ssyncset.done $0x0  }
0x144: {  	[sflag:s22] =	ssyncadd.s32 $0xFFFFF060  }
0x145: {  	_ =	swait.ge [sflag:s24], $0xFA0  }
0x146: {  	[sflag:s24] =	ssyncset.done $0x0  }
0x147: {  	p0 =	sne.s32 s6, $0x1800;
	[sflag:s24] =	ssyncadd.s32 $0xFFFFF060  }
.Ltmp0:
0x148: {  	_ =	swait.ge [sflag:s26], $0xFA0;
	(pc) =	sbr.rel @p0 .LBB2_2-.Ltmp0, $4  }
0x149: {  	[sflag:s26] =	ssyncset.done $0x0  }
0x14a: {  	[sflag:s26] =	ssyncadd.s32 $0xFFFFF060  }
0x14b: {  	_ =	swait.ge [sflag:s29], $0xFA0  }
0x14c: {  	s6 =	sadd.s32 $0x100, s6;
	s9 =	rddreg [dreg:$0x5];
	[sflag:s29] =	ssyncset.done $0x0  }
0x14d: {  	[sflag:s29] =	ssyncadd.s32 $0xFFFFF060;
	s6 =	sadd.s32 s8, s9  }
0x14e: {  	[tilespmem:s4], [sflag:$0xD] =	stream.linear.gather [hbm4b:s6+s4], $0x800, $0x38;
	[tilespmem:$0x1FDC0] =	vst v63  }
0x14f: {  	_ =	swait.ge [sflag:s10], $0x800  }
0x150: {  	s7 =	rddreg [dreg:$0x4];
	[sflag:s10] =	ssyncset.done $0x0  }
0x151: {  	[sflag:s10] =	ssyncadd.s32 $0xFFFFF800;
	s6 =	sadd.s32 s8, s7  }
0x152: {  	[tilespmem:s11], [sflag:$0xD] =	stream.linear.gather [hbm4b:s6+s4], $0x800, $0x38;
	[tilespmem:$0x1FDC0] =	vst v63  }
0x153: {  	_ =	swait.ge [sflag:s10], $0x800  }
0x154: {  	[sflag:s10] =	ssyncset.done $0x0  }
0x155: {  	[sflag:s10] =	ssyncadd.s32 $0xFFFFF800  }
0x156: {  	[tilespmem:s13], [sflag:$0x1] =	stream.indirect.gather [hbm4b:s5+s12], $0x20, s4, s12, $0xb8;
	[tilespmem:$0x1FDC0] =	vst v63  }
0x157: {  	s9 =	rddreg [dreg:$0x6]  }
0x158: {  	[tilespmem:s14], [sflag:$0x2] =	stream.indirect.gather [hbm4b:s5+s12], $0x20, s9, s12, $0xb8;
	[tilespmem:$0x1FDC0] =	vst v63  }
0x159: {  	s7 =	rddreg [dreg:$0x7]  }
0x15a: {  	[tilespmem:s15], [sflag:$0x3] =	stream.indirect.gather [hbm4b:s5+s12], $0x20, s7, s12, $0xb8;
	[tilespmem:$0x1FDC0] =	vst v63  }
0x15b: {  	s8 =	rddreg [dreg:$0x8]  }
0x15c: {  	[tilespmem:s16], [sflag:$0x4] =	stream.indirect.gather [hbm4b:s5+s12], $0x20, s8, s12, $0xb8;
	[tilespmem:$0x1FDC0] =	vst v63  }
0x15d: {  	_ =	swait.ge [sflag:s17], $0xFA0  }
0x15e: {  	[sflag:s17] =	ssyncset.done $0x0  }
0x15f: {  	[sflag:s17] =	ssyncadd.s32 $0xFFFFF060  }
0x160: {  	[spmem:s3] =	stream.indirect.scatter.add.f32 [tilespmem:s13], [sflag:$0x7], $0x20, s11, s12, $0xb8;
	[tilespmem:$0x1FDC0] =	vst v63  }
0x161: {  	s9 =	rddreg [dreg:$0x9]  }
0x162: {  	[tilespmem:s18], [sflag:$0x5] =	stream.indirect.gather [hbm4b:s5+s12], $0x20, s9, s12, $0xb8;
	[tilespmem:$0x1FDC0] =	vst v63  }
0x163: {  	_ =	swait.ge [sflag:s19], $0xFA0  }
0x164: {  	[sflag:s19] =	ssyncset.done $0x0  }
0x165: {  	s7 =	rddreg [dreg:$0xa];
	[sflag:s19] =	ssyncadd.s32 $0xFFFFF060  }
0x166: {  	[spmem:s3] =	stream.indirect.scatter.add.f32 [tilespmem:s14], [sflag:$0x8], $0x20, s7, s12, $0xb8;
	[tilespmem:$0x1FDC0] =	vst v63  }
0x167: {  	s8 =	rddreg [dreg:$0xb]  }
0x168: {  	[tilespmem:s20], [sflag:$0x6] =	stream.indirect.gather [hbm4b:s5+s12], $0x20, s8, s12, $0xb8;
	[tilespmem:$0x1FDC0] =	vst v63  }
0x169: {  	_ =	swait.ge [sflag:s21], $0xFA0  }
0x16a: {  	[sflag:s21] =	ssyncset.done $0x0  }
0x16b: {  	s9 =	rddreg [dreg:$0xc];
	[sflag:s21] =	ssyncadd.s32 $0xFFFFF060  }
0x16c: {  	[spmem:s3] =	stream.indirect.scatter.add.f32 [tilespmem:s15], [sflag:$0x9], $0x20, s9, s12, $0xb8;
	[tilespmem:$0x1FDC0] =	vst v63  }
0x16d: {  	_ =	swait.ge [sflag:s22], $0xFA0  }
0x16e: {  	[sflag:s22] =	ssyncset.done $0x0  }
0x16f: {  	s7 =	rddreg [dreg:$0xd];
	[sflag:s22] =	ssyncadd.s32 $0xFFFFF060  }
0x170: {  	[tilespmem:s13], [sflag:$0x1] =	stream.indirect.gather [hbm4b:s5+s12], $0x20, s7, s12, $0xb8;
	[tilespmem:$0x1FDC0] =	vst v63  }
0x171: {  	_ =	swait.ge [sflag:s23], $0xFA0  }
0x172: {  	[sflag:s23] =	ssyncset.done $0x0  }
0x173: {  	s8 =	rddreg [dreg:$0xe];
	[sflag:s23] =	ssyncadd.s32 $0xFFFFF060  }
0x174: {  	[spmem:s3] =	stream.indirect.scatter.add.f32 [tilespmem:s16], [sflag:$0xA], $0x20, s8, s12, $0xb8;
	[tilespmem:$0x1FDC0] =	vst v63  }
0x175: {  	_ =	swait.ge [sflag:s24], $0xFA0  }
0x176: {  	[sflag:s24] =	ssyncset.done $0x0  }
0x177: {  	s9 =	rddreg [dreg:$0xf];
	[sflag:s24] =	ssyncadd.s32 $0xFFFFF060  }
0x178: {  	[tilespmem:s14], [sflag:$0x2] =	stream.indirect.gather [hbm4b:s5+s12], $0x20, s9, s12, $0xb8;
	[tilespmem:$0x1FDC0] =	vst v63  }
0x179: {  	_ =	swait.ge [sflag:s25], $0xFA0  }
0x17a: {  	[sflag:s25] =	ssyncset.done $0x0  }
0x17b: {  	s7 =	rddreg [dreg:$0x10];
	[sflag:s25] =	ssyncadd.s32 $0xFFFFF060  }
0x17c: {  	[spmem:s3] =	stream.indirect.scatter.add.f32 [tilespmem:s18], [sflag:$0xB], $0x20, s7, s12, $0xb8;
	[tilespmem:$0x1FDC0] =	vst v63  }
0x17d: {  	_ =	swait.ge [sflag:s26], $0xFA0  }
0x17e: {  	[sflag:s26] =	ssyncset.done $0x0  }
0x17f: {  	s8 =	rddreg [dreg:$0x11];
	[sflag:s26] =	ssyncadd.s32 $0xFFFFF060  }
0x180: {  	[tilespmem:s15], [sflag:$0x3] =	stream.indirect.gather [hbm4b:s5+s12], $0x20, s8, s12, $0xb8;
	[tilespmem:$0x1FDC0] =	vst v63  }
0x181: {  	_ =	swait.ge [sflag:s28], $0xFA0  }
0x182: {  	[sflag:s28] =	ssyncset.done $0x0  }
0x183: {  	s9 =	rddreg [dreg:$0x12];
	[sflag:s28] =	ssyncadd.s32 $0xFFFFF060  }
0x184: {  	[spmem:s3] =	stream.indirect.scatter.add.f32 [tilespmem:s20], [sflag:$0xC], $0x20, s9, s12, $0xb8;
	[tilespmem:$0x1FDC0] =	vst v63  }
0x185: {  	_ =	swait.ge [sflag:s29], $0xFA0  }
0x186: {  	[sflag:s29] =	ssyncset.done $0x0  }
0x187: {  	s7 =	rddreg [dreg:$0x13];
	[sflag:s29] =	ssyncadd.s32 $0xFFFFF060  }
0x188: {  	[tilespmem:s16], [sflag:$0x4] =	stream.indirect.gather [hbm4b:s5+s12], $0x20, s7, s12, $0xb8;
	[tilespmem:$0x1FDC0] =	vst v63  }
0x189: {  	_ =	swait.ge [sflag:s17], $0xFA0  }
0x18a: {  	[sflag:s17] =	ssyncset.done $0x0  }
0x18b: {  	s8 =	rddreg [dreg:$0x14];
	[sflag:s17] =	ssyncadd.s32 $0xFFFFF060  }
0x18c: {  	[spmem:s3] =	stream.indirect.scatter.add.f32 [tilespmem:s13], [sflag:$0x7], $0x20, s8, s12, $0xb8;
	[tilespmem:$0x1FDC0] =	vst v63  }
0x18d: {  	_ =	swait.ge [sflag:s30], $0xFA0  }
0x18e: {  	[sflag:s30] =	ssyncset.done $0x0  }
0x18f: {  	s9 =	rddreg [dreg:$0x15];
	[sflag:s30] =	ssyncadd.s32 $0xFFFFF060  }
0x190: {  	[tilespmem:s18], [sflag:$0x5] =	stream.indirect.gather [hbm4b:s5+s12], $0x20, s9, s12, $0xb8;
	[tilespmem:$0x1FDC0] =	vst v63  }
0x191: {  	_ =	swait.ge [sflag:s19], $0xFA0  }
0x192: {  	[sflag:s19] =	ssyncset.done $0x0  }
0x193: {  	s7 =	rddreg [dreg:$0x16];
	[sflag:s19] =	ssyncadd.s32 $0xFFFFF060  }
0x194: {  	[spmem:s3] =	stream.indirect.scatter.add.f32 [tilespmem:s14], [sflag:$0x8], $0x20, s7, s12, $0xb8;
	[tilespmem:$0x1FDC0] =	vst v63  }
0x195: {  	_ =	swait.ge [sflag:s31], $0xFA0  }
0x196: {  	[sflag:s31] =	ssyncset.done $0x0  }
0x197: {  	s8 =	rddreg [dreg:$0x17];
	[sflag:s31] =	ssyncadd.s32 $0xFFFFF060  }
0x198: {  	[tilespmem:s20], [sflag:$0x6] =	stream.indirect.gather [hbm4b:s5+s12], $0x20, s8, s12, $0xb8;
	[tilespmem:$0x1FDC0] =	vst v63  }
0x199: {  	_ =	swait.ge [sflag:s21], $0xFA0  }
0x19a: {  	[sflag:s21] =	ssyncset.done $0x0  }
0x19b: {  	s9 =	rddreg [dreg:$0x18];
	[sflag:s21] =	ssyncadd.s32 $0xFFFFF060  }
0x19c: {  	[spmem:s3] =	stream.indirect.scatter.add.f32 [tilespmem:s15], [sflag:$0x9], $0x20, s9, s12, $0xb8;
	[tilespmem:$0x1FDC0] =	vst v63  }
0x19d: {  	_ =	swait.ge [sflag:s22], $0xFA0  }
0x19e: {  	[sflag:s22] =	ssyncset.done $0x0  }
0x19f: {  	s7 =	rddreg [dreg:$0x19];
	[sflag:s22] =	ssyncadd.s32 $0xFFFFF060  }
0x1a0: {  	[tilespmem:s13], [sflag:$0x1] =	stream.indirect.gather [hbm4b:s5+s12], $0x20, s7, s12, $0xb8;
	[tilespmem:$0x1FDC0] =	vst v63  }
0x1a1: {  	_ =	swait.ge [sflag:s23], $0xFA0  }
0x1a2: {  	[sflag:s23] =	ssyncset.done $0x0  }
0x1a3: {  	s8 =	rddreg [dreg:$0x1a];
	[sflag:s23] =	ssyncadd.s32 $0xFFFFF060  }
0x1a4: {  	[spmem:s3] =	stream.indirect.scatter.add.f32 [tilespmem:s16], [sflag:$0xA], $0x20, s8, s12, $0xb8;
	[tilespmem:$0x1FDC0] =	vst v63  }
0x1a5: {  	_ =	swait.ge [sflag:s24], $0xFA0  }
0x1a6: {  	[sflag:s24] =	ssyncset.done $0x0  }
0x1a7: {  	s9 =	rddreg [dreg:$0x1b];
	[sflag:s24] =	ssyncadd.s32 $0xFFFFF060  }
0x1a8: {  	[tilespmem:s14], [sflag:$0x2] =	stream.indirect.gather [hbm4b:s5+s12], $0x20, s9, s12, $0xb8;
	[tilespmem:$0x1FDC0] =	vst v63  }
0x1a9: {  	_ =	swait.ge [sflag:s25], $0xFA0  }
0x1aa: {  	[sflag:s25] =	ssyncset.done $0x0  }
0x1ab: {  	s7 =	rddreg [dreg:$0x1c];
	[sflag:s25] =	ssyncadd.s32 $0xFFFFF060  }
0x1ac: {  	[spmem:s3] =	stream.indirect.scatter.add.f32 [tilespmem:s18], [sflag:$0xB], $0x20, s7, s12, $0xb8;
	[tilespmem:$0x1FDC0] =	vst v63  }
0x1ad: {  	_ =	swait.ge [sflag:s26], $0xFA0  }
0x1ae: {  	[sflag:s26] =	ssyncset.done $0x0  }
0x1af: {  	s8 =	rddreg [dreg:$0x1d];
	[sflag:s26] =	ssyncadd.s32 $0xFFFFF060  }
0x1b0: {  	[tilespmem:s15], [sflag:$0x3] =	stream.indirect.gather [hbm4b:s5+s12], $0x20, s8, s12, $0xb8;
	[tilespmem:$0x1FDC0] =	vst v63  }
0x1b1: {  	_ =	swait.ge [sflag:s28], $0xFA0  }
0x1b2: {  	[sflag:s28] =	ssyncset.done $0x0  }
0x1b3: {  	s9 =	rddreg [dreg:$0x1e];
	[sflag:s28] =	ssyncadd.s32 $0xFFFFF060  }
0x1b4: {  	[spmem:s3] =	stream.indirect.scatter.add.f32 [tilespmem:s20], [sflag:$0xC], $0x20, s9, s12, $0xb8;
	[tilespmem:$0x1FDC0] =	vst v63  }
0x1b5: {  	_ =	swait.ge [sflag:s29], $0xFA0  }
0x1b6: {  	[sflag:s29] =	ssyncset.done $0x0  }
0x1b7: {  	s7 =	rddreg [dreg:$0x1f];
	[sflag:s29] =	ssyncadd.s32 $0xFFFFF060  }
0x1b8: {  	[tilespmem:s16], [sflag:$0x4] =	stream.indirect.gather [hbm4b:s5+s12], $0x20, s7, s12, $0xb8;
	[tilespmem:$0x1FDC0] =	vst v63  }
0x1b9: {  	_ =	swait.ge [sflag:s17], $0xFA0  }
0x1ba: {  	s8 =	sld [smem:$0x7FB]  }
0x1bb: {  	[sflag:s17] =	ssyncset.done $0x0  }
0x1bc: {  	[sflag:s17] =	ssyncadd.s32 $0xFFFFF060  }
0x1bd: {  	[spmem:s3] =	stream.indirect.scatter.add.f32 [tilespmem:s13], [sflag:$0x7], $0x20, s8, s12, $0xb8;
	[tilespmem:$0x1FDC0] =	vst v63  }
0x1be: {  	_ =	swait.ge [sflag:s19], $0xFA0  }
0x1bf: {  	[sflag:s19] =	ssyncset.done $0x0  }
0x1c0: {  	[sflag:s19] =	ssyncadd.s32 $0xFFFFF060  }
0x1c1: {  	[spmem:s3] =	stream.indirect.scatter.add.f32 [tilespmem:s14], [sflag:$0x8], $0x20, s1, s12, $0xb8;
	[tilespmem:$0x1FDC0] =	vst v63  }
0x1c2: {  	_ =	swait.ge [sflag:s21], $0xFA0  }
0x1c3: {  	[sflag:s21] =	ssyncset.done $0x0  }
0x1c4: {  	[sflag:s21] =	ssyncadd.s32 $0xFFFFF060  }
0x1c5: {  	[spmem:s3] =	stream.indirect.scatter.add.f32 [tilespmem:s15], [sflag:$0x9], $0x20, s0, s12, $0xb8;
	[tilespmem:$0x1FDC0] =	vst v63  }
0x1c6: {  	_ =	swait.ge [sflag:s23], $0xFA0  }
0x1c7: {  	[sflag:s23] =	ssyncset.done $0x0  }
0x1c8: {  	[sflag:s23] =	ssyncadd.s32 $0xFFFFF060  }
0x1c9: {  	[spmem:s3] =	stream.indirect.scatter.add.f32 [tilespmem:s16], [sflag:$0xA], $0x20, s2, s12, $0xb8;
	[tilespmem:$0x1FDC0] =	vst v63  }
0x1ca: {  	_ =	swait.ge [sflag:s30], $0xFA0  }
0x1cb: {  	[sflag:s30] =	ssyncset.done $0x0  }
0x1cc: {  	[sflag:s30] =	ssyncadd.s32 $0xFFFFF060  }
0x1cd: {  	_ =	swait.ge [sflag:s31], $0xFA0  }
0x1ce: {  	[sflag:s31] =	ssyncset.done $0x0  }
0x1cf: {  	[sflag:s31] =	ssyncadd.s32 $0xFFFFF060  }
0x1d0: {  	_ =	swait.ge [sflag:s22], $0xFA0  }
0x1d1: {  	[sflag:s22] =	ssyncset.done $0x0  }
0x1d2: {  	[sflag:s22] =	ssyncadd.s32 $0xFFFFF060  }
0x1d3: {  	_ =	swait.ge [sflag:s24], $0xFA0  }
0x1d4: {  	[sflag:s24] =	ssyncset.done $0x0  }
0x1d5: {  	[sflag:s24] =	ssyncadd.s32 $0xFFFFF060  }
0x1d6: {  	_ =	swait.ge [sflag:s26], $0xFA0  }
0x1d7: {  	[sflag:s26] =	ssyncset.done $0x0  }
0x1d8: {  	[sflag:s26] =	ssyncadd.s32 $0xFFFFF060  }
0x1d9: {  	_ =	swait.ge [sflag:s29], $0xFA0  }
0x1da: {  	[sflag:s29] =	ssyncset.done $0x0  }
0x1db: {  	[sflag:s29] =	ssyncadd.s32 $0xFFFFF060  }
0x1dc: {  	[bflag:$0x0] =	sbarrier.arrive $0xFFFF  }
0x1dd: {  	s7 =	sld [smem:$0x7FC]  }
0x1de: {  	s9 =	sld [smem:$0x7F9]  }
0x1df: {  	s8 =	sld [smem:$0x7FD];
	_ =	sdelay $0x2  }
0x1e0: {  	[hbm:s9], [sflag:s7] =	dma.local [spmem:s8], $0x3200  }
0x1e1: {  	_ =	swait.ge [sflag:s10], $0x3200  }
0x1e2: {  	s6 =	sld [smem:$0x7F8];
	_ =	sdelay $0x2  }
0x1e3: {  	s9 =	sadd.s32 $0x1, s6;
	s6 =	sld [smem:$0x7FA];
	_ =	sdelay $0x2  }
0x1e4: {  	p0 =	sne.s32 s9, s6  }
.Ltmp1:
0x1e5: {  	_ = 	snop;
	(pc) =	sbr.rel @p0 .LBB2_1-.Ltmp1, $3  }
0x1e6: {  	_ =	sdelay $0x1  }
0x1e7: {  	[sflag:s10] =	ssyncset.done $0x0  }
0x1e8: {  	[sflag:s10] =	ssyncadd.s32 $0xFFFFCE00  }
0x1e9: {  	_ =	sfence.sel $0x180000  }
0x1ea: {  	[bflag:$0x0] =	sbarrier.arrive $0xFFFF  }
0x1eb: {  	_ =	strace $0x9000004D  }
0x1ec: {  	s0 =	stileid.u32;
	[bflag:$0x2] =	sbarrier.arrive $0xFFFF  }
0x1ed: {  	p0 =	sne.s32 s0, $0x0;
	s0 =	rddreg [dreg:$0x3]  }
0x1ee: {  	s0 =	sadd.s32 @!p0 $0x100000, s0  }
0x1ef: {  	[sflag:s0] =	ssyncadd.tile.s32 @!p0 $0x1;
	_ =	shalt  }
.Lfunc_end2:
_tile_overlayer_lowered:
.L_overlay_start_2:
0x1f0: {  	(tag) =	ssettag $0x2  }
0x1f1: {  	s0 =	rddreg [dreg:$0x0];
	s2 =	stileid.u32  }
0x1f2: {  	s1 =	rddreg [dreg:$0x1];
	p0 =	sne.s32 s2, $0x0  }
0x1f3: {  	s3 =	rddreg [dreg:$0x2];
	[bflag:$0x3] =	sbarrier.arrive $0xFFFF;
	s2 =	simm.s32 @!p0 $0x1C0D  }
0x1f4: {  	[timem:s3], [sflag:s2] =	dma.local @!p0 [hbm:s0], s1  }
0x1f5: {  	s0 =	simm.s32 @!p0 $0xD  }
0x1f6: {  	_ =	swait.ge @!p0 [sflag:s0], s1  }
0x1f7: {  	s1 =	ssub.s32 @!p0 $0x0, s1;
	[sflag:s0] =	ssyncset.done @!p0 $0x0  }
0x1f8: {  	[sflag:s0] =	ssyncadd.s32 @!p0 s1  }
0x1f9: {  	[bflag:$0x3] =	sbarrier.arrive $0xFFFF  }
0x1fa: {  	_ =	shalt  }

// kernel: kernel.9.cloned.1.call-start
scs
__scs_entry_jumppad:
0x0: {  	(pc) =	sbr.rel $0x88, $3  }
0x1: {  	(tag) =	ssettag $0x0;
	lr =	simm.s32 $0x1  }
0x2: {  	[smem:$0x3F9B] =	sst lr;
	_ =	strace $0xD0000000  }
0x3: {  	_ = 	snop  }
0x4: {  	_ = 	snop  }
0x5: {  	_ = 	snop  }
0x6: {  	_ = 	snop  }
0x7: {  	_ = 	snop  }
__scs_overlays_trampoline_lowered:
0x8: {  	[smem:$0x3FAA] =	sst s0  }
0x9: {  	[smem:$0x3FAB] =	sst s1  }
0xa: {  	[smem:$0x3FAC] =	sst s2  }
0xb: {  	[smem:$0x3FAD] =	sst s3  }
0xc: {  	[smem:$0x3FAE] =	sst s4  }
0xd: {  	[smem:$0x3FAF] =	sst s5  }
0xe: {  	[smem:$0x3FB0] =	sst s6  }
0xf: {  	[smem:$0x3FB1] =	sst s7  }
0x10: {  	[smem:$0x3FB2] =	sst s8  }
0x11: {  	[smem:$0x3FB3] =	sst s9;
	s0 =	simm.s32 @!p0 $0x0  }
0x12: {  	s1 =	sld [smem:$0x3F99];
	s0 =	simm.s32 @p0 $0x1  }
0x13: {  	[smem:$0x3FB4] =	sst s0;
	s0 =	simm.s32 @!p1 $0x0  }
0x14: {  	s2 =	sld [smem:$0x3F98];
	s0 =	simm.s32 @p1 $0x1  }
0x15: {  	[smem:$0x3FB5] =	sst s0;
	s0 =	simm.s32 @!p2 $0x0  }
0x16: {  	s3 =	sld [smem:$0x3FDB];
	s0 =	simm.s32 @p2 $0x1  }
0x17: {  	s4 =	simm.s32 $0x1BF5;
	[smem:$0x3FB7] =	sst s0  }
0x18: {  	s0 =	sld [smem:$0x3F9A];
	_ =	swait.ge [sflag:s4], $0x0  }
0x19: {  	s7 =	sld [smem:$0x3F9B]  }
0x1a: {  	s8 =	sadd.s32 $0xFFFFE003, lr  }
0x1b: {  	s9 =	sadd.s32 $0xFFFFFEF7, lr;
	s5 =	simm.s32 $0xFFFFFFFF;
	p2 =	slt.u32 s8, $0xFFFFF086  }
0x1c: {  	p1 =	slt.u32 s9, $0xF7A;
	s5 =	simm.s32 @!p2 $0x0  }
0x1d: {  	s5 =	simm.s32 @p1 $0x1;
	p0 =	seq.s32 s7, s2  }
0x1e: {  	s7 =	smul.u32 @!p0 $0xF7A, s2;
	p2 =	seq.s32 @!p0 s5, $0x0  }
0x1f: {  	s9 =	smul.u32 $0xF7A, s1;
	s8 =	simm.s32 @!p0 $0x1BF5;
	p2 =	por !p2, p0  }
0x20: {  	[sflag:s8] =	ssyncset.s32 @!p0 $0xFFFFF086;
	s6 =	sadd.s32 @!p0 s3, s7;
	s7 =	simm.s32 @!p0 $0x108  }
0x21: {  	s3 =	sadd.s32 s3, s9;
	s6 =	sadd.s32 @!p0 $0x88, s6;
	s7 =	simm.s32 @p2 $0x1082  }
0x22: {  	[simem:s7], [sflag:s8] =	dma.local @!p0 [hbm:s6], $0xF7A  }
0x23: {  	s9 =	sor.u32 $0xD0000000, s2;
	s6 =	simm.s32 $0x108;
	_ =	swait.ge @!p0 [sflag:s8], $0x0  }
0x24: {  	s3 =	sadd.s32 $0x88, s3;
	s6 =	simm.s32 @!p1 $0x1082;
	[sflag:s4] =	ssyncset.s32 $0xFFFFF086  }
0x25: {  	[simem:s6], [sflag:s4] =	dma.local [hbm:s3], $0xF7A  }
0x26: {  	[smem:$0x3F9B] =	sst s1;
	(tag) =	ssettag s2;
	_ =	strace s9  }
0x27: {  	s1 =	sld [smem:$0x3FAB]  }
0x28: {  	s2 =	sld [smem:$0x3FAC]  }
0x29: {  	s4 =	sld [smem:$0x3FAE]  }
0x2a: {  	p0 =	seq.s32 s5, $0x0;
	s5 =	sld [smem:$0x3FAF]  }
0x2b: {  	s6 =	sld [smem:$0x3FB0]  }
0x2c: {  	s7 =	sld [smem:$0x3FB1]  }
0x2d: {  	s3 =	simm.s32 $0x108;
	s8 =	sld [smem:$0x3FB2]  }
0x2e: {  	s3 =	simm.s32 @!p0 $0x1082;
	s9 =	sld [smem:$0x3FB3]  }
0x2f: {  	lr =	sadd.s32 s0, s3;
	s0 =	sld [smem:$0x3FAA]  }
0x30: {  	s3 =	sld [smem:$0x3FAD]  }
0x31: {  	[smem:$0x3FB6] =	sst s10  }
0x32: {  	s10 =	sld [smem:$0x3FB4];
	_ =	sdelay $0x3  }
0x33: {  	p0 =	seq.s32 s10, $0x1;
	s10 =	sld [smem:$0x3FB6];
	_ =	sdelay $0x3  }
0x34: {  	[smem:$0x3FB6] =	sst s10  }
0x35: {  	s10 =	sld [smem:$0x3FB5];
	_ =	sdelay $0x3  }
0x36: {  	p1 =	seq.s32 s10, $0x1;
	s10 =	sld [smem:$0x3FB6];
	_ =	sdelay $0x3  }
0x37: {  	[smem:$0x3FB6] =	sst s10  }
0x38: {  	s10 =	sld [smem:$0x3FB7]  }
0x39: {  	_ = 	snop;
	(pc) =	sbr.ind lr, $3  }
0x3a: {  	_ = 	snop  }
0x3b: {  	_ = 	snop  }
0x3c: {  	p2 =	seq.s32 s10, $0x1;
	s10 =	sld [smem:$0x3FB6]  }
0x3d: {  	_ =	shalt  }
0x3e: {  	_ =	shalt  }
0x3f: {  	_ =	shalt  }
0x40: {  	_ =	shalt  }
0x41: {  	_ =	shalt  }
0x42: {  	_ =	shalt  }
0x43: {  	_ =	shalt  }
0x44: {  	_ =	shalt  }
0x45: {  	_ =	shalt  }
0x46: {  	_ =	shalt  }
0x47: {  	_ =	shalt  }
0x48: {  	_ =	shalt  }
0x49: {  	_ =	shalt  }
0x4a: {  	_ =	shalt  }
0x4b: {  	_ =	shalt  }
0x4c: {  	_ =	shalt  }
0x4d: {  	_ =	shalt  }
0x4e: {  	_ =	shalt  }
0x4f: {  	_ =	shalt  }
0x50: {  	_ =	shalt  }
0x51: {  	_ =	shalt  }
0x52: {  	_ =	shalt  }
0x53: {  	_ =	shalt  }
0x54: {  	_ =	shalt  }
0x55: {  	_ =	shalt  }
0x56: {  	_ =	shalt  }
0x57: {  	_ =	shalt  }
0x58: {  	_ =	shalt  }
0x59: {  	_ =	shalt  }
0x5a: {  	_ =	shalt  }
0x5b: {  	_ =	shalt  }
0x5c: {  	_ =	shalt  }
0x5d: {  	_ =	shalt  }
0x5e: {  	_ =	shalt  }
0x5f: {  	_ =	shalt  }
0x60: {  	_ =	shalt  }
0x61: {  	_ =	shalt  }
0x62: {  	_ =	shalt  }
0x63: {  	_ =	shalt  }
0x64: {  	_ =	shalt  }
0x65: {  	_ =	shalt  }
0x66: {  	_ =	shalt  }
0x67: {  	_ =	shalt  }
0x68: {  	_ =	shalt  }
0x69: {  	_ =	shalt  }
0x6a: {  	_ =	shalt  }
0x6b: {  	_ =	shalt  }
0x6c: {  	_ =	shalt  }
0x6d: {  	_ =	shalt  }
0x6e: {  	_ =	shalt  }
0x6f: {  	_ =	shalt  }
0x70: {  	_ =	shalt  }
0x71: {  	_ =	shalt  }
0x72: {  	_ =	shalt  }
0x73: {  	_ =	shalt  }
0x74: {  	_ =	shalt  }
0x75: {  	_ =	shalt  }
0x76: {  	_ =	shalt  }
0x77: {  	_ =	shalt  }
0x78: {  	_ =	shalt  }
0x79: {  	_ =	shalt  }
0x7a: {  	_ =	shalt  }
0x7b: {  	_ =	shalt  }
0x7c: {  	_ =	shalt  }
0x7d: {  	_ =	shalt  }
0x7e: {  	_ =	shalt  }
0x7f: {  	_ =	shalt  }
0x80: {  	_ =	shalt  }
0x81: {  	_ =	shalt  }
0x82: {  	_ =	shalt  }
0x83: {  	_ =	shalt  }
0x84: {  	_ =	shalt  }
0x85: {  	_ =	shalt  }
0x86: {  	_ =	shalt  }
0x87: {  	_ =	shalt  }
.Lfunc_end0:
.L_simem_size_0:
called_computation_lowered:
.L_overlay_start_0:
0x88: {  	s2 =	sld [smem:$0x3FD9]  }
0x89: {  	s3 =	sld [smem:$0x3FFE];
	_ =	sdelay $0x1  }
0x8a: {  	s1 =	srdreg.scid  }
0x8b: {  	s0 =	sand.u32 $0x1, s1  }
0x8c: {  	s17 =	sshll.u32 s0, $0xA;
	s2 =	sadd.s32 s3, s2  }
0x8d: {  	s2 =	sadd.s32 s2, s17  }
0x8e: {  	[smem:$0x3FC2] =	sst s2  }
0x8f: {  	_ = 	snop  }
0x90: {  	s2 =	sld [smem:$0x3FD0];
	(tm) =	ssettm $0x1  }
0x91: {  	s18 =	sld [smem:$0x3FFB];
	_ =	sdelay $0x3  }
0x92: {  	_ =	strace s18  }
0x93: {  	s3 =	sld [smem:$0x3FFC];
	_ =	sdelay $0x3  }
0x94: {  	_ =	strace s3  }
0x95: {  	s3 =	sld [smem:$0x3FFD];
	_ =	sdelay $0x3  }
0x96: {  	_ =	strace s3  }
0x97: {  	_ =	strace $0x8FFFFFFF  }
0x98: {  	s19 =	sld [smem:$0x3FDB];
	_ =	sdelay $0x1  }
0x99: {  	s4 =	simm.s32 $_scs_section_size  }
0x9a: {  	s5 =	simm.s32 $_size__tile_overlayer_lowered;
	s6 =	simm.s32 $_tile_overlayer_lowered  }
0x9b: {  	s22 =	simm.s32 $0x1BFF;
	s21 =	sshll.u32 s6, $0x1;
	s3 =	sadd.s32 s4, s19  }
0x9c: {  	s7 =	simm.s32 $0x0;
	s20 =	sshll.u32 s5, $0x1;
	s5 =	sadd.s32 s21, s3  }
0x9d: {  	[timem:s7], [sflag:s22] =	dma.local [hbm:s5], s20  }
0x9e: {  	_ =	swait.ge [sflag:s22], s20  }
0x9f: {  	s4 =	ssub.s32 $0x0, s20;
	[sflag:s22] =	ssyncset.done $0x0  }
0xa0: {  	[sflag:s22] =	ssyncadd.s32 s4;
	_ =	sdelay $0x1  }
0xa1: {  	s23 =	simm.s32 $0x1B8B  }
0xa2: {  	_ =	swait.ge [sflag:s23], $0x1  }
0xa3: {  	[sflag:s23] =	ssyncset.done $0x0  }
0xa4: {  	s25 =	simm.s32 $0x1B8E;
	s24 =	sld [smem:$0x3FFE];
	[sflag:s23] =	ssyncadd.s32 $0xFFFFFFFF  }
0xa5: {  	s26 =	simm.s32 $execute0_lowered;
	[smem:$0x3FD2] =	sst s25  }
0xa6: {  	s5 =	sshll.u32 s26, $0x1;
	_ =	strace $0x80000046;
	[dreg:$0x1] =	wrdreg $0xFFFFFFFF  }
0xa7: {  	s28 =	simm.s32 $_size_execute0_lowered;
	s3 =	sadd.s32 s3, s5;
	[dreg:$0x0] =	wrdreg $0x0  }
0xa8: {  	s5 =	sshll.u32 s28, $0x1;
	[dreg:$0x2] =	wrdreg s3  }
0xa9: {  	[dreg:$0x3] =	wrdreg s5  }
0xaa: {  	[dreg:$0x4] =	wrdreg $0xC0  }
0xab: {  	_ =	task [dreg:s7], $0x5FFFF  }
0xac: {  	[dreg:$0x1] =	wrdreg $0xFFFFFFFF  }
0xad: {  	[dreg:$0x0] =	wrdreg $0x60  }
0xae: {  	[dreg:$0x2] =	wrdreg s24  }
0xaf: {  	[dreg:$0x3] =	wrdreg s2  }
0xb0: {  	[dreg:$0x4] =	wrdreg $0xFD00  }
0xb1: {  	[dreg:$0x5] =	wrdreg $0x9  }
0xb2: {  	_ =	task.clear_ibuf [dreg:s7], $0x6FFFF;
	_ =	strace $0x90000046  }
0xb3: {  	s29 =	simm.s32 $0x9;
	_ =	strace $0x80000048  }
0xb4: {  	_ =	swait.ge [sflag:s29], $0x1  }
0xb5: {  	[sflag:s29] =	ssyncadd.s32 $0xFFFFFFFF  }
0xb6: {  	_ =	strace $0x90000048  }
0xb7: {  	_ =	sfence  }
0xb8: {  	s30 =	sld [smem:$0x0];
	_ =	sdelay $0x2  }
0xb9: {  	s31 =	sshll.u32 s1, $0xD;
	s1 =	sshrl.u32 s1, $0x2  }
0xba: {  	s3 =	sand.u32 $0x4000, s31;
	s1 =	sadd.s32 s1, s30  }
0xbb: {  	s0 =	sor.u32 s3, s0;
	s1 =	sshll.u32 s1, $0x11  }
0xbc: {  	s0 =	sor.u32 s1, s0  }
0xbd: {  	s0 =	sadd.s32 $0x8F2B, s0  }
0xbe: {  	[sflag:s0] =	ssyncadd.remote.s32 $0x1  }
0xbf: {  	_ =	sfence.sel $0xFFFF  }
0xc0: {  	[dreg:$0x0] =	wrdreg $0xFFFFFFFF;
	(pc) =	sbr.abs _section_cstart, $3  }
0xc1: {  	[dreg:$0x1] =	wrdreg $0xFFFFFFFF  }
0xc2: {  	_ =	task.clear_ibuf [dreg:s7], $0x2FFFF;
	_ =	strace $0x9FFFFFFF  }
0xc3: {  	(tm) =	ssettm $0x7FFFFFFF  }
tec
execute0_lowered:
.L_overlay_start_1:
0x0: {  	(tag) =	ssettag $0x1  }
0x1: {  	s0 =	srdreg.scid  }
0x2: {  	s7 =	stileid.u32;
	s2 =	rddreg [dreg:$0x0]  }
0x3: {  	s3 =	rddreg [dreg:$0x2];
	s11 =	simm.s32 $0x2;
	s12 =	simm.s32 $0x800  }
0x4: {  	s13 =	simm.s32 $0x7D;
	s14 =	simm.s32 $0x80;
	s15 =	simm.s32 $0x100  }
0x5: {  	s16 =	simm.s32 $0x180;
	s17 =	simm.s32 $0x200;
	s18 =	simm.s32 $0x280  }
0x6: {  	s19 =	simm.s32 $0x300;
	s20 =	simm.s32 $0x380;
	s21 =	simm.s32 $0x400  }
0x7: {  	s22 =	simm.s32 $0x480;
	s23 =	simm.s32 $0x500;
	s24 =	simm.s32 $0x580  }
0x8: {  	s28 =	simm.s32 $0x700;
	s0 =	sand.u32 $0x1, s0;
	s1 =	smul.u32 $0xC800, s7  }
0x9: {  	s29 =	simm.s32 $0x780;
	s30 =	simm.s32 $0x1;
	s4 =	smul.u32 $0xC8000, s0  }
0xa: {  	s31 =	simm.s32 $0x0;
	s25 =	sadd.s32 $0x66200, s2;
	s0 =	ssub.s32 $0x2, s0  }
0xb: {  	s7 =	sshll.u32 s7, $0x6;
	s26 =	sshrl.u32 s0, $0x1;
	s6 =	sadd.s32 s1, s4  }
0xc: {  	s4 =	simm.s32 $0x0;
	s0 =	ssub.s32 s0, s26;
	s1 =	sadd.s32 s1, s3  }
0xd: {  	s26 =	simm.s32 $0x680;
	s5 =	sadd.s32 $0x190000, s6;
	[smem:$0x7FF] =	sst s4  }
0xe: {  	s6 =	sshrl.u32 s6, $0x3;
	s8 =	smax.u32 s0, $0x1;
	s10 =	sshrl.u32 s1, $0x3  }
0xf: {  	s5 =	sshrl.u32 s5, $0x3;
	_ =	strace $0x80000047;
	[dreg:$0x4] =	wrdreg s25  }
0x10: {  	s25 =	simm.s32 $0x600;
	s9 =	sadd.s32 s5, s2;
	s2 =	sadd.s32 s6, s2  }
0x11: {  	s6 =	sor.u32 $0x1C02, s7;
	s7 =	sadd.s32 $0x66400, s2;
	s9 =	sadd.s32 $0x2200, s9  }
.LBB2_1:
0x12: {  	s0 =	rddreg [dreg:$0x1]  }
0x13: {  	[spmem:s10], [sflag:s6] =	dma.local [hbm:s0], $0x1900  }
0x14: {  	_ =	swait.ge [sflag:s11], $0x1900  }
0x15: {  	[sflag:s11] =	ssyncset.done $0x0  }
0x16: {  	s2 =	rddreg [dreg:$0x4];
	[sflag:s11] =	ssyncadd.s32 $0xFFFFE700  }
0x17: {  	[tilespmem:s12], [sflag:$0x2] =	stream.linear.gather [hbm4b:s2+s4], $0x7D0, $0x38;
	[tilespmem:$0xD7D0] =	vst v63  }
0x18: {  	_ =	swait.ge [sflag:s11], $0x7D0  }
0x19: {  	[sflag:s11] =	ssyncset.done $0x0  }
0x1a: {  	[sflag:s11] =	ssyncadd.s32 $0xFFFFF830  }
0x1b: {  	s5 =	sadd.s32 $0x0, s9;
	[bflag:$0x0] =	sbarrier.arrive $0xFFFF  }
0x1c: {  	[tilespmem:s4], [sflag:$0x2] =	stream.linear.gather [hbm4b:s5+s4], $0x800, $0x38;
	[tilespmem:$0xD7D0] =	vst v63  }
0x1d: {  	_ =	swait.ge [sflag:s11], $0x800  }
0x1e: {  	[sflag:s11] =	ssyncset.done $0x0  }
0x1f: {  	[sflag:s11] =	ssyncadd.s32 $0xFFFFF800  }
0x20: {  	[spmem:s3] =	stream.indirect.scatter.add.f32 [tilespmem:s12], [sflag:$0x1], $0x10, s4, s13, $0xb8;
	[tilespmem:$0xD7D0] =	vst v63  }
0x21: {  	_ = 	snop  }
0x22: {  	[spmem:s3] =	stream.indirect.scatter.add.f32 [tilespmem:s12], [sflag:$0x1], $0x10, s14, s13, $0xb8;
	[tilespmem:$0xD7D0] =	vst v63  }
0x23: {  	_ = 	snop  }
0x24: {  	[spmem:s3] =	stream.indirect.scatter.add.f32 [tilespmem:s12], [sflag:$0x1], $0x10, s15, s13, $0xb8;
	[tilespmem:$0xD7D0] =	vst v63  }
0x25: {  	_ = 	snop  }
0x26: {  	[spmem:s3] =	stream.indirect.scatter.add.f32 [tilespmem:s12], [sflag:$0x1], $0x10, s16, s13, $0xb8;
	[tilespmem:$0xD7D0] =	vst v63  }
0x27: {  	_ = 	snop  }
0x28: {  	[spmem:s3] =	stream.indirect.scatter.add.f32 [tilespmem:s12], [sflag:$0x1], $0x10, s17, s13, $0xb8;
	[tilespmem:$0xD7D0] =	vst v63  }
0x29: {  	_ = 	snop  }
0x2a: {  	[spmem:s3] =	stream.indirect.scatter.add.f32 [tilespmem:s12], [sflag:$0x1], $0x10, s18, s13, $0xb8;
	[tilespmem:$0xD7D0] =	vst v63  }
0x2b: {  	_ = 	snop  }
0x2c: {  	[spmem:s3] =	stream.indirect.scatter.add.f32 [tilespmem:s12], [sflag:$0x1], $0x10, s19, s13, $0xb8;
	[tilespmem:$0xD7D0] =	vst v63  }
0x2d: {  	_ = 	snop  }
0x2e: {  	[spmem:s3] =	stream.indirect.scatter.add.f32 [tilespmem:s12], [sflag:$0x1], $0x10, s20, s13, $0xb8;
	[tilespmem:$0xD7D0] =	vst v63  }
0x2f: {  	_ = 	snop  }
0x30: {  	[spmem:s3] =	stream.indirect.scatter.add.f32 [tilespmem:s12], [sflag:$0x1], $0x10, s21, s13, $0xb8;
	[tilespmem:$0xD7D0] =	vst v63  }
0x31: {  	_ = 	snop  }
0x32: {  	[spmem:s3] =	stream.indirect.scatter.add.f32 [tilespmem:s12], [sflag:$0x1], $0x10, s22, s13, $0xb8;
	[tilespmem:$0xD7D0] =	vst v63  }
0x33: {  	_ = 	snop  }
0x34: {  	[spmem:s3] =	stream.indirect.scatter.add.f32 [tilespmem:s12], [sflag:$0x1], $0x10, s23, s13, $0xb8;
	[tilespmem:$0xD7D0] =	vst v63  }
0x35: {  	_ = 	snop  }
0x36: {  	[spmem:s3] =	stream.indirect.scatter.add.f32 [tilespmem:s12], [sflag:$0x1], $0x10, s24, s13, $0xb8;
	[tilespmem:$0xD7D0] =	vst v63  }
0x37: {  	_ = 	snop  }
0x38: {  	[spmem:s3] =	stream.indirect.scatter.add.f32 [tilespmem:s12], [sflag:$0x1], $0x10, s25, s13, $0xb8;
	[tilespmem:$0xD7D0] =	vst v63  }
0x39: {  	_ = 	snop  }
0x3a: {  	[spmem:s3] =	stream.indirect.scatter.add.f32 [tilespmem:s12], [sflag:$0x1], $0x10, s26, s13, $0xb8;
	[tilespmem:$0xD7D0] =	vst v63  }
0x3b: {  	_ = 	snop  }
0x3c: {  	[spmem:s3] =	stream.indirect.scatter.add.f32 [tilespmem:s12], [sflag:$0x1], $0x10, s28, s13, $0xb8;
	[tilespmem:$0xD7D0] =	vst v63  }
0x3d: {  	_ = 	snop  }
0x3e: {  	[spmem:s3] =	stream.indirect.scatter.add.f32 [tilespmem:s12], [sflag:$0x1], $0x10, s29, s13, $0xb8;
	[tilespmem:$0xD7D0] =	vst v63  }
0x3f: {  	_ =	swait.ge [sflag:s30], $0x7D0  }
0x40: {  	[sflag:s30] =	ssyncset.done $0x0  }
0x41: {  	[sflag:s30] =	ssyncadd.s32 $0xFFFFF830  }
0x42: {  	_ =	swait.ge [sflag:s30], $0x7D0  }
0x43: {  	[sflag:s30] =	ssyncset.done $0x0  }
0x44: {  	[sflag:s30] =	ssyncadd.s32 $0xFFFFF830  }
0x45: {  	_ =	swait.ge [sflag:s30], $0x7D0  }
0x46: {  	[sflag:s30] =	ssyncset.done $0x0  }
0x47: {  	[sflag:s30] =	ssyncadd.s32 $0xFFFFF830  }
0x48: {  	_ =	swait.ge [sflag:s30], $0x7D0  }
0x49: {  	[sflag:s30] =	ssyncset.done $0x0  }
0x4a: {  	[sflag:s30] =	ssyncadd.s32 $0xFFFFF830  }
0x4b: {  	_ =	swait.ge [sflag:s30], $0x7D0  }
0x4c: {  	[sflag:s30] =	ssyncset.done $0x0  }
0x4d: {  	[sflag:s30] =	ssyncadd.s32 $0xFFFFF830  }
0x4e: {  	_ =	swait.ge [sflag:s30], $0x7D0  }
0x4f: {  	[sflag:s30] =	ssyncset.done $0x0  }
0x50: {  	[sflag:s30] =	ssyncadd.s32 $0xFFFFF830  }
0x51: {  	_ =	swait.ge [sflag:s30], $0x7D0  }
0x52: {  	[sflag:s30] =	ssyncset.done $0x0  }
0x53: {  	[sflag:s30] =	ssyncadd.s32 $0xFFFFF830  }
0x54: {  	_ =	swait.ge [sflag:s30], $0x7D0  }
0x55: {  	[sflag:s30] =	ssyncset.done $0x0  }
0x56: {  	[sflag:s30] =	ssyncadd.s32 $0xFFFFF830  }
0x57: {  	_ =	swait.ge [sflag:s30], $0x7D0  }
0x58: {  	[sflag:s30] =	ssyncset.done $0x0  }
0x59: {  	[sflag:s30] =	ssyncadd.s32 $0xFFFFF830  }
0x5a: {  	_ =	swait.ge [sflag:s30], $0x7D0  }
0x5b: {  	[sflag:s30] =	ssyncset.done $0x0  }
0x5c: {  	[sflag:s30] =	ssyncadd.s32 $0xFFFFF830  }
0x5d: {  	_ =	swait.ge [sflag:s30], $0x7D0  }
0x5e: {  	[sflag:s30] =	ssyncset.done $0x0  }
0x5f: {  	[sflag:s30] =	ssyncadd.s32 $0xFFFFF830  }
0x60: {  	_ =	swait.ge [sflag:s30], $0x7D0  }
0x61: {  	[sflag:s30] =	ssyncset.done $0x0  }
0x62: {  	[sflag:s30] =	ssyncadd.s32 $0xFFFFF830  }
0x63: {  	_ =	swait.ge [sflag:s30], $0x7D0  }
0x64: {  	[sflag:s30] =	ssyncset.done $0x0  }
0x65: {  	[sflag:s30] =	ssyncadd.s32 $0xFFFFF830  }
0x66: {  	_ =	swait.ge [sflag:s30], $0x7D0  }
0x67: {  	[sflag:s30] =	ssyncset.done $0x0  }
0x68: {  	[sflag:s30] =	ssyncadd.s32 $0xFFFFF830  }
0x69: {  	_ =	swait.ge [sflag:s30], $0x7D0  }
0x6a: {  	[sflag:s30] =	ssyncset.done $0x0  }
0x6b: {  	[sflag:s30] =	ssyncadd.s32 $0xFFFFF830  }
0x6c: {  	_ =	swait.ge [sflag:s30], $0x7D0  }
0x6d: {  	s1 =	simm.s32 $0x100;
	s0 =	simm.s32 $0x200;
	[sflag:s30] =	ssyncset.done $0x0  }
.LBB2_2:
0x6e: {  	s5 =	sadd.s32 s1, s9  }
0x6f: {  	[sflag:s30] =	ssyncadd.s32 $0xFFFFF830;
	s1 =	smov.u32 s0;
	s2 =	sadd.s32 $0x100, s0  }
0x70: {  	[tilespmem:s4], [sflag:$0x2] =	stream.linear.gather [hbm4b:s5+s4], $0x800, $0x38;
	[tilespmem:$0xD7D0] =	vst v63  }
0x71: {  	p0 =	sne.s32 s0, $0x1800;
	_ =	swait.ge [sflag:s11], $0x800  }
0x72: {  	[sflag:s11] =	ssyncset.done $0x0  }
0x73: {  	[sflag:s11] =	ssyncadd.s32 $0xFFFFF800  }
0x74: {  	[spmem:s3] =	stream.indirect.scatter.add.f32 [tilespmem:s12], [sflag:$0x1], $0x10, s4, s13, $0xb8;
	[tilespmem:$0xD7D0] =	vst v63  }
0x75: {  	_ = 	snop  }
0x76: {  	[spmem:s3] =	stream.indirect.scatter.add.f32 [tilespmem:s12], [sflag:$0x1], $0x10, s14, s13, $0xb8;
	[tilespmem:$0xD7D0] =	vst v63  }
0x77: {  	_ = 	snop  }
0x78: {  	[spmem:s3] =	stream.indirect.scatter.add.f32 [tilespmem:s12], [sflag:$0x1], $0x10, s15, s13, $0xb8;
	[tilespmem:$0xD7D0] =	vst v63  }
0x79: {  	_ = 	snop  }
0x7a: {  	[spmem:s3] =	stream.indirect.scatter.add.f32 [tilespmem:s12], [sflag:$0x1], $0x10, s16, s13, $0xb8;
	[tilespmem:$0xD7D0] =	vst v63  }
0x7b: {  	_ = 	snop  }
0x7c: {  	[spmem:s3] =	stream.indirect.scatter.add.f32 [tilespmem:s12], [sflag:$0x1], $0x10, s17, s13, $0xb8;
	[tilespmem:$0xD7D0] =	vst v63  }
0x7d: {  	_ = 	snop  }
0x7e: {  	[spmem:s3] =	stream.indirect.scatter.add.f32 [tilespmem:s12], [sflag:$0x1], $0x10, s18, s13, $0xb8;
	[tilespmem:$0xD7D0] =	vst v63  }
0x7f: {  	_ = 	snop  }
0x80: {  	[spmem:s3] =	stream.indirect.scatter.add.f32 [tilespmem:s12], [sflag:$0x1], $0x10, s19, s13, $0xb8;
	[tilespmem:$0xD7D0] =	vst v63  }
0x81: {  	_ = 	snop  }
0x82: {  	[spmem:s3] =	stream.indirect.scatter.add.f32 [tilespmem:s12], [sflag:$0x1], $0x10, s20, s13, $0xb8;
	[tilespmem:$0xD7D0] =	vst v63  }
0x83: {  	_ = 	snop  }
0x84: {  	[spmem:s3] =	stream.indirect.scatter.add.f32 [tilespmem:s12], [sflag:$0x1], $0x10, s21, s13, $0xb8;
	[tilespmem:$0xD7D0] =	vst v63  }
0x85: {  	_ = 	snop  }
0x86: {  	[spmem:s3] =	stream.indirect.scatter.add.f32 [tilespmem:s12], [sflag:$0x1], $0x10, s22, s13, $0xb8;
	[tilespmem:$0xD7D0] =	vst v63  }
0x87: {  	_ = 	snop  }
0x88: {  	[spmem:s3] =	stream.indirect.scatter.add.f32 [tilespmem:s12], [sflag:$0x1], $0x10, s23, s13, $0xb8;
	[tilespmem:$0xD7D0] =	vst v63  }
0x89: {  	_ = 	snop  }
0x8a: {  	[spmem:s3] =	stream.indirect.scatter.add.f32 [tilespmem:s12], [sflag:$0x1], $0x10, s24, s13, $0xb8;
	[tilespmem:$0xD7D0] =	vst v63  }
0x8b: {  	_ = 	snop  }
0x8c: {  	[spmem:s3] =	stream.indirect.scatter.add.f32 [tilespmem:s12], [sflag:$0x1], $0x10, s25, s13, $0xb8;
	[tilespmem:$0xD7D0] =	vst v63  }
0x8d: {  	_ = 	snop  }
0x8e: {  	[spmem:s3] =	stream.indirect.scatter.add.f32 [tilespmem:s12], [sflag:$0x1], $0x10, s26, s13, $0xb8;
	[tilespmem:$0xD7D0] =	vst v63  }
0x8f: {  	_ = 	snop  }
0x90: {  	[spmem:s3] =	stream.indirect.scatter.add.f32 [tilespmem:s12], [sflag:$0x1], $0x10, s28, s13, $0xb8;
	[tilespmem:$0xD7D0] =	vst v63  }
0x91: {  	_ = 	snop  }
0x92: {  	[spmem:s3] =	stream.indirect.scatter.add.f32 [tilespmem:s12], [sflag:$0x1], $0x10, s29, s13, $0xb8;
	[tilespmem:$0xD7D0] =	vst v63  }
0x93: {  	_ =	swait.ge [sflag:s30], $0x7D0  }
0x94: {  	[sflag:s30] =	ssyncset.done $0x0  }
0x95: {  	[sflag:s30] =	ssyncadd.s32 $0xFFFFF830  }
0x96: {  	_ =	swait.ge [sflag:s30], $0x7D0  }
0x97: {  	[sflag:s30] =	ssyncset.done $0x0  }
0x98: {  	[sflag:s30] =	ssyncadd.s32 $0xFFFFF830  }
0x99: {  	_ =	swait.ge [sflag:s30], $0x7D0  }
0x9a: {  	[sflag:s30] =	ssyncset.done $0x0  }
0x9b: {  	[sflag:s30] =	ssyncadd.s32 $0xFFFFF830  }
0x9c: {  	_ =	swait.ge [sflag:s30], $0x7D0  }
0x9d: {  	[sflag:s30] =	ssyncset.done $0x0  }
0x9e: {  	[sflag:s30] =	ssyncadd.s32 $0xFFFFF830  }
0x9f: {  	_ =	swait.ge [sflag:s30], $0x7D0  }
0xa0: {  	[sflag:s30] =	ssyncset.done $0x0  }
0xa1: {  	[sflag:s30] =	ssyncadd.s32 $0xFFFFF830  }
0xa2: {  	_ =	swait.ge [sflag:s30], $0x7D0  }
0xa3: {  	[sflag:s30] =	ssyncset.done $0x0  }
0xa4: {  	[sflag:s30] =	ssyncadd.s32 $0xFFFFF830  }
0xa5: {  	_ =	swait.ge [sflag:s30], $0x7D0  }
0xa6: {  	[sflag:s30] =	ssyncset.done $0x0  }
0xa7: {  	[sflag:s30] =	ssyncadd.s32 $0xFFFFF830  }
0xa8: {  	_ =	swait.ge [sflag:s30], $0x7D0  }
0xa9: {  	[sflag:s30] =	ssyncset.done $0x0  }
0xaa: {  	[sflag:s30] =	ssyncadd.s32 $0xFFFFF830  }
0xab: {  	_ =	swait.ge [sflag:s30], $0x7D0  }
0xac: {  	[sflag:s30] =	ssyncset.done $0x0  }
0xad: {  	[sflag:s30] =	ssyncadd.s32 $0xFFFFF830  }
0xae: {  	_ =	swait.ge [sflag:s30], $0x7D0  }
0xaf: {  	[sflag:s30] =	ssyncset.done $0x0  }
0xb0: {  	[sflag:s30] =	ssyncadd.s32 $0xFFFFF830  }
0xb1: {  	_ =	swait.ge [sflag:s30], $0x7D0  }
0xb2: {  	[sflag:s30] =	ssyncset.done $0x0  }
0xb3: {  	[sflag:s30] =	ssyncadd.s32 $0xFFFFF830  }
0xb4: {  	_ =	swait.ge [sflag:s30], $0x7D0  }
0xb5: {  	[sflag:s30] =	ssyncset.done $0x0  }
0xb6: {  	[sflag:s30] =	ssyncadd.s32 $0xFFFFF830  }
0xb7: {  	_ =	swait.ge [sflag:s30], $0x7D0  }
0xb8: {  	[sflag:s30] =	ssyncset.done $0x0  }
0xb9: {  	[sflag:s30] =	ssyncadd.s32 $0xFFFFF830  }
0xba: {  	_ =	swait.ge [sflag:s30], $0x7D0  }
0xbb: {  	[sflag:s30] =	ssyncset.done $0x0  }
0xbc: {  	[sflag:s30] =	ssyncadd.s32 $0xFFFFF830  }
.Ltmp0:
0xbd: {  	_ =	swait.ge [sflag:s30], $0x7D0;
	(pc) =	sbr.rel @p0 .LBB2_2-.Ltmp0, $4  }
0xbe: {  	[sflag:s30] =	ssyncset.done $0x0  }
0xbf: {  	[sflag:s30] =	ssyncadd.s32 $0xFFFFF830  }
0xc0: {  	_ =	swait.ge [sflag:s30], $0x7D0  }
0xc1: {  	s0 =	smov.u32 s2;
	[sflag:s30] =	ssyncset.done $0x0  }
0xc2: {  	s0 =	sadd.s32 s1, s9;
	[sflag:s30] =	ssyncadd.s32 $0xFFFFF830  }
0xc3: {  	[tilespmem:s4], [sflag:$0x2] =	stream.linear.gather [hbm4b:s0+s4], $0x800, $0x38;
	[tilespmem:$0xD7D0] =	vst v63  }
0xc4: {  	_ =	swait.ge [sflag:s11], $0x800  }
0xc5: {  	[sflag:s11] =	ssyncset.done $0x0  }
0xc6: {  	[sflag:s11] =	ssyncadd.s32 $0xFFFFF800  }
0xc7: {  	[spmem:s3] =	stream.indirect.scatter.add.f32 [tilespmem:s12], [sflag:$0x1], $0x10, s4, s13, $0xb8;
	[tilespmem:$0xD7D0] =	vst v63  }
0xc8: {  	_ = 	snop  }
0xc9: {  	[spmem:s3] =	stream.indirect.scatter.add.f32 [tilespmem:s12], [sflag:$0x1], $0x10, s14, s13, $0xb8;
	[tilespmem:$0xD7D0] =	vst v63  }
0xca: {  	_ = 	snop  }
0xcb: {  	[spmem:s3] =	stream.indirect.scatter.add.f32 [tilespmem:s12], [sflag:$0x1], $0x10, s15, s13, $0xb8;
	[tilespmem:$0xD7D0] =	vst v63  }
0xcc: {  	_ = 	snop  }
0xcd: {  	[spmem:s3] =	stream.indirect.scatter.add.f32 [tilespmem:s12], [sflag:$0x1], $0x10, s16, s13, $0xb8;
	[tilespmem:$0xD7D0] =	vst v63  }
0xce: {  	_ = 	snop  }
0xcf: {  	[spmem:s3] =	stream.indirect.scatter.add.f32 [tilespmem:s12], [sflag:$0x1], $0x10, s17, s13, $0xb8;
	[tilespmem:$0xD7D0] =	vst v63  }
0xd0: {  	_ = 	snop  }
0xd1: {  	[spmem:s3] =	stream.indirect.scatter.add.f32 [tilespmem:s12], [sflag:$0x1], $0x10, s18, s13, $0xb8;
	[tilespmem:$0xD7D0] =	vst v63  }
0xd2: {  	_ = 	snop  }
0xd3: {  	[spmem:s3] =	stream.indirect.scatter.add.f32 [tilespmem:s12], [sflag:$0x1], $0x10, s19, s13, $0xb8;
	[tilespmem:$0xD7D0] =	vst v63  }
0xd4: {  	_ = 	snop  }
0xd5: {  	[spmem:s3] =	stream.indirect.scatter.add.f32 [tilespmem:s12], [sflag:$0x1], $0x10, s20, s13, $0xb8;
	[tilespmem:$0xD7D0] =	vst v63  }
0xd6: {  	_ = 	snop  }
0xd7: {  	[spmem:s3] =	stream.indirect.scatter.add.f32 [tilespmem:s12], [sflag:$0x1], $0x10, s21, s13, $0xb8;
	[tilespmem:$0xD7D0] =	vst v63  }
0xd8: {  	_ = 	snop  }
0xd9: {  	[spmem:s3] =	stream.indirect.scatter.add.f32 [tilespmem:s12], [sflag:$0x1], $0x10, s22, s13, $0xb8;
	[tilespmem:$0xD7D0] =	vst v63  }
0xda: {  	_ = 	snop  }
0xdb: {  	[spmem:s3] =	stream.indirect.scatter.add.f32 [tilespmem:s12], [sflag:$0x1], $0x10, s23, s13, $0xb8;
	[tilespmem:$0xD7D0] =	vst v63  }
0xdc: {  	_ = 	snop  }
0xdd: {  	[spmem:s3] =	stream.indirect.scatter.add.f32 [tilespmem:s12], [sflag:$0x1], $0x10, s24, s13, $0xb8;
	[tilespmem:$0xD7D0] =	vst v63  }
0xde: {  	_ = 	snop  }
0xdf: {  	[spmem:s3] =	stream.indirect.scatter.add.f32 [tilespmem:s12], [sflag:$0x1], $0x10, s25, s13, $0xb8;
	[tilespmem:$0xD7D0] =	vst v63  }
0xe0: {  	_ = 	snop  }
0xe1: {  	[spmem:s3] =	stream.indirect.scatter.add.f32 [tilespmem:s12], [sflag:$0x1], $0x10, s26, s13, $0xb8;
	[tilespmem:$0xD7D0] =	vst v63  }
0xe2: {  	_ = 	snop  }
0xe3: {  	[spmem:s3] =	stream.indirect.scatter.add.f32 [tilespmem:s12], [sflag:$0x1], $0x10, s28, s13, $0xb8;
	[tilespmem:$0xD7D0] =	vst v63  }
0xe4: {  	_ = 	snop  }
0xe5: {  	[spmem:s3] =	stream.indirect.scatter.add.f32 [tilespmem:s12], [sflag:$0x1], $0x10, s29, s13, $0xb8;
	[tilespmem:$0xD7D0] =	vst v63  }
0xe6: {  	_ =	swait.ge [sflag:s30], $0x7D0  }
0xe7: {  	[sflag:s30] =	ssyncset.done $0x0  }
0xe8: {  	[sflag:s30] =	ssyncadd.s32 $0xFFFFF830  }
0xe9: {  	_ =	swait.ge [sflag:s30], $0x7D0  }
0xea: {  	[sflag:s30] =	ssyncset.done $0x0  }
0xeb: {  	[sflag:s30] =	ssyncadd.s32 $0xFFFFF830  }
0xec: {  	_ =	swait.ge [sflag:s30], $0x7D0  }
0xed: {  	[sflag:s30] =	ssyncset.done $0x0  }
0xee: {  	[sflag:s30] =	ssyncadd.s32 $0xFFFFF830  }
0xef: {  	_ =	swait.ge [sflag:s30], $0x7D0  }
0xf0: {  	[sflag:s30] =	ssyncset.done $0x0  }
0xf1: {  	[sflag:s30] =	ssyncadd.s32 $0xFFFFF830  }
0xf2: {  	_ =	swait.ge [sflag:s30], $0x7D0  }
0xf3: {  	[sflag:s30] =	ssyncset.done $0x0  }
0xf4: {  	[sflag:s30] =	ssyncadd.s32 $0xFFFFF830  }
0xf5: {  	_ =	swait.ge [sflag:s30], $0x7D0  }
0xf6: {  	[sflag:s30] =	ssyncset.done $0x0  }
0xf7: {  	[sflag:s30] =	ssyncadd.s32 $0xFFFFF830  }
0xf8: {  	_ =	swait.ge [sflag:s30], $0x7D0  }
0xf9: {  	[sflag:s30] =	ssyncset.done $0x0  }
0xfa: {  	[sflag:s30] =	ssyncadd.s32 $0xFFFFF830  }
0xfb: {  	_ =	swait.ge [sflag:s30], $0x7D0  }
0xfc: {  	[sflag:s30] =	ssyncset.done $0x0  }
0xfd: {  	[sflag:s30] =	ssyncadd.s32 $0xFFFFF830  }
0xfe: {  	_ =	swait.ge [sflag:s30], $0x7D0  }
0xff: {  	[sflag:s30] =	ssyncset.done $0x0  }
0x100: {  	[sflag:s30] =	ssyncadd.s32 $0xFFFFF830  }
0x101: {  	_ =	swait.ge [sflag:s30], $0x7D0  }
0x102: {  	[sflag:s30] =	ssyncset.done $0x0  }
0x103: {  	[sflag:s30] =	ssyncadd.s32 $0xFFFFF830  }
0x104: {  	_ =	swait.ge [sflag:s30], $0x7D0  }
0x105: {  	[sflag:s30] =	ssyncset.done $0x0  }
0x106: {  	[sflag:s30] =	ssyncadd.s32 $0xFFFFF830  }
0x107: {  	_ =	swait.ge [sflag:s30], $0x7D0  }
0x108: {  	[sflag:s30] =	ssyncset.done $0x0  }
0x109: {  	[sflag:s30] =	ssyncadd.s32 $0xFFFFF830  }
0x10a: {  	_ =	swait.ge [sflag:s30], $0x7D0  }
0x10b: {  	[sflag:s30] =	ssyncset.done $0x0  }
0x10c: {  	[sflag:s30] =	ssyncadd.s32 $0xFFFFF830  }
0x10d: {  	_ =	swait.ge [sflag:s30], $0x7D0  }
0x10e: {  	[sflag:s30] =	ssyncset.done $0x0  }
0x10f: {  	[sflag:s30] =	ssyncadd.s32 $0xFFFFF830  }
0x110: {  	_ =	swait.ge [sflag:s30], $0x7D0  }
0x111: {  	[sflag:s30] =	ssyncset.done $0x0  }
0x112: {  	[sflag:s30] =	ssyncadd.s32 $0xFFFFF830  }
0x113: {  	_ =	swait.ge [sflag:s30], $0x7D0  }
0x114: {  	s31 =	sadd.s32 $0x1, s31;
	[sflag:s30] =	ssyncset.done $0x0  }
0x115: {  	p0 =	sne.s32 s31, s8;
	[sflag:s30] =	ssyncadd.s32 $0xFFFFF830  }
.Ltmp1:
0x116: {  	[bflag:$0x0] =	sbarrier.arrive $0xFFFF;
	(pc) =	sbr.rel @p0 .LBB2_1-.Ltmp1, $4  }
0x117: {  	[hbm:s7], [sflag:s6] =	dma.local [spmem:s10], $0x1900  }
0x118: {  	_ =	swait.ge [sflag:s11], $0x1900  }
0x119: {  	[sflag:s11] =	ssyncset.done $0x0  }
0x11a: {  	[sflag:s11] =	ssyncadd.s32 $0xFFFFE700  }
0x11b: {  	_ =	sfence.sel $0x180000  }
0x11c: {  	[bflag:$0x0] =	sbarrier.arrive $0xFFFF  }
0x11d: {  	_ =	strace $0x90000047  }
0x11e: {  	s0 =	stileid.u32;
	[bflag:$0x2] =	sbarrier.arrive $0xFFFF  }
0x11f: {  	p0 =	sne.s32 s0, $0x0;
	s0 =	rddreg [dreg:$0x3]  }
0x120: {  	s0 =	sadd.s32 @!p0 $0x100000, s0  }
0x121: {  	[sflag:s0] =	ssyncadd.tile.s32 @!p0 $0x1;
	_ =	shalt  }
.Lfunc_end2:
_tile_overlayer_lowered:
.L_overlay_start_2:
0x122: {  	(tag) =	ssettag $0x2  }
0x123: {  	s0 =	rddreg [dreg:$0x0];
	s2 =	stileid.u32  }
0x124: {  	s1 =	rddreg [dreg:$0x1];
	p0 =	sne.s32 s2, $0x0  }
0x125: {  	s3 =	rddreg [dreg:$0x2];
	[bflag:$0x3] =	sbarrier.arrive $0xFFFF;
	s2 =	simm.s32 @!p0 $0x1C02  }
0x126: {  	[timem:s3], [sflag:s2] =	dma.local @!p0 [hbm:s0], s1  }
0x127: {  	s0 =	simm.s32 @!p0 $0x2  }
0x128: {  	_ =	swait.ge @!p0 [sflag:s0], s1  }
0x129: {  	s1 =	ssub.s32 @!p0 $0x0, s1;
	[sflag:s0] =	ssyncset.done @!p0 $0x0  }
0x12a: {  	[sflag:s0] =	ssyncadd.s32 @!p0 s1  }
0x12b: {  	[bflag:$0x3] =	sbarrier.arrive $0xFFFF  }
0x12c: {  	_ =	shalt  }

</sc_bundles>
